<compile_context>
chip_gen: v7x
topology: tpu7x:2x2x1
jax: 0.10.2.dev20260603
libtpu: 0.0.44.dev20260713+nightly
codegen_flags: <defaults>
</compile_context>

<pallas_src>
import functools

import jax
import jax.numpy as jnp
from jax import lax
from jax.experimental import pallas as pl
from jax.experimental.pallas import tpu as pltpu
from jax.experimental.pallas import tpu_sc as plsc

_BATCH = 16384
_HIST = 50
_DIM = 64
_LANES = 16

_info = plsc.get_sparse_core_info()
_NC, _NS = _info.num_cores, _info.num_subcores
_NW = _NC * _NS
_NGROUP = _BATCH // 128
_GPW = _NGROUP // _NW

_mesh = plsc.VectorSubcoreMesh(core_axis_name="c", subcore_axis_name="s")


@functools.partial(
    pl.kernel,
    mesh=_mesh,
    out_type=jax.ShapeDtypeStruct((_HIST, 8, 128, 8, 128), jnp.float32),
    scratch_types=[
        pltpu.VMEM((128, _HIST), jnp.int32),
        pltpu.VMEM((_HIST, 128), jnp.int32),
        pltpu.VMEM((128, _DIM), jnp.float32),
        pltpu.VMEM((128, _DIM), jnp.float32),
        pltpu.VMEM((8, 8, 129), jnp.float32),
        pltpu.VMEM((8, 8, 129), jnp.float32),
        pltpu.SemaphoreType.DMA((2,)),
        pltpu.SemaphoreType.DMA((2,)),
    ],
    compiler_params=pltpu.CompilerParams(
        use_tc_tiling_on_sc=False, needs_layout_passes=False
    ),
)
def _gather_kernel(table_hbm, idx_hbm, out_hbm,
                   idx_v, idxT, rows0, rows1, tbuf0, tbuf1, gsem, ssem):
    wid = lax.axis_index("s") * _NC + lax.axis_index("c")
    iota = lax.iota(jnp.int32, _LANES)
    rowvecs = [iota + _LANES * j for j in range(8)]
    t2vecs = [2 * m + (iota >> 3) for m in range(4)]
    svec = iota & 7
    rows = (rows0, rows1)
    tbufs = (tbuf0, tbuf1)

    def fire(h, q):
        pltpu.async_copy(table_hbm.at[idxT.at[h]], rows[q], gsem.at[q])

    def wait_gather(h, q):
        pltpu.make_async_copy(
            table_hbm.at[idxT.at[h]], rows[q], gsem.at[q]
        ).wait()

    def wait_store(g, h, q):
        pltpu.make_async_copy(
            tbufs[q].at[:, :, pl.ds(0, 128)], out_hbm.at[h, :, g], ssem.at[q]
        ).wait()

    def transpose_tiles(q):
        rbuf = rows[q]
        tbuf = tbufs[q]
        @plsc.parallel_loop(0, 128, unroll=6)
        def _l_loop(l):
            lv = jnp.full((_LANES,), l, jnp.int32)
            for m in range(4):
                v = rbuf[l, pl.ds(_LANES * m, _LANES)]
                plsc.store_scatter(tbuf, [t2vecs[m], svec, lv], v)

    for k in range(_GPW):
        g = wid * _GPW + k
        b0 = g * 128
        pltpu.sync_copy(idx_hbm.at[pl.ds(b0, 128)], idx_v)

        @plsc.parallel_loop(0, _HIST, unroll=5)
        def _tr_idx(h):
            col = jnp.full((_LANES,), h, jnp.int32)
            for m in range(8):
                v = plsc.load_gather(idx_v, [rowvecs[m], col])
                idxT[h, pl.ds(_LANES * m, _LANES)] = v

        fire(0, 0)
        def hbody(i, carry):
            for q in (0, 1):
                h = 2 * i + q
                @pl.when(h + 1 < _HIST)
                def _prefetch():
                    fire(h + 1, 1 - q)
                wait_gather(h, q)
                if k == 0:
                    @pl.when(h >= 2)
                    def _reuse():
                        wait_store(g, h, q)
                else:
                    wait_store(g, h, q)
                transpose_tiles(q)
                pltpu.async_copy(tbufs[q].at[:, :, pl.ds(0, 128)], out_hbm.at[h, :, g], ssem.at[q])
            return carry
        lax.fori_loop(0, _HIST // 2, hbody, 0)

    g_last = wid * _GPW + _GPW - 1
    wait_store(g_last, _HIST - 2, 0)
    wait_store(g_last, _HIST - 1, 1)


def kernel(input_ids, weight):
    p = _gather_kernel(weight, input_ids)
    return p.transpose(2, 4, 0, 1, 3).reshape(_BATCH, _HIST, _DIM)

# --- scband reference (transcript-rebuilt; emitter-appended) ---
"""Pipeline reference for scband-tensor-parallel-embedding-74131135529709 (READ-ONLY COPY).

The authoritative reference and input builder live on the scoring server;
editing this copy changes nothing except your own understanding.
"""

import jax, jax.numpy as jnp
import numpy as np

NUM_EMBEDDINGS = 1000000
EMBEDDING_DIM = 64
BATCH = 16384
HIST = 50

def setup_inputs(seed: int = 0) -> dict:
    key = jax.random.key(seed)
    k_idx, k_w = jax.random.split(key)
    input_ids = jax.random.randint(k_idx, (BATCH, HIST), 0, NUM_EMBEDDINGS, dtype=jnp.int64 if jax.config.jax_enable_x64 else jnp.int32)
    weight = jax.random.normal(k_w, (NUM_EMBEDDINGS, EMBEDDING_DIM), dtype=jnp.float32) * 0.02
    return {"input_ids": input_ids, "weight": weight}

def reference(input_ids, weight):
    # world_size == 1 -> vocab-parallel path with full vocab shard on this rank.
    vocab_start = 0
    vocab_end = weight.shape[0]
    mask = (input_ids < vocab_start) | (input_ids >= vocab_end)
    masked_input = jnp.where(mask, 0, input_ids - vocab_start)
    output_parallel = jnp.take(weight, masked_input, axis=0)
    output_parallel = jnp.where(mask[..., None], 0.0, output_parallel)
    # all_reduce over world_size==1 is identity
    return output_parallel

if __name__ == "__main__":
    import jax
    _d = setup_inputs()
    print(jax.jit(kernel)(*tuple(_d.values())))

</pallas_src>

<mosaic_0001>
#map = affine_map<(d0, d1) -> (0, 0)>
#map1 = affine_map<(d0, d1) -> (0, 0, 0, 0, 0)>
module attributes {stable_mosaic.version = 14 : i64} {
  func.func @_gather_kernel(%arg0: i32, %arg1: i32, %arg2: memref<1000000x64xf32, #tpu.memory_space<hbm>>, %arg3: memref<16384x50xi32, #tpu.memory_space<hbm>>, %arg4: memref<50x8x128x8x128xf32, #tpu.memory_space<hbm>>, %arg5: memref<128x50xi32, #tpu.memory_space<vmem>>, %arg6: memref<50x128xi32, #tpu.memory_space<vmem>>, %arg7: memref<128x64xf32, #tpu.memory_space<vmem>>, %arg8: memref<128x64xf32, #tpu.memory_space<vmem>>, %arg9: memref<8x8x129xf32, #tpu.memory_space<vmem>>, %arg10: memref<8x8x129xf32, #tpu.memory_space<vmem>>, %arg11: memref<2x!tpu.dma_semaphore, #tpu.memory_space<semaphore_mem>>, %arg12: memref<2x!tpu.dma_semaphore, #tpu.memory_space<semaphore_mem>>) attributes {dimension_semantics = [#tpu.dimension_semantics<core_parallel>, #tpu.dimension_semantics<subcore_parallel>], iteration_bounds = array<i64: 2, 16>, scalar_prefetch = 0 : i64, scratch_operands = 8 : i64, tpu.core_type = #tpu.core_type<sc_vector_subcore>, window_params = [{transform_indices = #map}, {transform_indices = #map}, {transform_indices = #map1}]} {
    %mul3A = arith.constant 2 : i32
    %mul3A_0 = arith.muli %arg1, %mul3A : i32
    %add3A = arith.addi %mul3A_0, %arg0 : i32
    %iota3A = tpu.iota {dimensions = array<i32: 0>} : vector<16xi32>
    %add3A_1 = arith.constant 0 : i32
    %add3A_2 = vector.broadcast %add3A_1 : i32 to vector<16xi32>
    %add3A_3 = arith.addi %iota3A, %add3A_2 : vector<16xi32>
    %add3A_4 = arith.constant 16 : i32
    %add3A_5 = vector.broadcast %add3A_4 : i32 to vector<16xi32>
    %add3A_6 = arith.addi %iota3A, %add3A_5 : vector<16xi32>
    %add3A_7 = arith.constant 32 : i32
    %add3A_8 = vector.broadcast %add3A_7 : i32 to vector<16xi32>
    %add3A_9 = arith.addi %iota3A, %add3A_8 : vector<16xi32>
    %add3A_10 = arith.constant 48 : i32
    %add3A_11 = vector.broadcast %add3A_10 : i32 to vector<16xi32>
    %add3A_12 = arith.addi %iota3A, %add3A_11 : vector<16xi32>
    %add3A_13 = arith.constant 64 : i32
    %add3A_14 = vector.broadcast %add3A_13 : i32 to vector<16xi32>
    %add3A_15 = arith.addi %iota3A, %add3A_14 : vector<16xi32>
    %add3A_16 = arith.constant 80 : i32
    %add3A_17 = vector.broadcast %add3A_16 : i32 to vector<16xi32>
    %add3A_18 = arith.addi %iota3A, %add3A_17 : vector<16xi32>
    %add3A_19 = arith.constant 96 : i32
    %add3A_20 = vector.broadcast %add3A_19 : i32 to vector<16xi32>
    %add3A_21 = arith.addi %iota3A, %add3A_20 : vector<16xi32>
    %add3A_22 = arith.constant 112 : i32
    %add3A_23 = vector.broadcast %add3A_22 : i32 to vector<16xi32>
    %add3A_24 = arith.addi %iota3A, %add3A_23 : vector<16xi32>
    %shift_right_arithmetic3A = arith.constant 3 : i32
    %shift_right_arithmetic3A_25 = vector.broadcast %shift_right_arithmetic3A : i32 to vector<16xi32>
    %shift_right_arithmetic3A_26 = arith.shrsi %iota3A, %shift_right_arithmetic3A_25 : vector<16xi32>
    %add3A_27 = arith.constant 0 : i32
    %add3A_28 = vector.broadcast %add3A_27 : i32 to vector<16xi32>
    %add3A_29 = arith.addi %add3A_28, %shift_right_arithmetic3A_26 : vector<16xi32>
    %shift_right_arithmetic3A_30 = arith.constant 3 : i32
    %shift_right_arithmetic3A_31 = vector.broadcast %shift_right_arithmetic3A_30 : i32 to vector<16xi32>
    %shift_right_arithmetic3A_32 = arith.shrsi %iota3A, %shift_right_arithmetic3A_31 : vector<16xi32>
    %add3A_33 = arith.constant 2 : i32
    %add3A_34 = vector.broadcast %add3A_33 : i32 to vector<16xi32>
    %add3A_35 = arith.addi %add3A_34, %shift_right_arithmetic3A_32 : vector<16xi32>
    %shift_right_arithmetic3A_36 = arith.constant 3 : i32
    %shift_right_arithmetic3A_37 = vector.broadcast %shift_right_arithmetic3A_36 : i32 to vector<16xi32>
    %shift_right_arithmetic3A_38 = arith.shrsi %iota3A, %shift_right_arithmetic3A_37 : vector<16xi32>
    %add3A_39 = arith.constant 4 : i32
    %add3A_40 = vector.broadcast %add3A_39 : i32 to vector<16xi32>
    %add3A_41 = arith.addi %add3A_40, %shift_right_arithmetic3A_38 : vector<16xi32>
    %shift_right_arithmetic3A_42 = arith.constant 3 : i32
    %shift_right_arithmetic3A_43 = vector.broadcast %shift_right_arithmetic3A_42 : i32 to vector<16xi32>
    %shift_right_arithmetic3A_44 = arith.shrsi %iota3A, %shift_right_arithmetic3A_43 : vector<16xi32>
    %add3A_45 = arith.constant 6 : i32
    %add3A_46 = vector.broadcast %add3A_45 : i32 to vector<16xi32>
    %add3A_47 = arith.addi %add3A_46, %shift_right_arithmetic3A_44 : vector<16xi32>
    %and3A = arith.constant 7 : i32
    %and3A_48 = vector.broadcast %and3A : i32 to vector<16xi32>
    %and3A_49 = arith.andi %iota3A, %and3A_48 : vector<16xi32>
    %mul3A_50 = arith.constant 4 : i32
    %mul3A_51 = arith.muli %add3A, %mul3A_50 : i32
    %add3A_52 = arith.constant 0 : i32
    %add3A_53 = arith.addi %mul3A_51, %add3A_52 : i32
    %mul3A_54 = arith.constant 128 : i32
    %mul3A_55 = arith.muli %add3A_53, %mul3A_54 : i32
    "tpu.region"() ({
      %run_scoped3A = tpu.sem_alloc : memref<!tpu.dma_semaphore, #tpu.memory_space<semaphore_mem>>
      %dma_start3A_195 = arith.constant 0 : i32
      %dma_start3A_196 = tpu.memref_slice %arg3[%mul3A_55, %dma_start3A_195] : memref<16384x50xi32, #tpu.memory_space<hbm>> -> memref<128x50xi32, #tpu.memory_space<hbm>>
      %dma_start3A_197 = arith.constant 0 : i32
      %dma_start3A_198 = tpu.memref_slice %arg3[%mul3A_55, %dma_start3A_197] : memref<16384x50xi32, #tpu.memory_space<hbm>> -> memref<128x50xi32, #tpu.memory_space<hbm>>
      tpu.enqueue_dma source(%dma_start3A_198 : memref<128x50xi32, #tpu.memory_space<hbm>>) target(%arg5 : memref<128x50xi32, #tpu.memory_space<vmem>>) target_semaphore(%run_scoped3A : memref<!tpu.dma_semaphore, #tpu.memory_space<semaphore_mem>>)
      %dma_wait3A_199 = arith.constant 0 : i32
      %dma_wait3A_200 = tpu.memref_slice %arg3[%mul3A_55, %dma_wait3A_199] : memref<16384x50xi32, #tpu.memory_space<hbm>> -> memref<128x50xi32, #tpu.memory_space<hbm>>
      %dma_wait3A_201 = arith.constant 0 : i32
      %dma_wait3A_202 = tpu.memref_slice %arg3[%mul3A_55, %dma_wait3A_201] : memref<16384x50xi32, #tpu.memory_space<hbm>> -> memref<128x50xi32, #tpu.memory_space<hbm>>
      tpu.wait_dma2 semaphore(%run_scoped3A : memref<!tpu.dma_semaphore, #tpu.memory_space<semaphore_mem>>) src(%dma_wait3A_202 : memref<128x50xi32, #tpu.memory_space<hbm>>) dst(%arg5 : memref<128x50xi32, #tpu.memory_space<vmem>>)
      tpu.yield
    }) : () -> ()
    %parallel_loop3A = arith.constant 0 : i32
    %parallel_loop3A_56 = arith.constant 50 : i32
    %parallel_loop3A_57 = arith.constant 1 : i32
    scf.for %parallel_loop3A_195 = %parallel_loop3A to %parallel_loop3A_56 step %parallel_loop3A_57  : i32 {
      %parallel_loop3A_196 = vector.broadcast %parallel_loop3A_195 : i32 to vector<16xi32>
      %parallel_loop3A_197 = tpu.vector_load_idx %arg5[%add3A_3, %parallel_loop3A_196] : memref<128x50xi32, #tpu.memory_space<vmem>>[vector<16xi32>, vector<16xi32>], vector<16xi32>,
      %parallel_loop3A_198 = arith.index_cast %parallel_loop3A_195 : i32 to index
      %parallel_loop3A_199 = arith.constant 0 : index
      %parallel_loop3A_200 = tpu.vector_load %arg6[%parallel_loop3A_198, %parallel_loop3A_199] {strides = array<i32>} : memref<50x128xi32, #tpu.memory_space<vmem>>, vector<16xi32>,
      tpu.vector_store %arg6[%parallel_loop3A_198, %parallel_loop3A_199], %parallel_loop3A_197 {strides = array<i32>} : memref<50x128xi32, #tpu.memory_space<vmem>>, vector<16xi32>,
      %parallel_loop3A_201 = tpu.vector_load_idx %arg5[%add3A_6, %parallel_loop3A_196] : memref<128x50xi32, #tpu.memory_space<vmem>>[vector<16xi32>, vector<16xi32>], vector<16xi32>,
      %parallel_loop3A_202 = arith.index_cast %parallel_loop3A_195 : i32 to index
      %parallel_loop3A_203 = arith.constant 16 : index
      %parallel_loop3A_204 = tpu.vector_load %arg6[%parallel_loop3A_202, %parallel_loop3A_203] {strides = array<i32>} : memref<50x128xi32, #tpu.memory_space<vmem>>, vector<16xi32>,
      tpu.vector_store %arg6[%parallel_loop3A_202, %parallel_loop3A_203], %parallel_loop3A_201 {strides = array<i32>} : memref<50x128xi32, #tpu.memory_space<vmem>>, vector<16xi32>,
      %parallel_loop3A_205 = tpu.vector_load_idx %arg5[%add3A_9, %parallel_loop3A_196] : memref<128x50xi32, #tpu.memory_space<vmem>>[vector<16xi32>, vector<16xi32>], vector<16xi32>,
      %parallel_loop3A_206 = arith.index_cast %parallel_loop3A_195 : i32 to index
      %parallel_loop3A_207 = arith.constant 32 : index
      %parallel_loop3A_208 = tpu.vector_load %arg6[%parallel_loop3A_206, %parallel_loop3A_207] {strides = array<i32>} : memref<50x128xi32, #tpu.memory_space<vmem>>, vector<16xi32>,
      tpu.vector_store %arg6[%parallel_loop3A_206, %parallel_loop3A_207], %parallel_loop3A_205 {strides = array<i32>} : memref<50x128xi32, #tpu.memory_space<vmem>>, vector<16xi32>,
      %parallel_loop3A_209 = tpu.vector_load_idx %arg5[%add3A_12, %parallel_loop3A_196] : memref<128x50xi32, #tpu.memory_space<vmem>>[vector<16xi32>, vector<16xi32>], vector<16xi32>,
      %parallel_loop3A_210 = arith.index_cast %parallel_loop3A_195 : i32 to index
      %parallel_loop3A_211 = arith.constant 48 : index
      %parallel_loop3A_212 = tpu.vector_load %arg6[%parallel_loop3A_210, %parallel_loop3A_211] {strides = array<i32>} : memref<50x128xi32, #tpu.memory_space<vmem>>, vector<16xi32>,
      tpu.vector_store %arg6[%parallel_loop3A_210, %parallel_loop3A_211], %parallel_loop3A_209 {strides = array<i32>} : memref<50x128xi32, #tpu.memory_space<vmem>>, vector<16xi32>,
      %parallel_loop3A_213 = tpu.vector_load_idx %arg5[%add3A_15, %parallel_loop3A_196] : memref<128x50xi32, #tpu.memory_space<vmem>>[vector<16xi32>, vector<16xi32>], vector<16xi32>,
      %parallel_loop3A_214 = arith.index_cast %parallel_loop3A_195 : i32 to index
      %parallel_loop3A_215 = arith.constant 64 : index
      %parallel_loop3A_216 = tpu.vector_load %arg6[%parallel_loop3A_214, %parallel_loop3A_215] {strides = array<i32>} : memref<50x128xi32, #tpu.memory_space<vmem>>, vector<16xi32>,
      tpu.vector_store %arg6[%parallel_loop3A_214, %parallel_loop3A_215], %parallel_loop3A_213 {strides = array<i32>} : memref<50x128xi32, #tpu.memory_space<vmem>>, vector<16xi32>,
      %parallel_loop3A_217 = tpu.vector_load_idx %arg5[%add3A_18, %parallel_loop3A_196] : memref<128x50xi32, #tpu.memory_space<vmem>>[vector<16xi32>, vector<16xi32>], vector<16xi32>,
      %parallel_loop3A_218 = arith.index_cast %parallel_loop3A_195 : i32 to index
      %parallel_loop3A_219 = arith.constant 80 : index
      %parallel_loop3A_220 = tpu.vector_load %arg6[%parallel_loop3A_218, %parallel_loop3A_219] {strides = array<i32>} : memref<50x128xi32, #tpu.memory_space<vmem>>, vector<16xi32>,
      tpu.vector_store %arg6[%parallel_loop3A_218, %parallel_loop3A_219], %parallel_loop3A_217 {strides = array<i32>} : memref<50x128xi32, #tpu.memory_space<vmem>>, vector<16xi32>,
      %parallel_loop3A_221 = tpu.vector_load_idx %arg5[%add3A_21, %parallel_loop3A_196] : memref<128x50xi32, #tpu.memory_space<vmem>>[vector<16xi32>, vector<16xi32>], vector<16xi32>,
      %parallel_loop3A_222 = arith.index_cast %parallel_loop3A_195 : i32 to index
      %parallel_loop3A_223 = arith.constant 96 : index
      %parallel_loop3A_224 = tpu.vector_load %arg6[%parallel_loop3A_222, %parallel_loop3A_223] {strides = array<i32>} : memref<50x128xi32, #tpu.memory_space<vmem>>, vector<16xi32>,
      tpu.vector_store %arg6[%parallel_loop3A_222, %parallel_loop3A_223], %parallel_loop3A_221 {strides = array<i32>} : memref<50x128xi32, #tpu.memory_space<vmem>>, vector<16xi32>,
      %parallel_loop3A_225 = tpu.vector_load_idx %arg5[%add3A_24, %parallel_loop3A_196] : memref<128x50xi32, #tpu.memory_space<vmem>>[vector<16xi32>, vector<16xi32>], vector<16xi32>,
      %parallel_loop3A_226 = arith.index_cast %parallel_loop3A_195 : i32 to index
      %parallel_loop3A_227 = arith.constant 112 : index
      %parallel_loop3A_228 = tpu.vector_load %arg6[%parallel_loop3A_226, %parallel_loop3A_227] {strides = array<i32>} : memref<50x128xi32, #tpu.memory_space<vmem>>, vector<16xi32>,
      tpu.vector_store %arg6[%parallel_loop3A_226, %parallel_loop3A_227], %parallel_loop3A_225 {strides = array<i32>} : memref<50x128xi32, #tpu.memory_space<vmem>>, vector<16xi32>,
    } {sc.loop_unroll_factor = 5 : i64, sc.parallel_access}
    %dma_start3A = arith.constant 0 : i32
    %dma_start3A_58 = arith.constant 0 : i32
    %dma_start3A_59 = arith.constant 0 : i32
    %dma_start3A_60 = tpu.memref_slice %arg6[%dma_start3A, %dma_start3A_59] : memref<50x128xi32, #tpu.memory_space<vmem>> -> memref<1x128xi32, #tpu.memory_space<vmem>>
    %dma_start3A_61 = tpu.memref_squeeze %dma_start3A_60 : memref<1x128xi32, #tpu.memory_space<vmem>> -> memref<128xi32, #tpu.memory_space<vmem>>
    %dma_start3A_62 = arith.constant 0 : i32
    %dma_start3A_63 = arith.constant 0 : i32
    %dma_start3A_64 = tpu.memref_slice %arg2[%dma_start3A_62, %dma_start3A_63] : memref<1000000x64xf32, #tpu.memory_space<hbm>> -> memref<1000000x64xf32, #tpu.memory_space<hbm>>
    %dma_start3A_65 = tpu.memref_slice %arg11[%dma_start3A_58] : memref<2x!tpu.dma_semaphore, #tpu.memory_space<semaphore_mem>> -> memref<1x!tpu.dma_semaphore, #tpu.memory_space<semaphore_mem>>
    %dma_start3A_66 = tpu.memref_squeeze %dma_start3A_65 : memref<1x!tpu.dma_semaphore, #tpu.memory_space<semaphore_mem>> -> memref<!tpu.dma_semaphore, #tpu.memory_space<semaphore_mem>>
    tpu.enqueue_indirect_dma source(%dma_start3A_64 : memref<1000000x64xf32, #tpu.memory_space<hbm>>) target(%arg7 : memref<128x64xf32, #tpu.memory_space<vmem>>) offsets(%dma_start3A_61 : memref<128xi32, #tpu.memory_space<vmem>>) semaphore(%dma_start3A_66 : memref<!tpu.dma_semaphore, #tpu.memory_space<semaphore_mem>>)
    %scan3A = arith.constant 0 : i32
    %scan3A_67 = arith.constant 0 : i32
    %scan3A_68 = arith.constant 25 : i32
    %scan3A_69 = arith.addi %scan3A_67, %scan3A_68 : i32
    %scan3A_70 = arith.constant 1 : i32
    scf.for %scan3A_195 = %scan3A_67 to %scan3A_69 step %scan3A_70  : i32 {
      %mul3A_196 = arith.constant 2 : i32
      %mul3A_197 = arith.muli %mul3A_196, %scan3A_195 : i32
      %add3A_198 = arith.constant 0 : i32
      %add3A_199 = arith.addi %mul3A_197, %add3A_198 : i32
      %add3A_200 = arith.constant 1 : i32
      %add3A_201 = arith.addi %add3A_199, %add3A_200 : i32
      %lt3A = arith.constant 50 : i32
      %lt3A_202 = arith.cmpi slt, %add3A_201, %lt3A : i32
      %convert_element_type3A = arith.extui %lt3A_202 : i1 to i32
      %cond3A = arith.constant 0 : i32
      %cond3A_203 = arith.cmpi ne, %convert_element_type3A, %cond3A : i32
      scf.if %cond3A_203 {
        %add3A_290 = arith.constant 1 : i32
        %add3A_291 = arith.addi %add3A_199, %add3A_290 : i32
        %dma_start3A_292 = arith.constant 1 : i32
        %dma_start3A_293 = arith.constant 0 : i32
        %dma_start3A_294 = tpu.memref_slice %arg6[%add3A_291, %dma_start3A_293] : memref<50x128xi32, #tpu.memory_space<vmem>> -> memref<1x128xi32, #tpu.memory_space<vmem>>
        %dma_start3A_295 = tpu.memref_squeeze %dma_start3A_294 : memref<1x128xi32, #tpu.memory_space<vmem>> -> memref<128xi32, #tpu.memory_space<vmem>>
        %dma_start3A_296 = arith.constant 0 : i32
        %dma_start3A_297 = arith.constant 0 : i32
        %dma_start3A_298 = tpu.memref_slice %arg2[%dma_start3A_296, %dma_start3A_297] : memref<1000000x64xf32, #tpu.memory_space<hbm>> -> memref<1000000x64xf32, #tpu.memory_space<hbm>>
        %dma_start3A_299 = tpu.memref_slice %arg11[%dma_start3A_292] : memref<2x!tpu.dma_semaphore, #tpu.memory_space<semaphore_mem>> -> memref<1x!tpu.dma_semaphore, #tpu.memory_space<semaphore_mem>>
        %dma_start3A_300 = tpu.memref_squeeze %dma_start3A_299 : memref<1x!tpu.dma_semaphore, #tpu.memory_space<semaphore_mem>> -> memref<!tpu.dma_semaphore, #tpu.memory_space<semaphore_mem>>
        tpu.enqueue_indirect_dma source(%dma_start3A_298 : memref<1000000x64xf32, #tpu.memory_space<hbm>>) target(%arg8 : memref<128x64xf32, #tpu.memory_space<vmem>>) offsets(%dma_start3A_295 : memref<128xi32, #tpu.memory_space<vmem>>) semaphore(%dma_start3A_300 : memref<!tpu.dma_semaphore, #tpu.memory_space<semaphore_mem>>)
      } else {
      }
      %dma_wait3A_204 = arith.constant 0 : i32
      %dma_wait3A_205 = arith.constant 0 : i32
      %dma_wait3A_206 = tpu.memref_slice %arg6[%add3A_199, %dma_wait3A_205] : memref<50x128xi32, #tpu.memory_space<vmem>> -> memref<1x128xi32, #tpu.memory_space<vmem>>
      %dma_wait3A_207 = tpu.memref_squeeze %dma_wait3A_206 : memref<1x128xi32, #tpu.memory_space<vmem>> -> memref<128xi32, #tpu.memory_space<vmem>>
      %dma_wait3A_208 = arith.constant 0 : i32
      %dma_wait3A_209 = arith.constant 0 : i32
      %dma_wait3A_210 = tpu.memref_slice %arg2[%dma_wait3A_208, %dma_wait3A_209] : memref<1000000x64xf32, #tpu.memory_space<hbm>> -> memref<1000000x64xf32, #tpu.memory_space<hbm>>
      %dma_wait3A_211 = tpu.memref_slice %arg11[%dma_wait3A_204] : memref<2x!tpu.dma_semaphore, #tpu.memory_space<semaphore_mem>> -> memref<1x!tpu.dma_semaphore, #tpu.memory_space<semaphore_mem>>
      %dma_wait3A_212 = tpu.memref_squeeze %dma_wait3A_211 : memref<1x!tpu.dma_semaphore, #tpu.memory_space<semaphore_mem>> -> memref<!tpu.dma_semaphore, #tpu.memory_space<semaphore_mem>>
      tpu.wait_indirect_dma semaphore(%dma_wait3A_212 : memref<!tpu.dma_semaphore, #tpu.memory_space<semaphore_mem>>) src(%dma_wait3A_210 : memref<1000000x64xf32, #tpu.memory_space<hbm>>) dst(%arg7 : memref<128x64xf32, #tpu.memory_space<vmem>>)
      %ge3A = arith.constant 2 : i32
      %ge3A_213 = arith.cmpi sge, %add3A_199, %ge3A : i32
      %convert_element_type3A_214 = arith.extui %ge3A_213 : i1 to i32
      %cond3A_215 = arith.constant 0 : i32
      %cond3A_216 = arith.cmpi ne, %convert_element_type3A_214, %cond3A_215 : i32
      scf.if %cond3A_216 {
        %dma_wait3A_290 = arith.constant 0 : i32
        %dma_wait3A_291 = arith.constant 0 : i32
        %dma_wait3A_292 = arith.constant 0 : i32
        %dma_wait3A_293 = arith.constant 0 : i32
        %dma_wait3A_294 = tpu.memref_slice %arg9[%dma_wait3A_291, %dma_wait3A_292, %dma_wait3A_293] : memref<8x8x129xf32, #tpu.memory_space<vmem>> -> memref<8x8x128xf32, #tpu.memory_space<vmem>>
        %dma_wait3A_295 = arith.constant 0 : i32
        %dma_wait3A_296 = arith.constant 0 : i32
        %dma_wait3A_297 = arith.constant 0 : i32
        %dma_wait3A_298 = tpu.memref_slice %arg4[%add3A_199, %dma_wait3A_295, %add3A_53, %dma_wait3A_296, %dma_wait3A_297] : memref<50x8x128x8x128xf32, #tpu.memory_space<hbm>> -> memref<1x8x1x8x128xf32, #tpu.memory_space<hbm>>
        %dma_wait3A_299 = tpu.memref_squeeze %dma_wait3A_298 : memref<1x8x1x8x128xf32, #tpu.memory_space<hbm>> -> memref<8x8x128xf32, #tpu.memory_space<hbm>>
        %dma_wait3A_300 = tpu.memref_slice %arg12[%dma_wait3A_290] : memref<2x!tpu.dma_semaphore, #tpu.memory_space<semaphore_mem>> -> memref<1x!tpu.dma_semaphore, #tpu.memory_space<semaphore_mem>>
        %dma_wait3A_301 = tpu.memref_squeeze %dma_wait3A_300 : memref<1x!tpu.dma_semaphore, #tpu.memory_space<semaphore_mem>> -> memref<!tpu.dma_semaphore, #tpu.memory_space<semaphore_mem>>
        %dma_wait3A_302 = arith.constant 0 : i32
        %dma_wait3A_303 = arith.constant 0 : i32
        %dma_wait3A_304 = arith.constant 0 : i32
        %dma_wait3A_305 = tpu.memref_slice %arg4[%add3A_199, %dma_wait3A_302, %add3A_53, %dma_wait3A_303, %dma_wait3A_304] : memref<50x8x128x8x128xf32, #tpu.memory_space<hbm>> -> memref<1x8x1x8x128xf32, #tpu.memory_space<hbm>>
        %dma_wait3A_306 = tpu.memref_squeeze %dma_wait3A_305 : memref<1x8x1x8x128xf32, #tpu.memory_space<hbm>> -> memref<8x8x128xf32, #tpu.memory_space<hbm>>
        %dma_wait3A_307 = arith.constant 0 : i32
        %dma_wait3A_308 = arith.constant 0 : i32
        %dma_wait3A_309 = arith.constant 0 : i32
        %dma_wait3A_310 = tpu.memref_slice %arg9[%dma_wait3A_307, %dma_wait3A_308, %dma_wait3A_309] : memref<8x8x129xf32, #tpu.memory_space<vmem>> -> memref<8x8x128xf32, #tpu.memory_space<vmem>>
        tpu.wait_dma2 semaphore(%dma_wait3A_301 : memref<!tpu.dma_semaphore, #tpu.memory_space<semaphore_mem>>) src(%dma_wait3A_310 : memref<8x8x128xf32, #tpu.memory_space<vmem>>) dst(%dma_wait3A_306 : memref<8x8x128xf32, #tpu.memory_space<hbm>>)
      } else {
      }
      %parallel_loop3A_217 = arith.constant 0 : i32
      %parallel_loop3A_218 = arith.constant 128 : i32
      %parallel_loop3A_219 = arith.constant 1 : i32
      scf.for %parallel_loop3A_290 = %parallel_loop3A_217 to %parallel_loop3A_218 step %parallel_loop3A_219  : i32 {
        %parallel_loop3A_291 = vector.broadcast %parallel_loop3A_290 : i32 to vector<16xi32>
        %parallel_loop3A_292 = arith.index_cast %parallel_loop3A_290 : i32 to index
        %parallel_loop3A_293 = arith.constant 0 : index
        %parallel_loop3A_294 = tpu.vector_load %arg7[%parallel_loop3A_292, %parallel_loop3A_293] {strides = array<i32>} : memref<128x64xf32, #tpu.memory_space<vmem>>, vector<16xf32>,
        tpu.vector_store_idx %arg9[%add3A_29, %and3A_49, %parallel_loop3A_291], %parallel_loop3A_294 : memref<8x8x129xf32, #tpu.memory_space<vmem>>[vector<16xi32>, vector<16xi32>, vector<16xi32>], vector<16xf32>,
        %parallel_loop3A_295 = arith.index_cast %parallel_loop3A_290 : i32 to index
        %parallel_loop3A_296 = arith.constant 16 : index
        %parallel_loop3A_297 = tpu.vector_load %arg7[%parallel_loop3A_295, %parallel_loop3A_296] {strides = array<i32>} : memref<128x64xf32, #tpu.memory_space<vmem>>, vector<16xf32>,
        tpu.vector_store_idx %arg9[%add3A_35, %and3A_49, %parallel_loop3A_291], %parallel_loop3A_297 : memref<8x8x129xf32, #tpu.memory_space<vmem>>[vector<16xi32>, vector<16xi32>, vector<16xi32>], vector<16xf32>,
        %parallel_loop3A_298 = arith.index_cast %parallel_loop3A_290 : i32 to index
        %parallel_loop3A_299 = arith.constant 32 : index
        %parallel_loop3A_300 = tpu.vector_load %arg7[%parallel_loop3A_298, %parallel_loop3A_299] {strides = array<i32>} : memref<128x64xf32, #tpu.memory_space<vmem>>, vector<16xf32>,
        tpu.vector_store_idx %arg9[%add3A_41, %and3A_49, %parallel_loop3A_291], %parallel_loop3A_300 : memref<8x8x129xf32, #tpu.memory_space<vmem>>[vector<16xi32>, vector<16xi32>, vector<16xi32>], vector<16xf32>,
        %parallel_loop3A_301 = arith.index_cast %parallel_loop3A_290 : i32 to index
        %parallel_loop3A_302 = arith.constant 48 : index
        %parallel_loop3A_303 = tpu.vector_load %arg7[%parallel_loop3A_301, %parallel_loop3A_302] {strides = array<i32>} : memref<128x64xf32, #tpu.memory_space<vmem>>, vector<16xf32>,
        tpu.vector_store_idx %arg9[%add3A_47, %and3A_49, %parallel_loop3A_291], %parallel_loop3A_303 : memref<8x8x129xf32, #tpu.memory_space<vmem>>[vector<16xi32>, vector<16xi32>, vector<16xi32>], vector<16xf32>,
      } {sc.loop_unroll_factor = 6 : i64, sc.parallel_access}
      %dma_start3A_220 = arith.constant 0 : i32
      %dma_start3A_221 = arith.constant 0 : i32
      %dma_start3A_222 = arith.constant 0 : i32
      %dma_start3A_223 = arith.constant 0 : i32
      %dma_start3A_224 = tpu.memref_slice %arg9[%dma_start3A_221, %dma_start3A_222, %dma_start3A_223] : memref<8x8x129xf32, #tpu.memory_space<vmem>> -> memref<8x8x128xf32, #tpu.memory_space<vmem>>
      %dma_start3A_225 = arith.constant 0 : i32
      %dma_start3A_226 = arith.constant 0 : i32
      %dma_start3A_227 = arith.constant 0 : i32
      %dma_start3A_228 = tpu.memref_slice %arg4[%add3A_199, %dma_start3A_225, %add3A_53, %dma_start3A_226, %dma_start3A_227] : memref<50x8x128x8x128xf32, #tpu.memory_space<hbm>> -> memref<1x8x1x8x128xf32, #tpu.memory_space<hbm>>
      %dma_start3A_229 = tpu.memref_squeeze %dma_start3A_228 : memref<1x8x1x8x128xf32, #tpu.memory_space<hbm>> -> memref<8x8x128xf32, #tpu.memory_space<hbm>>
      %dma_start3A_230 = tpu.memref_slice %arg12[%dma_start3A_220] : memref<2x!tpu.dma_semaphore, #tpu.memory_space<semaphore_mem>> -> memref<1x!tpu.dma_semaphore, #tpu.memory_space<semaphore_mem>>
      %dma_start3A_231 = tpu.memref_squeeze %dma_start3A_230 : memref<1x!tpu.dma_semaphore, #tpu.memory_space<semaphore_mem>> -> memref<!tpu.dma_semaphore, #tpu.memory_space<semaphore_mem>>
      %dma_start3A_232 = arith.constant 0 : i32
      %dma_start3A_233 = arith.constant 0 : i32
      %dma_start3A_234 = arith.constant 0 : i32
      %dma_start3A_235 = tpu.memref_slice %arg4[%add3A_199, %dma_start3A_232, %add3A_53, %dma_start3A_233, %dma_start3A_234] : memref<50x8x128x8x128xf32, #tpu.memory_space<hbm>> -> memref<1x8x1x8x128xf32, #tpu.memory_space<hbm>>
      %dma_start3A_236 = tpu.memref_squeeze %dma_start3A_235 : memref<1x8x1x8x128xf32, #tpu.memory_space<hbm>> -> memref<8x8x128xf32, #tpu.memory_space<hbm>>
      %dma_start3A_237 = arith.constant 0 : i32
      %dma_start3A_238 = arith.constant 0 : i32
      %dma_start3A_239 = arith.constant 0 : i32
      %dma_start3A_240 = tpu.memref_slice %arg9[%dma_start3A_237, %dma_start3A_238, %dma_start3A_239] : memref<8x8x129xf32, #tpu.memory_space<vmem>> -> memref<8x8x128xf32, #tpu.memory_space<vmem>>
      tpu.enqueue_dma source(%dma_start3A_240 : memref<8x8x128xf32, #tpu.memory_space<vmem>>) target(%dma_start3A_236 : memref<8x8x128xf32, #tpu.memory_space<hbm>>) target_semaphore(%dma_start3A_231 : memref<!tpu.dma_semaphore, #tpu.memory_space<semaphore_mem>>)
      %mul3A_241 = arith.constant 2 : i32
      %mul3A_242 = arith.muli %mul3A_241, %scan3A_195 : i32
      %add3A_243 = arith.constant 1 : i32
      %add3A_244 = arith.addi %mul3A_242, %add3A_243 : i32
      %add3A_245 = arith.constant 1 : i32
      %add3A_246 = arith.addi %add3A_244, %add3A_245 : i32
      %lt3A_247 = arith.constant 50 : i32
      %lt3A_248 = arith.cmpi slt, %add3A_246, %lt3A_247 : i32
      %convert_element_type3A_249 = arith.extui %lt3A_248 : i1 to i32
      %cond3A_250 = arith.constant 0 : i32
      %cond3A_251 = arith.cmpi ne, %convert_element_type3A_249, %cond3A_250 : i32
      scf.if %cond3A_251 {
        %add3A_290 = arith.constant 1 : i32
        %add3A_291 = arith.addi %add3A_244, %add3A_290 : i32
        %dma_start3A_292 = arith.constant 0 : i32
        %dma_start3A_293 = arith.constant 0 : i32
        %dma_start3A_294 = tpu.memref_slice %arg6[%add3A_291, %dma_start3A_293] : memref<50x128xi32, #tpu.memory_space<vmem>> -> memref<1x128xi32, #tpu.memory_space<vmem>>
        %dma_start3A_295 = tpu.memref_squeeze %dma_start3A_294 : memref<1x128xi32, #tpu.memory_space<vmem>> -> memref<128xi32, #tpu.memory_space<vmem>>
        %dma_start3A_296 = arith.constant 0 : i32
        %dma_start3A_297 = arith.constant 0 : i32
        %dma_start3A_298 = tpu.memref_slice %arg2[%dma_start3A_296, %dma_start3A_297] : memref<1000000x64xf32, #tpu.memory_space<hbm>> -> memref<1000000x64xf32, #tpu.memory_space<hbm>>
        %dma_start3A_299 = tpu.memref_slice %arg11[%dma_start3A_292] : memref<2x!tpu.dma_semaphore, #tpu.memory_space<semaphore_mem>> -> memref<1x!tpu.dma_semaphore, #tpu.memory_space<semaphore_mem>>
        %dma_start3A_300 = tpu.memref_squeeze %dma_start3A_299 : memref<1x!tpu.dma_semaphore, #tpu.memory_space<semaphore_mem>> -> memref<!tpu.dma_semaphore, #tpu.memory_space<semaphore_mem>>
        tpu.enqueue_indirect_dma source(%dma_start3A_298 : memref<1000000x64xf32, #tpu.memory_space<hbm>>) target(%arg7 : memref<128x64xf32, #tpu.memory_space<vmem>>) offsets(%dma_start3A_295 : memref<128xi32, #tpu.memory_space<vmem>>) semaphore(%dma_start3A_300 : memref<!tpu.dma_semaphore, #tpu.memory_space<semaphore_mem>>)
      } else {
      }
      %dma_wait3A_252 = arith.constant 1 : i32
      %dma_wait3A_253 = arith.constant 0 : i32
      %dma_wait3A_254 = tpu.memref_slice %arg6[%add3A_244, %dma_wait3A_253] : memref<50x128xi32, #tpu.memory_space<vmem>> -> memref<1x128xi32, #tpu.memory_space<vmem>>
      %dma_wait3A_255 = tpu.memref_squeeze %dma_wait3A_254 : memref<1x128xi32, #tpu.memory_space<vmem>> -> memref<128xi32, #tpu.memory_space<vmem>>
      %dma_wait3A_256 = arith.constant 0 : i32
      %dma_wait3A_257 = arith.constant 0 : i32
      %dma_wait3A_258 = tpu.memref_slice %arg2[%dma_wait3A_256, %dma_wait3A_257] : memref<1000000x64xf32, #tpu.memory_space<hbm>> -> memref<1000000x64xf32, #tpu.memory_space<hbm>>
      %dma_wait3A_259 = tpu.memref_slice %arg11[%dma_wait3A_252] : memref<2x!tpu.dma_semaphore, #tpu.memory_space<semaphore_mem>> -> memref<1x!tpu.dma_semaphore, #tpu.memory_space<semaphore_mem>>
      %dma_wait3A_260 = tpu.memref_squeeze %dma_wait3A_259 : memref<1x!tpu.dma_semaphore, #tpu.memory_space<semaphore_mem>> -> memref<!tpu.dma_semaphore, #tpu.memory_space<semaphore_mem>>
      tpu.wait_indirect_dma semaphore(%dma_wait3A_260 : memref<!tpu.dma_semaphore, #tpu.memory_space<semaphore_mem>>) src(%dma_wait3A_258 : memref<1000000x64xf32, #tpu.memory_space<hbm>>) dst(%arg8 : memref<128x64xf32, #tpu.memory_space<vmem>>)
      %ge3A_261 = arith.constant 2 : i32
      %ge3A_262 = arith.cmpi sge, %add3A_244, %ge3A_261 : i32
      %convert_element_type3A_263 = arith.extui %ge3A_262 : i1 to i32
      %cond3A_264 = arith.constant 0 : i32
      %cond3A_265 = arith.cmpi ne, %convert_element_type3A_263, %cond3A_264 : i32
      scf.if %cond3A_265 {
        %dma_wait3A_290 = arith.constant 1 : i32
        %dma_wait3A_291 = arith.constant 0 : i32
        %dma_wait3A_292 = arith.constant 0 : i32
        %dma_wait3A_293 = arith.constant 0 : i32
        %dma_wait3A_294 = tpu.memref_slice %arg10[%dma_wait3A_291, %dma_wait3A_292, %dma_wait3A_293] : memref<8x8x129xf32, #tpu.memory_space<vmem>> -> memref<8x8x128xf32, #tpu.memory_space<vmem>>
        %dma_wait3A_295 = arith.constant 0 : i32
        %dma_wait3A_296 = arith.constant 0 : i32
        %dma_wait3A_297 = arith.constant 0 : i32
        %dma_wait3A_298 = tpu.memref_slice %arg4[%add3A_244, %dma_wait3A_295, %add3A_53, %dma_wait3A_296, %dma_wait3A_297] : memref<50x8x128x8x128xf32, #tpu.memory_space<hbm>> -> memref<1x8x1x8x128xf32, #tpu.memory_space<hbm>>
        %dma_wait3A_299 = tpu.memref_squeeze %dma_wait3A_298 : memref<1x8x1x8x128xf32, #tpu.memory_space<hbm>> -> memref<8x8x128xf32, #tpu.memory_space<hbm>>
        %dma_wait3A_300 = tpu.memref_slice %arg12[%dma_wait3A_290] : memref<2x!tpu.dma_semaphore, #tpu.memory_space<semaphore_mem>> -> memref<1x!tpu.dma_semaphore, #tpu.memory_space<semaphore_mem>>
        %dma_wait3A_301 = tpu.memref_squeeze %dma_wait3A_300 : memref<1x!tpu.dma_semaphore, #tpu.memory_space<semaphore_mem>> -> memref<!tpu.dma_semaphore, #tpu.memory_space<semaphore_mem>>
        %dma_wait3A_302 = arith.constant 0 : i32
        %dma_wait3A_303 = arith.constant 0 : i32
        %dma_wait3A_304 = arith.constant 0 : i32
        %dma_wait3A_305 = tpu.memref_slice %arg4[%add3A_244, %dma_wait3A_302, %add3A_53, %dma_wait3A_303, %dma_wait3A_304] : memref<50x8x128x8x128xf32, #tpu.memory_space<hbm>> -> memref<1x8x1x8x128xf32, #tpu.memory_space<hbm>>
        %dma_wait3A_306 = tpu.memref_squeeze %dma_wait3A_305 : memref<1x8x1x8x128xf32, #tpu.memory_space<hbm>> -> memref<8x8x128xf32, #tpu.memory_space<hbm>>
        %dma_wait3A_307 = arith.constant 0 : i32
        %dma_wait3A_308 = arith.constant 0 : i32
        %dma_wait3A_309 = arith.constant 0 : i32
        %dma_wait3A_310 = tpu.memref_slice %arg10[%dma_wait3A_307, %dma_wait3A_308, %dma_wait3A_309] : memref<8x8x129xf32, #tpu.memory_space<vmem>> -> memref<8x8x128xf32, #tpu.memory_space<vmem>>
        tpu.wait_dma2 semaphore(%dma_wait3A_301 : memref<!tpu.dma_semaphore, #tpu.memory_space<semaphore_mem>>) src(%dma_wait3A_310 : memref<8x8x128xf32, #tpu.memory_space<vmem>>) dst(%dma_wait3A_306 : memref<8x8x128xf32, #tpu.memory_space<hbm>>)
      } else {
      }
      %parallel_loop3A_266 = arith.constant 0 : i32
      %parallel_loop3A_267 = arith.constant 128 : i32
      %parallel_loop3A_268 = arith.constant 1 : i32
      scf.for %parallel_loop3A_290 = %parallel_loop3A_266 to %parallel_loop3A_267 step %parallel_loop3A_268  : i32 {
        %parallel_loop3A_291 = vector.broadcast %parallel_loop3A_290 : i32 to vector<16xi32>
        %parallel_loop3A_292 = arith.index_cast %parallel_loop3A_290 : i32 to index
        %parallel_loop3A_293 = arith.constant 0 : index
        %parallel_loop3A_294 = tpu.vector_load %arg8[%parallel_loop3A_292, %parallel_loop3A_293] {strides = array<i32>} : memref<128x64xf32, #tpu.memory_space<vmem>>, vector<16xf32>,
        tpu.vector_store_idx %arg10[%add3A_29, %and3A_49, %parallel_loop3A_291], %parallel_loop3A_294 : memref<8x8x129xf32, #tpu.memory_space<vmem>>[vector<16xi32>, vector<16xi32>, vector<16xi32>], vector<16xf32>,
        %parallel_loop3A_295 = arith.index_cast %parallel_loop3A_290 : i32 to index
        %parallel_loop3A_296 = arith.constant 16 : index
        %parallel_loop3A_297 = tpu.vector_load %arg8[%parallel_loop3A_295, %parallel_loop3A_296] {strides = array<i32>} : memref<128x64xf32, #tpu.memory_space<vmem>>, vector<16xf32>,
        tpu.vector_store_idx %arg10[%add3A_35, %and3A_49, %parallel_loop3A_291], %parallel_loop3A_297 : memref<8x8x129xf32, #tpu.memory_space<vmem>>[vector<16xi32>, vector<16xi32>, vector<16xi32>], vector<16xf32>,
        %parallel_loop3A_298 = arith.index_cast %parallel_loop3A_290 : i32 to index
        %parallel_loop3A_299 = arith.constant 32 : index
        %parallel_loop3A_300 = tpu.vector_load %arg8[%parallel_loop3A_298, %parallel_loop3A_299] {strides = array<i32>} : memref<128x64xf32, #tpu.memory_space<vmem>>, vector<16xf32>,
        tpu.vector_store_idx %arg10[%add3A_41, %and3A_49, %parallel_loop3A_291], %parallel_loop3A_300 : memref<8x8x129xf32, #tpu.memory_space<vmem>>[vector<16xi32>, vector<16xi32>, vector<16xi32>], vector<16xf32>,
        %parallel_loop3A_301 = arith.index_cast %parallel_loop3A_290 : i32 to index
        %parallel_loop3A_302 = arith.constant 48 : index
        %parallel_loop3A_303 = tpu.vector_load %arg8[%parallel_loop3A_301, %parallel_loop3A_302] {strides = array<i32>} : memref<128x64xf32, #tpu.memory_space<vmem>>, vector<16xf32>,
        tpu.vector_store_idx %arg10[%add3A_47, %and3A_49, %parallel_loop3A_291], %parallel_loop3A_303 : memref<8x8x129xf32, #tpu.memory_space<vmem>>[vector<16xi32>, vector<16xi32>, vector<16xi32>], vector<16xf32>,
      } {sc.loop_unroll_factor = 6 : i64, sc.parallel_access}
      %dma_start3A_269 = arith.constant 1 : i32
      %dma_start3A_270 = arith.constant 0 : i32
      %dma_start3A_271 = arith.constant 0 : i32
      %dma_start3A_272 = arith.constant 0 : i32
      %dma_start3A_273 = tpu.memref_slice %arg10[%dma_start3A_270, %dma_start3A_271, %dma_start3A_272] : memref<8x8x129xf32, #tpu.memory_space<vmem>> -> memref<8x8x128xf32, #tpu.memory_space<vmem>>
      %dma_start3A_274 = arith.constant 0 : i32
      %dma_start3A_275 = arith.constant 0 : i32
      %dma_start3A_276 = arith.constant 0 : i32
      %dma_start3A_277 = tpu.memref_slice %arg4[%add3A_244, %dma_start3A_274, %add3A_53, %dma_start3A_275, %dma_start3A_276] : memref<50x8x128x8x128xf32, #tpu.memory_space<hbm>> -> memref<1x8x1x8x128xf32, #tpu.memory_space<hbm>>
      %dma_start3A_278 = tpu.memref_squeeze %dma_start3A_277 : memref<1x8x1x8x128xf32, #tpu.memory_space<hbm>> -> memref<8x8x128xf32, #tpu.memory_space<hbm>>
      %dma_start3A_279 = tpu.memref_slice %arg12[%dma_start3A_269] : memref<2x!tpu.dma_semaphore, #tpu.memory_space<semaphore_mem>> -> memref<1x!tpu.dma_semaphore, #tpu.memory_space<semaphore_mem>>
      %dma_start3A_280 = tpu.memref_squeeze %dma_start3A_279 : memref<1x!tpu.dma_semaphore, #tpu.memory_space<semaphore_mem>> -> memref<!tpu.dma_semaphore, #tpu.memory_space<semaphore_mem>>
      %dma_start3A_281 = arith.constant 0 : i32
      %dma_start3A_282 = arith.constant 0 : i32
      %dma_start3A_283 = arith.constant 0 : i32
      %dma_start3A_284 = tpu.memref_slice %arg4[%add3A_244, %dma_start3A_281, %add3A_53, %dma_start3A_282, %dma_start3A_283] : memref<50x8x128x8x128xf32, #tpu.memory_space<hbm>> -> memref<1x8x1x8x128xf32, #tpu.memory_space<hbm>>
      %dma_start3A_285 = tpu.memref_squeeze %dma_start3A_284 : memref<1x8x1x8x128xf32, #tpu.memory_space<hbm>> -> memref<8x8x128xf32, #tpu.memory_space<hbm>>
      %dma_start3A_286 = arith.constant 0 : i32
      %dma_start3A_287 = arith.constant 0 : i32
      %dma_start3A_288 = arith.constant 0 : i32
      %dma_start3A_289 = tpu.memref_slice %arg10[%dma_start3A_286, %dma_start3A_287, %dma_start3A_288] : memref<8x8x129xf32, #tpu.memory_space<vmem>> -> memref<8x8x128xf32, #tpu.memory_space<vmem>>
      tpu.enqueue_dma source(%dma_start3A_289 : memref<8x8x128xf32, #tpu.memory_space<vmem>>) target(%dma_start3A_285 : memref<8x8x128xf32, #tpu.memory_space<hbm>>) target_semaphore(%dma_start3A_280 : memref<!tpu.dma_semaphore, #tpu.memory_space<semaphore_mem>>)
    }
    %scan3A_71 = arith.constant 25 : i32
    %mul3A_72 = arith.constant 4 : i32
    %mul3A_73 = arith.muli %add3A, %mul3A_72 : i32
    %add3A_74 = arith.constant 1 : i32
    %add3A_75 = arith.addi %mul3A_73, %add3A_74 : i32
    %mul3A_76 = arith.constant 128 : i32
    %mul3A_77 = arith.muli %add3A_75, %mul3A_76 : i32
    "tpu.region"() ({
      %run_scoped3A = tpu.sem_alloc : memref<!tpu.dma_semaphore, #tpu.memory_space<semaphore_mem>>
      %dma_start3A_195 = arith.constant 0 : i32
      %dma_start3A_196 = tpu.memref_slice %arg3[%mul3A_77, %dma_start3A_195] : memref<16384x50xi32, #tpu.memory_space<hbm>> -> memref<128x50xi32, #tpu.memory_space<hbm>>
      %dma_start3A_197 = arith.constant 0 : i32
      %dma_start3A_198 = tpu.memref_slice %arg3[%mul3A_77, %dma_start3A_197] : memref<16384x50xi32, #tpu.memory_space<hbm>> -> memref<128x50xi32, #tpu.memory_space<hbm>>
      tpu.enqueue_dma source(%dma_start3A_198 : memref<128x50xi32, #tpu.memory_space<hbm>>) target(%arg5 : memref<128x50xi32, #tpu.memory_space<vmem>>) target_semaphore(%run_scoped3A : memref<!tpu.dma_semaphore, #tpu.memory_space<semaphore_mem>>)
      %dma_wait3A_199 = arith.constant 0 : i32
      %dma_wait3A_200 = tpu.memref_slice %arg3[%mul3A_77, %dma_wait3A_199] : memref<16384x50xi32, #tpu.memory_space<hbm>> -> memref<128x50xi32, #tpu.memory_space<hbm>>
      %dma_wait3A_201 = arith.constant 0 : i32
      %dma_wait3A_202 = tpu.memref_slice %arg3[%mul3A_77, %dma_wait3A_201] : memref<16384x50xi32, #tpu.memory_space<hbm>> -> memref<128x50xi32, #tpu.memory_space<hbm>>
      tpu.wait_dma2 semaphore(%run_scoped3A : memref<!tpu.dma_semaphore, #tpu.memory_space<semaphore_mem>>) src(%dma_wait3A_202 : memref<128x50xi32, #tpu.memory_space<hbm>>) dst(%arg5 : memref<128x50xi32, #tpu.memory_space<vmem>>)
      tpu.yield
    }) : () -> ()
    %parallel_loop3A_78 = arith.constant 0 : i32
    %parallel_loop3A_79 = arith.constant 50 : i32
    %parallel_loop3A_80 = arith.constant 1 : i32
    scf.for %parallel_loop3A_195 = %parallel_loop3A_78 to %parallel_loop3A_79 step %parallel_loop3A_80  : i32 {
      %parallel_loop3A_196 = vector.broadcast %parallel_loop3A_195 : i32 to vector<16xi32>
      %parallel_loop3A_197 = tpu.vector_load_idx %arg5[%add3A_3, %parallel_loop3A_196] : memref<128x50xi32, #tpu.memory_space<vmem>>[vector<16xi32>, vector<16xi32>], vector<16xi32>,
      %parallel_loop3A_198 = arith.index_cast %parallel_loop3A_195 : i32 to index
      %parallel_loop3A_199 = arith.constant 0 : index
      %parallel_loop3A_200 = tpu.vector_load %arg6[%parallel_loop3A_198, %parallel_loop3A_199] {strides = array<i32>} : memref<50x128xi32, #tpu.memory_space<vmem>>, vector<16xi32>,
      tpu.vector_store %arg6[%parallel_loop3A_198, %parallel_loop3A_199], %parallel_loop3A_197 {strides = array<i32>} : memref<50x128xi32, #tpu.memory_space<vmem>>, vector<16xi32>,
      %parallel_loop3A_201 = tpu.vector_load_idx %arg5[%add3A_6, %parallel_loop3A_196] : memref<128x50xi32, #tpu.memory_space<vmem>>[vector<16xi32>, vector<16xi32>], vector<16xi32>,
      %parallel_loop3A_202 = arith.index_cast %parallel_loop3A_195 : i32 to index
      %parallel_loop3A_203 = arith.constant 16 : index
      %parallel_loop3A_204 = tpu.vector_load %arg6[%parallel_loop3A_202, %parallel_loop3A_203] {strides = array<i32>} : memref<50x128xi32, #tpu.memory_space<vmem>>, vector<16xi32>,
      tpu.vector_store %arg6[%parallel_loop3A_202, %parallel_loop3A_203], %parallel_loop3A_201 {strides = array<i32>} : memref<50x128xi32, #tpu.memory_space<vmem>>, vector<16xi32>,
      %parallel_loop3A_205 = tpu.vector_load_idx %arg5[%add3A_9, %parallel_loop3A_196] : memref<128x50xi32, #tpu.memory_space<vmem>>[vector<16xi32>, vector<16xi32>], vector<16xi32>,
      %parallel_loop3A_206 = arith.index_cast %parallel_loop3A_195 : i32 to index
      %parallel_loop3A_207 = arith.constant 32 : index
      %parallel_loop3A_208 = tpu.vector_load %arg6[%parallel_loop3A_206, %parallel_loop3A_207] {strides = array<i32>} : memref<50x128xi32, #tpu.memory_space<vmem>>, vector<16xi32>,
      tpu.vector_store %arg6[%parallel_loop3A_206, %parallel_loop3A_207], %parallel_loop3A_205 {strides = array<i32>} : memref<50x128xi32, #tpu.memory_space<vmem>>, vector<16xi32>,
      %parallel_loop3A_209 = tpu.vector_load_idx %arg5[%add3A_12, %parallel_loop3A_196] : memref<128x50xi32, #tpu.memory_space<vmem>>[vector<16xi32>, vector<16xi32>], vector<16xi32>,
      %parallel_loop3A_210 = arith.index_cast %parallel_loop3A_195 : i32 to index
      %parallel_loop3A_211 = arith.constant 48 : index
      %parallel_loop3A_212 = tpu.vector_load %arg6[%parallel_loop3A_210, %parallel_loop3A_211] {strides = array<i32>} : memref<50x128xi32, #tpu.memory_space<vmem>>, vector<16xi32>,
      tpu.vector_store %arg6[%parallel_loop3A_210, %parallel_loop3A_211], %parallel_loop3A_209 {strides = array<i32>} : memref<50x128xi32, #tpu.memory_space<vmem>>, vector<16xi32>,
      %parallel_loop3A_213 = tpu.vector_load_idx %arg5[%add3A_15, %parallel_loop3A_196] : memref<128x50xi32, #tpu.memory_space<vmem>>[vector<16xi32>, vector<16xi32>], vector<16xi32>,
      %parallel_loop3A_214 = arith.index_cast %parallel_loop3A_195 : i32 to index
      %parallel_loop3A_215 = arith.constant 64 : index
      %parallel_loop3A_216 = tpu.vector_load %arg6[%parallel_loop3A_214, %parallel_loop3A_215] {strides = array<i32>} : memref<50x128xi32, #tpu.memory_space<vmem>>, vector<16xi32>,
      tpu.vector_store %arg6[%parallel_loop3A_214, %parallel_loop3A_215], %parallel_loop3A_213 {strides = array<i32>} : memref<50x128xi32, #tpu.memory_space<vmem>>, vector<16xi32>,
      %parallel_loop3A_217 = tpu.vector_load_idx %arg5[%add3A_18, %parallel_loop3A_196] : memref<128x50xi32, #tpu.memory_space<vmem>>[vector<16xi32>, vector<16xi32>], vector<16xi32>,
      %parallel_loop3A_218 = arith.index_cast %parallel_loop3A_195 : i32 to index
      %parallel_loop3A_219 = arith.constant 80 : index
      %parallel_loop3A_220 = tpu.vector_load %arg6[%parallel_loop3A_218, %parallel_loop3A_219] {strides = array<i32>} : memref<50x128xi32, #tpu.memory_space<vmem>>, vector<16xi32>,
      tpu.vector_store %arg6[%parallel_loop3A_218, %parallel_loop3A_219], %parallel_loop3A_217 {strides = array<i32>} : memref<50x128xi32, #tpu.memory_space<vmem>>, vector<16xi32>,
      %parallel_loop3A_221 = tpu.vector_load_idx %arg5[%add3A_21, %parallel_loop3A_196] : memref<128x50xi32, #tpu.memory_space<vmem>>[vector<16xi32>, vector<16xi32>], vector<16xi32>,
      %parallel_loop3A_222 = arith.index_cast %parallel_loop3A_195 : i32 to index
      %parallel_loop3A_223 = arith.constant 96 : index
      %parallel_loop3A_224 = tpu.vector_load %arg6[%parallel_loop3A_222, %parallel_loop3A_223] {strides = array<i32>} : memref<50x128xi32, #tpu.memory_space<vmem>>, vector<16xi32>,
      tpu.vector_store %arg6[%parallel_loop3A_222, %parallel_loop3A_223], %parallel_loop3A_221 {strides = array<i32>} : memref<50x128xi32, #tpu.memory_space<vmem>>, vector<16xi32>,
      %parallel_loop3A_225 = tpu.vector_load_idx %arg5[%add3A_24, %parallel_loop3A_196] : memref<128x50xi32, #tpu.memory_space<vmem>>[vector<16xi32>, vector<16xi32>], vector<16xi32>,
      %parallel_loop3A_226 = arith.index_cast %parallel_loop3A_195 : i32 to index
      %parallel_loop3A_227 = arith.constant 112 : index
      %parallel_loop3A_228 = tpu.vector_load %arg6[%parallel_loop3A_226, %parallel_loop3A_227] {strides = array<i32>} : memref<50x128xi32, #tpu.memory_space<vmem>>, vector<16xi32>,
      tpu.vector_store %arg6[%parallel_loop3A_226, %parallel_loop3A_227], %parallel_loop3A_225 {strides = array<i32>} : memref<50x128xi32, #tpu.memory_space<vmem>>, vector<16xi32>,
    } {sc.loop_unroll_factor = 5 : i64, sc.parallel_access}
    %dma_start3A_81 = arith.constant 0 : i32
    %dma_start3A_82 = arith.constant 0 : i32
    %dma_start3A_83 = arith.constant 0 : i32
    %dma_start3A_84 = tpu.memref_slice %arg6[%dma_start3A_81, %dma_start3A_83] : memref<50x128xi32, #tpu.memory_space<vmem>> -> memref<1x128xi32, #tpu.memory_space<vmem>>
    %dma_start3A_85 = tpu.memref_squeeze %dma_start3A_84 : memref<1x128xi32, #tpu.memory_space<vmem>> -> memref<128xi32, #tpu.memory_space<vmem>>
    %dma_start3A_86 = arith.constant 0 : i32
    %dma_start3A_87 = arith.constant 0 : i32
    %dma_start3A_88 = tpu.memref_slice %arg2[%dma_start3A_86, %dma_start3A_87] : memref<1000000x64xf32, #tpu.memory_space<hbm>> -> memref<1000000x64xf32, #tpu.memory_space<hbm>>
    %dma_start3A_89 = tpu.memref_slice %arg11[%dma_start3A_82] : memref<2x!tpu.dma_semaphore, #tpu.memory_space<semaphore_mem>> -> memref<1x!tpu.dma_semaphore, #tpu.memory_space<semaphore_mem>>
    %dma_start3A_90 = tpu.memref_squeeze %dma_start3A_89 : memref<1x!tpu.dma_semaphore, #tpu.memory_space<semaphore_mem>> -> memref<!tpu.dma_semaphore, #tpu.memory_space<semaphore_mem>>
    tpu.enqueue_indirect_dma source(%dma_start3A_88 : memref<1000000x64xf32, #tpu.memory_space<hbm>>) target(%arg7 : memref<128x64xf32, #tpu.memory_space<vmem>>) offsets(%dma_start3A_85 : memref<128xi32, #tpu.memory_space<vmem>>) semaphore(%dma_start3A_90 : memref<!tpu.dma_semaphore, #tpu.memory_space<semaphore_mem>>)
    %scan3A_91 = arith.constant 0 : i32
    %scan3A_92 = arith.constant 0 : i32
    %scan3A_93 = arith.constant 25 : i32
    %scan3A_94 = arith.addi %scan3A_92, %scan3A_93 : i32
    %scan3A_95 = arith.constant 1 : i32
    scf.for %scan3A_195 = %scan3A_92 to %scan3A_94 step %scan3A_95  : i32 {
      %mul3A_196 = arith.constant 2 : i32
      %mul3A_197 = arith.muli %mul3A_196, %scan3A_195 : i32
      %add3A_198 = arith.constant 0 : i32
      %add3A_199 = arith.addi %mul3A_197, %add3A_198 : i32
      %add3A_200 = arith.constant 1 : i32
      %add3A_201 = arith.addi %add3A_199, %add3A_200 : i32
      %lt3A = arith.constant 50 : i32
      %lt3A_202 = arith.cmpi slt, %add3A_201, %lt3A : i32
      %convert_element_type3A = arith.extui %lt3A_202 : i1 to i32
      %cond3A = arith.constant 0 : i32
      %cond3A_203 = arith.cmpi ne, %convert_element_type3A, %cond3A : i32
      scf.if %cond3A_203 {
        %add3A_323 = arith.constant 1 : i32
        %add3A_324 = arith.addi %add3A_199, %add3A_323 : i32
        %dma_start3A_325 = arith.constant 1 : i32
        %dma_start3A_326 = arith.constant 0 : i32
        %dma_start3A_327 = tpu.memref_slice %arg6[%add3A_324, %dma_start3A_326] : memref<50x128xi32, #tpu.memory_space<vmem>> -> memref<1x128xi32, #tpu.memory_space<vmem>>
        %dma_start3A_328 = tpu.memref_squeeze %dma_start3A_327 : memref<1x128xi32, #tpu.memory_space<vmem>> -> memref<128xi32, #tpu.memory_space<vmem>>
        %dma_start3A_329 = arith.constant 0 : i32
        %dma_start3A_330 = arith.constant 0 : i32
        %dma_start3A_331 = tpu.memref_slice %arg2[%dma_start3A_329, %dma_start3A_330] : memref<1000000x64xf32, #tpu.memory_space<hbm>> -> memref<1000000x64xf32, #tpu.memory_space<hbm>>
        %dma_start3A_332 = tpu.memref_slice %arg11[%dma_start3A_325] : memref<2x!tpu.dma_semaphore, #tpu.memory_space<semaphore_mem>> -> memref<1x!tpu.dma_semaphore, #tpu.memory_space<semaphore_mem>>
        %dma_start3A_333 = tpu.memref_squeeze %dma_start3A_332 : memref<1x!tpu.dma_semaphore, #tpu.memory_space<semaphore_mem>> -> memref<!tpu.dma_semaphore, #tpu.memory_space<semaphore_mem>>
        tpu.enqueue_indirect_dma source(%dma_start3A_331 : memref<1000000x64xf32, #tpu.memory_space<hbm>>) target(%arg8 : memref<128x64xf32, #tpu.memory_space<vmem>>) offsets(%dma_start3A_328 : memref<128xi32, #tpu.memory_space<vmem>>) semaphore(%dma_start3A_333 : memref<!tpu.dma_semaphore, #tpu.memory_space<semaphore_mem>>)
      } else {
      }
      %dma_wait3A_204 = arith.constant 0 : i32
      %dma_wait3A_205 = arith.constant 0 : i32
      %dma_wait3A_206 = tpu.memref_slice %arg6[%add3A_199, %dma_wait3A_205] : memref<50x128xi32, #tpu.memory_space<vmem>> -> memref<1x128xi32, #tpu.memory_space<vmem>>
      %dma_wait3A_207 = tpu.memref_squeeze %dma_wait3A_206 : memref<1x128xi32, #tpu.memory_space<vmem>> -> memref<128xi32, #tpu.memory_space<vmem>>
      %dma_wait3A_208 = arith.constant 0 : i32
      %dma_wait3A_209 = arith.constant 0 : i32
      %dma_wait3A_210 = tpu.memref_slice %arg2[%dma_wait3A_208, %dma_wait3A_209] : memref<1000000x64xf32, #tpu.memory_space<hbm>> -> memref<1000000x64xf32, #tpu.memory_space<hbm>>
      %dma_wait3A_211 = tpu.memref_slice %arg11[%dma_wait3A_204] : memref<2x!tpu.dma_semaphore, #tpu.memory_space<semaphore_mem>> -> memref<1x!tpu.dma_semaphore, #tpu.memory_space<semaphore_mem>>
      %dma_wait3A_212 = tpu.memref_squeeze %dma_wait3A_211 : memref<1x!tpu.dma_semaphore, #tpu.memory_space<semaphore_mem>> -> memref<!tpu.dma_semaphore, #tpu.memory_space<semaphore_mem>>
      tpu.wait_indirect_dma semaphore(%dma_wait3A_212 : memref<!tpu.dma_semaphore, #tpu.memory_space<semaphore_mem>>) src(%dma_wait3A_210 : memref<1000000x64xf32, #tpu.memory_space<hbm>>) dst(%arg7 : memref<128x64xf32, #tpu.memory_space<vmem>>)
      %dma_wait3A_213 = arith.constant 0 : i32
      %dma_wait3A_214 = arith.constant 0 : i32
      %dma_wait3A_215 = arith.constant 0 : i32
      %dma_wait3A_216 = arith.constant 0 : i32
      %dma_wait3A_217 = tpu.memref_slice %arg9[%dma_wait3A_214, %dma_wait3A_215, %dma_wait3A_216] : memref<8x8x129xf32, #tpu.memory_space<vmem>> -> memref<8x8x128xf32, #tpu.memory_space<vmem>>
      %dma_wait3A_218 = arith.constant 0 : i32
      %dma_wait3A_219 = arith.constant 0 : i32
      %dma_wait3A_220 = arith.constant 0 : i32
      %dma_wait3A_221 = tpu.memref_slice %arg4[%add3A_199, %dma_wait3A_218, %add3A_75, %dma_wait3A_219, %dma_wait3A_220] : memref<50x8x128x8x128xf32, #tpu.memory_space<hbm>> -> memref<1x8x1x8x128xf32, #tpu.memory_space<hbm>>
      %dma_wait3A_222 = tpu.memref_squeeze %dma_wait3A_221 : memref<1x8x1x8x128xf32, #tpu.memory_space<hbm>> -> memref<8x8x128xf32, #tpu.memory_space<hbm>>
      %dma_wait3A_223 = tpu.memref_slice %arg12[%dma_wait3A_213] : memref<2x!tpu.dma_semaphore, #tpu.memory_space<semaphore_mem>> -> memref<1x!tpu.dma_semaphore, #tpu.memory_space<semaphore_mem>>
      %dma_wait3A_224 = tpu.memref_squeeze %dma_wait3A_223 : memref<1x!tpu.dma_semaphore, #tpu.memory_space<semaphore_mem>> -> memref<!tpu.dma_semaphore, #tpu.memory_space<semaphore_mem>>
      %dma_wait3A_225 = arith.constant 0 : i32
      %dma_wait3A_226 = arith.constant 0 : i32
      %dma_wait3A_227 = arith.constant 0 : i32
      %dma_wait3A_228 = tpu.memref_slice %arg4[%add3A_199, %dma_wait3A_225, %add3A_75, %dma_wait3A_226, %dma_wait3A_227] : memref<50x8x128x8x128xf32, #tpu.memory_space<hbm>> -> memref<1x8x1x8x128xf32, #tpu.memory_space<hbm>>
      %dma_wait3A_229 = tpu.memref_squeeze %dma_wait3A_228 : memref<1x8x1x8x128xf32, #tpu.memory_space<hbm>> -> memref<8x8x128xf32, #tpu.memory_space<hbm>>
      %dma_wait3A_230 = arith.constant 0 : i32
      %dma_wait3A_231 = arith.constant 0 : i32
      %dma_wait3A_232 = arith.constant 0 : i32
      %dma_wait3A_233 = tpu.memref_slice %arg9[%dma_wait3A_230, %dma_wait3A_231, %dma_wait3A_232] : memref<8x8x129xf32, #tpu.memory_space<vmem>> -> memref<8x8x128xf32, #tpu.memory_space<vmem>>
      tpu.wait_dma2 semaphore(%dma_wait3A_224 : memref<!tpu.dma_semaphore, #tpu.memory_space<semaphore_mem>>) src(%dma_wait3A_233 : memref<8x8x128xf32, #tpu.memory_space<vmem>>) dst(%dma_wait3A_229 : memref<8x8x128xf32, #tpu.memory_space<hbm>>)
      %parallel_loop3A_234 = arith.constant 0 : i32
      %parallel_loop3A_235 = arith.constant 128 : i32
      %parallel_loop3A_236 = arith.constant 1 : i32
      scf.for %parallel_loop3A_323 = %parallel_loop3A_234 to %parallel_loop3A_235 step %parallel_loop3A_236  : i32 {
        %parallel_loop3A_324 = vector.broadcast %parallel_loop3A_323 : i32 to vector<16xi32>
        %parallel_loop3A_325 = arith.index_cast %parallel_loop3A_323 : i32 to index
        %parallel_loop3A_326 = arith.constant 0 : index
        %parallel_loop3A_327 = tpu.vector_load %arg7[%parallel_loop3A_325, %parallel_loop3A_326] {strides = array<i32>} : memref<128x64xf32, #tpu.memory_space<vmem>>, vector<16xf32>,
        tpu.vector_store_idx %arg9[%add3A_29, %and3A_49, %parallel_loop3A_324], %parallel_loop3A_327 : memref<8x8x129xf32, #tpu.memory_space<vmem>>[vector<16xi32>, vector<16xi32>, vector<16xi32>], vector<16xf32>,
        %parallel_loop3A_328 = arith.index_cast %parallel_loop3A_323 : i32 to index
        %parallel_loop3A_329 = arith.constant 16 : index
        %parallel_loop3A_330 = tpu.vector_load %arg7[%parallel_loop3A_328, %parallel_loop3A_329] {strides = array<i32>} : memref<128x64xf32, #tpu.memory_space<vmem>>, vector<16xf32>,
        tpu.vector_store_idx %arg9[%add3A_35, %and3A_49, %parallel_loop3A_324], %parallel_loop3A_330 : memref<8x8x129xf32, #tpu.memory_space<vmem>>[vector<16xi32>, vector<16xi32>, vector<16xi32>], vector<16xf32>,
        %parallel_loop3A_331 = arith.index_cast %parallel_loop3A_323 : i32 to index
        %parallel_loop3A_332 = arith.constant 32 : index
        %parallel_loop3A_333 = tpu.vector_load %arg7[%parallel_loop3A_331, %parallel_loop3A_332] {strides = array<i32>} : memref<128x64xf32, #tpu.memory_space<vmem>>, vector<16xf32>,
        tpu.vector_store_idx %arg9[%add3A_41, %and3A_49, %parallel_loop3A_324], %parallel_loop3A_333 : memref<8x8x129xf32, #tpu.memory_space<vmem>>[vector<16xi32>, vector<16xi32>, vector<16xi32>], vector<16xf32>,
        %parallel_loop3A_334 = arith.index_cast %parallel_loop3A_323 : i32 to index
        %parallel_loop3A_335 = arith.constant 48 : index
        %parallel_loop3A_336 = tpu.vector_load %arg7[%parallel_loop3A_334, %parallel_loop3A_335] {strides = array<i32>} : memref<128x64xf32, #tpu.memory_space<vmem>>, vector<16xf32>,
        tpu.vector_store_idx %arg9[%add3A_47, %and3A_49, %parallel_loop3A_324], %parallel_loop3A_336 : memref<8x8x129xf32, #tpu.memory_space<vmem>>[vector<16xi32>, vector<16xi32>, vector<16xi32>], vector<16xf32>,
      } {sc.loop_unroll_factor = 6 : i64, sc.parallel_access}
      %dma_start3A_237 = arith.constant 0 : i32
      %dma_start3A_238 = arith.constant 0 : i32
      %dma_start3A_239 = arith.constant 0 : i32
      %dma_start3A_240 = arith.constant 0 : i32
      %dma_start3A_241 = tpu.memref_slice %arg9[%dma_start3A_238, %dma_start3A_239, %dma_start3A_240] : memref<8x8x129xf32, #tpu.memory_space<vmem>> -> memref<8x8x128xf32, #tpu.memory_space<vmem>>
      %dma_start3A_242 = arith.constant 0 : i32
      %dma_start3A_243 = arith.constant 0 : i32
      %dma_start3A_244 = arith.constant 0 : i32
      %dma_start3A_245 = tpu.memref_slice %arg4[%add3A_199, %dma_start3A_242, %add3A_75, %dma_start3A_243, %dma_start3A_244] : memref<50x8x128x8x128xf32, #tpu.memory_space<hbm>> -> memref<1x8x1x8x128xf32, #tpu.memory_space<hbm>>
      %dma_start3A_246 = tpu.memref_squeeze %dma_start3A_245 : memref<1x8x1x8x128xf32, #tpu.memory_space<hbm>> -> memref<8x8x128xf32, #tpu.memory_space<hbm>>
      %dma_start3A_247 = tpu.memref_slice %arg12[%dma_start3A_237] : memref<2x!tpu.dma_semaphore, #tpu.memory_space<semaphore_mem>> -> memref<1x!tpu.dma_semaphore, #tpu.memory_space<semaphore_mem>>
      %dma_start3A_248 = tpu.memref_squeeze %dma_start3A_247 : memref<1x!tpu.dma_semaphore, #tpu.memory_space<semaphore_mem>> -> memref<!tpu.dma_semaphore, #tpu.memory_space<semaphore_mem>>
      %dma_start3A_249 = arith.constant 0 : i32
      %dma_start3A_250 = arith.constant 0 : i32
      %dma_start3A_251 = arith.constant 0 : i32
      %dma_start3A_252 = tpu.memref_slice %arg4[%add3A_199, %dma_start3A_249, %add3A_75, %dma_start3A_250, %dma_start3A_251] : memref<50x8x128x8x128xf32, #tpu.memory_space<hbm>> -> memref<1x8x1x8x128xf32, #tpu.memory_space<hbm>>
      %dma_start3A_253 = tpu.memref_squeeze %dma_start3A_252 : memref<1x8x1x8x128xf32, #tpu.memory_space<hbm>> -> memref<8x8x128xf32, #tpu.memory_space<hbm>>
      %dma_start3A_254 = arith.constant 0 : i32
      %dma_start3A_255 = arith.constant 0 : i32
      %dma_start3A_256 = arith.constant 0 : i32
      %dma_start3A_257 = tpu.memref_slice %arg9[%dma_start3A_254, %dma_start3A_255, %dma_start3A_256] : memref<8x8x129xf32, #tpu.memory_space<vmem>> -> memref<8x8x128xf32, #tpu.memory_space<vmem>>
      tpu.enqueue_dma source(%dma_start3A_257 : memref<8x8x128xf32, #tpu.memory_space<vmem>>) target(%dma_start3A_253 : memref<8x8x128xf32, #tpu.memory_space<hbm>>) target_semaphore(%dma_start3A_248 : memref<!tpu.dma_semaphore, #tpu.memory_space<semaphore_mem>>)
      %mul3A_258 = arith.constant 2 : i32
      %mul3A_259 = arith.muli %mul3A_258, %scan3A_195 : i32
      %add3A_260 = arith.constant 1 : i32
      %add3A_261 = arith.addi %mul3A_259, %add3A_260 : i32
      %add3A_262 = arith.constant 1 : i32
      %add3A_263 = arith.addi %add3A_261, %add3A_262 : i32
      %lt3A_264 = arith.constant 50 : i32
      %lt3A_265 = arith.cmpi slt, %add3A_263, %lt3A_264 : i32
      %convert_element_type3A_266 = arith.extui %lt3A_265 : i1 to i32
      %cond3A_267 = arith.constant 0 : i32
      %cond3A_268 = arith.cmpi ne, %convert_element_type3A_266, %cond3A_267 : i32
      scf.if %cond3A_268 {
        %add3A_323 = arith.constant 1 : i32
        %add3A_324 = arith.addi %add3A_261, %add3A_323 : i32
        %dma_start3A_325 = arith.constant 0 : i32
        %dma_start3A_326 = arith.constant 0 : i32
        %dma_start3A_327 = tpu.memref_slice %arg6[%add3A_324, %dma_start3A_326] : memref<50x128xi32, #tpu.memory_space<vmem>> -> memref<1x128xi32, #tpu.memory_space<vmem>>
        %dma_start3A_328 = tpu.memref_squeeze %dma_start3A_327 : memref<1x128xi32, #tpu.memory_space<vmem>> -> memref<128xi32, #tpu.memory_space<vmem>>
        %dma_start3A_329 = arith.constant 0 : i32
        %dma_start3A_330 = arith.constant 0 : i32
        %dma_start3A_331 = tpu.memref_slice %arg2[%dma_start3A_329, %dma_start3A_330] : memref<1000000x64xf32, #tpu.memory_space<hbm>> -> memref<1000000x64xf32, #tpu.memory_space<hbm>>
        %dma_start3A_332 = tpu.memref_slice %arg11[%dma_start3A_325] : memref<2x!tpu.dma_semaphore, #tpu.memory_space<semaphore_mem>> -> memref<1x!tpu.dma_semaphore, #tpu.memory_space<semaphore_mem>>
        %dma_start3A_333 = tpu.memref_squeeze %dma_start3A_332 : memref<1x!tpu.dma_semaphore, #tpu.memory_space<semaphore_mem>> -> memref<!tpu.dma_semaphore, #tpu.memory_space<semaphore_mem>>
        tpu.enqueue_indirect_dma source(%dma_start3A_331 : memref<1000000x64xf32, #tpu.memory_space<hbm>>) target(%arg7 : memref<128x64xf32, #tpu.memory_space<vmem>>) offsets(%dma_start3A_328 : memref<128xi32, #tpu.memory_space<vmem>>) semaphore(%dma_start3A_333 : memref<!tpu.dma_semaphore, #tpu.memory_space<semaphore_mem>>)
      } else {
      }
      %dma_wait3A_269 = arith.constant 1 : i32
      %dma_wait3A_270 = arith.constant 0 : i32
      %dma_wait3A_271 = tpu.memref_slice %arg6[%add3A_261, %dma_wait3A_270] : memref<50x128xi32, #tpu.memory_space<vmem>> -> memref<1x128xi32, #tpu.memory_space<vmem>>
      %dma_wait3A_272 = tpu.memref_squeeze %dma_wait3A_271 : memref<1x128xi32, #tpu.memory_space<vmem>> -> memref<128xi32, #tpu.memory_space<vmem>>
      %dma_wait3A_273 = arith.constant 0 : i32
      %dma_wait3A_274 = arith.constant 0 : i32
      %dma_wait3A_275 = tpu.memref_slice %arg2[%dma_wait3A_273, %dma_wait3A_274] : memref<1000000x64xf32, #tpu.memory_space<hbm>> -> memref<1000000x64xf32, #tpu.memory_space<hbm>>
      %dma_wait3A_276 = tpu.memref_slice %arg11[%dma_wait3A_269] : memref<2x!tpu.dma_semaphore, #tpu.memory_space<semaphore_mem>> -> memref<1x!tpu.dma_semaphore, #tpu.memory_space<semaphore_mem>>
      %dma_wait3A_277 = tpu.memref_squeeze %dma_wait3A_276 : memref<1x!tpu.dma_semaphore, #tpu.memory_space<semaphore_mem>> -> memref<!tpu.dma_semaphore, #tpu.memory_space<semaphore_mem>>
      tpu.wait_indirect_dma semaphore(%dma_wait3A_277 : memref<!tpu.dma_semaphore, #tpu.memory_space<semaphore_mem>>) src(%dma_wait3A_275 : memref<1000000x64xf32, #tpu.memory_space<hbm>>) dst(%arg8 : memref<128x64xf32, #tpu.memory_space<vmem>>)
      %dma_wait3A_278 = arith.constant 1 : i32
      %dma_wait3A_279 = arith.constant 0 : i32
      %dma_wait3A_280 = arith.constant 0 : i32
      %dma_wait3A_281 = arith.constant 0 : i32
      %dma_wait3A_282 = tpu.memref_slice %arg10[%dma_wait3A_279, %dma_wait3A_280, %dma_wait3A_281] : memref<8x8x129xf32, #tpu.memory_space<vmem>> -> memref<8x8x128xf32, #tpu.memory_space<vmem>>
      %dma_wait3A_283 = arith.constant 0 : i32
      %dma_wait3A_284 = arith.constant 0 : i32
      %dma_wait3A_285 = arith.constant 0 : i32
      %dma_wait3A_286 = tpu.memref_slice %arg4[%add3A_261, %dma_wait3A_283, %add3A_75, %dma_wait3A_284, %dma_wait3A_285] : memref<50x8x128x8x128xf32, #tpu.memory_space<hbm>> -> memref<1x8x1x8x128xf32, #tpu.memory_space<hbm>>
      %dma_wait3A_287 = tpu.memref_squeeze %dma_wait3A_286 : memref<1x8x1x8x128xf32, #tpu.memory_space<hbm>> -> memref<8x8x128xf32, #tpu.memory_space<hbm>>
      %dma_wait3A_288 = tpu.memref_slice %arg12[%dma_wait3A_278] : memref<2x!tpu.dma_semaphore, #tpu.memory_space<semaphore_mem>> -> memref<1x!tpu.dma_semaphore, #tpu.memory_space<semaphore_mem>>
      %dma_wait3A_289 = tpu.memref_squeeze %dma_wait3A_288 : memref<1x!tpu.dma_semaphore, #tpu.memory_space<semaphore_mem>> -> memref<!tpu.dma_semaphore, #tpu.memory_space<semaphore_mem>>
      %dma_wait3A_290 = arith.constant 0 : i32
      %dma_wait3A_291 = arith.constant 0 : i32
      %dma_wait3A_292 = arith.constant 0 : i32
      %dma_wait3A_293 = tpu.memref_slice %arg4[%add3A_261, %dma_wait3A_290, %add3A_75, %dma_wait3A_291, %dma_wait3A_292] : memref<50x8x128x8x128xf32, #tpu.memory_space<hbm>> -> memref<1x8x1x8x128xf32, #tpu.memory_space<hbm>>
      %dma_wait3A_294 = tpu.memref_squeeze %dma_wait3A_293 : memref<1x8x1x8x128xf32, #tpu.memory_space<hbm>> -> memref<8x8x128xf32, #tpu.memory_space<hbm>>
      %dma_wait3A_295 = arith.constant 0 : i32
      %dma_wait3A_296 = arith.constant 0 : i32
      %dma_wait3A_297 = arith.constant 0 : i32
      %dma_wait3A_298 = tpu.memref_slice %arg10[%dma_wait3A_295, %dma_wait3A_296, %dma_wait3A_297] : memref<8x8x129xf32, #tpu.memory_space<vmem>> -> memref<8x8x128xf32, #tpu.memory_space<vmem>>
      tpu.wait_dma2 semaphore(%dma_wait3A_289 : memref<!tpu.dma_semaphore, #tpu.memory_space<semaphore_mem>>) src(%dma_wait3A_298 : memref<8x8x128xf32, #tpu.memory_space<vmem>>) dst(%dma_wait3A_294 : memref<8x8x128xf32, #tpu.memory_space<hbm>>)
      %parallel_loop3A_299 = arith.constant 0 : i32
      %parallel_loop3A_300 = arith.constant 128 : i32
      %parallel_loop3A_301 = arith.constant 1 : i32
      scf.for %parallel_loop3A_323 = %parallel_loop3A_299 to %parallel_loop3A_300 step %parallel_loop3A_301  : i32 {
        %parallel_loop3A_324 = vector.broadcast %parallel_loop3A_323 : i32 to vector<16xi32>
        %parallel_loop3A_325 = arith.index_cast %parallel_loop3A_323 : i32 to index
        %parallel_loop3A_326 = arith.constant 0 : index
        %parallel_loop3A_327 = tpu.vector_load %arg8[%parallel_loop3A_325, %parallel_loop3A_326] {strides = array<i32>} : memref<128x64xf32, #tpu.memory_space<vmem>>, vector<16xf32>,
        tpu.vector_store_idx %arg10[%add3A_29, %and3A_49, %parallel_loop3A_324], %parallel_loop3A_327 : memref<8x8x129xf32, #tpu.memory_space<vmem>>[vector<16xi32>, vector<16xi32>, vector<16xi32>], vector<16xf32>,
        %parallel_loop3A_328 = arith.index_cast %parallel_loop3A_323 : i32 to index
        %parallel_loop3A_329 = arith.constant 16 : index
        %parallel_loop3A_330 = tpu.vector_load %arg8[%parallel_loop3A_328, %parallel_loop3A_329] {strides = array<i32>} : memref<128x64xf32, #tpu.memory_space<vmem>>, vector<16xf32>,
        tpu.vector_store_idx %arg10[%add3A_35, %and3A_49, %parallel_loop3A_324], %parallel_loop3A_330 : memref<8x8x129xf32, #tpu.memory_space<vmem>>[vector<16xi32>, vector<16xi32>, vector<16xi32>], vector<16xf32>,
        %parallel_loop3A_331 = arith.index_cast %parallel_loop3A_323 : i32 to index
        %parallel_loop3A_332 = arith.constant 32 : index
        %parallel_loop3A_333 = tpu.vector_load %arg8[%parallel_loop3A_331, %parallel_loop3A_332] {strides = array<i32>} : memref<128x64xf32, #tpu.memory_space<vmem>>, vector<16xf32>,
        tpu.vector_store_idx %arg10[%add3A_41, %and3A_49, %parallel_loop3A_324], %parallel_loop3A_333 : memref<8x8x129xf32, #tpu.memory_space<vmem>>[vector<16xi32>, vector<16xi32>, vector<16xi32>], vector<16xf32>,
        %parallel_loop3A_334 = arith.index_cast %parallel_loop3A_323 : i32 to index
        %parallel_loop3A_335 = arith.constant 48 : index
        %parallel_loop3A_336 = tpu.vector_load %arg8[%parallel_loop3A_334, %parallel_loop3A_335] {strides = array<i32>} : memref<128x64xf32, #tpu.memory_space<vmem>>, vector<16xf32>,
        tpu.vector_store_idx %arg10[%add3A_47, %and3A_49, %parallel_loop3A_324], %parallel_loop3A_336 : memref<8x8x129xf32, #tpu.memory_space<vmem>>[vector<16xi32>, vector<16xi32>, vector<16xi32>], vector<16xf32>,
      } {sc.loop_unroll_factor = 6 : i64, sc.parallel_access}
      %dma_start3A_302 = arith.constant 1 : i32
      %dma_start3A_303 = arith.constant 0 : i32
      %dma_start3A_304 = arith.constant 0 : i32
      %dma_start3A_305 = arith.constant 0 : i32
      %dma_start3A_306 = tpu.memref_slice %arg10[%dma_start3A_303, %dma_start3A_304, %dma_start3A_305] : memref<8x8x129xf32, #tpu.memory_space<vmem>> -> memref<8x8x128xf32, #tpu.memory_space<vmem>>
      %dma_start3A_307 = arith.constant 0 : i32
      %dma_start3A_308 = arith.constant 0 : i32
      %dma_start3A_309 = arith.constant 0 : i32
      %dma_start3A_310 = tpu.memref_slice %arg4[%add3A_261, %dma_start3A_307, %add3A_75, %dma_start3A_308, %dma_start3A_309] : memref<50x8x128x8x128xf32, #tpu.memory_space<hbm>> -> memref<1x8x1x8x128xf32, #tpu.memory_space<hbm>>
      %dma_start3A_311 = tpu.memref_squeeze %dma_start3A_310 : memref<1x8x1x8x128xf32, #tpu.memory_space<hbm>> -> memref<8x8x128xf32, #tpu.memory_space<hbm>>
      %dma_start3A_312 = tpu.memref_slice %arg12[%dma_start3A_302] : memref<2x!tpu.dma_semaphore, #tpu.memory_space<semaphore_mem>> -> memref<1x!tpu.dma_semaphore, #tpu.memory_space<semaphore_mem>>
      %dma_start3A_313 = tpu.memref_squeeze %dma_start3A_312 : memref<1x!tpu.dma_semaphore, #tpu.memory_space<semaphore_mem>> -> memref<!tpu.dma_semaphore, #tpu.memory_space<semaphore_mem>>
      %dma_start3A_314 = arith.constant 0 : i32
      %dma_start3A_315 = arith.constant 0 : i32
      %dma_start3A_316 = arith.constant 0 : i32
      %dma_start3A_317 = tpu.memref_slice %arg4[%add3A_261, %dma_start3A_314, %add3A_75, %dma_start3A_315, %dma_start3A_316] : memref<50x8x128x8x128xf32, #tpu.memory_space<hbm>> -> memref<1x8x1x8x128xf32, #tpu.memory_space<hbm>>
      %dma_start3A_318 = tpu.memref_squeeze %dma_start3A_317 : memref<1x8x1x8x128xf32, #tpu.memory_space<hbm>> -> memref<8x8x128xf32, #tpu.memory_space<hbm>>
      %dma_start3A_319 = arith.constant 0 : i32
      %dma_start3A_320 = arith.constant 0 : i32
      %dma_start3A_321 = arith.constant 0 : i32
      %dma_start3A_322 = tpu.memref_slice %arg10[%dma_start3A_319, %dma_start3A_320, %dma_start3A_321] : memref<8x8x129xf32, #tpu.memory_space<vmem>> -> memref<8x8x128xf32, #tpu.memory_space<vmem>>
      tpu.enqueue_dma source(%dma_start3A_322 : memref<8x8x128xf32, #tpu.memory_space<vmem>>) target(%dma_start3A_318 : memref<8x8x128xf32, #tpu.memory_space<hbm>>) target_semaphore(%dma_start3A_313 : memref<!tpu.dma_semaphore, #tpu.memory_space<semaphore_mem>>)
    }
    %scan3A_96 = arith.constant 25 : i32
    %mul3A_97 = arith.constant 4 : i32
    %mul3A_98 = arith.muli %add3A, %mul3A_97 : i32
    %add3A_99 = arith.constant 2 : i32
    %add3A_100 = arith.addi %mul3A_98, %add3A_99 : i32
    %mul3A_101 = arith.constant 128 : i32
    %mul3A_102 = arith.muli %add3A_100, %mul3A_101 : i32
    "tpu.region"() ({
      %run_scoped3A = tpu.sem_alloc : memref<!tpu.dma_semaphore, #tpu.memory_space<semaphore_mem>>
      %dma_start3A_195 = arith.constant 0 : i32
      %dma_start3A_196 = tpu.memref_slice %arg3[%mul3A_102, %dma_start3A_195] : memref<16384x50xi32, #tpu.memory_space<hbm>> -> memref<128x50xi32, #tpu.memory_space<hbm>>
      %dma_start3A_197 = arith.constant 0 : i32
      %dma_start3A_198 = tpu.memref_slice %arg3[%mul3A_102, %dma_start3A_197] : memref<16384x50xi32, #tpu.memory_space<hbm>> -> memref<128x50xi32, #tpu.memory_space<hbm>>
      tpu.enqueue_dma source(%dma_start3A_198 : memref<128x50xi32, #tpu.memory_space<hbm>>) target(%arg5 : memref<128x50xi32, #tpu.memory_space<vmem>>) target_semaphore(%run_scoped3A : memref<!tpu.dma_semaphore, #tpu.memory_space<semaphore_mem>>)
      %dma_wait3A_199 = arith.constant 0 : i32
      %dma_wait3A_200 = tpu.memref_slice %arg3[%mul3A_102, %dma_wait3A_199] : memref<16384x50xi32, #tpu.memory_space<hbm>> -> memref<128x50xi32, #tpu.memory_space<hbm>>
      %dma_wait3A_201 = arith.constant 0 : i32
      %dma_wait3A_202 = tpu.memref_slice %arg3[%mul3A_102, %dma_wait3A_201] : memref<16384x50xi32, #tpu.memory_space<hbm>> -> memref<128x50xi32, #tpu.memory_space<hbm>>
      tpu.wait_dma2 semaphore(%run_scoped3A : memref<!tpu.dma_semaphore, #tpu.memory_space<semaphore_mem>>) src(%dma_wait3A_202 : memref<128x50xi32, #tpu.memory_space<hbm>>) dst(%arg5 : memref<128x50xi32, #tpu.memory_space<vmem>>)
      tpu.yield
    }) : () -> ()
    %parallel_loop3A_103 = arith.constant 0 : i32
    %parallel_loop3A_104 = arith.constant 50 : i32
    %parallel_loop3A_105 = arith.constant 1 : i32
    scf.for %parallel_loop3A_195 = %parallel_loop3A_103 to %parallel_loop3A_104 step %parallel_loop3A_105  : i32 {
      %parallel_loop3A_196 = vector.broadcast %parallel_loop3A_195 : i32 to vector<16xi32>
      %parallel_loop3A_197 = tpu.vector_load_idx %arg5[%add3A_3, %parallel_loop3A_196] : memref<128x50xi32, #tpu.memory_space<vmem>>[vector<16xi32>, vector<16xi32>], vector<16xi32>,
      %parallel_loop3A_198 = arith.index_cast %parallel_loop3A_195 : i32 to index
      %parallel_loop3A_199 = arith.constant 0 : index
      %parallel_loop3A_200 = tpu.vector_load %arg6[%parallel_loop3A_198, %parallel_loop3A_199] {strides = array<i32>} : memref<50x128xi32, #tpu.memory_space<vmem>>, vector<16xi32>,
      tpu.vector_store %arg6[%parallel_loop3A_198, %parallel_loop3A_199], %parallel_loop3A_197 {strides = array<i32>} : memref<50x128xi32, #tpu.memory_space<vmem>>, vector<16xi32>,
      %parallel_loop3A_201 = tpu.vector_load_idx %arg5[%add3A_6, %parallel_loop3A_196] : memref<128x50xi32, #tpu.memory_space<vmem>>[vector<16xi32>, vector<16xi32>], vector<16xi32>,
      %parallel_loop3A_202 = arith.index_cast %parallel_loop3A_195 : i32 to index
      %parallel_loop3A_203 = arith.constant 16 : index
      %parallel_loop3A_204 = tpu.vector_load %arg6[%parallel_loop3A_202, %parallel_loop3A_203] {strides = array<i32>} : memref<50x128xi32, #tpu.memory_space<vmem>>, vector<16xi32>,
      tpu.vector_store %arg6[%parallel_loop3A_202, %parallel_loop3A_203], %parallel_loop3A_201 {strides = array<i32>} : memref<50x128xi32, #tpu.memory_space<vmem>>, vector<16xi32>,
      %parallel_loop3A_205 = tpu.vector_load_idx %arg5[%add3A_9, %parallel_loop3A_196] : memref<128x50xi32, #tpu.memory_space<vmem>>[vector<16xi32>, vector<16xi32>], vector<16xi32>,
      %parallel_loop3A_206 = arith.index_cast %parallel_loop3A_195 : i32 to index
      %parallel_loop3A_207 = arith.constant 32 : index
      %parallel_loop3A_208 = tpu.vector_load %arg6[%parallel_loop3A_206, %parallel_loop3A_207] {strides = array<i32>} : memref<50x128xi32, #tpu.memory_space<vmem>>, vector<16xi32>,
      tpu.vector_store %arg6[%parallel_loop3A_206, %parallel_loop3A_207], %parallel_loop3A_205 {strides = array<i32>} : memref<50x128xi32, #tpu.memory_space<vmem>>, vector<16xi32>,
      %parallel_loop3A_209 = tpu.vector_load_idx %arg5[%add3A_12, %parallel_loop3A_196] : memref<128x50xi32, #tpu.memory_space<vmem>>[vector<16xi32>, vector<16xi32>], vector<16xi32>,
      %parallel_loop3A_210 = arith.index_cast %parallel_loop3A_195 : i32 to index
      %parallel_loop3A_211 = arith.constant 48 : index
      %parallel_loop3A_212 = tpu.vector_load %arg6[%parallel_loop3A_210, %parallel_loop3A_211] {strides = array<i32>} : memref<50x128xi32, #tpu.memory_space<vmem>>, vector<16xi32>,
      tpu.vector_store %arg6[%parallel_loop3A_210, %parallel_loop3A_211], %parallel_loop3A_209 {strides = array<i32>} : memref<50x128xi32, #tpu.memory_space<vmem>>, vector<16xi32>,
      %parallel_loop3A_213 = tpu.vector_load_idx %arg5[%add3A_15, %parallel_loop3A_196] : memref<128x50xi32, #tpu.memory_space<vmem>>[vector<16xi32>, vector<16xi32>], vector<16xi32>,
      %parallel_loop3A_214 = arith.index_cast %parallel_loop3A_195 : i32 to index
      %parallel_loop3A_215 = arith.constant 64 : index
      %parallel_loop3A_216 = tpu.vector_load %arg6[%parallel_loop3A_214, %parallel_loop3A_215] {strides = array<i32>} : memref<50x128xi32, #tpu.memory_space<vmem>>, vector<16xi32>,
      tpu.vector_store %arg6[%parallel_loop3A_214, %parallel_loop3A_215], %parallel_loop3A_213 {strides = array<i32>} : memref<50x128xi32, #tpu.memory_space<vmem>>, vector<16xi32>,
      %parallel_loop3A_217 = tpu.vector_load_idx %arg5[%add3A_18, %parallel_loop3A_196] : memref<128x50xi32, #tpu.memory_space<vmem>>[vector<16xi32>, vector<16xi32>], vector<16xi32>,
      %parallel_loop3A_218 = arith.index_cast %parallel_loop3A_195 : i32 to index
      %parallel_loop3A_219 = arith.constant 80 : index
      %parallel_loop3A_220 = tpu.vector_load %arg6[%parallel_loop3A_218, %parallel_loop3A_219] {strides = array<i32>} : memref<50x128xi32, #tpu.memory_space<vmem>>, vector<16xi32>,
      tpu.vector_store %arg6[%parallel_loop3A_218, %parallel_loop3A_219], %parallel_loop3A_217 {strides = array<i32>} : memref<50x128xi32, #tpu.memory_space<vmem>>, vector<16xi32>,
      %parallel_loop3A_221 = tpu.vector_load_idx %arg5[%add3A_21, %parallel_loop3A_196] : memref<128x50xi32, #tpu.memory_space<vmem>>[vector<16xi32>, vector<16xi32>], vector<16xi32>,
      %parallel_loop3A_222 = arith.index_cast %parallel_loop3A_195 : i32 to index
      %parallel_loop3A_223 = arith.constant 96 : index
      %parallel_loop3A_224 = tpu.vector_load %arg6[%parallel_loop3A_222, %parallel_loop3A_223] {strides = array<i32>} : memref<50x128xi32, #tpu.memory_space<vmem>>, vector<16xi32>,
      tpu.vector_store %arg6[%parallel_loop3A_222, %parallel_loop3A_223], %parallel_loop3A_221 {strides = array<i32>} : memref<50x128xi32, #tpu.memory_space<vmem>>, vector<16xi32>,
      %parallel_loop3A_225 = tpu.vector_load_idx %arg5[%add3A_24, %parallel_loop3A_196] : memref<128x50xi32, #tpu.memory_space<vmem>>[vector<16xi32>, vector<16xi32>], vector<16xi32>,
      %parallel_loop3A_226 = arith.index_cast %parallel_loop3A_195 : i32 to index
      %parallel_loop3A_227 = arith.constant 112 : index
      %parallel_loop3A_228 = tpu.vector_load %arg6[%parallel_loop3A_226, %parallel_loop3A_227] {strides = array<i32>} : memref<50x128xi32, #tpu.memory_space<vmem>>, vector<16xi32>,
      tpu.vector_store %arg6[%parallel_loop3A_226, %parallel_loop3A_227], %parallel_loop3A_225 {strides = array<i32>} : memref<50x128xi32, #tpu.memory_space<vmem>>, vector<16xi32>,
    } {sc.loop_unroll_factor = 5 : i64, sc.parallel_access}
    %dma_start3A_106 = arith.constant 0 : i32
    %dma_start3A_107 = arith.constant 0 : i32
    %dma_start3A_108 = arith.constant 0 : i32
    %dma_start3A_109 = tpu.memref_slice %arg6[%dma_start3A_106, %dma_start3A_108] : memref<50x128xi32, #tpu.memory_space<vmem>> -> memref<1x128xi32, #tpu.memory_space<vmem>>
    %dma_start3A_110 = tpu.memref_squeeze %dma_start3A_109 : memref<1x128xi32, #tpu.memory_space<vmem>> -> memref<128xi32, #tpu.memory_space<vmem>>
    %dma_start3A_111 = arith.constant 0 : i32
    %dma_start3A_112 = arith.constant 0 : i32
    %dma_start3A_113 = tpu.memref_slice %arg2[%dma_start3A_111, %dma_start3A_112] : memref<1000000x64xf32, #tpu.memory_space<hbm>> -> memref<1000000x64xf32, #tpu.memory_space<hbm>>
    %dma_start3A_114 = tpu.memref_slice %arg11[%dma_start3A_107] : memref<2x!tpu.dma_semaphore, #tpu.memory_space<semaphore_mem>> -> memref<1x!tpu.dma_semaphore, #tpu.memory_space<semaphore_mem>>
    %dma_start3A_115 = tpu.memref_squeeze %dma_start3A_114 : memref<1x!tpu.dma_semaphore, #tpu.memory_space<semaphore_mem>> -> memref<!tpu.dma_semaphore, #tpu.memory_space<semaphore_mem>>
    tpu.enqueue_indirect_dma source(%dma_start3A_113 : memref<1000000x64xf32, #tpu.memory_space<hbm>>) target(%arg7 : memref<128x64xf32, #tpu.memory_space<vmem>>) offsets(%dma_start3A_110 : memref<128xi32, #tpu.memory_space<vmem>>) semaphore(%dma_start3A_115 : memref<!tpu.dma_semaphore, #tpu.memory_space<semaphore_mem>>)
    %scan3A_116 = arith.constant 0 : i32
    %scan3A_117 = arith.constant 0 : i32
    %scan3A_118 = arith.constant 25 : i32
    %scan3A_119 = arith.addi %scan3A_117, %scan3A_118 : i32
    %scan3A_120 = arith.constant 1 : i32
    scf.for %scan3A_195 = %scan3A_117 to %scan3A_119 step %scan3A_120  : i32 {
      %mul3A_196 = arith.constant 2 : i32
      %mul3A_197 = arith.muli %mul3A_196, %scan3A_195 : i32
      %add3A_198 = arith.constant 0 : i32
      %add3A_199 = arith.addi %mul3A_197, %add3A_198 : i32
      %add3A_200 = arith.constant 1 : i32
      %add3A_201 = arith.addi %add3A_199, %add3A_200 : i32
      %lt3A = arith.constant 50 : i32
      %lt3A_202 = arith.cmpi slt, %add3A_201, %lt3A : i32
      %convert_element_type3A = arith.extui %lt3A_202 : i1 to i32
      %cond3A = arith.constant 0 : i32
      %cond3A_203 = arith.cmpi ne, %convert_element_type3A, %cond3A : i32
      scf.if %cond3A_203 {
        %add3A_323 = arith.constant 1 : i32
        %add3A_324 = arith.addi %add3A_199, %add3A_323 : i32
        %dma_start3A_325 = arith.constant 1 : i32
        %dma_start3A_326 = arith.constant 0 : i32
        %dma_start3A_327 = tpu.memref_slice %arg6[%add3A_324, %dma_start3A_326] : memref<50x128xi32, #tpu.memory_space<vmem>> -> memref<1x128xi32, #tpu.memory_space<vmem>>
        %dma_start3A_328 = tpu.memref_squeeze %dma_start3A_327 : memref<1x128xi32, #tpu.memory_space<vmem>> -> memref<128xi32, #tpu.memory_space<vmem>>
        %dma_start3A_329 = arith.constant 0 : i32
        %dma_start3A_330 = arith.constant 0 : i32
        %dma_start3A_331 = tpu.memref_slice %arg2[%dma_start3A_329, %dma_start3A_330] : memref<1000000x64xf32, #tpu.memory_space<hbm>> -> memref<1000000x64xf32, #tpu.memory_space<hbm>>
        %dma_start3A_332 = tpu.memref_slice %arg11[%dma_start3A_325] : memref<2x!tpu.dma_semaphore, #tpu.memory_space<semaphore_mem>> -> memref<1x!tpu.dma_semaphore, #tpu.memory_space<semaphore_mem>>
        %dma_start3A_333 = tpu.memref_squeeze %dma_start3A_332 : memref<1x!tpu.dma_semaphore, #tpu.memory_space<semaphore_mem>> -> memref<!tpu.dma_semaphore, #tpu.memory_space<semaphore_mem>>
        tpu.enqueue_indirect_dma source(%dma_start3A_331 : memref<1000000x64xf32, #tpu.memory_space<hbm>>) target(%arg8 : memref<128x64xf32, #tpu.memory_space<vmem>>) offsets(%dma_start3A_328 : memref<128xi32, #tpu.memory_space<vmem>>) semaphore(%dma_start3A_333 : memref<!tpu.dma_semaphore, #tpu.memory_space<semaphore_mem>>)
      } else {
      }
      %dma_wait3A_204 = arith.constant 0 : i32
      %dma_wait3A_205 = arith.constant 0 : i32
      %dma_wait3A_206 = tpu.memref_slice %arg6[%add3A_199, %dma_wait3A_205] : memref<50x128xi32, #tpu.memory_space<vmem>> -> memref<1x128xi32, #tpu.memory_space<vmem>>
      %dma_wait3A_207 = tpu.memref_squeeze %dma_wait3A_206 : memref<1x128xi32, #tpu.memory_space<vmem>> -> memref<128xi32, #tpu.memory_space<vmem>>
      %dma_wait3A_208 = arith.constant 0 : i32
      %dma_wait3A_209 = arith.constant 0 : i32
      %dma_wait3A_210 = tpu.memref_slice %arg2[%dma_wait3A_208, %dma_wait3A_209] : memref<1000000x64xf32, #tpu.memory_space<hbm>> -> memref<1000000x64xf32, #tpu.memory_space<hbm>>
      %dma_wait3A_211 = tpu.memref_slice %arg11[%dma_wait3A_204] : memref<2x!tpu.dma_semaphore, #tpu.memory_space<semaphore_mem>> -> memref<1x!tpu.dma_semaphore, #tpu.memory_space<semaphore_mem>>
      %dma_wait3A_212 = tpu.memref_squeeze %dma_wait3A_211 : memref<1x!tpu.dma_semaphore, #tpu.memory_space<semaphore_mem>> -> memref<!tpu.dma_semaphore, #tpu.memory_space<semaphore_mem>>
      tpu.wait_indirect_dma semaphore(%dma_wait3A_212 : memref<!tpu.dma_semaphore, #tpu.memory_space<semaphore_mem>>) src(%dma_wait3A_210 : memref<1000000x64xf32, #tpu.memory_space<hbm>>) dst(%arg7 : memref<128x64xf32, #tpu.memory_space<vmem>>)
      %dma_wait3A_213 = arith.constant 0 : i32
      %dma_wait3A_214 = arith.constant 0 : i32
      %dma_wait3A_215 = arith.constant 0 : i32
      %dma_wait3A_216 = arith.constant 0 : i32
      %dma_wait3A_217 = tpu.memref_slice %arg9[%dma_wait3A_214, %dma_wait3A_215, %dma_wait3A_216] : memref<8x8x129xf32, #tpu.memory_space<vmem>> -> memref<8x8x128xf32, #tpu.memory_space<vmem>>
      %dma_wait3A_218 = arith.constant 0 : i32
      %dma_wait3A_219 = arith.constant 0 : i32
      %dma_wait3A_220 = arith.constant 0 : i32
      %dma_wait3A_221 = tpu.memref_slice %arg4[%add3A_199, %dma_wait3A_218, %add3A_100, %dma_wait3A_219, %dma_wait3A_220] : memref<50x8x128x8x128xf32, #tpu.memory_space<hbm>> -> memref<1x8x1x8x128xf32, #tpu.memory_space<hbm>>
      %dma_wait3A_222 = tpu.memref_squeeze %dma_wait3A_221 : memref<1x8x1x8x128xf32, #tpu.memory_space<hbm>> -> memref<8x8x128xf32, #tpu.memory_space<hbm>>
      %dma_wait3A_223 = tpu.memref_slice %arg12[%dma_wait3A_213] : memref<2x!tpu.dma_semaphore, #tpu.memory_space<semaphore_mem>> -> memref<1x!tpu.dma_semaphore, #tpu.memory_space<semaphore_mem>>
      %dma_wait3A_224 = tpu.memref_squeeze %dma_wait3A_223 : memref<1x!tpu.dma_semaphore, #tpu.memory_space<semaphore_mem>> -> memref<!tpu.dma_semaphore, #tpu.memory_space<semaphore_mem>>
      %dma_wait3A_225 = arith.constant 0 : i32
      %dma_wait3A_226 = arith.constant 0 : i32
      %dma_wait3A_227 = arith.constant 0 : i32
      %dma_wait3A_228 = tpu.memref_slice %arg4[%add3A_199, %dma_wait3A_225, %add3A_100, %dma_wait3A_226, %dma_wait3A_227] : memref<50x8x128x8x128xf32, #tpu.memory_space<hbm>> -> memref<1x8x1x8x128xf32, #tpu.memory_space<hbm>>
      %dma_wait3A_229 = tpu.memref_squeeze %dma_wait3A_228 : memref<1x8x1x8x128xf32, #tpu.memory_space<hbm>> -> memref<8x8x128xf32, #tpu.memory_space<hbm>>
      %dma_wait3A_230 = arith.constant 0 : i32
      %dma_wait3A_231 = arith.constant 0 : i32
      %dma_wait3A_232 = arith.constant 0 : i32
      %dma_wait3A_233 = tpu.memref_slice %arg9[%dma_wait3A_230, %dma_wait3A_231, %dma_wait3A_232] : memref<8x8x129xf32, #tpu.memory_space<vmem>> -> memref<8x8x128xf32, #tpu.memory_space<vmem>>
      tpu.wait_dma2 semaphore(%dma_wait3A_224 : memref<!tpu.dma_semaphore, #tpu.memory_space<semaphore_mem>>) src(%dma_wait3A_233 : memref<8x8x128xf32, #tpu.memory_space<vmem>>) dst(%dma_wait3A_229 : memref<8x8x128xf32, #tpu.memory_space<hbm>>)
      %parallel_loop3A_234 = arith.constant 0 : i32
      %parallel_loop3A_235 = arith.constant 128 : i32
      %parallel_loop3A_236 = arith.constant 1 : i32
      scf.for %parallel_loop3A_323 = %parallel_loop3A_234 to %parallel_loop3A_235 step %parallel_loop3A_236  : i32 {
        %parallel_loop3A_324 = vector.broadcast %parallel_loop3A_323 : i32 to vector<16xi32>
        %parallel_loop3A_325 = arith.index_cast %parallel_loop3A_323 : i32 to index
        %parallel_loop3A_326 = arith.constant 0 : index
        %parallel_loop3A_327 = tpu.vector_load %arg7[%parallel_loop3A_325, %parallel_loop3A_326] {strides = array<i32>} : memref<128x64xf32, #tpu.memory_space<vmem>>, vector<16xf32>,
        tpu.vector_store_idx %arg9[%add3A_29, %and3A_49, %parallel_loop3A_324], %parallel_loop3A_327 : memref<8x8x129xf32, #tpu.memory_space<vmem>>[vector<16xi32>, vector<16xi32>, vector<16xi32>], vector<16xf32>,
        %parallel_loop3A_328 = arith.index_cast %parallel_loop3A_323 : i32 to index
        %parallel_loop3A_329 = arith.constant 16 : index
        %parallel_loop3A_330 = tpu.vector_load %arg7[%parallel_loop3A_328, %parallel_loop3A_329] {strides = array<i32>} : memref<128x64xf32, #tpu.memory_space<vmem>>, vector<16xf32>,
        tpu.vector_store_idx %arg9[%add3A_35, %and3A_49, %parallel_loop3A_324], %parallel_loop3A_330 : memref<8x8x129xf32, #tpu.memory_space<vmem>>[vector<16xi32>, vector<16xi32>, vector<16xi32>], vector<16xf32>,
        %parallel_loop3A_331 = arith.index_cast %parallel_loop3A_323 : i32 to index
        %parallel_loop3A_332 = arith.constant 32 : index
        %parallel_loop3A_333 = tpu.vector_load %arg7[%parallel_loop3A_331, %parallel_loop3A_332] {strides = array<i32>} : memref<128x64xf32, #tpu.memory_space<vmem>>, vector<16xf32>,
        tpu.vector_store_idx %arg9[%add3A_41, %and3A_49, %parallel_loop3A_324], %parallel_loop3A_333 : memref<8x8x129xf32, #tpu.memory_space<vmem>>[vector<16xi32>, vector<16xi32>, vector<16xi32>], vector<16xf32>,
        %parallel_loop3A_334 = arith.index_cast %parallel_loop3A_323 : i32 to index
        %parallel_loop3A_335 = arith.constant 48 : index
        %parallel_loop3A_336 = tpu.vector_load %arg7[%parallel_loop3A_334, %parallel_loop3A_335] {strides = array<i32>} : memref<128x64xf32, #tpu.memory_space<vmem>>, vector<16xf32>,
        tpu.vector_store_idx %arg9[%add3A_47, %and3A_49, %parallel_loop3A_324], %parallel_loop3A_336 : memref<8x8x129xf32, #tpu.memory_space<vmem>>[vector<16xi32>, vector<16xi32>, vector<16xi32>], vector<16xf32>,
      } {sc.loop_unroll_factor = 6 : i64, sc.parallel_access}
      %dma_start3A_237 = arith.constant 0 : i32
      %dma_start3A_238 = arith.constant 0 : i32
      %dma_start3A_239 = arith.constant 0 : i32
      %dma_start3A_240 = arith.constant 0 : i32
      %dma_start3A_241 = tpu.memref_slice %arg9[%dma_start3A_238, %dma_start3A_239, %dma_start3A_240] : memref<8x8x129xf32, #tpu.memory_space<vmem>> -> memref<8x8x128xf32, #tpu.memory_space<vmem>>
      %dma_start3A_242 = arith.constant 0 : i32
      %dma_start3A_243 = arith.constant 0 : i32
      %dma_start3A_244 = arith.constant 0 : i32
      %dma_start3A_245 = tpu.memref_slice %arg4[%add3A_199, %dma_start3A_242, %add3A_100, %dma_start3A_243, %dma_start3A_244] : memref<50x8x128x8x128xf32, #tpu.memory_space<hbm>> -> memref<1x8x1x8x128xf32, #tpu.memory_space<hbm>>
      %dma_start3A_246 = tpu.memref_squeeze %dma_start3A_245 : memref<1x8x1x8x128xf32, #tpu.memory_space<hbm>> -> memref<8x8x128xf32, #tpu.memory_space<hbm>>
      %dma_start3A_247 = tpu.memref_slice %arg12[%dma_start3A_237] : memref<2x!tpu.dma_semaphore, #tpu.memory_space<semaphore_mem>> -> memref<1x!tpu.dma_semaphore, #tpu.memory_space<semaphore_mem>>
      %dma_start3A_248 = tpu.memref_squeeze %dma_start3A_247 : memref<1x!tpu.dma_semaphore, #tpu.memory_space<semaphore_mem>> -> memref<!tpu.dma_semaphore, #tpu.memory_space<semaphore_mem>>
      %dma_start3A_249 = arith.constant 0 : i32
      %dma_start3A_250 = arith.constant 0 : i32
      %dma_start3A_251 = arith.constant 0 : i32
      %dma_start3A_252 = tpu.memref_slice %arg4[%add3A_199, %dma_start3A_249, %add3A_100, %dma_start3A_250, %dma_start3A_251] : memref<50x8x128x8x128xf32, #tpu.memory_space<hbm>> -> memref<1x8x1x8x128xf32, #tpu.memory_space<hbm>>
      %dma_start3A_253 = tpu.memref_squeeze %dma_start3A_252 : memref<1x8x1x8x128xf32, #tpu.memory_space<hbm>> -> memref<8x8x128xf32, #tpu.memory_space<hbm>>
      %dma_start3A_254 = arith.constant 0 : i32
      %dma_start3A_255 = arith.constant 0 : i32
      %dma_start3A_256 = arith.constant 0 : i32
      %dma_start3A_257 = tpu.memref_slice %arg9[%dma_start3A_254, %dma_start3A_255, %dma_start3A_256] : memref<8x8x129xf32, #tpu.memory_space<vmem>> -> memref<8x8x128xf32, #tpu.memory_space<vmem>>
      tpu.enqueue_dma source(%dma_start3A_257 : memref<8x8x128xf32, #tpu.memory_space<vmem>>) target(%dma_start3A_253 : memref<8x8x128xf32, #tpu.memory_space<hbm>>) target_semaphore(%dma_start3A_248 : memref<!tpu.dma_semaphore, #tpu.memory_space<semaphore_mem>>)
      %mul3A_258 = arith.constant 2 : i32
      %mul3A_259 = arith.muli %mul3A_258, %scan3A_195 : i32
      %add3A_260 = arith.constant 1 : i32
      %add3A_261 = arith.addi %mul3A_259, %add3A_260 : i32
      %add3A_262 = arith.constant 1 : i32
      %add3A_263 = arith.addi %add3A_261, %add3A_262 : i32
      %lt3A_264 = arith.constant 50 : i32
      %lt3A_265 = arith.cmpi slt, %add3A_263, %lt3A_264 : i32
      %convert_element_type3A_266 = arith.extui %lt3A_265 : i1 to i32
      %cond3A_267 = arith.constant 0 : i32
      %cond3A_268 = arith.cmpi ne, %convert_element_type3A_266, %cond3A_267 : i32
      scf.if %cond3A_268 {
        %add3A_323 = arith.constant 1 : i32
        %add3A_324 = arith.addi %add3A_261, %add3A_323 : i32
        %dma_start3A_325 = arith.constant 0 : i32
        %dma_start3A_326 = arith.constant 0 : i32
        %dma_start3A_327 = tpu.memref_slice %arg6[%add3A_324, %dma_start3A_326] : memref<50x128xi32, #tpu.memory_space<vmem>> -> memref<1x128xi32, #tpu.memory_space<vmem>>
        %dma_start3A_328 = tpu.memref_squeeze %dma_start3A_327 : memref<1x128xi32, #tpu.memory_space<vmem>> -> memref<128xi32, #tpu.memory_space<vmem>>
        %dma_start3A_329 = arith.constant 0 : i32
        %dma_start3A_330 = arith.constant 0 : i32
        %dma_start3A_331 = tpu.memref_slice %arg2[%dma_start3A_329, %dma_start3A_330] : memref<1000000x64xf32, #tpu.memory_space<hbm>> -> memref<1000000x64xf32, #tpu.memory_space<hbm>>
        %dma_start3A_332 = tpu.memref_slice %arg11[%dma_start3A_325] : memref<2x!tpu.dma_semaphore, #tpu.memory_space<semaphore_mem>> -> memref<1x!tpu.dma_semaphore, #tpu.memory_space<semaphore_mem>>
        %dma_start3A_333 = tpu.memref_squeeze %dma_start3A_332 : memref<1x!tpu.dma_semaphore, #tpu.memory_space<semaphore_mem>> -> memref<!tpu.dma_semaphore, #tpu.memory_space<semaphore_mem>>
        tpu.enqueue_indirect_dma source(%dma_start3A_331 : memref<1000000x64xf32, #tpu.memory_space<hbm>>) target(%arg7 : memref<128x64xf32, #tpu.memory_space<vmem>>) offsets(%dma_start3A_328 : memref<128xi32, #tpu.memory_space<vmem>>) semaphore(%dma_start3A_333 : memref<!tpu.dma_semaphore, #tpu.memory_space<semaphore_mem>>)
      } else {
      }
      %dma_wait3A_269 = arith.constant 1 : i32
      %dma_wait3A_270 = arith.constant 0 : i32
      %dma_wait3A_271 = tpu.memref_slice %arg6[%add3A_261, %dma_wait3A_270] : memref<50x128xi32, #tpu.memory_space<vmem>> -> memref<1x128xi32, #tpu.memory_space<vmem>>
      %dma_wait3A_272 = tpu.memref_squeeze %dma_wait3A_271 : memref<1x128xi32, #tpu.memory_space<vmem>> -> memref<128xi32, #tpu.memory_space<vmem>>
      %dma_wait3A_273 = arith.constant 0 : i32
      %dma_wait3A_274 = arith.constant 0 : i32
      %dma_wait3A_275 = tpu.memref_slice %arg2[%dma_wait3A_273, %dma_wait3A_274] : memref<1000000x64xf32, #tpu.memory_space<hbm>> -> memref<1000000x64xf32, #tpu.memory_space<hbm>>
      %dma_wait3A_276 = tpu.memref_slice %arg11[%dma_wait3A_269] : memref<2x!tpu.dma_semaphore, #tpu.memory_space<semaphore_mem>> -> memref<1x!tpu.dma_semaphore, #tpu.memory_space<semaphore_mem>>
      %dma_wait3A_277 = tpu.memref_squeeze %dma_wait3A_276 : memref<1x!tpu.dma_semaphore, #tpu.memory_space<semaphore_mem>> -> memref<!tpu.dma_semaphore, #tpu.memory_space<semaphore_mem>>
      tpu.wait_indirect_dma semaphore(%dma_wait3A_277 : memref<!tpu.dma_semaphore, #tpu.memory_space<semaphore_mem>>) src(%dma_wait3A_275 : memref<1000000x64xf32, #tpu.memory_space<hbm>>) dst(%arg8 : memref<128x64xf32, #tpu.memory_space<vmem>>)
      %dma_wait3A_278 = arith.constant 1 : i32
      %dma_wait3A_279 = arith.constant 0 : i32
      %dma_wait3A_280 = arith.constant 0 : i32
      %dma_wait3A_281 = arith.constant 0 : i32
      %dma_wait3A_282 = tpu.memref_slice %arg10[%dma_wait3A_279, %dma_wait3A_280, %dma_wait3A_281] : memref<8x8x129xf32, #tpu.memory_space<vmem>> -> memref<8x8x128xf32, #tpu.memory_space<vmem>>
      %dma_wait3A_283 = arith.constant 0 : i32
      %dma_wait3A_284 = arith.constant 0 : i32
      %dma_wait3A_285 = arith.constant 0 : i32
      %dma_wait3A_286 = tpu.memref_slice %arg4[%add3A_261, %dma_wait3A_283, %add3A_100, %dma_wait3A_284, %dma_wait3A_285] : memref<50x8x128x8x128xf32, #tpu.memory_space<hbm>> -> memref<1x8x1x8x128xf32, #tpu.memory_space<hbm>>
      %dma_wait3A_287 = tpu.memref_squeeze %dma_wait3A_286 : memref<1x8x1x8x128xf32, #tpu.memory_space<hbm>> -> memref<8x8x128xf32, #tpu.memory_space<hbm>>
      %dma_wait3A_288 = tpu.memref_slice %arg12[%dma_wait3A_278] : memref<2x!tpu.dma_semaphore, #tpu.memory_space<semaphore_mem>> -> memref<1x!tpu.dma_semaphore, #tpu.memory_space<semaphore_mem>>
      %dma_wait3A_289 = tpu.memref_squeeze %dma_wait3A_288 : memref<1x!tpu.dma_semaphore, #tpu.memory_space<semaphore_mem>> -> memref<!tpu.dma_semaphore, #tpu.memory_space<semaphore_mem>>
      %dma_wait3A_290 = arith.constant 0 : i32
      %dma_wait3A_291 = arith.constant 0 : i32
      %dma_wait3A_292 = arith.constant 0 : i32
      %dma_wait3A_293 = tpu.memref_slice %arg4[%add3A_261, %dma_wait3A_290, %add3A_100, %dma_wait3A_291, %dma_wait3A_292] : memref<50x8x128x8x128xf32, #tpu.memory_space<hbm>> -> memref<1x8x1x8x128xf32, #tpu.memory_space<hbm>>
      %dma_wait3A_294 = tpu.memref_squeeze %dma_wait3A_293 : memref<1x8x1x8x128xf32, #tpu.memory_space<hbm>> -> memref<8x8x128xf32, #tpu.memory_space<hbm>>
      %dma_wait3A_295 = arith.constant 0 : i32
      %dma_wait3A_296 = arith.constant 0 : i32
      %dma_wait3A_297 = arith.constant 0 : i32
      %dma_wait3A_298 = tpu.memref_slice %arg10[%dma_wait3A_295, %dma_wait3A_296, %dma_wait3A_297] : memref<8x8x129xf32, #tpu.memory_space<vmem>> -> memref<8x8x128xf32, #tpu.memory_space<vmem>>
      tpu.wait_dma2 semaphore(%dma_wait3A_289 : memref<!tpu.dma_semaphore, #tpu.memory_space<semaphore_mem>>) src(%dma_wait3A_298 : memref<8x8x128xf32, #tpu.memory_space<vmem>>) dst(%dma_wait3A_294 : memref<8x8x128xf32, #tpu.memory_space<hbm>>)
      %parallel_loop3A_299 = arith.constant 0 : i32
      %parallel_loop3A_300 = arith.constant 128 : i32
      %parallel_loop3A_301 = arith.constant 1 : i32
      scf.for %parallel_loop3A_323 = %parallel_loop3A_299 to %parallel_loop3A_300 step %parallel_loop3A_301  : i32 {
        %parallel_loop3A_324 = vector.broadcast %parallel_loop3A_323 : i32 to vector<16xi32>
        %parallel_loop3A_325 = arith.index_cast %parallel_loop3A_323 : i32 to index
        %parallel_loop3A_326 = arith.constant 0 : index
        %parallel_loop3A_327 = tpu.vector_load %arg8[%parallel_loop3A_325, %parallel_loop3A_326] {strides = array<i32>} : memref<128x64xf32, #tpu.memory_space<vmem>>, vector<16xf32>,
        tpu.vector_store_idx %arg10[%add3A_29, %and3A_49, %parallel_loop3A_324], %parallel_loop3A_327 : memref<8x8x129xf32, #tpu.memory_space<vmem>>[vector<16xi32>, vector<16xi32>, vector<16xi32>], vector<16xf32>,
        %parallel_loop3A_328 = arith.index_cast %parallel_loop3A_323 : i32 to index
        %parallel_loop3A_329 = arith.constant 16 : index
        %parallel_loop3A_330 = tpu.vector_load %arg8[%parallel_loop3A_328, %parallel_loop3A_329] {strides = array<i32>} : memref<128x64xf32, #tpu.memory_space<vmem>>, vector<16xf32>,
        tpu.vector_store_idx %arg10[%add3A_35, %and3A_49, %parallel_loop3A_324], %parallel_loop3A_330 : memref<8x8x129xf32, #tpu.memory_space<vmem>>[vector<16xi32>, vector<16xi32>, vector<16xi32>], vector<16xf32>,
        %parallel_loop3A_331 = arith.index_cast %parallel_loop3A_323 : i32 to index
        %parallel_loop3A_332 = arith.constant 32 : index
        %parallel_loop3A_333 = tpu.vector_load %arg8[%parallel_loop3A_331, %parallel_loop3A_332] {strides = array<i32>} : memref<128x64xf32, #tpu.memory_space<vmem>>, vector<16xf32>,
        tpu.vector_store_idx %arg10[%add3A_41, %and3A_49, %parallel_loop3A_324], %parallel_loop3A_333 : memref<8x8x129xf32, #tpu.memory_space<vmem>>[vector<16xi32>, vector<16xi32>, vector<16xi32>], vector<16xf32>,
        %parallel_loop3A_334 = arith.index_cast %parallel_loop3A_323 : i32 to index
        %parallel_loop3A_335 = arith.constant 48 : index
        %parallel_loop3A_336 = tpu.vector_load %arg8[%parallel_loop3A_334, %parallel_loop3A_335] {strides = array<i32>} : memref<128x64xf32, #tpu.memory_space<vmem>>, vector<16xf32>,
        tpu.vector_store_idx %arg10[%add3A_47, %and3A_49, %parallel_loop3A_324], %parallel_loop3A_336 : memref<8x8x129xf32, #tpu.memory_space<vmem>>[vector<16xi32>, vector<16xi32>, vector<16xi32>], vector<16xf32>,
      } {sc.loop_unroll_factor = 6 : i64, sc.parallel_access}
      %dma_start3A_302 = arith.constant 1 : i32
      %dma_start3A_303 = arith.constant 0 : i32
      %dma_start3A_304 = arith.constant 0 : i32
      %dma_start3A_305 = arith.constant 0 : i32
      %dma_start3A_306 = tpu.memref_slice %arg10[%dma_start3A_303, %dma_start3A_304, %dma_start3A_305] : memref<8x8x129xf32, #tpu.memory_space<vmem>> -> memref<8x8x128xf32, #tpu.memory_space<vmem>>
      %dma_start3A_307 = arith.constant 0 : i32
      %dma_start3A_308 = arith.constant 0 : i32
      %dma_start3A_309 = arith.constant 0 : i32
      %dma_start3A_310 = tpu.memref_slice %arg4[%add3A_261, %dma_start3A_307, %add3A_100, %dma_start3A_308, %dma_start3A_309] : memref<50x8x128x8x128xf32, #tpu.memory_space<hbm>> -> memref<1x8x1x8x128xf32, #tpu.memory_space<hbm>>
      %dma_start3A_311 = tpu.memref_squeeze %dma_start3A_310 : memref<1x8x1x8x128xf32, #tpu.memory_space<hbm>> -> memref<8x8x128xf32, #tpu.memory_space<hbm>>
      %dma_start3A_312 = tpu.memref_slice %arg12[%dma_start3A_302] : memref<2x!tpu.dma_semaphore, #tpu.memory_space<semaphore_mem>> -> memref<1x!tpu.dma_semaphore, #tpu.memory_space<semaphore_mem>>
      %dma_start3A_313 = tpu.memref_squeeze %dma_start3A_312 : memref<1x!tpu.dma_semaphore, #tpu.memory_space<semaphore_mem>> -> memref<!tpu.dma_semaphore, #tpu.memory_space<semaphore_mem>>
      %dma_start3A_314 = arith.constant 0 : i32
      %dma_start3A_315 = arith.constant 0 : i32
      %dma_start3A_316 = arith.constant 0 : i32
      %dma_start3A_317 = tpu.memref_slice %arg4[%add3A_261, %dma_start3A_314, %add3A_100, %dma_start3A_315, %dma_start3A_316] : memref<50x8x128x8x128xf32, #tpu.memory_space<hbm>> -> memref<1x8x1x8x128xf32, #tpu.memory_space<hbm>>
      %dma_start3A_318 = tpu.memref_squeeze %dma_start3A_317 : memref<1x8x1x8x128xf32, #tpu.memory_space<hbm>> -> memref<8x8x128xf32, #tpu.memory_space<hbm>>
      %dma_start3A_319 = arith.constant 0 : i32
      %dma_start3A_320 = arith.constant 0 : i32
      %dma_start3A_321 = arith.constant 0 : i32
      %dma_start3A_322 = tpu.memref_slice %arg10[%dma_start3A_319, %dma_start3A_320, %dma_start3A_321] : memref<8x8x129xf32, #tpu.memory_space<vmem>> -> memref<8x8x128xf32, #tpu.memory_space<vmem>>
      tpu.enqueue_dma source(%dma_start3A_322 : memref<8x8x128xf32, #tpu.memory_space<vmem>>) target(%dma_start3A_318 : memref<8x8x128xf32, #tpu.memory_space<hbm>>) target_semaphore(%dma_start3A_313 : memref<!tpu.dma_semaphore, #tpu.memory_space<semaphore_mem>>)
    }
    %scan3A_121 = arith.constant 25 : i32
    %mul3A_122 = arith.constant 4 : i32
    %mul3A_123 = arith.muli %add3A, %mul3A_122 : i32
    %add3A_124 = arith.constant 3 : i32
    %add3A_125 = arith.addi %mul3A_123, %add3A_124 : i32
    %mul3A_126 = arith.constant 128 : i32
    %mul3A_127 = arith.muli %add3A_125, %mul3A_126 : i32
    "tpu.region"() ({
      %run_scoped3A = tpu.sem_alloc : memref<!tpu.dma_semaphore, #tpu.memory_space<semaphore_mem>>
      %dma_start3A_195 = arith.constant 0 : i32
      %dma_start3A_196 = tpu.memref_slice %arg3[%mul3A_127, %dma_start3A_195] : memref<16384x50xi32, #tpu.memory_space<hbm>> -> memref<128x50xi32, #tpu.memory_space<hbm>>
      %dma_start3A_197 = arith.constant 0 : i32
      %dma_start3A_198 = tpu.memref_slice %arg3[%mul3A_127, %dma_start3A_197] : memref<16384x50xi32, #tpu.memory_space<hbm>> -> memref<128x50xi32, #tpu.memory_space<hbm>>
      tpu.enqueue_dma source(%dma_start3A_198 : memref<128x50xi32, #tpu.memory_space<hbm>>) target(%arg5 : memref<128x50xi32, #tpu.memory_space<vmem>>) target_semaphore(%run_scoped3A : memref<!tpu.dma_semaphore, #tpu.memory_space<semaphore_mem>>)
      %dma_wait3A_199 = arith.constant 0 : i32
      %dma_wait3A_200 = tpu.memref_slice %arg3[%mul3A_127, %dma_wait3A_199] : memref<16384x50xi32, #tpu.memory_space<hbm>> -> memref<128x50xi32, #tpu.memory_space<hbm>>
      %dma_wait3A_201 = arith.constant 0 : i32
      %dma_wait3A_202 = tpu.memref_slice %arg3[%mul3A_127, %dma_wait3A_201] : memref<16384x50xi32, #tpu.memory_space<hbm>> -> memref<128x50xi32, #tpu.memory_space<hbm>>
      tpu.wait_dma2 semaphore(%run_scoped3A : memref<!tpu.dma_semaphore, #tpu.memory_space<semaphore_mem>>) src(%dma_wait3A_202 : memref<128x50xi32, #tpu.memory_space<hbm>>) dst(%arg5 : memref<128x50xi32, #tpu.memory_space<vmem>>)
      tpu.yield
    }) : () -> ()
    %parallel_loop3A_128 = arith.constant 0 : i32
    %parallel_loop3A_129 = arith.constant 50 : i32
    %parallel_loop3A_130 = arith.constant 1 : i32
    scf.for %parallel_loop3A_195 = %parallel_loop3A_128 to %parallel_loop3A_129 step %parallel_loop3A_130  : i32 {
      %parallel_loop3A_196 = vector.broadcast %parallel_loop3A_195 : i32 to vector<16xi32>
      %parallel_loop3A_197 = tpu.vector_load_idx %arg5[%add3A_3, %parallel_loop3A_196] : memref<128x50xi32, #tpu.memory_space<vmem>>[vector<16xi32>, vector<16xi32>], vector<16xi32>,
      %parallel_loop3A_198 = arith.index_cast %parallel_loop3A_195 : i32 to index
      %parallel_loop3A_199 = arith.constant 0 : index
      %parallel_loop3A_200 = tpu.vector_load %arg6[%parallel_loop3A_198, %parallel_loop3A_199] {strides = array<i32>} : memref<50x128xi32, #tpu.memory_space<vmem>>, vector<16xi32>,
      tpu.vector_store %arg6[%parallel_loop3A_198, %parallel_loop3A_199], %parallel_loop3A_197 {strides = array<i32>} : memref<50x128xi32, #tpu.memory_space<vmem>>, vector<16xi32>,
      %parallel_loop3A_201 = tpu.vector_load_idx %arg5[%add3A_6, %parallel_loop3A_196] : memref<128x50xi32, #tpu.memory_space<vmem>>[vector<16xi32>, vector<16xi32>], vector<16xi32>,
      %parallel_loop3A_202 = arith.index_cast %parallel_loop3A_195 : i32 to index
      %parallel_loop3A_203 = arith.constant 16 : index
      %parallel_loop3A_204 = tpu.vector_load %arg6[%parallel_loop3A_202, %parallel_loop3A_203] {strides = array<i32>} : memref<50x128xi32, #tpu.memory_space<vmem>>, vector<16xi32>,
      tpu.vector_store %arg6[%parallel_loop3A_202, %parallel_loop3A_203], %parallel_loop3A_201 {strides = array<i32>} : memref<50x128xi32, #tpu.memory_space<vmem>>, vector<16xi32>,
      %parallel_loop3A_205 = tpu.vector_load_idx %arg5[%add3A_9, %parallel_loop3A_196] : memref<128x50xi32, #tpu.memory_space<vmem>>[vector<16xi32>, vector<16xi32>], vector<16xi32>,
      %parallel_loop3A_206 = arith.index_cast %parallel_loop3A_195 : i32 to index
      %parallel_loop3A_207 = arith.constant 32 : index
      %parallel_loop3A_208 = tpu.vector_load %arg6[%parallel_loop3A_206, %parallel_loop3A_207] {strides = array<i32>} : memref<50x128xi32, #tpu.memory_space<vmem>>, vector<16xi32>,
      tpu.vector_store %arg6[%parallel_loop3A_206, %parallel_loop3A_207], %parallel_loop3A_205 {strides = array<i32>} : memref<50x128xi32, #tpu.memory_space<vmem>>, vector<16xi32>,
      %parallel_loop3A_209 = tpu.vector_load_idx %arg5[%add3A_12, %parallel_loop3A_196] : memref<128x50xi32, #tpu.memory_space<vmem>>[vector<16xi32>, vector<16xi32>], vector<16xi32>,
      %parallel_loop3A_210 = arith.index_cast %parallel_loop3A_195 : i32 to index
      %parallel_loop3A_211 = arith.constant 48 : index
      %parallel_loop3A_212 = tpu.vector_load %arg6[%parallel_loop3A_210, %parallel_loop3A_211] {strides = array<i32>} : memref<50x128xi32, #tpu.memory_space<vmem>>, vector<16xi32>,
      tpu.vector_store %arg6[%parallel_loop3A_210, %parallel_loop3A_211], %parallel_loop3A_209 {strides = array<i32>} : memref<50x128xi32, #tpu.memory_space<vmem>>, vector<16xi32>,
      %parallel_loop3A_213 = tpu.vector_load_idx %arg5[%add3A_15, %parallel_loop3A_196] : memref<128x50xi32, #tpu.memory_space<vmem>>[vector<16xi32>, vector<16xi32>], vector<16xi32>,
      %parallel_loop3A_214 = arith.index_cast %parallel_loop3A_195 : i32 to index
      %parallel_loop3A_215 = arith.constant 64 : index
      %parallel_loop3A_216 = tpu.vector_load %arg6[%parallel_loop3A_214, %parallel_loop3A_215] {strides = array<i32>} : memref<50x128xi32, #tpu.memory_space<vmem>>, vector<16xi32>,
      tpu.vector_store %arg6[%parallel_loop3A_214, %parallel_loop3A_215], %parallel_loop3A_213 {strides = array<i32>} : memref<50x128xi32, #tpu.memory_space<vmem>>, vector<16xi32>,
      %parallel_loop3A_217 = tpu.vector_load_idx %arg5[%add3A_18, %parallel_loop3A_196] : memref<128x50xi32, #tpu.memory_space<vmem>>[vector<16xi32>, vector<16xi32>], vector<16xi32>,
      %parallel_loop3A_218 = arith.index_cast %parallel_loop3A_195 : i32 to index
      %parallel_loop3A_219 = arith.constant 80 : index
      %parallel_loop3A_220 = tpu.vector_load %arg6[%parallel_loop3A_218, %parallel_loop3A_219] {strides = array<i32>} : memref<50x128xi32, #tpu.memory_space<vmem>>, vector<16xi32>,
      tpu.vector_store %arg6[%parallel_loop3A_218, %parallel_loop3A_219], %parallel_loop3A_217 {strides = array<i32>} : memref<50x128xi32, #tpu.memory_space<vmem>>, vector<16xi32>,
      %parallel_loop3A_221 = tpu.vector_load_idx %arg5[%add3A_21, %parallel_loop3A_196] : memref<128x50xi32, #tpu.memory_space<vmem>>[vector<16xi32>, vector<16xi32>], vector<16xi32>,
      %parallel_loop3A_222 = arith.index_cast %parallel_loop3A_195 : i32 to index
      %parallel_loop3A_223 = arith.constant 96 : index
      %parallel_loop3A_224 = tpu.vector_load %arg6[%parallel_loop3A_222, %parallel_loop3A_223] {strides = array<i32>} : memref<50x128xi32, #tpu.memory_space<vmem>>, vector<16xi32>,
      tpu.vector_store %arg6[%parallel_loop3A_222, %parallel_loop3A_223], %parallel_loop3A_221 {strides = array<i32>} : memref<50x128xi32, #tpu.memory_space<vmem>>, vector<16xi32>,
      %parallel_loop3A_225 = tpu.vector_load_idx %arg5[%add3A_24, %parallel_loop3A_196] : memref<128x50xi32, #tpu.memory_space<vmem>>[vector<16xi32>, vector<16xi32>], vector<16xi32>,
      %parallel_loop3A_226 = arith.index_cast %parallel_loop3A_195 : i32 to index
      %parallel_loop3A_227 = arith.constant 112 : index
      %parallel_loop3A_228 = tpu.vector_load %arg6[%parallel_loop3A_226, %parallel_loop3A_227] {strides = array<i32>} : memref<50x128xi32, #tpu.memory_space<vmem>>, vector<16xi32>,
      tpu.vector_store %arg6[%parallel_loop3A_226, %parallel_loop3A_227], %parallel_loop3A_225 {strides = array<i32>} : memref<50x128xi32, #tpu.memory_space<vmem>>, vector<16xi32>,
    } {sc.loop_unroll_factor = 5 : i64, sc.parallel_access}
    %dma_start3A_131 = arith.constant 0 : i32
    %dma_start3A_132 = arith.constant 0 : i32
    %dma_start3A_133 = arith.constant 0 : i32
    %dma_start3A_134 = tpu.memref_slice %arg6[%dma_start3A_131, %dma_start3A_133] : memref<50x128xi32, #tpu.memory_space<vmem>> -> memref<1x128xi32, #tpu.memory_space<vmem>>
    %dma_start3A_135 = tpu.memref_squeeze %dma_start3A_134 : memref<1x128xi32, #tpu.memory_space<vmem>> -> memref<128xi32, #tpu.memory_space<vmem>>
    %dma_start3A_136 = arith.constant 0 : i32
    %dma_start3A_137 = arith.constant 0 : i32
    %dma_start3A_138 = tpu.memref_slice %arg2[%dma_start3A_136, %dma_start3A_137] : memref<1000000x64xf32, #tpu.memory_space<hbm>> -> memref<1000000x64xf32, #tpu.memory_space<hbm>>
    %dma_start3A_139 = tpu.memref_slice %arg11[%dma_start3A_132] : memref<2x!tpu.dma_semaphore, #tpu.memory_space<semaphore_mem>> -> memref<1x!tpu.dma_semaphore, #tpu.memory_space<semaphore_mem>>
    %dma_start3A_140 = tpu.memref_squeeze %dma_start3A_139 : memref<1x!tpu.dma_semaphore, #tpu.memory_space<semaphore_mem>> -> memref<!tpu.dma_semaphore, #tpu.memory_space<semaphore_mem>>
    tpu.enqueue_indirect_dma source(%dma_start3A_138 : memref<1000000x64xf32, #tpu.memory_space<hbm>>) target(%arg7 : memref<128x64xf32, #tpu.memory_space<vmem>>) offsets(%dma_start3A_135 : memref<128xi32, #tpu.memory_space<vmem>>) semaphore(%dma_start3A_140 : memref<!tpu.dma_semaphore, #tpu.memory_space<semaphore_mem>>)
    %scan3A_141 = arith.constant 0 : i32
    %scan3A_142 = arith.constant 0 : i32
    %scan3A_143 = arith.constant 25 : i32
    %scan3A_144 = arith.addi %scan3A_142, %scan3A_143 : i32
    %scan3A_145 = arith.constant 1 : i32
    scf.for %scan3A_195 = %scan3A_142 to %scan3A_144 step %scan3A_145  : i32 {
      %mul3A_196 = arith.constant 2 : i32
      %mul3A_197 = arith.muli %mul3A_196, %scan3A_195 : i32
      %add3A_198 = arith.constant 0 : i32
      %add3A_199 = arith.addi %mul3A_197, %add3A_198 : i32
      %add3A_200 = arith.constant 1 : i32
      %add3A_201 = arith.addi %add3A_199, %add3A_200 : i32
      %lt3A = arith.constant 50 : i32
      %lt3A_202 = arith.cmpi slt, %add3A_201, %lt3A : i32
      %convert_element_type3A = arith.extui %lt3A_202 : i1 to i32
      %cond3A = arith.constant 0 : i32
      %cond3A_203 = arith.cmpi ne, %convert_element_type3A, %cond3A : i32
      scf.if %cond3A_203 {
        %add3A_323 = arith.constant 1 : i32
        %add3A_324 = arith.addi %add3A_199, %add3A_323 : i32
        %dma_start3A_325 = arith.constant 1 : i32
        %dma_start3A_326 = arith.constant 0 : i32
        %dma_start3A_327 = tpu.memref_slice %arg6[%add3A_324, %dma_start3A_326] : memref<50x128xi32, #tpu.memory_space<vmem>> -> memref<1x128xi32, #tpu.memory_space<vmem>>
        %dma_start3A_328 = tpu.memref_squeeze %dma_start3A_327 : memref<1x128xi32, #tpu.memory_space<vmem>> -> memref<128xi32, #tpu.memory_space<vmem>>
        %dma_start3A_329 = arith.constant 0 : i32
        %dma_start3A_330 = arith.constant 0 : i32
        %dma_start3A_331 = tpu.memref_slice %arg2[%dma_start3A_329, %dma_start3A_330] : memref<1000000x64xf32, #tpu.memory_space<hbm>> -> memref<1000000x64xf32, #tpu.memory_space<hbm>>
        %dma_start3A_332 = tpu.memref_slice %arg11[%dma_start3A_325] : memref<2x!tpu.dma_semaphore, #tpu.memory_space<semaphore_mem>> -> memref<1x!tpu.dma_semaphore, #tpu.memory_space<semaphore_mem>>
        %dma_start3A_333 = tpu.memref_squeeze %dma_start3A_332 : memref<1x!tpu.dma_semaphore, #tpu.memory_space<semaphore_mem>> -> memref<!tpu.dma_semaphore, #tpu.memory_space<semaphore_mem>>
        tpu.enqueue_indirect_dma source(%dma_start3A_331 : memref<1000000x64xf32, #tpu.memory_space<hbm>>) target(%arg8 : memref<128x64xf32, #tpu.memory_space<vmem>>) offsets(%dma_start3A_328 : memref<128xi32, #tpu.memory_space<vmem>>) semaphore(%dma_start3A_333 : memref<!tpu.dma_semaphore, #tpu.memory_space<semaphore_mem>>)
      } else {
      }
      %dma_wait3A_204 = arith.constant 0 : i32
      %dma_wait3A_205 = arith.constant 0 : i32
      %dma_wait3A_206 = tpu.memref_slice %arg6[%add3A_199, %dma_wait3A_205] : memref<50x128xi32, #tpu.memory_space<vmem>> -> memref<1x128xi32, #tpu.memory_space<vmem>>
      %dma_wait3A_207 = tpu.memref_squeeze %dma_wait3A_206 : memref<1x128xi32, #tpu.memory_space<vmem>> -> memref<128xi32, #tpu.memory_space<vmem>>
      %dma_wait3A_208 = arith.constant 0 : i32
      %dma_wait3A_209 = arith.constant 0 : i32
      %dma_wait3A_210 = tpu.memref_slice %arg2[%dma_wait3A_208, %dma_wait3A_209] : memref<1000000x64xf32, #tpu.memory_space<hbm>> -> memref<1000000x64xf32, #tpu.memory_space<hbm>>
      %dma_wait3A_211 = tpu.memref_slice %arg11[%dma_wait3A_204] : memref<2x!tpu.dma_semaphore, #tpu.memory_space<semaphore_mem>> -> memref<1x!tpu.dma_semaphore, #tpu.memory_space<semaphore_mem>>
      %dma_wait3A_212 = tpu.memref_squeeze %dma_wait3A_211 : memref<1x!tpu.dma_semaphore, #tpu.memory_space<semaphore_mem>> -> memref<!tpu.dma_semaphore, #tpu.memory_space<semaphore_mem>>
      tpu.wait_indirect_dma semaphore(%dma_wait3A_212 : memref<!tpu.dma_semaphore, #tpu.memory_space<semaphore_mem>>) src(%dma_wait3A_210 : memref<1000000x64xf32, #tpu.memory_space<hbm>>) dst(%arg7 : memref<128x64xf32, #tpu.memory_space<vmem>>)
      %dma_wait3A_213 = arith.constant 0 : i32
      %dma_wait3A_214 = arith.constant 0 : i32
      %dma_wait3A_215 = arith.constant 0 : i32
      %dma_wait3A_216 = arith.constant 0 : i32
      %dma_wait3A_217 = tpu.memref_slice %arg9[%dma_wait3A_214, %dma_wait3A_215, %dma_wait3A_216] : memref<8x8x129xf32, #tpu.memory_space<vmem>> -> memref<8x8x128xf32, #tpu.memory_space<vmem>>
      %dma_wait3A_218 = arith.constant 0 : i32
      %dma_wait3A_219 = arith.constant 0 : i32
      %dma_wait3A_220 = arith.constant 0 : i32
      %dma_wait3A_221 = tpu.memref_slice %arg4[%add3A_199, %dma_wait3A_218, %add3A_125, %dma_wait3A_219, %dma_wait3A_220] : memref<50x8x128x8x128xf32, #tpu.memory_space<hbm>> -> memref<1x8x1x8x128xf32, #tpu.memory_space<hbm>>
      %dma_wait3A_222 = tpu.memref_squeeze %dma_wait3A_221 : memref<1x8x1x8x128xf32, #tpu.memory_space<hbm>> -> memref<8x8x128xf32, #tpu.memory_space<hbm>>
      %dma_wait3A_223 = tpu.memref_slice %arg12[%dma_wait3A_213] : memref<2x!tpu.dma_semaphore, #tpu.memory_space<semaphore_mem>> -> memref<1x!tpu.dma_semaphore, #tpu.memory_space<semaphore_mem>>
      %dma_wait3A_224 = tpu.memref_squeeze %dma_wait3A_223 : memref<1x!tpu.dma_semaphore, #tpu.memory_space<semaphore_mem>> -> memref<!tpu.dma_semaphore, #tpu.memory_space<semaphore_mem>>
      %dma_wait3A_225 = arith.constant 0 : i32
      %dma_wait3A_226 = arith.constant 0 : i32
      %dma_wait3A_227 = arith.constant 0 : i32
      %dma_wait3A_228 = tpu.memref_slice %arg4[%add3A_199, %dma_wait3A_225, %add3A_125, %dma_wait3A_226, %dma_wait3A_227] : memref<50x8x128x8x128xf32, #tpu.memory_space<hbm>> -> memref<1x8x1x8x128xf32, #tpu.memory_space<hbm>>
      %dma_wait3A_229 = tpu.memref_squeeze %dma_wait3A_228 : memref<1x8x1x8x128xf32, #tpu.memory_space<hbm>> -> memref<8x8x128xf32, #tpu.memory_space<hbm>>
      %dma_wait3A_230 = arith.constant 0 : i32
      %dma_wait3A_231 = arith.constant 0 : i32
      %dma_wait3A_232 = arith.constant 0 : i32
      %dma_wait3A_233 = tpu.memref_slice %arg9[%dma_wait3A_230, %dma_wait3A_231, %dma_wait3A_232] : memref<8x8x129xf32, #tpu.memory_space<vmem>> -> memref<8x8x128xf32, #tpu.memory_space<vmem>>
      tpu.wait_dma2 semaphore(%dma_wait3A_224 : memref<!tpu.dma_semaphore, #tpu.memory_space<semaphore_mem>>) src(%dma_wait3A_233 : memref<8x8x128xf32, #tpu.memory_space<vmem>>) dst(%dma_wait3A_229 : memref<8x8x128xf32, #tpu.memory_space<hbm>>)
      %parallel_loop3A_234 = arith.constant 0 : i32
      %parallel_loop3A_235 = arith.constant 128 : i32
      %parallel_loop3A_236 = arith.constant 1 : i32
      scf.for %parallel_loop3A_323 = %parallel_loop3A_234 to %parallel_loop3A_235 step %parallel_loop3A_236  : i32 {
        %parallel_loop3A_324 = vector.broadcast %parallel_loop3A_323 : i32 to vector<16xi32>
        %parallel_loop3A_325 = arith.index_cast %parallel_loop3A_323 : i32 to index
        %parallel_loop3A_326 = arith.constant 0 : index
        %parallel_loop3A_327 = tpu.vector_load %arg7[%parallel_loop3A_325, %parallel_loop3A_326] {strides = array<i32>} : memref<128x64xf32, #tpu.memory_space<vmem>>, vector<16xf32>,
        tpu.vector_store_idx %arg9[%add3A_29, %and3A_49, %parallel_loop3A_324], %parallel_loop3A_327 : memref<8x8x129xf32, #tpu.memory_space<vmem>>[vector<16xi32>, vector<16xi32>, vector<16xi32>], vector<16xf32>,
        %parallel_loop3A_328 = arith.index_cast %parallel_loop3A_323 : i32 to index
        %parallel_loop3A_329 = arith.constant 16 : index
        %parallel_loop3A_330 = tpu.vector_load %arg7[%parallel_loop3A_328, %parallel_loop3A_329] {strides = array<i32>} : memref<128x64xf32, #tpu.memory_space<vmem>>, vector<16xf32>,
        tpu.vector_store_idx %arg9[%add3A_35, %and3A_49, %parallel_loop3A_324], %parallel_loop3A_330 : memref<8x8x129xf32, #tpu.memory_space<vmem>>[vector<16xi32>, vector<16xi32>, vector<16xi32>], vector<16xf32>,
        %parallel_loop3A_331 = arith.index_cast %parallel_loop3A_323 : i32 to index
        %parallel_loop3A_332 = arith.constant 32 : index
        %parallel_loop3A_333 = tpu.vector_load %arg7[%parallel_loop3A_331, %parallel_loop3A_332] {strides = array<i32>} : memref<128x64xf32, #tpu.memory_space<vmem>>, vector<16xf32>,
        tpu.vector_store_idx %arg9[%add3A_41, %and3A_49, %parallel_loop3A_324], %parallel_loop3A_333 : memref<8x8x129xf32, #tpu.memory_space<vmem>>[vector<16xi32>, vector<16xi32>, vector<16xi32>], vector<16xf32>,
        %parallel_loop3A_334 = arith.index_cast %parallel_loop3A_323 : i32 to index
        %parallel_loop3A_335 = arith.constant 48 : index
        %parallel_loop3A_336 = tpu.vector_load %arg7[%parallel_loop3A_334, %parallel_loop3A_335] {strides = array<i32>} : memref<128x64xf32, #tpu.memory_space<vmem>>, vector<16xf32>,
        tpu.vector_store_idx %arg9[%add3A_47, %and3A_49, %parallel_loop3A_324], %parallel_loop3A_336 : memref<8x8x129xf32, #tpu.memory_space<vmem>>[vector<16xi32>, vector<16xi32>, vector<16xi32>], vector<16xf32>,
      } {sc.loop_unroll_factor = 6 : i64, sc.parallel_access}
      %dma_start3A_237 = arith.constant 0 : i32
      %dma_start3A_238 = arith.constant 0 : i32
      %dma_start3A_239 = arith.constant 0 : i32
      %dma_start3A_240 = arith.constant 0 : i32
      %dma_start3A_241 = tpu.memref_slice %arg9[%dma_start3A_238, %dma_start3A_239, %dma_start3A_240] : memref<8x8x129xf32, #tpu.memory_space<vmem>> -> memref<8x8x128xf32, #tpu.memory_space<vmem>>
      %dma_start3A_242 = arith.constant 0 : i32
      %dma_start3A_243 = arith.constant 0 : i32
      %dma_start3A_244 = arith.constant 0 : i32
      %dma_start3A_245 = tpu.memref_slice %arg4[%add3A_199, %dma_start3A_242, %add3A_125, %dma_start3A_243, %dma_start3A_244] : memref<50x8x128x8x128xf32, #tpu.memory_space<hbm>> -> memref<1x8x1x8x128xf32, #tpu.memory_space<hbm>>
      %dma_start3A_246 = tpu.memref_squeeze %dma_start3A_245 : memref<1x8x1x8x128xf32, #tpu.memory_space<hbm>> -> memref<8x8x128xf32, #tpu.memory_space<hbm>>
      %dma_start3A_247 = tpu.memref_slice %arg12[%dma_start3A_237] : memref<2x!tpu.dma_semaphore, #tpu.memory_space<semaphore_mem>> -> memref<1x!tpu.dma_semaphore, #tpu.memory_space<semaphore_mem>>
      %dma_start3A_248 = tpu.memref_squeeze %dma_start3A_247 : memref<1x!tpu.dma_semaphore, #tpu.memory_space<semaphore_mem>> -> memref<!tpu.dma_semaphore, #tpu.memory_space<semaphore_mem>>
      %dma_start3A_249 = arith.constant 0 : i32
      %dma_start3A_250 = arith.constant 0 : i32
      %dma_start3A_251 = arith.constant 0 : i32
      %dma_start3A_252 = tpu.memref_slice %arg4[%add3A_199, %dma_start3A_249, %add3A_125, %dma_start3A_250, %dma_start3A_251] : memref<50x8x128x8x128xf32, #tpu.memory_space<hbm>> -> memref<1x8x1x8x128xf32, #tpu.memory_space<hbm>>
      %dma_start3A_253 = tpu.memref_squeeze %dma_start3A_252 : memref<1x8x1x8x128xf32, #tpu.memory_space<hbm>> -> memref<8x8x128xf32, #tpu.memory_space<hbm>>
      %dma_start3A_254 = arith.constant 0 : i32
      %dma_start3A_255 = arith.constant 0 : i32
      %dma_start3A_256 = arith.constant 0 : i32
      %dma_start3A_257 = tpu.memref_slice %arg9[%dma_start3A_254, %dma_start3A_255, %dma_start3A_256] : memref<8x8x129xf32, #tpu.memory_space<vmem>> -> memref<8x8x128xf32, #tpu.memory_space<vmem>>
      tpu.enqueue_dma source(%dma_start3A_257 : memref<8x8x128xf32, #tpu.memory_space<vmem>>) target(%dma_start3A_253 : memref<8x8x128xf32, #tpu.memory_space<hbm>>) target_semaphore(%dma_start3A_248 : memref<!tpu.dma_semaphore, #tpu.memory_space<semaphore_mem>>)
      %mul3A_258 = arith.constant 2 : i32
      %mul3A_259 = arith.muli %mul3A_258, %scan3A_195 : i32
      %add3A_260 = arith.constant 1 : i32
      %add3A_261 = arith.addi %mul3A_259, %add3A_260 : i32
      %add3A_262 = arith.constant 1 : i32
      %add3A_263 = arith.addi %add3A_261, %add3A_262 : i32
      %lt3A_264 = arith.constant 50 : i32
      %lt3A_265 = arith.cmpi slt, %add3A_263, %lt3A_264 : i32
      %convert_element_type3A_266 = arith.extui %lt3A_265 : i1 to i32
      %cond3A_267 = arith.constant 0 : i32
      %cond3A_268 = arith.cmpi ne, %convert_element_type3A_266, %cond3A_267 : i32
      scf.if %cond3A_268 {
        %add3A_323 = arith.constant 1 : i32
        %add3A_324 = arith.addi %add3A_261, %add3A_323 : i32
        %dma_start3A_325 = arith.constant 0 : i32
        %dma_start3A_326 = arith.constant 0 : i32
        %dma_start3A_327 = tpu.memref_slice %arg6[%add3A_324, %dma_start3A_326] : memref<50x128xi32, #tpu.memory_space<vmem>> -> memref<1x128xi32, #tpu.memory_space<vmem>>
        %dma_start3A_328 = tpu.memref_squeeze %dma_start3A_327 : memref<1x128xi32, #tpu.memory_space<vmem>> -> memref<128xi32, #tpu.memory_space<vmem>>
        %dma_start3A_329 = arith.constant 0 : i32
        %dma_start3A_330 = arith.constant 0 : i32
        %dma_start3A_331 = tpu.memref_slice %arg2[%dma_start3A_329, %dma_start3A_330] : memref<1000000x64xf32, #tpu.memory_space<hbm>> -> memref<1000000x64xf32, #tpu.memory_space<hbm>>
        %dma_start3A_332 = tpu.memref_slice %arg11[%dma_start3A_325] : memref<2x!tpu.dma_semaphore, #tpu.memory_space<semaphore_mem>> -> memref<1x!tpu.dma_semaphore, #tpu.memory_space<semaphore_mem>>
        %dma_start3A_333 = tpu.memref_squeeze %dma_start3A_332 : memref<1x!tpu.dma_semaphore, #tpu.memory_space<semaphore_mem>> -> memref<!tpu.dma_semaphore, #tpu.memory_space<semaphore_mem>>
        tpu.enqueue_indirect_dma source(%dma_start3A_331 : memref<1000000x64xf32, #tpu.memory_space<hbm>>) target(%arg7 : memref<128x64xf32, #tpu.memory_space<vmem>>) offsets(%dma_start3A_328 : memref<128xi32, #tpu.memory_space<vmem>>) semaphore(%dma_start3A_333 : memref<!tpu.dma_semaphore, #tpu.memory_space<semaphore_mem>>)
      } else {
      }
      %dma_wait3A_269 = arith.constant 1 : i32
      %dma_wait3A_270 = arith.constant 0 : i32
      %dma_wait3A_271 = tpu.memref_slice %arg6[%add3A_261, %dma_wait3A_270] : memref<50x128xi32, #tpu.memory_space<vmem>> -> memref<1x128xi32, #tpu.memory_space<vmem>>
      %dma_wait3A_272 = tpu.memref_squeeze %dma_wait3A_271 : memref<1x128xi32, #tpu.memory_space<vmem>> -> memref<128xi32, #tpu.memory_space<vmem>>
      %dma_wait3A_273 = arith.constant 0 : i32
      %dma_wait3A_274 = arith.constant 0 : i32
      %dma_wait3A_275 = tpu.memref_slice %arg2[%dma_wait3A_273, %dma_wait3A_274] : memref<1000000x64xf32, #tpu.memory_space<hbm>> -> memref<1000000x64xf32, #tpu.memory_space<hbm>>
      %dma_wait3A_276 = tpu.memref_slice %arg11[%dma_wait3A_269] : memref<2x!tpu.dma_semaphore, #tpu.memory_space<semaphore_mem>> -> memref<1x!tpu.dma_semaphore, #tpu.memory_space<semaphore_mem>>
      %dma_wait3A_277 = tpu.memref_squeeze %dma_wait3A_276 : memref<1x!tpu.dma_semaphore, #tpu.memory_space<semaphore_mem>> -> memref<!tpu.dma_semaphore, #tpu.memory_space<semaphore_mem>>
      tpu.wait_indirect_dma semaphore(%dma_wait3A_277 : memref<!tpu.dma_semaphore, #tpu.memory_space<semaphore_mem>>) src(%dma_wait3A_275 : memref<1000000x64xf32, #tpu.memory_space<hbm>>) dst(%arg8 : memref<128x64xf32, #tpu.memory_space<vmem>>)
      %dma_wait3A_278 = arith.constant 1 : i32
      %dma_wait3A_279 = arith.constant 0 : i32
      %dma_wait3A_280 = arith.constant 0 : i32
      %dma_wait3A_281 = arith.constant 0 : i32
      %dma_wait3A_282 = tpu.memref_slice %arg10[%dma_wait3A_279, %dma_wait3A_280, %dma_wait3A_281] : memref<8x8x129xf32, #tpu.memory_space<vmem>> -> memref<8x8x128xf32, #tpu.memory_space<vmem>>
      %dma_wait3A_283 = arith.constant 0 : i32
      %dma_wait3A_284 = arith.constant 0 : i32
      %dma_wait3A_285 = arith.constant 0 : i32
      %dma_wait3A_286 = tpu.memref_slice %arg4[%add3A_261, %dma_wait3A_283, %add3A_125, %dma_wait3A_284, %dma_wait3A_285] : memref<50x8x128x8x128xf32, #tpu.memory_space<hbm>> -> memref<1x8x1x8x128xf32, #tpu.memory_space<hbm>>
      %dma_wait3A_287 = tpu.memref_squeeze %dma_wait3A_286 : memref<1x8x1x8x128xf32, #tpu.memory_space<hbm>> -> memref<8x8x128xf32, #tpu.memory_space<hbm>>
      %dma_wait3A_288 = tpu.memref_slice %arg12[%dma_wait3A_278] : memref<2x!tpu.dma_semaphore, #tpu.memory_space<semaphore_mem>> -> memref<1x!tpu.dma_semaphore, #tpu.memory_space<semaphore_mem>>
      %dma_wait3A_289 = tpu.memref_squeeze %dma_wait3A_288 : memref<1x!tpu.dma_semaphore, #tpu.memory_space<semaphore_mem>> -> memref<!tpu.dma_semaphore, #tpu.memory_space<semaphore_mem>>
      %dma_wait3A_290 = arith.constant 0 : i32
      %dma_wait3A_291 = arith.constant 0 : i32
      %dma_wait3A_292 = arith.constant 0 : i32
      %dma_wait3A_293 = tpu.memref_slice %arg4[%add3A_261, %dma_wait3A_290, %add3A_125, %dma_wait3A_291, %dma_wait3A_292] : memref<50x8x128x8x128xf32, #tpu.memory_space<hbm>> -> memref<1x8x1x8x128xf32, #tpu.memory_space<hbm>>
      %dma_wait3A_294 = tpu.memref_squeeze %dma_wait3A_293 : memref<1x8x1x8x128xf32, #tpu.memory_space<hbm>> -> memref<8x8x128xf32, #tpu.memory_space<hbm>>
      %dma_wait3A_295 = arith.constant 0 : i32
      %dma_wait3A_296 = arith.constant 0 : i32
      %dma_wait3A_297 = arith.constant 0 : i32
      %dma_wait3A_298 = tpu.memref_slice %arg10[%dma_wait3A_295, %dma_wait3A_296, %dma_wait3A_297] : memref<8x8x129xf32, #tpu.memory_space<vmem>> -> memref<8x8x128xf32, #tpu.memory_space<vmem>>
      tpu.wait_dma2 semaphore(%dma_wait3A_289 : memref<!tpu.dma_semaphore, #tpu.memory_space<semaphore_mem>>) src(%dma_wait3A_298 : memref<8x8x128xf32, #tpu.memory_space<vmem>>) dst(%dma_wait3A_294 : memref<8x8x128xf32, #tpu.memory_space<hbm>>)
      %parallel_loop3A_299 = arith.constant 0 : i32
      %parallel_loop3A_300 = arith.constant 128 : i32
      %parallel_loop3A_301 = arith.constant 1 : i32
      scf.for %parallel_loop3A_323 = %parallel_loop3A_299 to %parallel_loop3A_300 step %parallel_loop3A_301  : i32 {
        %parallel_loop3A_324 = vector.broadcast %parallel_loop3A_323 : i32 to vector<16xi32>
        %parallel_loop3A_325 = arith.index_cast %parallel_loop3A_323 : i32 to index
        %parallel_loop3A_326 = arith.constant 0 : index
        %parallel_loop3A_327 = tpu.vector_load %arg8[%parallel_loop3A_325, %parallel_loop3A_326] {strides = array<i32>} : memref<128x64xf32, #tpu.memory_space<vmem>>, vector<16xf32>,
        tpu.vector_store_idx %arg10[%add3A_29, %and3A_49, %parallel_loop3A_324], %parallel_loop3A_327 : memref<8x8x129xf32, #tpu.memory_space<vmem>>[vector<16xi32>, vector<16xi32>, vector<16xi32>], vector<16xf32>,
        %parallel_loop3A_328 = arith.index_cast %parallel_loop3A_323 : i32 to index
        %parallel_loop3A_329 = arith.constant 16 : index
        %parallel_loop3A_330 = tpu.vector_load %arg8[%parallel_loop3A_328, %parallel_loop3A_329] {strides = array<i32>} : memref<128x64xf32, #tpu.memory_space<vmem>>, vector<16xf32>,
        tpu.vector_store_idx %arg10[%add3A_35, %and3A_49, %parallel_loop3A_324], %parallel_loop3A_330 : memref<8x8x129xf32, #tpu.memory_space<vmem>>[vector<16xi32>, vector<16xi32>, vector<16xi32>], vector<16xf32>,
        %parallel_loop3A_331 = arith.index_cast %parallel_loop3A_323 : i32 to index
        %parallel_loop3A_332 = arith.constant 32 : index
        %parallel_loop3A_333 = tpu.vector_load %arg8[%parallel_loop3A_331, %parallel_loop3A_332] {strides = array<i32>} : memref<128x64xf32, #tpu.memory_space<vmem>>, vector<16xf32>,
        tpu.vector_store_idx %arg10[%add3A_41, %and3A_49, %parallel_loop3A_324], %parallel_loop3A_333 : memref<8x8x129xf32, #tpu.memory_space<vmem>>[vector<16xi32>, vector<16xi32>, vector<16xi32>], vector<16xf32>,
        %parallel_loop3A_334 = arith.index_cast %parallel_loop3A_323 : i32 to index
        %parallel_loop3A_335 = arith.constant 48 : index
        %parallel_loop3A_336 = tpu.vector_load %arg8[%parallel_loop3A_334, %parallel_loop3A_335] {strides = array<i32>} : memref<128x64xf32, #tpu.memory_space<vmem>>, vector<16xf32>,
        tpu.vector_store_idx %arg10[%add3A_47, %and3A_49, %parallel_loop3A_324], %parallel_loop3A_336 : memref<8x8x129xf32, #tpu.memory_space<vmem>>[vector<16xi32>, vector<16xi32>, vector<16xi32>], vector<16xf32>,
      } {sc.loop_unroll_factor = 6 : i64, sc.parallel_access}
      %dma_start3A_302 = arith.constant 1 : i32
      %dma_start3A_303 = arith.constant 0 : i32
      %dma_start3A_304 = arith.constant 0 : i32
      %dma_start3A_305 = arith.constant 0 : i32
      %dma_start3A_306 = tpu.memref_slice %arg10[%dma_start3A_303, %dma_start3A_304, %dma_start3A_305] : memref<8x8x129xf32, #tpu.memory_space<vmem>> -> memref<8x8x128xf32, #tpu.memory_space<vmem>>
      %dma_start3A_307 = arith.constant 0 : i32
      %dma_start3A_308 = arith.constant 0 : i32
      %dma_start3A_309 = arith.constant 0 : i32
      %dma_start3A_310 = tpu.memref_slice %arg4[%add3A_261, %dma_start3A_307, %add3A_125, %dma_start3A_308, %dma_start3A_309] : memref<50x8x128x8x128xf32, #tpu.memory_space<hbm>> -> memref<1x8x1x8x128xf32, #tpu.memory_space<hbm>>
      %dma_start3A_311 = tpu.memref_squeeze %dma_start3A_310 : memref<1x8x1x8x128xf32, #tpu.memory_space<hbm>> -> memref<8x8x128xf32, #tpu.memory_space<hbm>>
      %dma_start3A_312 = tpu.memref_slice %arg12[%dma_start3A_302] : memref<2x!tpu.dma_semaphore, #tpu.memory_space<semaphore_mem>> -> memref<1x!tpu.dma_semaphore, #tpu.memory_space<semaphore_mem>>
      %dma_start3A_313 = tpu.memref_squeeze %dma_start3A_312 : memref<1x!tpu.dma_semaphore, #tpu.memory_space<semaphore_mem>> -> memref<!tpu.dma_semaphore, #tpu.memory_space<semaphore_mem>>
      %dma_start3A_314 = arith.constant 0 : i32
      %dma_start3A_315 = arith.constant 0 : i32
      %dma_start3A_316 = arith.constant 0 : i32
      %dma_start3A_317 = tpu.memref_slice %arg4[%add3A_261, %dma_start3A_314, %add3A_125, %dma_start3A_315, %dma_start3A_316] : memref<50x8x128x8x128xf32, #tpu.memory_space<hbm>> -> memref<1x8x1x8x128xf32, #tpu.memory_space<hbm>>
      %dma_start3A_318 = tpu.memref_squeeze %dma_start3A_317 : memref<1x8x1x8x128xf32, #tpu.memory_space<hbm>> -> memref<8x8x128xf32, #tpu.memory_space<hbm>>
      %dma_start3A_319 = arith.constant 0 : i32
      %dma_start3A_320 = arith.constant 0 : i32
      %dma_start3A_321 = arith.constant 0 : i32
      %dma_start3A_322 = tpu.memref_slice %arg10[%dma_start3A_319, %dma_start3A_320, %dma_start3A_321] : memref<8x8x129xf32, #tpu.memory_space<vmem>> -> memref<8x8x128xf32, #tpu.memory_space<vmem>>
      tpu.enqueue_dma source(%dma_start3A_322 : memref<8x8x128xf32, #tpu.memory_space<vmem>>) target(%dma_start3A_318 : memref<8x8x128xf32, #tpu.memory_space<hbm>>) target_semaphore(%dma_start3A_313 : memref<!tpu.dma_semaphore, #tpu.memory_space<semaphore_mem>>)
    }
    %scan3A_146 = arith.constant 25 : i32
    %mul3A_147 = arith.constant 4 : i32
    %mul3A_148 = arith.muli %add3A, %mul3A_147 : i32
    %add3A_149 = arith.constant 4 : i32
    %add3A_150 = arith.addi %mul3A_148, %add3A_149 : i32
    %sub3A = arith.constant 1 : i32
    %sub3A_151 = arith.subi %add3A_150, %sub3A : i32
    %dma_wait3A = arith.constant 48 : i32
    %dma_wait3A_152 = arith.constant 0 : i32
    %dma_wait3A_153 = arith.constant 0 : i32
    %dma_wait3A_154 = arith.constant 0 : i32
    %dma_wait3A_155 = arith.constant 0 : i32
    %dma_wait3A_156 = tpu.memref_slice %arg9[%dma_wait3A_153, %dma_wait3A_154, %dma_wait3A_155] : memref<8x8x129xf32, #tpu.memory_space<vmem>> -> memref<8x8x128xf32, #tpu.memory_space<vmem>>
    %dma_wait3A_157 = arith.constant 0 : i32
    %dma_wait3A_158 = arith.constant 0 : i32
    %dma_wait3A_159 = arith.constant 0 : i32
    %dma_wait3A_160 = tpu.memref_slice %arg4[%dma_wait3A, %dma_wait3A_157, %sub3A_151, %dma_wait3A_158, %dma_wait3A_159] : memref<50x8x128x8x128xf32, #tpu.memory_space<hbm>> -> memref<1x8x1x8x128xf32, #tpu.memory_space<hbm>>
    %dma_wait3A_161 = tpu.memref_squeeze %dma_wait3A_160 : memref<1x8x1x8x128xf32, #tpu.memory_space<hbm>> -> memref<8x8x128xf32, #tpu.memory_space<hbm>>
    %dma_wait3A_162 = tpu.memref_slice %arg12[%dma_wait3A_152] : memref<2x!tpu.dma_semaphore, #tpu.memory_space<semaphore_mem>> -> memref<1x!tpu.dma_semaphore, #tpu.memory_space<semaphore_mem>>
    %dma_wait3A_163 = tpu.memref_squeeze %dma_wait3A_162 : memref<1x!tpu.dma_semaphore, #tpu.memory_space<semaphore_mem>> -> memref<!tpu.dma_semaphore, #tpu.memory_space<semaphore_mem>>
    %dma_wait3A_164 = arith.constant 0 : i32
    %dma_wait3A_165 = arith.constant 0 : i32
    %dma_wait3A_166 = arith.constant 0 : i32
    %dma_wait3A_167 = tpu.memref_slice %arg4[%dma_wait3A, %dma_wait3A_164, %sub3A_151, %dma_wait3A_165, %dma_wait3A_166] : memref<50x8x128x8x128xf32, #tpu.memory_space<hbm>> -> memref<1x8x1x8x128xf32, #tpu.memory_space<hbm>>
    %dma_wait3A_168 = tpu.memref_squeeze %dma_wait3A_167 : memref<1x8x1x8x128xf32, #tpu.memory_space<hbm>> -> memref<8x8x128xf32, #tpu.memory_space<hbm>>
    %dma_wait3A_169 = arith.constant 0 : i32
    %dma_wait3A_170 = arith.constant 0 : i32
    %dma_wait3A_171 = arith.constant 0 : i32
    %dma_wait3A_172 = tpu.memref_slice %arg9[%dma_wait3A_169, %dma_wait3A_170, %dma_wait3A_171] : memref<8x8x129xf32, #tpu.memory_space<vmem>> -> memref<8x8x128xf32, #tpu.memory_space<vmem>>
    tpu.wait_dma2 semaphore(%dma_wait3A_163 : memref<!tpu.dma_semaphore, #tpu.memory_space<semaphore_mem>>) src(%dma_wait3A_172 : memref<8x8x128xf32, #tpu.memory_space<vmem>>) dst(%dma_wait3A_168 : memref<8x8x128xf32, #tpu.memory_space<hbm>>)
    %dma_wait3A_173 = arith.constant 49 : i32
    %dma_wait3A_174 = arith.constant 1 : i32
    %dma_wait3A_175 = arith.constant 0 : i32
    %dma_wait3A_176 = arith.constant 0 : i32
    %dma_wait3A_177 = arith.constant 0 : i32
    %dma_wait3A_178 = tpu.memref_slice %arg10[%dma_wait3A_175, %dma_wait3A_176, %dma_wait3A_177] : memref<8x8x129xf32, #tpu.memory_space<vmem>> -> memref<8x8x128xf32, #tpu.memory_space<vmem>>
    %dma_wait3A_179 = arith.constant 0 : i32
    %dma_wait3A_180 = arith.constant 0 : i32
    %dma_wait3A_181 = arith.constant 0 : i32
    %dma_wait3A_182 = tpu.memref_slice %arg4[%dma_wait3A_173, %dma_wait3A_179, %sub3A_151, %dma_wait3A_180, %dma_wait3A_181] : memref<50x8x128x8x128xf32, #tpu.memory_space<hbm>> -> memref<1x8x1x8x128xf32, #tpu.memory_space<hbm>>
    %dma_wait3A_183 = tpu.memref_squeeze %dma_wait3A_182 : memref<1x8x1x8x128xf32, #tpu.memory_space<hbm>> -> memref<8x8x128xf32, #tpu.memory_space<hbm>>
    %dma_wait3A_184 = tpu.memref_slice %arg12[%dma_wait3A_174] : memref<2x!tpu.dma_semaphore, #tpu.memory_space<semaphore_mem>> -> memref<1x!tpu.dma_semaphore, #tpu.memory_space<semaphore_mem>>
    %dma_wait3A_185 = tpu.memref_squeeze %dma_wait3A_184 : memref<1x!tpu.dma_semaphore, #tpu.memory_space<semaphore_mem>> -> memref<!tpu.dma_semaphore, #tpu.memory_space<semaphore_mem>>
    %dma_wait3A_186 = arith.constant 0 : i32
    %dma_wait3A_187 = arith.constant 0 : i32
    %dma_wait3A_188 = arith.constant 0 : i32
    %dma_wait3A_189 = tpu.memref_slice %arg4[%dma_wait3A_173, %dma_wait3A_186, %sub3A_151, %dma_wait3A_187, %dma_wait3A_188] : memref<50x8x128x8x128xf32, #tpu.memory_space<hbm>> -> memref<1x8x1x8x128xf32, #tpu.memory_space<hbm>>
    %dma_wait3A_190 = tpu.memref_squeeze %dma_wait3A_189 : memref<1x8x1x8x128xf32, #tpu.memory_space<hbm>> -> memref<8x8x128xf32, #tpu.memory_space<hbm>>
    %dma_wait3A_191 = arith.constant 0 : i32
    %dma_wait3A_192 = arith.constant 0 : i32
    %dma_wait3A_193 = arith.constant 0 : i32
    %dma_wait3A_194 = tpu.memref_slice %arg10[%dma_wait3A_191, %dma_wait3A_192, %dma_wait3A_193] : memref<8x8x129xf32, #tpu.memory_space<vmem>> -> memref<8x8x128xf32, #tpu.memory_space<vmem>>
    tpu.wait_dma2 semaphore(%dma_wait3A_185 : memref<!tpu.dma_semaphore, #tpu.memory_space<semaphore_mem>>) src(%dma_wait3A_194 : memref<8x8x128xf32, #tpu.memory_space<vmem>>) dst(%dma_wait3A_190 : memref<8x8x128xf32, #tpu.memory_space<hbm>>)
    return
  }
}

</mosaic_0001>

<sc_bundles>
// kernel: kernel.3.cloned.1.call-start
scs
__scs_entry_jumppad:
0x0: {  	(pc) =	sbr.rel $0x88, $3  }
0x1: {  	(tag) =	ssettag $0x0;
	lr =	simm.s32 $0x1  }
0x2: {  	[smem:$0x3F9F] =	sst lr;
	_ =	strace $0xD0000000  }
0x3: {  	_ = 	snop  }
0x4: {  	_ = 	snop  }
0x5: {  	_ = 	snop  }
0x6: {  	_ = 	snop  }
0x7: {  	_ = 	snop  }
__scs_overlays_trampoline_lowered:
0x8: {  	[smem:$0x3FAE] =	sst s0  }
0x9: {  	[smem:$0x3FAF] =	sst s1  }
0xa: {  	[smem:$0x3FB0] =	sst s2  }
0xb: {  	[smem:$0x3FB1] =	sst s3  }
0xc: {  	[smem:$0x3FB2] =	sst s4  }
0xd: {  	[smem:$0x3FB3] =	sst s5  }
0xe: {  	[smem:$0x3FB4] =	sst s6  }
0xf: {  	[smem:$0x3FB5] =	sst s7  }
0x10: {  	[smem:$0x3FB6] =	sst s8  }
0x11: {  	[smem:$0x3FB7] =	sst s9;
	s0 =	simm.s32 @!p0 $0x0  }
0x12: {  	s1 =	sld [smem:$0x3F9D];
	s0 =	simm.s32 @p0 $0x1  }
0x13: {  	[smem:$0x3FB8] =	sst s0;
	s0 =	simm.s32 @!p1 $0x0  }
0x14: {  	s2 =	sld [smem:$0x3F9C];
	s0 =	simm.s32 @p1 $0x1  }
0x15: {  	[smem:$0x3FB9] =	sst s0;
	s0 =	simm.s32 @!p2 $0x0  }
0x16: {  	s3 =	sld [smem:$0x3FDB];
	s0 =	simm.s32 @p2 $0x1  }
0x17: {  	s4 =	simm.s32 $0x1BF5;
	[smem:$0x3FBB] =	sst s0  }
0x18: {  	s0 =	sld [smem:$0x3F9E];
	_ =	swait.ge [sflag:s4], $0x0  }
0x19: {  	s7 =	sld [smem:$0x3F9F]  }
0x1a: {  	s8 =	sadd.s32 $0xFFFFE003, lr  }
0x1b: {  	s9 =	sadd.s32 $0xFFFFFEF7, lr;
	s5 =	simm.s32 $0xFFFFFFFF;
	p2 =	slt.u32 s8, $0xFFFFF086  }
0x1c: {  	p1 =	slt.u32 s9, $0xF7A;
	s5 =	simm.s32 @!p2 $0x0  }
0x1d: {  	s5 =	simm.s32 @p1 $0x1;
	p0 =	seq.s32 s7, s2  }
0x1e: {  	s7 =	smul.u32 @!p0 $0xF7A, s2;
	p2 =	seq.s32 @!p0 s5, $0x0  }
0x1f: {  	s9 =	smul.u32 $0xF7A, s1;
	s8 =	simm.s32 @!p0 $0x1BF5;
	p2 =	por !p2, p0  }
0x20: {  	[sflag:s8] =	ssyncset.s32 @!p0 $0xFFFFF086;
	s6 =	sadd.s32 @!p0 s3, s7;
	s7 =	simm.s32 @!p0 $0x108  }
0x21: {  	s3 =	sadd.s32 s3, s9;
	s6 =	sadd.s32 @!p0 $0x88, s6;
	s7 =	simm.s32 @p2 $0x1082  }
0x22: {  	[simem:s7], [sflag:s8] =	dma.local @!p0 [hbm:s6], $0xF7A  }
0x23: {  	s9 =	sor.u32 $0xD0000000, s2;
	s6 =	simm.s32 $0x108;
	_ =	swait.ge @!p0 [sflag:s8], $0x0  }
0x24: {  	s3 =	sadd.s32 $0x88, s3;
	s6 =	simm.s32 @!p1 $0x1082;
	[sflag:s4] =	ssyncset.s32 $0xFFFFF086  }
0x25: {  	[simem:s6], [sflag:s4] =	dma.local [hbm:s3], $0xF7A  }
0x26: {  	[smem:$0x3F9F] =	sst s1;
	(tag) =	ssettag s2;
	_ =	strace s9  }
0x27: {  	s1 =	sld [smem:$0x3FAF]  }
0x28: {  	s2 =	sld [smem:$0x3FB0]  }
0x29: {  	s4 =	sld [smem:$0x3FB2]  }
0x2a: {  	p0 =	seq.s32 s5, $0x0;
	s5 =	sld [smem:$0x3FB3]  }
0x2b: {  	s6 =	sld [smem:$0x3FB4]  }
0x2c: {  	s7 =	sld [smem:$0x3FB5]  }
0x2d: {  	s3 =	simm.s32 $0x108;
	s8 =	sld [smem:$0x3FB6]  }
0x2e: {  	s3 =	simm.s32 @!p0 $0x1082;
	s9 =	sld [smem:$0x3FB7]  }
0x2f: {  	lr =	sadd.s32 s0, s3;
	s0 =	sld [smem:$0x3FAE]  }
0x30: {  	s3 =	sld [smem:$0x3FB1]  }
0x31: {  	[smem:$0x3FBA] =	sst s10  }
0x32: {  	s10 =	sld [smem:$0x3FB8];
	_ =	sdelay $0x3  }
0x33: {  	p0 =	seq.s32 s10, $0x1;
	s10 =	sld [smem:$0x3FBA];
	_ =	sdelay $0x3  }
0x34: {  	[smem:$0x3FBA] =	sst s10  }
0x35: {  	s10 =	sld [smem:$0x3FB9];
	_ =	sdelay $0x3  }
0x36: {  	p1 =	seq.s32 s10, $0x1;
	s10 =	sld [smem:$0x3FBA];
	_ =	sdelay $0x3  }
0x37: {  	[smem:$0x3FBA] =	sst s10  }
0x38: {  	s10 =	sld [smem:$0x3FBB]  }
0x39: {  	_ = 	snop;
	(pc) =	sbr.ind lr, $3  }
0x3a: {  	_ = 	snop  }
0x3b: {  	_ = 	snop  }
0x3c: {  	p2 =	seq.s32 s10, $0x1;
	s10 =	sld [smem:$0x3FBA]  }
0x3d: {  	_ =	shalt  }
0x3e: {  	_ =	shalt  }
0x3f: {  	_ =	shalt  }
0x40: {  	_ =	shalt  }
0x41: {  	_ =	shalt  }
0x42: {  	_ =	shalt  }
0x43: {  	_ =	shalt  }
0x44: {  	_ =	shalt  }
0x45: {  	_ =	shalt  }
0x46: {  	_ =	shalt  }
0x47: {  	_ =	shalt  }
0x48: {  	_ =	shalt  }
0x49: {  	_ =	shalt  }
0x4a: {  	_ =	shalt  }
0x4b: {  	_ =	shalt  }
0x4c: {  	_ =	shalt  }
0x4d: {  	_ =	shalt  }
0x4e: {  	_ =	shalt  }
0x4f: {  	_ =	shalt  }
0x50: {  	_ =	shalt  }
0x51: {  	_ =	shalt  }
0x52: {  	_ =	shalt  }
0x53: {  	_ =	shalt  }
0x54: {  	_ =	shalt  }
0x55: {  	_ =	shalt  }
0x56: {  	_ =	shalt  }
0x57: {  	_ =	shalt  }
0x58: {  	_ =	shalt  }
0x59: {  	_ =	shalt  }
0x5a: {  	_ =	shalt  }
0x5b: {  	_ =	shalt  }
0x5c: {  	_ =	shalt  }
0x5d: {  	_ =	shalt  }
0x5e: {  	_ =	shalt  }
0x5f: {  	_ =	shalt  }
0x60: {  	_ =	shalt  }
0x61: {  	_ =	shalt  }
0x62: {  	_ =	shalt  }
0x63: {  	_ =	shalt  }
0x64: {  	_ =	shalt  }
0x65: {  	_ =	shalt  }
0x66: {  	_ =	shalt  }
0x67: {  	_ =	shalt  }
0x68: {  	_ =	shalt  }
0x69: {  	_ =	shalt  }
0x6a: {  	_ =	shalt  }
0x6b: {  	_ =	shalt  }
0x6c: {  	_ =	shalt  }
0x6d: {  	_ =	shalt  }
0x6e: {  	_ =	shalt  }
0x6f: {  	_ =	shalt  }
0x70: {  	_ =	shalt  }
0x71: {  	_ =	shalt  }
0x72: {  	_ =	shalt  }
0x73: {  	_ =	shalt  }
0x74: {  	_ =	shalt  }
0x75: {  	_ =	shalt  }
0x76: {  	_ =	shalt  }
0x77: {  	_ =	shalt  }
0x78: {  	_ =	shalt  }
0x79: {  	_ =	shalt  }
0x7a: {  	_ =	shalt  }
0x7b: {  	_ =	shalt  }
0x7c: {  	_ =	shalt  }
0x7d: {  	_ =	shalt  }
0x7e: {  	_ =	shalt  }
0x7f: {  	_ =	shalt  }
0x80: {  	_ =	shalt  }
0x81: {  	_ =	shalt  }
0x82: {  	_ =	shalt  }
0x83: {  	_ =	shalt  }
0x84: {  	_ =	shalt  }
0x85: {  	_ =	shalt  }
0x86: {  	_ =	shalt  }
0x87: {  	_ =	shalt  }
.Lfunc_end0:
.L_simem_size_0:
called_computation_lowered:
.L_overlay_start_0:
0x88: {  	s2 =	sld [smem:$0x3FD9]  }
0x89: {  	s3 =	sld [smem:$0x3FFE];
	_ =	sdelay $0x1  }
0x8a: {  	s1 =	srdreg.scid  }
0x8b: {  	s0 =	sand.u32 $0x1, s1  }
0x8c: {  	s17 =	sshll.u32 s0, $0xA;
	s2 =	sadd.s32 s3, s2  }
0x8d: {  	s2 =	sadd.s32 s2, s17  }
0x8e: {  	[smem:$0x3FC6] =	sst s2  }
0x8f: {  	_ = 	snop  }
0x90: {  	s2 =	sld [smem:$0x3FD0];
	(tm) =	ssettm $0x1  }
0x91: {  	s18 =	sld [smem:$0x3FFB];
	_ =	sdelay $0x3  }
0x92: {  	_ =	strace s18  }
0x93: {  	s3 =	sld [smem:$0x3FFC];
	_ =	sdelay $0x3  }
0x94: {  	_ =	strace s3  }
0x95: {  	s3 =	sld [smem:$0x3FFD];
	_ =	sdelay $0x3  }
0x96: {  	_ =	strace s3  }
0x97: {  	_ =	strace $0x8FFFFFFF  }
0x98: {  	s19 =	sld [smem:$0x3FDB];
	_ =	sdelay $0x1  }
0x99: {  	s4 =	simm.s32 $_scs_section_size  }
0x9a: {  	s5 =	simm.s32 $_size__tile_overlayer_lowered;
	s6 =	simm.s32 $_tile_overlayer_lowered  }
0x9b: {  	s22 =	simm.s32 $0x1BFF;
	s21 =	sshll.u32 s6, $0x1;
	s3 =	sadd.s32 s4, s19  }
0x9c: {  	s7 =	simm.s32 $0x0;
	s20 =	sshll.u32 s5, $0x1;
	s5 =	sadd.s32 s21, s3  }
0x9d: {  	[timem:s7], [sflag:s22] =	dma.local [hbm:s5], s20  }
0x9e: {  	_ =	swait.ge [sflag:s22], s20  }
0x9f: {  	s4 =	ssub.s32 $0x0, s20;
	[sflag:s22] =	ssyncset.done $0x0  }
0xa0: {  	[sflag:s22] =	ssyncadd.s32 s4;
	_ =	sdelay $0x1  }
0xa1: {  	s23 =	simm.s32 $0x1B8B  }
0xa2: {  	_ =	swait.ge [sflag:s23], $0x1  }
0xa3: {  	[sflag:s23] =	ssyncset.done $0x0  }
0xa4: {  	s25 =	simm.s32 $0x1B8E;
	s24 =	sld [smem:$0x3FFE];
	[sflag:s23] =	ssyncadd.s32 $0xFFFFFFFF  }
0xa5: {  	s26 =	simm.s32 $execute0_lowered;
	[smem:$0x3FD2] =	sst s25  }
0xa6: {  	s5 =	sshll.u32 s26, $0x1;
	_ =	strace $0x80000046;
	[dreg:$0x1] =	wrdreg $0xFFFFFFFF  }
0xa7: {  	s28 =	simm.s32 $_size_execute0_lowered;
	s3 =	sadd.s32 s3, s5;
	[dreg:$0x0] =	wrdreg $0x0  }
0xa8: {  	s5 =	sshll.u32 s28, $0x1;
	[dreg:$0x2] =	wrdreg s3  }
0xa9: {  	[dreg:$0x3] =	wrdreg s5  }
0xaa: {  	[dreg:$0x4] =	wrdreg $0xC0  }
0xab: {  	_ =	task [dreg:s7], $0x5FFFF  }
0xac: {  	[dreg:$0x1] =	wrdreg $0xFFFFFFFF  }
0xad: {  	[dreg:$0x0] =	wrdreg $0x60  }
0xae: {  	[dreg:$0x2] =	wrdreg s24  }
0xaf: {  	[dreg:$0x3] =	wrdreg s2  }
0xb0: {  	[dreg:$0x4] =	wrdreg $0x9  }
0xb1: {  	_ =	task.clear_ibuf [dreg:s7], $0x5FFFF;
	_ =	strace $0x90000046  }
0xb2: {  	s29 =	simm.s32 $0x9;
	_ =	strace $0x80000048  }
0xb3: {  	_ =	swait.ge [sflag:s29], $0x1  }
0xb4: {  	[sflag:s29] =	ssyncadd.s32 $0xFFFFFFFF  }
0xb5: {  	_ =	strace $0x90000048  }
0xb6: {  	_ =	sfence  }
0xb7: {  	s30 =	sld [smem:$0x0];
	_ =	sdelay $0x2  }
0xb8: {  	s31 =	sshll.u32 s1, $0xD;
	s1 =	sshrl.u32 s1, $0x2  }
0xb9: {  	s3 =	sand.u32 $0x4000, s31;
	s1 =	sadd.s32 s1, s30  }
0xba: {  	s0 =	sor.u32 s3, s0;
	s1 =	sshll.u32 s1, $0x11  }
0xbb: {  	s0 =	sor.u32 s1, s0  }
0xbc: {  	s0 =	sadd.s32 $0x8F2B, s0  }
0xbd: {  	[sflag:s0] =	ssyncadd.remote.s32 $0x1  }
0xbe: {  	_ =	sfence.sel $0xFFFF  }
0xbf: {  	[dreg:$0x0] =	wrdreg $0xFFFFFFFF;
	(pc) =	sbr.abs _section_cstart, $3  }
0xc0: {  	[dreg:$0x1] =	wrdreg $0xFFFFFFFF  }
0xc1: {  	_ =	task.clear_ibuf [dreg:s7], $0x2FFFF;
	_ =	strace $0x9FFFFFFF  }
0xc2: {  	(tm) =	ssettm $0x7FFFFFFF  }
0xc3: {  	_ =	shalt  }
tec
execute0_lowered:
.L_overlay_start_1:
0x0: {  	(tag) =	ssettag $0x1  }
0x1: {  	s0 =	rddreg [dreg:$0x0]  }
0x2: {  	s2 =	rddreg [dreg:$0x1];
	s3 =	simm.s32 $0x0;
	s1 =	srdreg.scid  }
0x3: {  	s4 =	stileid.u32;
	s14 =	simm.s32 $0x5;
	s15 =	simm.s32 $0x80  }
0x4: {  	s16 =	simm.s32 $0x1C00;
	s17 =	simm.s32 $0x3500;
	s18 =	simm.s32 $0x5500  }
0x5: {  	s19 =	simm.s32 $0x1;
	s20 =	simm.s32 $0x7500;
	s21 =	simm.s32 $0x2  }
0x6: {  	s22 =	simm.s32 $0x4;
	s23 =	simm.s32 $0x9700;
	s24 =	simm.s32 $0x3  }
0x7: {  	s25 =	simm.s32 $0x0;
	[smem:$0x7FF] =	sst s3;
	s1 =	sand.u32 $0x1, s1  }
0x8: {  	s5 =	sshll.u32 s4, $0x1;
	s4 =	sadd.s32 $0xF42A00, s0;
	s0 =	sadd.s32 $0x600, s0  }
0x9: {  	_ =	strace $0x80000047;
	s5 =	sor.u32 s1, s5;
	s1 =	ssub.s32 $0x2, s1  }
0xa: {  	v5 =	vlaneseq.u32;
	s6 =	sshll.u32 s5, $0x2;
	s7 =	sshrl.u32 s1, $0x1;
	s8 =	smul.u32 $0xE00, s5  }
0xb: {  	v0 =	vmul.u32 $0x38, v5;
	s12 =	sshllo.u32 s5, $0x2;
	s9 =	sor.u32 $0x1, s6;
	s1 =	ssub.s32 s1, s7  }
0xc: {  	s10 =	sor.u32 $0x2, s6;
	s6 =	sshll.u32 s5, $0xC;
	s31 =	smul.u32 $0x380, s12  }
0xd: {  	v5 =	vmul.u32 $0x88, v5;
	v1 =	vadd.s32 $0x380, v0;
	s12 =	sshll.u32 s12, $0xA;
	s28 =	smul.u32 $0x380, s9;
	s29 =	sadd.s32 s0, s8  }
0xe: {  	v2 =	vadd.s32 $0x700, v0;
	v3 =	vadd.s32 $0xA80, v0;
	v4 =	vadd.s32 $0xE00, v0;
	s11 =	smul.u32 $0x380, s10;
	s8 =	sshll.u32 s9, $0xA;
	s10 =	sshll.u32 s10, $0xA  }
0xf: {  	v6 =	vadd.s32 $0x1180, v0;
	v7 =	vadd.s32 $0x1500, v0;
	v8 =	vadd.s32 $0x1880, v0;
	s13 =	smax.u32 s1, $0x1;
	[dreg:$0x3] =	wrdreg s29;
	s30 =	sadd.s32 s0, s28  }
0x10: {  	v9 =	vadd.s32 $0x880, v5;
	v10 =	vadd.s32 $0x1100, v5;
	v11 =	vadd.s32 $0x1980, v5;
	s9 =	sadd.s32 s0, s11;
	s11 =	sadd.s32 s0, s31;
	[dreg:$0x4] =	wrdreg s30  }
.LBB2_1:
0x11: {  	s0 =	simm.s32 $0x4  }
0x12: {  	s1 =	simm.s32 $0x1;
	v12 =	vmov s0  }
0x13: {  	s7 =	simm.s32 $0x2;
	v13 =	vmov s1;
	v16 =	vand.u32 $0x7F, v12  }
0x14: {  	s26 =	simm.s32 $0x3;
	s30 =	rddreg [dreg:$0x3];
	v20 =	vand.u32 $0x7F, v13;
	v12 =	vmov s7;
	v13 =	vadd.s32 v0, v16  }
0x15: {  	[tilespmem:s3], [sflag:$0x5] =	stream.linear.gather [hbm4b:s30+s3], $0x1C00, $0x38;
	v14 =	vadd.s32 v0, v20;
	v21 =	vand.u32 $0x7F, v12;
	v12 =	vmov s26;
	[tilespmem:$0xB900] =	vst v63  }
0x16: {  	v15 =	vmov s3;
	_ =	swait.ge [sflag:s14], $0x1C00;
	v17 =	vadd.s32 v0, v21;
	v19 =	vand.u32 $0x7F, v12  }
0x17: {  	v18 =	vand.u32 $0x3F, v15;
	[sflag:s14] =	ssyncset.done $0x0;
	v12 =	vadd.s32 v0, v19  }
0x18: {  	v15 =	vadd.s32 v0, v18;
	[sflag:s14] =	ssyncadd.s32 $0xFFFFE400  }
0x19: {  	v13 =	vld.idx.msk [tilespmem:v13+s3+$0x0], $0xffff  }
0x1a: {  	v22 =	vadd.s32 v1, v16;
	v14 =	vld.idx.msk [tilespmem:v14+s3+$0x0], $0xffff  }
0x1b: {  	v23 =	vadd.s32 v1, v20;
	v17 =	vld.idx.msk [tilespmem:v17+s3+$0x0], $0xffff  }
0x1c: {  	v24 =	vadd.s32 v1, v21;
	v12 =	vld.idx.msk [tilespmem:v12+s3+$0x0], $0xffff  }
0x1d: {  	s28 =	simm.s32 $0x1D40;
	v25 =	vadd.s32 v1, v19;
	v15 =	vld.idx.msk [tilespmem:v15+s3+$0x0], $0xffff  }
0x1e: {  	[tilespmem:s28+$0xC0] =	vst v13;
	v13 =	vadd.s32 v1, v18  }
0x1f: {  	[tilespmem:s28+$0xFFFFFF40] =	vst v14;
	v14 =	vld.idx.msk [tilespmem:v22+s3+$0x0], $0xffff  }
0x20: {  	v22 =	vld.idx.msk [tilespmem:v23+s3+$0x0], $0xffff;
	[tilespmem:s28+$0xFFFFFFC0] =	vst v17;
	v17 =	vadd.s32 v2, v16  }
0x21: {  	v23 =	vadd.s32 v2, v20;
	v24 =	vld.idx.msk [tilespmem:v24+s3+$0x0], $0xffff;
	[tilespmem:s28+$0x40] =	vst v12  }
0x22: {  	[tilespmem:s28+$0xFFFFFEC0] =	vst v15;
	v15 =	vadd.s32 v2, v21;
	v12 =	vld.idx.msk [tilespmem:v25+s3+$0x0], $0xffff  }
0x23: {  	v25 =	vadd.s32 v2, v19;
	v13 =	vld.idx.msk [tilespmem:v13+s3+$0x0], $0xffff  }
0x24: {  	[tilespmem:s28+$0xD0] =	vst v14;
	v14 =	vadd.s32 v2, v18  }
0x25: {  	[tilespmem:s28+$0xFFFFFF50] =	vst v22;
	v17 =	vld.idx.msk [tilespmem:v17+s3+$0x0], $0xffff  }
0x26: {  	v22 =	vld.idx.msk [tilespmem:v23+s3+$0x0], $0xffff;
	[tilespmem:s28+$0xFFFFFFD0] =	vst v24;
	v23 =	vadd.s32 v3, v16  }
0x27: {  	v24 =	vadd.s32 v3, v20;
	v15 =	vld.idx.msk [tilespmem:v15+s3+$0x0], $0xffff;
	[tilespmem:s28+$0x50] =	vst v12  }
0x28: {  	s31 =	simm.s32 $0x5;
	[tilespmem:s28+$0xFFFFFED0] =	vst v13;
	v13 =	vld.idx.msk [tilespmem:v25+s3+$0x0], $0xffff;
	v25 =	vadd.s32 v3, v21  }
0x29: {  	v26 =	vadd.s32 v3, v19;
	v12 =	vmov s31;
	v14 =	vld.idx.msk [tilespmem:v14+s3+$0x0], $0xffff  }
0x2a: {  	v12 =	vand.u32 $0x3F, v12;
	[tilespmem:s28+$0xE0] =	vst v17;
	v17 =	vadd.s32 v3, v18  }
0x2b: {  	v27 =	vadd.s32 v0, v12;
	[tilespmem:s28+$0xFFFFFF60] =	vst v22;
	v22 =	vld.idx.msk [tilespmem:v23+s3+$0x0], $0xffff  }
0x2c: {  	v23 =	vld.idx.msk [tilespmem:v24+s3+$0x0], $0xffff;
	[tilespmem:s28+$0xFFFFFFE0] =	vst v15;
	v24 =	vadd.s32 v4, v16  }
0x2d: {  	v28 =	vadd.s32 v4, v20;
	v25 =	vld.idx.msk [tilespmem:v25+s3+$0x0], $0xffff;
	[tilespmem:s28+$0x60] =	vst v13  }
0x2e: {  	s1 =	simm.s32 $0x6;
	[tilespmem:s28+$0xFFFFFEE0] =	vst v14;
	v14 =	vld.idx.msk [tilespmem:v26+s3+$0x0], $0xffff;
	v26 =	vadd.s32 v4, v21  }
0x2f: {  	v29 =	vadd.s32 v4, v19;
	v13 =	vmov s1;
	v17 =	vld.idx.msk [tilespmem:v17+s3+$0x0], $0xffff  }
0x30: {  	v27 =	vld.idx.msk [tilespmem:v27+s3+$0x0], $0xffff;
	v15 =	vand.u32 $0x7F, v13;
	[tilespmem:s28+$0xF0] =	vst v22;
	v22 =	vadd.s32 v4, v18  }
0x31: {  	s5 =	simm.s32 $0x7;
	[tilespmem:s28+$0xFFFFFF70] =	vst v23;
	v23 =	vld.idx.msk [tilespmem:v24+s3+$0x0], $0xffff;
	v24 =	vadd.s32 v0, v15  }
0x32: {  	v13 =	vmov s5;
	v28 =	vld.idx.msk [tilespmem:v28+s3+$0x0], $0xffff;
	[tilespmem:s28+$0xFFFFFFF0] =	vst v25;
	v25 =	vadd.s32 v6, v16  }
0x33: {  	v30 =	vadd.s32 v6, v20;
	v13 =	vand.u32 $0x7F, v13;
	v26 =	vld.idx.msk [tilespmem:v26+s3+$0x0], $0xffff;
	[tilespmem:s28+$0x70] =	vst v14  }
0x34: {  	s7 =	simm.s32 $0x9;
	v14 =	vadd.s32 v0, v13;
	[tilespmem:s28+$0xFFFFFEF0] =	vst v17;
	v29 =	vld.idx.msk [tilespmem:v29+s3+$0x0], $0xffff  }
0x35: {  	v31 =	vadd.s32 v6, v21;
	v17 =	vmov s7;
	v22 =	vld.idx.msk [tilespmem:v22+s3+$0x0], $0xffff  }
0x36: {  	v32 =	vadd.s32 v6, v19;
	v17 =	vand.u32 $0x7F, v17;
	v24 =	vld.idx.msk [tilespmem:v24+s3+$0x0], $0xffff;
	[tilespmem:s28+$0x100] =	vst v23  }
0x37: {  	v23 =	vadd.s32 v0, v17;
	[tilespmem:s28+$0xFFFFFF80] =	vst v28;
	v25 =	vld.idx.msk [tilespmem:v25+s3+$0x0], $0xffff  }
0x38: {  	s26 =	simm.s32 $0x8;
	v28 =	vadd.s32 v6, v18;
	v30 =	vld.idx.msk [tilespmem:v30+s3+$0x0], $0xffff  }
0x39: {  	v33 =	vld.idx.msk [tilespmem:v14+s3+$0x0], $0xffff;
	v14 =	vmov s26;
	[tilespmem:s28+$0x0] =	vst v26;
	v26 =	vadd.s32 v7, v16  }
0x3a: {  	v34 =	vadd.s32 v7, v20;
	v14 =	vand.u32 $0x7F, v14;
	v31 =	vld.idx.msk [tilespmem:v31+s3+$0x0], $0xffff;
	[tilespmem:s28+$0x80] =	vst v29  }
0x3b: {  	v29 =	vadd.s32 v0, v14;
	v32 =	vld.idx.msk [tilespmem:v32+s3+$0x0], $0xffff  }
0x3c: {  	[tilespmem:s28+$0xFFFFFF00] =	vst v22;
	v22 =	vld.idx.msk [tilespmem:v23+s3+$0x0], $0xffff;
	v23 =	vadd.s32 v7, v21  }
0x3d: {  	v35 =	vadd.s32 v7, v19;
	v28 =	vld.idx.msk [tilespmem:v28+s3+$0x0], $0xffff;
	[tilespmem:s28+$0x110] =	vst v25  }
0x3e: {  	s26 =	simm.s32 $0x1FC0;
	v25 =	vadd.s32 v1, v17;
	[tilespmem:s28+$0xFFFFFF90] =	vst v30;
	v26 =	vld.idx.msk [tilespmem:v26+s3+$0x0], $0xffff  }
0x3f: {  	[tilespmem:s26+$0xFFFFFEC0] =	vst v27;
	v30 =	vadd.s32 v1, v15;
	v34 =	vld.idx.msk [tilespmem:v34+s3+$0x0], $0xffff  }
0x40: {  	v16 =	vadd.s32 v8, v16;
	[tilespmem:s28+$0x10] =	vst v31;
	v29 =	vld.idx.msk [tilespmem:v29+s3+$0x0], $0xffff  }
0x41: {  	v31 =	vadd.s32 v1, v13;
	[tilespmem:s28+$0x90] =	vst v32;
	v23 =	vld.idx.msk [tilespmem:v23+s3+$0x0], $0xffff  }
0x42: {  	v56 =	vadd.s32 v1, v14;
	[tilespmem:s26+$0xC0] =	vst v22;
	v35 =	vld.idx.msk [tilespmem:v35+s3+$0x0], $0xffff  }
0x43: {  	[tilespmem:s26+$0xFFFFFF40] =	vst v24;
	v22 =	vadd.s32 v1, v12;
	v24 =	vld.idx.msk [tilespmem:v25+s3+$0x0], $0xffff  }
0x44: {  	v25 =	vld.idx.msk [tilespmem:v30+s3+$0x0], $0xffff;
	v30 =	vadd.s32 v7, v18;
	[tilespmem:s28+$0x120] =	vst v26  }
0x45: {  	s29 =	simm.s32 $0xA;
	v19 =	vadd.s32 v8, v19;
	[tilespmem:s26+$0xFFFFFFC0] =	vst v33;
	v36 =	vld.idx.msk [tilespmem:v16+s3+$0x0], $0xffff  }
0x46: {  	v57 =	vadd.s32 v2, v17;
	v26 =	vmov s29;
	v31 =	vld.idx.msk [tilespmem:v31+s3+$0x0], $0xffff;
	[tilespmem:s26+$0x40] =	vst v29  }
0x47: {  	[tilespmem:s28+$0xFFFFFF10] =	vst v28;
	v16 =	vand.u32 $0x3F, v26;
	v26 =	vadd.s32 v2, v15;
	v27 =	vld.idx.msk [tilespmem:v56+s3+$0x0], $0xffff  }
0x48: {  	v29 =	vadd.s32 v0, v16;
	v22 =	vld.idx.msk [tilespmem:v22+s3+$0x0], $0xffff;
	[tilespmem:s28+$0xA0] =	vst v35  }
0x49: {  	v58 =	vadd.s32 v2, v13;
	[tilespmem:s26+$0xD0] =	vst v24;
	v24 =	vld.idx.msk [tilespmem:v30+s3+$0x0], $0xffff  }
0x4a: {  	v28 =	vadd.s32 v2, v14;
	[tilespmem:s28+$0x20] =	vst v23;
	v23 =	vld.idx.msk [tilespmem:v19+s3+$0x0], $0xffff  }
0x4b: {  	v30 =	vadd.s32 v2, v12;
	[tilespmem:s26+$0xFFFFFF50] =	vst v25;
	v25 =	vld.idx.msk [tilespmem:v57+s3+$0x0], $0xffff  }
0x4c: {  	v59 =	vadd.s32 v8, v20;
	v26 =	vld.idx.msk [tilespmem:v26+s3+$0x0], $0xffff  }
0x4d: {  	v62 =	vadd.s32 v8, v18;
	[tilespmem:s26+$0xFFFFFFD0] =	vst v31;
	v20 =	vld.idx.msk [tilespmem:v29+s3+$0x0], $0xffff  }
0x4e: {  	v29 =	vadd.s32 v3, v17;
	v32 =	vld.idx.msk [tilespmem:v58+s3+$0x0], $0xffff;
	[tilespmem:s26+$0x50] =	vst v27  }
0x4f: {  	v31 =	vadd.s32 v3, v15;
	[tilespmem:s26+$0xFFFFFED0] =	vst v22;
	v27 =	vld.idx.msk [tilespmem:v28+s3+$0x0], $0xffff  }
0x50: {  	[tilespmem:s28+$0xFFFFFFA0] =	vst v34;
	v28 =	vld.idx.msk [tilespmem:v30+s3+$0x0], $0xffff;
	v30 =	vadd.s32 v3, v13  }
0x51: {  	v60 =	vadd.s32 v3, v14;
	v22 =	vadd.s32 v8, v21;
	v21 =	vld.idx.msk [tilespmem:v59+s3+$0x0], $0xffff;
	[tilespmem:s28+$0xFFFFFF20] =	vst v24  }
0x52: {  	[tilespmem:s26+$0xE0] =	vst v25;
	v25 =	vadd.s32 v3, v12;
	v24 =	vld.idx.msk [tilespmem:v62+s3+$0x0], $0xffff  }
0x53: {  	[tilespmem:s26+$0xFFFFFF60] =	vst v26;
	v26 =	vld.idx.msk [tilespmem:v29+s3+$0x0], $0xffff  }
0x54: {  	v29 =	vld.idx.msk [tilespmem:v31+s3+$0x0], $0xffff;
	[tilespmem:s26+$0xFFFFFFE0] =	vst v32;
	v31 =	vadd.s32 v4, v17  }
0x55: {  	v61 =	vadd.s32 v4, v15;
	v30 =	vld.idx.msk [tilespmem:v30+s3+$0x0], $0xffff;
	[tilespmem:s26+$0x60] =	vst v27  }
0x56: {  	s30 =	simm.s32 $0xB;
	v38 =	vadd.s32 v4, v13;
	[tilespmem:s26+$0xFFFFFEE0] =	vst v28;
	v34 =	vld.idx.msk [tilespmem:v60+s3+$0x0], $0xffff  }
0x57: {  	v63 =	vadd.s32 v4, v14;
	v18 =	vmov s30;
	[tilespmem:s28+$0x130] =	vst v36;
	v37 =	vld.idx.msk [tilespmem:v25+s3+$0x0], $0xffff  }
0x58: {  	v33 =	vadd.s32 v4, v12;
	v18 =	vand.u32 $0x7F, v18;
	v22 =	vld.idx.msk [tilespmem:v22+s3+$0x0], $0xffff;
	[tilespmem:s26+$0xF0] =	vst v26  }
0x59: {  	s31 =	simm.s32 $0xC;
	v25 =	vadd.s32 v0, v18;
	[tilespmem:s26+$0xFFFFFF70] =	vst v29;
	v27 =	vld.idx.msk [tilespmem:v31+s3+$0x0], $0xffff  }
0x5a: {  	v19 =	vmov s31;
	v28 =	vld.idx.msk [tilespmem:v61+s3+$0x0], $0xffff;
	v31 =	vadd.s32 v6, v17;
	[tilespmem:s26+$0xFFFFFFF0] =	vst v30  }
0x5b: {  	v19 =	vand.u32 $0x7F, v19;
	v32 =	vadd.s32 v6, v15;
	v29 =	vld.idx.msk [tilespmem:v38+s3+$0x0], $0xffff;
	[tilespmem:s26+$0x70] =	vst v34  }
0x5c: {  	s0 =	simm.s32 $0xF;
	s1 =	simm.s32 $0xE;
	v26 =	vadd.s32 v0, v19;
	[tilespmem:s26+$0xFFFFFEF0] =	vst v37;
	v30 =	vld.idx.msk [tilespmem:v63+s3+$0x0], $0xffff  }
.LBB2_2:
0x5d: {  	p0 =	slt.u32 s0, $0x2D;
	v34 =	vmov s1;
	v33 =	vld.idx.msk [tilespmem:v33+s3+$0x0], $0xffff;
	v35 =	vadd.s32 v6, v13;
	[tilespmem:s28+$0xFFFFFFB0] =	vst v21  }
0x5e: {  	v21 =	vld.idx.msk [tilespmem:v25+s3+$0x0], $0xffff;
	v25 =	vand.u32 $0x7F, v34;
	v34 =	vadd.s32 v6, v14;
	[tilespmem:s26+$0x100] =	vst v27  }
0x5f: {  	v27 =	vadd.s32 v0, v25;
	[tilespmem:s26+$0xFFFFFF80] =	vst v28;
	v28 =	vld.idx.msk [tilespmem:v31+s3+$0x0], $0xffff  }
0x60: {  	s1 =	sadd.s32 $0x3, s29;
	s29 =	smov.u32 s0;
	v31 =	vadd.s32 v6, v12;
	v32 =	vld.idx.msk [tilespmem:v32+s3+$0x0], $0xffff;
	[tilespmem:s28+$0x30] =	vst v22  }
0x61: {  	v22 =	vld.idx.msk [tilespmem:v26+s3+$0x0], $0xffff;
	v26 =	vmov s1;
	[tilespmem:s26+$0x0] =	vst v29;
	v29 =	vadd.s32 v7, v17  }
0x62: {  	v36 =	vadd.s32 v7, v15;
	v26 =	vand.u32 $0x7F, v26;
	v35 =	vld.idx.msk [tilespmem:v35+s3+$0x0], $0xffff;
	[tilespmem:s26+$0x80] =	vst v30  }
0x63: {  	v30 =	vadd.s32 v0, v26;
	[tilespmem:s26+$0xFFFFFF00] =	vst v33;
	v33 =	vld.idx.msk [tilespmem:v34+s3+$0x0], $0xffff  }
0x64: {  	v34 =	vadd.s32 v7, v13;
	v27 =	vld.idx.msk [tilespmem:v27+s3+$0x0], $0xffff;
	[tilespmem:s28+$0xB0] =	vst v23  }
0x65: {  	v23 =	vld.idx.msk [tilespmem:v31+s3+$0x0], $0xffff;
	v31 =	vadd.s32 v7, v14;
	[tilespmem:s26+$0x110] =	vst v28  }
0x66: {  	v28 =	vadd.s32 v1, v25;
	[tilespmem:s26+$0xFFFFFF90] =	vst v32;
	v29 =	vld.idx.msk [tilespmem:v29+s3+$0x0], $0xffff  }
0x67: {  	v32 =	vadd.s32 v1, v18;
	v36 =	vld.idx.msk [tilespmem:v36+s3+$0x0], $0xffff;
	[tilespmem:s28+$0xFFFFFF30] =	vst v24;
	s28 =	smov.u32 s26  }
0x68: {  	v24 =	vld.idx.msk [tilespmem:v30+s3+$0x0], $0xffff;
	[tilespmem:s26+$0x10] =	vst v35;
	v30 =	vadd.s32 v8, v17;
	v17 =	vmov v25  }
0x69: {  	v25 =	vadd.s32 v1, v19;
	s26 =	sadd.s32 $0x280, s26;
	v34 =	vld.idx.msk [tilespmem:v34+s3+$0x0], $0xffff;
	[tilespmem:s28+$0x90] =	vst v33  }
0x6a: {  	v33 =	vadd.s32 v1, v26;
	[tilespmem:s26+$0xC0] =	vst v27;
	v27 =	vld.idx.msk [tilespmem:v31+s3+$0x0], $0xffff  }
0x6b: {  	v31 =	vadd.s32 v1, v16;
	[tilespmem:s26+$0xFFFFFF40] =	vst v21;
	v21 =	vld.idx.msk [tilespmem:v28+s3+$0x0], $0xffff  }
0x6c: {  	v28 =	vld.idx.msk [tilespmem:v32+s3+$0x0], $0xffff;
	v32 =	vadd.s32 v7, v12;
	[tilespmem:s28+$0x120] =	vst v29  }
0x6d: {  	v29 =	vmov s0;
	[tilespmem:s26+$0xFFFFFFC0] =	vst v22;
	v22 =	vadd.s32 v2, v17;
	v30 =	vld.idx.msk [tilespmem:v30+s3+$0x0], $0xffff  }
0x6e: {  	v35 =	vadd.s32 v2, v18;
	v29 =	vand.u32 $0x3F, v29;
	v25 =	vld.idx.msk [tilespmem:v25+s3+$0x0], $0xffff;
	[tilespmem:s26+$0x40] =	vst v24  }
0x6f: {  	v24 =	vadd.s32 v0, v29;
	[tilespmem:s26+$0xFFFFFEC0] =	vst v20;
	v33 =	vld.idx.msk [tilespmem:v33+s3+$0x0], $0xffff  }
0x70: {  	v37 =	vadd.s32 v2, v19;
	v31 =	vld.idx.msk [tilespmem:v31+s3+$0x0], $0xffff;
	[tilespmem:s28+$0xFFFFFF10] =	vst v23  }
0x71: {  	v23 =	vadd.s32 v2, v26;
	[tilespmem:s26+$0xD0] =	vst v21;
	v32 =	vld.idx.msk [tilespmem:v32+s3+$0x0], $0xffff  }
0x72: {  	v21 =	vadd.s32 v2, v16;
	[tilespmem:s26+$0xFFFFFF50] =	vst v28;
	v22 =	vld.idx.msk [tilespmem:v22+s3+$0x0], $0xffff  }
0x73: {  	v28 =	vld.idx.msk [tilespmem:v35+s3+$0x0], $0xffff;
	v35 =	vadd.s32 v8, v15;
	[tilespmem:s28+$0x130] =	vst v30;
	v15 =	vmov v18  }
0x74: {  	v18 =	vadd.s32 v3, v17;
	v20 =	vld.idx.msk [tilespmem:v24+s3+$0x0], $0xffff;
	[tilespmem:s26+$0xFFFFFFD0] =	vst v25  }
0x75: {  	v24 =	vadd.s32 v3, v15;
	v25 =	vld.idx.msk [tilespmem:v37+s3+$0x0], $0xffff;
	[tilespmem:s26+$0x50] =	vst v33  }
0x76: {  	v30 =	vadd.s32 v8, v13;
	v13 =	vmov v19;
	[tilespmem:s26+$0xFFFFFED0] =	vst v31;
	v23 =	vld.idx.msk [tilespmem:v23+s3+$0x0], $0xffff  }
0x77: {  	v31 =	vadd.s32 v3, v13;
	v19 =	vld.idx.msk [tilespmem:v21+s3+$0x0], $0xffff;
	[tilespmem:s28+$0xFFFFFFA0] =	vst v36  }
0x78: {  	v33 =	vadd.s32 v3, v26;
	[tilespmem:s26+$0xE0] =	vst v22;
	v21 =	vld.idx.msk [tilespmem:v35+s3+$0x0], $0xffff  }
0x79: {  	v35 =	vadd.s32 v3, v16;
	[tilespmem:s26+$0xFFFFFF60] =	vst v28;
	v18 =	vld.idx.msk [tilespmem:v18+s3+$0x0], $0xffff  }
0x7a: {  	v28 =	vadd.s32 v8, v14;
	v14 =	vmov v26;
	v24 =	vld.idx.msk [tilespmem:v24+s3+$0x0], $0xffff;
	[tilespmem:s28+$0x20] =	vst v34  }
0x7b: {  	[tilespmem:s26+$0xFFFFFFE0] =	vst v25;
	v25 =	vadd.s32 v4, v17;
	v22 =	vld.idx.msk [tilespmem:v30+s3+$0x0], $0xffff  }
0x7c: {  	v26 =	vadd.s32 v4, v15;
	v30 =	vld.idx.msk [tilespmem:v31+s3+$0x0], $0xffff;
	[tilespmem:s26+$0x60] =	vst v23  }
0x7d: {  	[tilespmem:s26+$0xFFFFFEE0] =	vst v19;
	v34 =	vld.idx.msk [tilespmem:v33+s3+$0x0], $0xffff;
	v19 =	vadd.s32 v8, v12;
	v12 =	vmov v16;
	v16 =	vmov v29  }
0x7e: {  	s1 =	sadd.s32 $0x1, s0;
	v29 =	vadd.s32 v4, v13;
	v35 =	vld.idx.msk [tilespmem:v35+s3+$0x0], $0xffff;
	[tilespmem:s28+$0xA0] =	vst v27  }
0x7f: {  	v36 =	vadd.s32 v4, v14;
	v27 =	vmov s1;
	[tilespmem:s26+$0xF0] =	vst v18;
	v23 =	vld.idx.msk [tilespmem:v28+s3+$0x0], $0xffff  }
.Ltmp0:
0x80: {  	v33 =	vadd.s32 v4, v12;
	v18 =	vand.u32 $0x7F, v27;
	[tilespmem:s26+$0xFFFFFF70] =	vst v24;
	v27 =	vld.idx.msk [tilespmem:v25+s3+$0x0], $0xffff;
	(pc) =	sbr.rel @p0 .LBB2_2-.Ltmp0, $4  }
0x81: {  	s1 =	sadd.s32 $0x2, s0;
	v25 =	vadd.s32 v0, v18;
	v28 =	vld.idx.msk [tilespmem:v26+s3+$0x0], $0xffff;
	[tilespmem:s28+$0xFFFFFF20] =	vst v32  }
0x82: {  	v31 =	vadd.s32 v6, v17;
	v26 =	vmov s1;
	[tilespmem:s26+$0xFFFFFFF0] =	vst v30;
	v24 =	vld.idx.msk [tilespmem:v19+s3+$0x0], $0xffff  }
0x83: {  	v32 =	vadd.s32 v6, v15;
	v19 =	vand.u32 $0x7F, v26;
	v29 =	vld.idx.msk [tilespmem:v29+s3+$0x0], $0xffff;
	[tilespmem:s26+$0x70] =	vst v34  }
0x84: {  	s0 =	sadd.s32 $0x5, s0;
	s1 =	sadd.s32 $0x4, s29;
	v26 =	vadd.s32 v0, v19;
	[tilespmem:s26+$0xFFFFFEF0] =	vst v35;
	v30 =	vld.idx.msk [tilespmem:v36+s3+$0x0], $0xffff  }
0x85: {  	[tilespmem:s28+$0xFFFFFFB0] =	vst v21  }
0x86: {  	[tilespmem:s26+$0x100] =	vst v27  }
0x87: {  	[tilespmem:s28+$0x30] =	vst v22  }
0x88: {  	v34 =	vadd.s32 v6, v13;
	[tilespmem:s28+$0xB0] =	vst v23  }
0x89: {  	v33 =	vld.idx.msk [tilespmem:v33+s3+$0x0], $0xffff;
	v55 =	vadd.s32 v6, v14;
	s31 =	sadd.s32 $0x280, s26;
	[tilespmem:s26+$0xFFFFFF80] =	vst v28  }
0x8a: {  	v25 =	vld.idx.msk [tilespmem:v25+s3+$0x0], $0xffff;
	[tilespmem:s31+$0xFFFFFEC0] =	vst v20  }
0x8b: {  	v41 =	vadd.s32 v1, v16;
	v31 =	vld.idx.msk [tilespmem:v31+s3+$0x0], $0xffff;
	[tilespmem:s28+$0xFFFFFF30] =	vst v24  }
0x8c: {  	v54 =	vmov s1;
	v62 =	vadd.s32 v6, v12;
	v32 =	vld.idx.msk [tilespmem:v32+s3+$0x0], $0xffff;
	[tilespmem:s26+$0x0] =	vst v29  }
0x8d: {  	s0 =	sadd.s32 $0x3, s29;
	v35 =	vadd.s32 v1, v18;
	v21 =	vand.u32 $0x7F, v54;
	[tilespmem:s26+$0x80] =	vst v30;
	v59 =	vld.idx.msk [tilespmem:v34+s3+$0x0], $0xffff  }
0x8e: {  	v57 =	vmov s0;
	v56 =	vadd.s32 v0, v21;
	[tilespmem:s26+$0xFFFFFF00] =	vst v33;
	v27 =	vld.idx.msk [tilespmem:v55+s3+$0x0], $0xffff  }
0x8f: {  	v58 =	vadd.s32 v7, v17;
	v22 =	vand.u32 $0x7F, v57;
	v34 =	vld.idx.msk [tilespmem:v26+s3+$0x0], $0xffff;
	[tilespmem:s31+$0xFFFFFF40] =	vst v25  }
0x90: {  	v60 =	vadd.s32 v0, v22;
	v46 =	vld.idx.msk [tilespmem:v41+s3+$0x0], $0xffff;
	[tilespmem:s26+$0x110] =	vst v31  }
0x91: {  	v38 =	vadd.s32 v1, v19;
	v39 =	vld.idx.msk [tilespmem:v62+s3+$0x0], $0xffff;
	[tilespmem:s26+$0xFFFFFF90] =	vst v32  }
0x92: {  	v45 =	vadd.s32 v7, v13;
	v26 =	vld.idx.msk [tilespmem:v35+s3+$0x0], $0xffff;
	[tilespmem:s26+$0x10] =	vst v59  }
0x93: {  	v49 =	vadd.s32 v2, v16;
	v61 =	vld.idx.msk [tilespmem:v56+s3+$0x0], $0xffff;
	[tilespmem:s26+$0x90] =	vst v27  }
0x94: {  	v42 =	vadd.s32 v7, v15;
	v29 =	vld.idx.msk [tilespmem:v58+s3+$0x0], $0xffff;
	[tilespmem:s31+$0xFFFFFFC0] =	vst v34  }
0x95: {  	v63 =	vadd.s32 v1, v21;
	v36 =	vld.idx.msk [tilespmem:v60+s3+$0x0], $0xffff;
	[tilespmem:s31+$0xFFFFFED0] =	vst v46  }
0x96: {  	v40 =	vadd.s32 v1, v22;
	v27 =	vld.idx.msk [tilespmem:v38+s3+$0x0], $0xffff;
	[tilespmem:s26+$0xFFFFFF10] =	vst v39  }
0x97: {  	v44 =	vadd.s32 v2, v18;
	[tilespmem:s31+$0xFFFFFF50] =	vst v26;
	v20 =	vld.idx.msk [tilespmem:v45+s3+$0x0], $0xffff  }
0x98: {  	v53 =	vadd.s32 v7, v12;
	v26 =	vld.idx.msk [tilespmem:v49+s3+$0x0], $0xffff;
	[tilespmem:s31+$0xC0] =	vst v61  }
0x99: {  	v47 =	vadd.s32 v2, v19;
	[tilespmem:s26+$0x120] =	vst v29;
	v29 =	vld.idx.msk [tilespmem:v42+s3+$0x0], $0xffff  }
0x9a: {  	v37 =	vadd.s32 v8, v17;
	v31 =	vld.idx.msk [tilespmem:v63+s3+$0x0], $0xffff;
	[tilespmem:s31+$0x40] =	vst v36  }
0x9b: {  	v43 =	vadd.s32 v2, v21;
	v28 =	vld.idx.msk [tilespmem:v40+s3+$0x0], $0xffff;
	[tilespmem:s31+$0xFFFFFFD0] =	vst v27  }
0x9c: {  	v48 =	vadd.s32 v2, v22;
	v30 =	vld.idx.msk [tilespmem:v44+s3+$0x0], $0xffff;
	[tilespmem:s26+$0x20] =	vst v20  }
0x9d: {  	v56 =	vadd.s32 v3, v16;
	v23 =	vld.idx.msk [tilespmem:v53+s3+$0x0], $0xffff;
	[tilespmem:s31+$0xFFFFFEE0] =	vst v26  }
0x9e: {  	v52 =	vadd.s32 v3, v18;
	v25 =	vld.idx.msk [tilespmem:v47+s3+$0x0], $0xffff;
	[tilespmem:s26+$0xFFFFFFA0] =	vst v29  }
0x9f: {  	v54 =	vadd.s32 v3, v19;
	v17 =	vld.idx.msk [tilespmem:v37+s3+$0x0], $0xffff;
	[tilespmem:s31+$0xD0] =	vst v31  }
0xa0: {  	v34 =	vadd.s32 v8, v13;
	v24 =	vld.idx.msk [tilespmem:v43+s3+$0x0], $0xffff;
	[tilespmem:s31+$0x50] =	vst v28  }
0xa1: {  	v51 =	vadd.s32 v3, v21;
	[tilespmem:s31+$0xFFFFFF60] =	vst v30;
	v31 =	vld.idx.msk [tilespmem:v48+s3+$0x0], $0xffff  }
0xa2: {  	v55 =	vadd.s32 v3, v22;
	v62 =	vld.idx.msk [tilespmem:v56+s3+$0x0], $0xffff;
	[tilespmem:s26+$0xFFFFFF20] =	vst v23  }
0xa3: {  	v50 =	vadd.s32 v7, v14;
	v58 =	vld.idx.msk [tilespmem:v52+s3+$0x0], $0xffff;
	[tilespmem:s31+$0xFFFFFFE0] =	vst v25  }
0xa4: {  	v60 =	vadd.s32 v4, v18;
	[tilespmem:s26+$0x130] =	vst v17;
	v29 =	vld.idx.msk [tilespmem:v54+s3+$0x0], $0xffff  }
0xa5: {  	v61 =	vadd.s32 v4, v19;
	v13 =	vld.idx.msk [tilespmem:v34+s3+$0x0], $0xffff;
	[tilespmem:s31+$0xE0] =	vst v24  }
0xa6: {  	v33 =	vadd.s32 v4, v16;
	v27 =	vld.idx.msk [tilespmem:v51+s3+$0x0], $0xffff;
	[tilespmem:s31+$0x60] =	vst v31  }
0xa7: {  	v59 =	vadd.s32 v4, v21;
	[tilespmem:s31+$0xFFFFFEF0] =	vst v62;
	v24 =	vld.idx.msk [tilespmem:v55+s3+$0x0], $0xffff  }
0xa8: {  	v63 =	vadd.s32 v4, v22;
	v17 =	vld.idx.msk [tilespmem:v50+s3+$0x0], $0xffff;
	[tilespmem:s31+$0xFFFFFF70] =	vst v58  }
0xa9: {  	v57 =	vadd.s32 v8, v15;
	v36 =	vld.idx.msk [tilespmem:v60+s3+$0x0], $0xffff;
	[tilespmem:s31+$0xFFFFFFF0] =	vst v29  }
0xaa: {  	v38 =	vadd.s32 v6, v18;
	[tilespmem:s26+$0x30] =	vst v13;
	v26 =	vld.idx.msk [tilespmem:v61+s3+$0x0], $0xffff  }
0xab: {  	v40 =	vadd.s32 v6, v19;
	[tilespmem:s31+$0xF0] =	vst v27;
	v27 =	vld.idx.msk [tilespmem:v33+s3+$0x0], $0xffff  }
0xac: {  	v42 =	vadd.s32 v6, v16;
	v35 =	vld.idx.msk [tilespmem:v59+s3+$0x0], $0xffff;
	[tilespmem:s31+$0x70] =	vst v24  }
0xad: {  	v37 =	vadd.s32 v6, v21;
	[tilespmem:s26+$0xA0] =	vst v17;
	v39 =	vld.idx.msk [tilespmem:v63+s3+$0x0], $0xffff  }
0xae: {  	v41 =	vadd.s32 v6, v22;
	v15 =	vld.idx.msk [tilespmem:v57+s3+$0x0], $0xffff;
	[tilespmem:s31+$0xFFFFFF80] =	vst v36  }
0xaf: {  	v52 =	vadd.s32 v8, v12;
	v45 =	vld.idx.msk [tilespmem:v38+s3+$0x0], $0xffff;
	[tilespmem:s31+$0x0] =	vst v26  }
0xb0: {  	v47 =	vadd.s32 v7, v18;
	v24 =	vld.idx.msk [tilespmem:v40+s3+$0x0], $0xffff;
	[tilespmem:s31+$0xFFFFFF00] =	vst v27  }
0xb1: {  	v48 =	vadd.s32 v7, v19;
	[tilespmem:s31+$0x100] =	vst v35;
	v49 =	vld.idx.msk [tilespmem:v42+s3+$0x0], $0xffff  }
0xb2: {  	v51 =	vadd.s32 v7, v16;
	v44 =	vld.idx.msk [tilespmem:v37+s3+$0x0], $0xffff;
	[tilespmem:s31+$0x80] =	vst v39  }
0xb3: {  	v46 =	vadd.s32 v7, v21;
	[tilespmem:s26+$0xFFFFFFB0] =	vst v15;
	v15 =	vld.idx.msk [tilespmem:v41+s3+$0x0], $0xffff  }
0xb4: {  	v50 =	vadd.s32 v7, v22;
	v12 =	vld.idx.msk [tilespmem:v52+s3+$0x0], $0xffff;
	[tilespmem:s31+$0xFFFFFF90] =	vst v45  }
0xb5: {  	v43 =	vadd.s32 v8, v14;
	v54 =	vld.idx.msk [tilespmem:v47+s3+$0x0], $0xffff;
	[tilespmem:s31+$0x10] =	vst v24  }
0xb6: {  	v55 =	vadd.s32 v8, v18;
	v17 =	vld.idx.msk [tilespmem:v48+s3+$0x0], $0xffff;
	[tilespmem:s31+$0xFFFFFF10] =	vst v49  }
0xb7: {  	v57 =	vadd.s32 v8, v19;
	[tilespmem:s31+$0x110] =	vst v44;
	v58 =	vld.idx.msk [tilespmem:v51+s3+$0x0], $0xffff  }
0xb8: {  	v60 =	vadd.s32 v8, v16;
	v53 =	vld.idx.msk [tilespmem:v46+s3+$0x0], $0xffff;
	[tilespmem:s31+$0x90] =	vst v15  }
0xb9: {  	v21 =	vadd.s32 v8, v21;
	[tilespmem:s26+$0xFFFFFF30] =	vst v12;
	v56 =	vld.idx.msk [tilespmem:v50+s3+$0x0], $0xffff  }
0xba: {  	v14 =	vld.idx.msk [tilespmem:v43+s3+$0x0], $0xffff;
	v59 =	vadd.s32 v8, v22;
	[tilespmem:s31+$0xFFFFFFA0] =	vst v54  }
0xbb: {  	v15 =	vld.idx.msk [tilespmem:v55+s3+$0x0], $0xffff;
	[tilespmem:s31+$0x20] =	vst v17  }
0xbc: {  	v13 =	vld.idx.msk [tilespmem:v57+s3+$0x0], $0xffff;
	[tilespmem:s31+$0xFFFFFF20] =	vst v58  }
0xbd: {  	[tilespmem:s31+$0x120] =	vst v53;
	v63 =	vld.idx.msk [tilespmem:v60+s3+$0x0], $0xffff  }
0xbe: {  	v61 =	vld.idx.msk [tilespmem:v21+s3+$0x0], $0xffff;
	[tilespmem:s31+$0xA0] =	vst v56  }
0xbf: {  	[tilespmem:s26+$0xB0] =	vst v14;
	v62 =	vld.idx.msk [tilespmem:v59+s3+$0x0], $0xffff  }
0xc0: {  	[tilespmem:s31+$0xFFFFFFB0] =	vst v15  }
0xc1: {  	[tilespmem:s31+$0x30] =	vst v13  }
0xc2: {  	[tilespmem:s31+$0xFFFFFF30] =	vst v63  }
0xc3: {  	[tilespmem:s31+$0x130] =	vst v61  }
0xc4: {  	s28 =	simm.s32 $0x0;
	s26 =	simm.s32 $0x0;
	[tilespmem:s31+$0xB0] =	vst v62  }
0xc5: {  	[tilespmem:s17], [sflag:$0x1] =	stream.indirect.gather [hbm4b:s4+s15], $0x40, s16, s15, $0xb8;
	[tilespmem:$0xB900] =	vst v63  }
.LBB2_4:
0xc6: {  	s29 =	sshllo.u32 s28, $0x1  }
0xc7: {  	s0 =	sshll.u32 s29, $0x7  }
0xc8: {  	s0 =	sand.u32 $0x3FFFFF80, s0  }
0xc9: {  	s0 =	sadd.s32 $0x1C00, s0  }
0xca: {  	[tilespmem:s18], [sflag:$0x2] =	stream.indirect.gather [hbm4b:s4+s15], $0x40, s0, s15, $0xb8;
	[tilespmem:$0xB900] =	vst v63  }
0xcb: {  	_ =	swait.ge [sflag:s19], $0x2000  }
0xcc: {  	p0 =	seq.s32 s28, $0x0;
	[sflag:s19] =	ssyncset.done $0x0  }
0xcd: {  	s0 =	simm.s32 @!p0 $0x3;
	[sflag:s19] =	ssyncadd.s32 $0xFFFFE000  }
0xce: {  	s1 =	simm.s32 $0x5;
	_ =	swait.ge @!p0 [sflag:s0], $0x2000  }
0xcf: {  	v12 =	vmov s1;
	[sflag:s0] =	ssyncset.done @!p0 $0x0  }
0xd0: {  	v13 =	vmov s26;
	s5 =	simm.s32 $0x1;
	v14 =	vand.u32 $0xFF, v12;
	[sflag:s0] =	ssyncadd.s32 @!p0 $0xFFFFE000;
	s0 =	simm.s32 $0x35C0  }
0xd1: {  	s7 =	simm.s32 $0x2;
	v15 =	vand.u32 $0x7E, v13;
	v12 =	vmov s5;
	v17 =	vadd.s32 v5, v14;
	v16 =	vld [tilespmem:s0+$0x80]  }
0xd2: {  	s30 =	simm.s32 $0x3;
	v19 =	vadd.s32 v5, v15;
	v24 =	vand.u32 $0x7F, v12;
	v12 =	vmov s7;
	v18 =	vld [tilespmem:s0+$0xFFFFFF40]  }
0xd3: {  	s31 =	simm.s32 $0x4;
	v21 =	vadd.s32 v5, v24;
	v25 =	vand.u32 $0xFE, v12;
	v12 =	vmov s30;
	v20 =	vld [tilespmem:s0+$0xFFFFFF80]  }
0xd4: {  	v23 =	vadd.s32 v5, v25;
	v13 =	vand.u32 $0xFF, v12;
	v12 =	vmov s31;
	v22 =	vld [tilespmem:s0+$0xFFFFFFC0]  }
0xd5: {  	v27 =	vadd.s32 v5, v13;
	v12 =	vand.u32 $0xFE, v12;
	v26 =	vld [tilespmem:s0+$0x0]  }
0xd6: {  	v29 =	vadd.s32 v5, v12;
	v28 =	vld [tilespmem:s0+$0x40];
	[tilespmem:v17+s20+$0x0] =	vst.idx.msk $0xffff, v16  }
0xd7: {  	[tilespmem:v19+s20+$0x0] =	vst.idx.msk $0xffff, v18;
	v17 =	vadd.s32 v9, v14;
	v16 =	vld [tilespmem:s0+$0x90]  }
0xd8: {  	v19 =	vadd.s32 v9, v15;
	[tilespmem:v21+s20+$0x0] =	vst.idx.msk $0xffff, v20;
	v18 =	vld [tilespmem:s0+$0xFFFFFF50]  }
0xd9: {  	v21 =	vadd.s32 v9, v24;
	[tilespmem:v23+s20+$0x0] =	vst.idx.msk $0xffff, v22;
	v20 =	vld [tilespmem:s0+$0xFFFFFF90]  }
0xda: {  	v23 =	vadd.s32 v9, v25;
	[tilespmem:v27+s20+$0x0] =	vst.idx.msk $0xffff, v26;
	v22 =	vld [tilespmem:s0+$0xFFFFFFD0]  }
0xdb: {  	v61 =	vadd.s32 v9, v13;
	[tilespmem:v29+s20+$0x0] =	vst.idx.msk $0xffff, v28;
	v26 =	vld [tilespmem:s0+$0x10]  }
0xdc: {  	v62 =	vadd.s32 v9, v12;
	v28 =	vld [tilespmem:s0+$0x50];
	[tilespmem:v17+s20+$0x0] =	vst.idx.msk $0xffff, v16  }
0xdd: {  	[tilespmem:v19+s20+$0x0] =	vst.idx.msk $0xffff, v18;
	v17 =	vadd.s32 v10, v14;
	v16 =	vld [tilespmem:s0+$0xA0]  }
0xde: {  	v19 =	vadd.s32 v10, v15;
	[tilespmem:v21+s20+$0x0] =	vst.idx.msk $0xffff, v20;
	v18 =	vld [tilespmem:s0+$0xFFFFFF60]  }
0xdf: {  	v30 =	vadd.s32 v10, v24;
	[tilespmem:v23+s20+$0x0] =	vst.idx.msk $0xffff, v22;
	v21 =	vld [tilespmem:s0+$0xFFFFFFA0]  }
0xe0: {  	[tilespmem:v61+s20+$0x0] =	vst.idx.msk $0xffff, v26  }
0xe1: {  	v32 =	vadd.s32 v10, v25;
	[tilespmem:v62+s20+$0x0] =	vst.idx.msk $0xffff, v28;
	v31 =	vld [tilespmem:s0+$0xFFFFFFE0]  }
0xe2: {  	v63 =	vadd.s32 v10, v13;
	v26 =	vld [tilespmem:s0+$0x20];
	[tilespmem:v17+s20+$0x0] =	vst.idx.msk $0xffff, v16  }
0xe3: {  	v23 =	vadd.s32 v10, v12;
	v22 =	vld [tilespmem:s0+$0x60];
	[tilespmem:v19+s20+$0x0] =	vst.idx.msk $0xffff, v18  }
0xe4: {  	[tilespmem:v30+s20+$0x0] =	vst.idx.msk $0xffff, v21;
	v21 =	vadd.s32 v11, v14;
	v20 =	vld [tilespmem:s0+$0xB0]  }
0xe5: {  	v19 =	vadd.s32 v11, v15;
	v18 =	vld [tilespmem:s0+$0xFFFFFF70]  }
0xe6: {  	[tilespmem:v32+s20+$0x0] =	vst.idx.msk $0xffff, v31;
	v17 =	vadd.s32 v11, v24;
	v15 =	vld [tilespmem:s0+$0xFFFFFFB0]  }
0xe7: {  	s1 =	simm.s32 $0x6;
	s5 =	simm.s32 $0xC;
	s7 =	simm.s32 $0xB;
	v16 =	vadd.s32 v11, v25;
	[tilespmem:v63+s20+$0x0] =	vst.idx.msk $0xffff, v26;
	v14 =	vld [tilespmem:s0+$0xFFFFFFF0]  }
.LBB2_5:
0xe8: {  	p1 =	slt.u32 s5, $0x78;
	v24 =	vmov s7;
	v25 =	vld [tilespmem:s0+$0x30];
	v26 =	vadd.s32 v11, v13;
	[tilespmem:v23+s20+$0x0] =	vst.idx.msk $0xffff, v22;
	s30 =	simm.s32 $0x54B0  }
0xe9: {  	v13 =	vmov s1;
	s7 =	sadd.s32 $0x1, s1;
	v23 =	vadd.s32 v11, v12;
	s31 =	simm.s32 $0x7E;
	v24 =	vand.u32 $0xFF, v24;
	v22 =	vld [tilespmem:s0+$0x70];
	[tilespmem:v21+s20+$0x0] =	vst.idx.msk $0xffff, v20;
	s0 =	sadd.s32 $0x180, s0  }
0xea: {  	v27 =	vand.u32 $0x7E, v13;
	v12 =	vmov s7;
	s7 =	sadd.s32 $0x2, s1;
	v20 =	vld [tilespmem:s0+$0x80];
	v21 =	vadd.s32 v5, v24;
	[tilespmem:v19+s20+$0x0] =	vst.idx.msk $0xffff, v18  }
0xeb: {  	v19 =	vadd.s32 v5, v27;
	v28 =	vand.u32 $0x7F, v12;
	v12 =	vmov s7;
	s7 =	sadd.s32 $0x3, s1;
	v18 =	vld [tilespmem:s0+$0xFFFFFF40];
	[tilespmem:v17+s20+$0x0] =	vst.idx.msk $0xffff, v15  }
0xec: {  	v17 =	vadd.s32 v5, v28;
	v29 =	vand.u32 $0xFE, v12;
	v12 =	vmov s7;
	s7 =	sadd.s32 $0x4, s1;
	s1 =	smov.u32 s5;
	v15 =	vld [tilespmem:s0+$0xFFFFFF80];
	[tilespmem:v16+s20+$0x0] =	vst.idx.msk $0xffff, v14  }
0xed: {  	v16 =	vadd.s32 v5, v29;
	v13 =	vand.u32 $0xFF, v12;
	v12 =	vmov s7;
	v14 =	vld [tilespmem:s0+$0xFFFFFFC0];
	[tilespmem:v26+s20+$0x0] =	vst.idx.msk $0xffff, v25  }
0xee: {  	v26 =	vadd.s32 v5, v13;
	v12 =	vand.u32 $0xFE, v12;
	v25 =	vld [tilespmem:s0+$0x0];
	[tilespmem:v23+s20+$0x0] =	vst.idx.msk $0xffff, v22  }
0xef: {  	v23 =	vadd.s32 v5, v12;
	v22 =	vld [tilespmem:s0+$0x40];
	[tilespmem:v21+s20+$0x0] =	vst.idx.msk $0xffff, v20  }
0xf0: {  	[tilespmem:v19+s20+$0x0] =	vst.idx.msk $0xffff, v18;
	v18 =	vld [tilespmem:s0+$0x90];
	v19 =	vadd.s32 v9, v24  }
0xf1: {  	v21 =	vadd.s32 v9, v27;
	v20 =	vld [tilespmem:s0+$0xFFFFFF50];
	[tilespmem:v17+s20+$0x0] =	vst.idx.msk $0xffff, v15  }
0xf2: {  	v17 =	vadd.s32 v9, v28;
	v15 =	vld [tilespmem:s0+$0xFFFFFF90];
	[tilespmem:v16+s20+$0x0] =	vst.idx.msk $0xffff, v14  }
0xf3: {  	v16 =	vadd.s32 v9, v29;
	v14 =	vld [tilespmem:s0+$0xFFFFFFD0];
	[tilespmem:v26+s20+$0x0] =	vst.idx.msk $0xffff, v25  }
0xf4: {  	v26 =	vadd.s32 v9, v13;
	v25 =	vld [tilespmem:s0+$0x10];
	[tilespmem:v23+s20+$0x0] =	vst.idx.msk $0xffff, v22  }
0xf5: {  	v23 =	vadd.s32 v9, v12;
	v22 =	vld [tilespmem:s0+$0x50];
	[tilespmem:v19+s20+$0x0] =	vst.idx.msk $0xffff, v18  }
0xf6: {  	v19 =	vadd.s32 v10, v24;
	[tilespmem:v21+s20+$0x0] =	vst.idx.msk $0xffff, v20;
	v18 =	vld [tilespmem:s0+$0xA0]  }
0xf7: {  	v21 =	vadd.s32 v10, v27;
	v20 =	vld [tilespmem:s0+$0xFFFFFF60];
	[tilespmem:v17+s20+$0x0] =	vst.idx.msk $0xffff, v15  }
0xf8: {  	v17 =	vadd.s32 v10, v28;
	v15 =	vld [tilespmem:s0+$0xFFFFFFA0];
	[tilespmem:v16+s20+$0x0] =	vst.idx.msk $0xffff, v14  }
0xf9: {  	v16 =	vadd.s32 v10, v29;
	v14 =	vld [tilespmem:s0+$0xFFFFFFE0];
	[tilespmem:v26+s20+$0x0] =	vst.idx.msk $0xffff, v25  }
0xfa: {  	v26 =	vadd.s32 v10, v13;
	v25 =	vld [tilespmem:s0+$0x20];
	[tilespmem:v23+s20+$0x0] =	vst.idx.msk $0xffff, v22  }
.Ltmp1:
0xfb: {  	v23 =	vadd.s32 v10, v12;
	v22 =	vld [tilespmem:s0+$0x60];
	[tilespmem:v19+s20+$0x0] =	vst.idx.msk $0xffff, v18;
	(pc) =	sbr.rel @p1 .LBB2_5-.Ltmp1, $4  }
0xfc: {  	[tilespmem:v21+s20+$0x0] =	vst.idx.msk $0xffff, v20;
	v20 =	vld [tilespmem:s0+$0xB0];
	v21 =	vadd.s32 v11, v24  }
0xfd: {  	v19 =	vadd.s32 v11, v27;
	v18 =	vld [tilespmem:s0+$0xFFFFFF70];
	[tilespmem:v17+s20+$0x0] =	vst.idx.msk $0xffff, v15  }
0xfe: {  	v17 =	vadd.s32 v11, v28;
	v15 =	vld [tilespmem:s0+$0xFFFFFFB0];
	[tilespmem:v16+s20+$0x0] =	vst.idx.msk $0xffff, v14  }
0xff: {  	s5 =	sadd.s32 $0x6, s5;
	s7 =	sadd.s32 $0x5, s1;
	v16 =	vadd.s32 v11, v29;
	v14 =	vld [tilespmem:s0+$0xFFFFFFF0];
	[tilespmem:v26+s20+$0x0] =	vst.idx.msk $0xffff, v25  }
0x100: {  	_ =	sdelay $0x3  }
0x101: {  	v24 =	vmov s7;
	v25 =	vld [tilespmem:s0+$0x30];
	v13 =	vadd.s32 v11, v13;
	[tilespmem:v23+s20+$0x0] =	vst.idx.msk $0xffff, v22  }
0x102: {  	v61 =	vmov s1;
	s5 =	sadd.s32 $0x1, s1;
	v12 =	vadd.s32 v11, v12;
	v62 =	vand.u32 $0xFF, v24;
	v63 =	vld [tilespmem:s0+$0x70];
	[tilespmem:v21+s20+$0x0] =	vst.idx.msk $0xffff, v20;
	s0 =	sadd.s32 $0x180, s0  }
0x103: {  	s7 =	sadd.s32 $0x2, s1;
	v32 =	vand.u32 $0x7E, v61;
	v33 =	vmov s5;
	v34 =	vld [tilespmem:s0+$0x80];
	v26 =	vadd.s32 v5, v62;
	[tilespmem:v19+s20+$0x0] =	vst.idx.msk $0xffff, v18  }
0x104: {  	v27 =	vmov s7;
	s7 =	sadd.s32 $0x3, s1;
	v35 =	vld [tilespmem:s0+$0xFFFFFF40];
	v36 =	vadd.s32 v5, v32;
	v21 =	vand.u32 $0x7F, v33;
	[tilespmem:v17+s20+$0x0] =	vst.idx.msk $0xffff, v15  }
0x105: {  	v37 =	vld [tilespmem:s0+$0xFFFFFF80];
	v27 =	vand.u32 $0xFE, v27;
	v28 =	vmov s7;
	s7 =	sadd.s32 $0x4, s1;
	v38 =	vadd.s32 v5, v21;
	[tilespmem:v16+s20+$0x0] =	vst.idx.msk $0xffff, v14  }
0x106: {  	v39 =	vld [tilespmem:s0+$0xFFFFFFC0];
	v40 =	vadd.s32 v5, v27;
	v28 =	vand.u32 $0xFF, v28;
	v29 =	vmov s7;
	[tilespmem:v13+s20+$0x0] =	vst.idx.msk $0xffff, v25  }
0x107: {  	v41 =	vld [tilespmem:s0+$0x0];
	v42 =	vadd.s32 v5, v28;
	v29 =	vand.u32 $0xFE, v29;
	[tilespmem:v12+s20+$0x0] =	vst.idx.msk $0xffff, v63  }
0x108: {  	v43 =	vld [tilespmem:s0+$0x40];
	v44 =	vadd.s32 v5, v29;
	[tilespmem:v26+s20+$0x0] =	vst.idx.msk $0xffff, v34  }
0x109: {  	v46 =	vadd.s32 v9, v62;
	[tilespmem:v36+s20+$0x0] =	vst.idx.msk $0xffff, v35;
	v45 =	vld [tilespmem:s0+$0x90]  }
0x10a: {  	v48 =	vadd.s32 v9, v32;
	v47 =	vld [tilespmem:s0+$0xFFFFFF50];
	[tilespmem:v38+s20+$0x0] =	vst.idx.msk $0xffff, v37  }
0x10b: {  	v49 =	vadd.s32 v9, v21;
	[tilespmem:v40+s20+$0x0] =	vst.idx.msk $0xffff, v39;
	v15 =	vld [tilespmem:s0+$0xFFFFFF90]  }
0x10c: {  	v50 =	vadd.s32 v9, v27;
	v14 =	vld [tilespmem:s0+$0xFFFFFFD0];
	[tilespmem:v42+s20+$0x0] =	vst.idx.msk $0xffff, v41  }
0x10d: {  	v51 =	vadd.s32 v9, v28;
	v13 =	vld [tilespmem:s0+$0x10];
	[tilespmem:v44+s20+$0x0] =	vst.idx.msk $0xffff, v43  }
0x10e: {  	v52 =	vadd.s32 v9, v29;
	v12 =	vld [tilespmem:s0+$0x50];
	[tilespmem:v46+s20+$0x0] =	vst.idx.msk $0xffff, v45  }
0x10f: {  	v53 =	vadd.s32 v10, v62;
	[tilespmem:v48+s20+$0x0] =	vst.idx.msk $0xffff, v47;
	v18 =	vld [tilespmem:s0+$0xA0]  }
0x110: {  	v54 =	vadd.s32 v10, v32;
	v22 =	vld [tilespmem:s0+$0xFFFFFF60];
	[tilespmem:v49+s20+$0x0] =	vst.idx.msk $0xffff, v15  }
0x111: {  	v55 =	vadd.s32 v10, v21;
	[tilespmem:v50+s20+$0x0] =	vst.idx.msk $0xffff, v14;
	v15 =	vld [tilespmem:s0+$0xFFFFFFA0]  }
0x112: {  	v56 =	vadd.s32 v10, v27;
	v14 =	vld [tilespmem:s0+$0xFFFFFFE0];
	[tilespmem:v51+s20+$0x0] =	vst.idx.msk $0xffff, v13  }
0x113: {  	v57 =	vadd.s32 v10, v28;
	v13 =	vld [tilespmem:s0+$0x20];
	[tilespmem:v52+s20+$0x0] =	vst.idx.msk $0xffff, v12  }
0x114: {  	v58 =	vadd.s32 v10, v29;
	v12 =	vld [tilespmem:s0+$0x60];
	[tilespmem:v53+s20+$0x0] =	vst.idx.msk $0xffff, v18  }
0x115: {  	v59 =	vadd.s32 v11, v62;
	[tilespmem:v54+s20+$0x0] =	vst.idx.msk $0xffff, v22;
	v18 =	vld [tilespmem:s0+$0xB0]  }
0x116: {  	v20 =	vadd.s32 v11, v32;
	v22 =	vld [tilespmem:s0+$0xFFFFFF70];
	[tilespmem:v55+s20+$0x0] =	vst.idx.msk $0xffff, v15  }
0x117: {  	v60 =	vadd.s32 v11, v21;
	[tilespmem:v56+s20+$0x0] =	vst.idx.msk $0xffff, v14;
	v15 =	vld [tilespmem:s0+$0xFFFFFFB0]  }
0x118: {  	v61 =	vadd.s32 v11, v27;
	v14 =	vld [tilespmem:s0+$0xFFFFFFF0];
	[tilespmem:v57+s20+$0x0] =	vst.idx.msk $0xffff, v13  }
0x119: {  	v62 =	vadd.s32 v11, v28;
	v13 =	vld [tilespmem:s0+$0x30];
	[tilespmem:v58+s20+$0x0] =	vst.idx.msk $0xffff, v12  }
0x11a: {  	v63 =	vadd.s32 v11, v29;
	v12 =	vld [tilespmem:s0+$0x70];
	[tilespmem:v59+s20+$0x0] =	vst.idx.msk $0xffff, v18  }
0x11b: {  	[tilespmem:v20+s20+$0x0] =	vst.idx.msk $0xffff, v22  }
0x11c: {  	[tilespmem:v60+s20+$0x0] =	vst.idx.msk $0xffff, v15  }
0x11d: {  	[tilespmem:v61+s20+$0x0] =	vst.idx.msk $0xffff, v14  }
0x11e: {  	[tilespmem:v62+s20+$0x0] =	vst.idx.msk $0xffff, v13  }
0x11f: {  	[tilespmem:v63+s20+$0x0] =	vst.idx.msk $0xffff, v12  }
.LBB2_7:
0x120: {  	v12 =	vmov s31  }
0x121: {  	v12 =	vand.u32 $0x7F, v12  }
0x122: {  	v13 =	vld [tilespmem:s30+$0xFFFFFFD0];
	v14 =	vadd.s32 v5, v12;
	_ =	sdelay $0x4  }
0x123: {  	[tilespmem:v14+s20+$0x0] =	vst.idx.msk $0xffff, v13  }
0x124: {  	v62 =	vadd.s32 v9, v12;
	v13 =	vld [tilespmem:s30+$0xFFFFFFE0];
	_ =	sdelay $0x4  }
0x125: {  	[tilespmem:v62+s20+$0x0] =	vst.idx.msk $0xffff, v13  }
0x126: {  	v63 =	vadd.s32 v10, v12;
	v13 =	vld [tilespmem:s30+$0xFFFFFFF0];
	_ =	sdelay $0x4  }
0x127: {  	[tilespmem:v63+s20+$0x0] =	vst.idx.msk $0xffff, v13  }
0x128: {  	p1 =	sne.s32 s31, $0x7F;
	v12 =	vadd.s32 v11, v12;
	v13 =	vld [tilespmem:s30+$0x0]  }
.Ltmp2:
0x129: {  	_ = 	snop;
	(pc) =	sbr.rel @p1 .LBB2_7-.Ltmp2, $2  }
0x12a: {  	_ =	sdelay $0x2  }
0x12b: {  	s31 =	sadd.s32 $0x1, s31;
	s30 =	sadd.s32 $0x40, s30;
	[tilespmem:v12+s20+$0x0] =	vst.idx.msk $0xffff, v13  }
0x12c: {  	s0 =	sshll.u32 s28, $0x15  }
0x12d: {  	s0 =	sor.u32 s6, s0  }
0x12e: {  	s0 =	sshrl.u32 s0, $0x3  }
0x12f: {  	s7 =	simm.s32 $0x7500;
	s1 =	sadd.s32 s2, s0  }
0x130: {  	[hbm4b:s1+s3] =	stream.linear.scatter [tilespmem:s7], [sflag:$0x3], $0x80, $0x38;
	[tilespmem:$0xB900] =	vst v63  }
0x131: {  	s31 =	simm.s32 $0x7588;
	s5 =	sadd.s32 $0x10, s1  }
0x132: {  	[hbm4b:s5+s3] =	stream.linear.scatter [tilespmem:s31], [sflag:$0x3], $0x80, $0x38;
	[tilespmem:$0xB900] =	vst v63  }
0x133: {  	s7 =	simm.s32 $0x7610;
	s31 =	sadd.s32 $0x20, s1  }
0x134: {  	[hbm4b:s31+s3] =	stream.linear.scatter [tilespmem:s7], [sflag:$0x3], $0x80, $0x38;
	[tilespmem:$0xB900] =	vst v63  }
0x135: {  	s7 =	simm.s32 $0x7698;
	s31 =	sadd.s32 $0x30, s1  }
0x136: {  	[hbm4b:s31+s3] =	stream.linear.scatter [tilespmem:s7], [sflag:$0x3], $0x80, $0x38;
	[tilespmem:$0xB900] =	vst v63  }
0x137: {  	s7 =	simm.s32 $0x7720;
	s31 =	sadd.s32 $0x40, s1  }
0x138: {  	[hbm4b:s31+s3] =	stream.linear.scatter [tilespmem:s7], [sflag:$0x3], $0x80, $0x38;
	[tilespmem:$0xB900] =	vst v63  }
0x139: {  	s0 =	simm.s32 $0x440;
	s7 =	simm.s32 $0x77A8;
	s31 =	sadd.s32 $0x50, s1  }
0x13a: {  	[hbm4b:s31+s3] =	stream.linear.scatter [tilespmem:s7], [sflag:$0x3], $0x80, $0x38;
	[tilespmem:$0xB900] =	vst v63  }
0x13b: {  	s30 =	sadd.s32 $0x70, s1;
	s7 =	simm.s32 $0x7830;
	s31 =	sadd.s32 $0x60, s1  }
0x13c: {  	[hbm4b:s31+s3] =	stream.linear.scatter [tilespmem:s7], [sflag:$0x3], $0x80, $0x38;
	[tilespmem:$0xB900] =	vst v63  }
0x13d: {  	s5 =	simm.s32 $0x2200;
	s1 =	sadd.s32 $0x4000, s1;
	s7 =	simm.s32 $0x78B8  }
.LBB2_9:
0x13e: {  	[hbm4b:s30+s3] =	stream.linear.scatter [tilespmem:s7], [sflag:$0x3], $0x80, $0x38;
	[tilespmem:$0xB900] =	vst v63  }
0x13f: {  	s7 =	smov.u32 s0;
	s0 =	smov.u32 s5  }
0x140: {  	s31 =	sadd.s32 $0x1100, s5;
	s0 =	sshra.s32 s0, $0x2;
	s30 =	sadd.s32 $0x7500, s7  }
0x141: {  	[hbm4b:s1+s3] =	stream.linear.scatter [tilespmem:s30], [sflag:$0x3], $0x80, $0x38;
	[tilespmem:$0xB900] =	vst v63  }
0x142: {  	p1 =	sne.s32 s5, $0x7700;
	s5 =	sadd.s32 $0x7588, s7;
	s30 =	sadd.s32 $0x10, s1  }
0x143: {  	[hbm4b:s30+s3] =	stream.linear.scatter [tilespmem:s5], [sflag:$0x3], $0x80, $0x38;
	[tilespmem:$0xB900] =	vst v63  }
0x144: {  	s5 =	sadd.s32 $0x7610, s7;
	s30 =	sadd.s32 $0x20, s1  }
0x145: {  	[hbm4b:s30+s3] =	stream.linear.scatter [tilespmem:s5], [sflag:$0x3], $0x80, $0x38;
	[tilespmem:$0xB900] =	vst v63  }
0x146: {  	s5 =	sadd.s32 $0x7698, s7;
	s30 =	sadd.s32 $0x30, s1  }
0x147: {  	[hbm4b:s30+s3] =	stream.linear.scatter [tilespmem:s5], [sflag:$0x3], $0x80, $0x38;
	[tilespmem:$0xB900] =	vst v63  }
0x148: {  	s5 =	sadd.s32 $0x7720, s7;
	s30 =	sadd.s32 $0x40, s1  }
0x149: {  	[hbm4b:s30+s3] =	stream.linear.scatter [tilespmem:s5], [sflag:$0x3], $0x80, $0x38;
	[tilespmem:$0xB900] =	vst v63  }
.Ltmp3:
0x14a: {  	s5 =	sadd.s32 $0x77A8, s7;
	s30 =	sadd.s32 $0x50, s1;
	(pc) =	sbr.rel @p1 .LBB2_9-.Ltmp3, $4  }
0x14b: {  	[hbm4b:s30+s3] =	stream.linear.scatter [tilespmem:s5], [sflag:$0x3], $0x80, $0x38;
	[tilespmem:$0xB900] =	vst v63  }
0x14c: {  	s5 =	sadd.s32 $0x7830, s7;
	s30 =	sadd.s32 $0x60, s1;
	s7 =	sadd.s32 $0x78B8, s7  }
0x14d: {  	[hbm4b:s30+s3] =	stream.linear.scatter [tilespmem:s5], [sflag:$0x3], $0x80, $0x38;
	[tilespmem:$0xB900] =	vst v63  }
0x14e: {  	s30 =	sadd.s32 $0x70, s1;
	s1 =	sadd.s32 $0x4000, s1;
	s5 =	smov.u32 s31  }
0x14f: {  	[hbm4b:s30+s3] =	stream.linear.scatter [tilespmem:s7], [sflag:$0x3], $0x80, $0x38;
	[tilespmem:$0xB900] =	vst v63  }
0x150: {  	s5 =	sadd.s32 $0x7500, s0  }
0x151: {  	[hbm4b:s1+s3] =	stream.linear.scatter [tilespmem:s5], [sflag:$0x3], $0x80, $0x38;
	[tilespmem:$0xB900] =	vst v63  }
0x152: {  	s30 =	sadd.s32 $0x7588, s0;
	s31 =	sadd.s32 $0x10, s1  }
0x153: {  	[hbm4b:s31+s3] =	stream.linear.scatter [tilespmem:s30], [sflag:$0x3], $0x80, $0x38;
	[tilespmem:$0xB900] =	vst v63  }
0x154: {  	s30 =	sadd.s32 $0x7610, s0;
	s31 =	sadd.s32 $0x20, s1  }
0x155: {  	[hbm4b:s31+s3] =	stream.linear.scatter [tilespmem:s30], [sflag:$0x3], $0x80, $0x38;
	[tilespmem:$0xB900] =	vst v63  }
0x156: {  	s30 =	sadd.s32 $0x7698, s0;
	s31 =	sadd.s32 $0x30, s1  }
0x157: {  	[hbm4b:s31+s3] =	stream.linear.scatter [tilespmem:s30], [sflag:$0x3], $0x80, $0x38;
	[tilespmem:$0xB900] =	vst v63  }
0x158: {  	s30 =	sadd.s32 $0x7720, s0;
	s31 =	sadd.s32 $0x40, s1  }
0x159: {  	[hbm4b:s31+s3] =	stream.linear.scatter [tilespmem:s30], [sflag:$0x3], $0x80, $0x38;
	[tilespmem:$0xB900] =	vst v63  }
0x15a: {  	p1 =	sne.s32 s28, $0x18;
	s30 =	sadd.s32 $0x77A8, s0;
	s31 =	sadd.s32 $0x50, s1  }
0x15b: {  	[hbm4b:s31+s3] =	stream.linear.scatter [tilespmem:s30], [sflag:$0x3], $0x80, $0x38;
	[tilespmem:$0xB900] =	vst v63  }
.Ltmp4:
0x15c: {  	_ = 	snop;
	(pc) =	sbr.rel @p1 .LBB2_12-.Ltmp4, $4  }
0x15d: {  	s30 =	sadd.s32 $0x7830, s0;
	s31 =	sadd.s32 $0x60, s1  }
0x15e: {  	[hbm4b:s31+s3] =	stream.linear.scatter [tilespmem:s30], [sflag:$0x3], $0x80, $0x38;
	[tilespmem:$0xB900] =	vst v63  }
0x15f: {  	s30 =	sadd.s32 $0x78B8, s0;
	s31 =	sadd.s32 $0x70, s1  }
0x160: {  	[hbm4b:s31+s3] =	stream.linear.scatter [tilespmem:s30], [sflag:$0x3], $0x80, $0x38;
	[tilespmem:$0xB900] =	vst v63  }
.Ltmp5:
0x161: {  	(pc) =	sbr.rel .LBB2_13-.Ltmp5, $4  }
0x162: {  	_ = 	snop  }
0x163: {  	_ =	swait.ge [sflag:s21], $0x2000  }
0x164: {  	[sflag:s21] =	ssyncset.done $0x0  }
0x165: {  	[sflag:s21] =	ssyncadd.s32 $0xFFFFE000  }
.LBB2_12:
0x166: {  	s0 =	sshll.u32 s28, $0x8  }
0x167: {  	s0 =	sand.u32 $0x3FFFFF00, s0  }
.Ltmp6:
0x168: {  	s0 =	sadd.s32 $0x1D00, s0;
	(pc) =	sbr.rel @p0 .LBB2_14-.Ltmp6, $4  }
0x169: {  	[tilespmem:s17], [sflag:$0x1] =	stream.indirect.gather [hbm4b:s4+s15], $0x40, s0, s15, $0xb8;
	[tilespmem:$0xB900] =	vst v63  }
0x16a: {  	_ =	swait.ge [sflag:s21], $0x2000  }
0x16b: {  	[sflag:s21] =	ssyncset.done $0x0  }
0x16c: {  	[sflag:s21] =	ssyncadd.s32 $0xFFFFE000  }
.LBB2_13:
0x16d: {  	_ =	swait.ge [sflag:s22], $0x2000  }
0x16e: {  	[sflag:s22] =	ssyncset.done $0x0  }
0x16f: {  	[sflag:s22] =	ssyncadd.s32 $0xFFFFE000  }
.LBB2_14:
0x170: {  	s0 =	simm.s32 $0x5  }
0x171: {  	s1 =	simm.s32 $0x0;
	v12 =	vmov s0  }
0x172: {  	s5 =	simm.s32 $0x1;
	s0 =	simm.s32 $0x55C0;
	v13 =	vmov s1;
	v14 =	vand.u32 $0xFF, v12  }
0x173: {  	s7 =	simm.s32 $0x2;
	v15 =	vand.u32 $0x7E, v13;
	v12 =	vmov s5;
	v16 =	vld [tilespmem:s0+$0x80];
	v17 =	vadd.s32 v5, v14  }
0x174: {  	s30 =	simm.s32 $0x3;
	v18 =	vld [tilespmem:s0+$0xFFFFFF40];
	v19 =	vadd.s32 v5, v15;
	v24 =	vand.u32 $0x7F, v12;
	v12 =	vmov s7  }
0x175: {  	s31 =	simm.s32 $0x4;
	v20 =	vld [tilespmem:s0+$0xFFFFFF80];
	v21 =	vadd.s32 v5, v24;
	v25 =	vand.u32 $0xFE, v12;
	v12 =	vmov s30  }
0x176: {  	v22 =	vld [tilespmem:s0+$0xFFFFFFC0];
	v23 =	vadd.s32 v5, v25;
	v13 =	vand.u32 $0xFF, v12;
	v12 =	vmov s31  }
0x177: {  	v26 =	vld [tilespmem:s0+$0x0];
	v27 =	vadd.s32 v5, v13;
	v12 =	vand.u32 $0xFE, v12  }
0x178: {  	v28 =	vld [tilespmem:s0+$0x40];
	v29 =	vadd.s32 v5, v12;
	[tilespmem:v17+s23+$0x0] =	vst.idx.msk $0xffff, v16  }
0x179: {  	[tilespmem:v19+s23+$0x0] =	vst.idx.msk $0xffff, v18;
	v17 =	vadd.s32 v9, v14;
	v16 =	vld [tilespmem:s0+$0x90]  }
0x17a: {  	v19 =	vadd.s32 v9, v15;
	v18 =	vld [tilespmem:s0+$0xFFFFFF50];
	[tilespmem:v21+s23+$0x0] =	vst.idx.msk $0xffff, v20  }
0x17b: {  	v21 =	vadd.s32 v9, v24;
	v20 =	vld [tilespmem:s0+$0xFFFFFF90];
	[tilespmem:v23+s23+$0x0] =	vst.idx.msk $0xffff, v22  }
0x17c: {  	v23 =	vadd.s32 v9, v25;
	v22 =	vld [tilespmem:s0+$0xFFFFFFD0];
	[tilespmem:v27+s23+$0x0] =	vst.idx.msk $0xffff, v26  }
0x17d: {  	v61 =	vadd.s32 v9, v13;
	v26 =	vld [tilespmem:s0+$0x10];
	[tilespmem:v29+s23+$0x0] =	vst.idx.msk $0xffff, v28  }
0x17e: {  	v62 =	vadd.s32 v9, v12;
	v28 =	vld [tilespmem:s0+$0x50];
	[tilespmem:v17+s23+$0x0] =	vst.idx.msk $0xffff, v16  }
0x17f: {  	[tilespmem:v19+s23+$0x0] =	vst.idx.msk $0xffff, v18;
	v17 =	vadd.s32 v10, v14;
	v16 =	vld [tilespmem:s0+$0xA0]  }
0x180: {  	v19 =	vadd.s32 v10, v15;
	v18 =	vld [tilespmem:s0+$0xFFFFFF60];
	[tilespmem:v21+s23+$0x0] =	vst.idx.msk $0xffff, v20  }
0x181: {  	v30 =	vadd.s32 v10, v24;
	v21 =	vld [tilespmem:s0+$0xFFFFFFA0];
	[tilespmem:v23+s23+$0x0] =	vst.idx.msk $0xffff, v22  }
0x182: {  	[tilespmem:v61+s23+$0x0] =	vst.idx.msk $0xffff, v26  }
0x183: {  	v32 =	vadd.s32 v10, v25;
	v31 =	vld [tilespmem:s0+$0xFFFFFFE0];
	[tilespmem:v62+s23+$0x0] =	vst.idx.msk $0xffff, v28  }
0x184: {  	v63 =	vadd.s32 v10, v13;
	v26 =	vld [tilespmem:s0+$0x20];
	[tilespmem:v17+s23+$0x0] =	vst.idx.msk $0xffff, v16  }
0x185: {  	v23 =	vadd.s32 v10, v12;
	v22 =	vld [tilespmem:s0+$0x60];
	[tilespmem:v19+s23+$0x0] =	vst.idx.msk $0xffff, v18  }
0x186: {  	v20 =	vld [tilespmem:s0+$0xB0];
	[tilespmem:v30+s23+$0x0] =	vst.idx.msk $0xffff, v21;
	v21 =	vadd.s32 v11, v14  }
0x187: {  	v19 =	vadd.s32 v11, v15;
	v18 =	vld [tilespmem:s0+$0xFFFFFF70]  }
0x188: {  	v17 =	vadd.s32 v11, v24;
	v15 =	vld [tilespmem:s0+$0xFFFFFFB0];
	[tilespmem:v32+s23+$0x0] =	vst.idx.msk $0xffff, v31  }
0x189: {  	s1 =	simm.s32 $0x6;
	s5 =	simm.s32 $0xC;
	s7 =	simm.s32 $0xB;
	v16 =	vadd.s32 v11, v25;
	v14 =	vld [tilespmem:s0+$0xFFFFFFF0];
	[tilespmem:v63+s23+$0x0] =	vst.idx.msk $0xffff, v26  }
.LBB2_15:
0x18a: {  	p0 =	slt.u32 s5, $0x78;
	v24 =	vmov s7;
	v25 =	vld [tilespmem:s0+$0x30];
	v26 =	vadd.s32 v11, v13;
	[tilespmem:v23+s23+$0x0] =	vst.idx.msk $0xffff, v22;
	s30 =	simm.s32 $0x74B0  }
0x18b: {  	v13 =	vmov s1;
	s7 =	sadd.s32 $0x1, s1;
	v23 =	vadd.s32 v11, v12;
	v24 =	vand.u32 $0xFF, v24;
	v22 =	vld [tilespmem:s0+$0x70];
	[tilespmem:v21+s23+$0x0] =	vst.idx.msk $0xffff, v20;
	s0 =	sadd.s32 $0x180, s0  }
0x18c: {  	v27 =	vand.u32 $0x7E, v13;
	v12 =	vmov s7;
	s7 =	sadd.s32 $0x2, s1;
	v20 =	vld [tilespmem:s0+$0x80];
	v21 =	vadd.s32 v5, v24;
	[tilespmem:v19+s23+$0x0] =	vst.idx.msk $0xffff, v18  }
0x18d: {  	v19 =	vadd.s32 v5, v27;
	v28 =	vand.u32 $0x7F, v12;
	v12 =	vmov s7;
	s7 =	sadd.s32 $0x3, s1;
	v18 =	vld [tilespmem:s0+$0xFFFFFF40];
	[tilespmem:v17+s23+$0x0] =	vst.idx.msk $0xffff, v15  }
0x18e: {  	v17 =	vadd.s32 v5, v28;
	v29 =	vand.u32 $0xFE, v12;
	v12 =	vmov s7;
	s7 =	sadd.s32 $0x4, s1;
	s1 =	smov.u32 s5;
	v15 =	vld [tilespmem:s0+$0xFFFFFF80];
	[tilespmem:v16+s23+$0x0] =	vst.idx.msk $0xffff, v14  }
0x18f: {  	v16 =	vadd.s32 v5, v29;
	v13 =	vand.u32 $0xFF, v12;
	v12 =	vmov s7;
	v14 =	vld [tilespmem:s0+$0xFFFFFFC0];
	[tilespmem:v26+s23+$0x0] =	vst.idx.msk $0xffff, v25  }
0x190: {  	v26 =	vadd.s32 v5, v13;
	v12 =	vand.u32 $0xFE, v12;
	v25 =	vld [tilespmem:s0+$0x0];
	[tilespmem:v23+s23+$0x0] =	vst.idx.msk $0xffff, v22  }
0x191: {  	v23 =	vadd.s32 v5, v12;
	v22 =	vld [tilespmem:s0+$0x40];
	[tilespmem:v21+s23+$0x0] =	vst.idx.msk $0xffff, v20  }
0x192: {  	[tilespmem:v19+s23+$0x0] =	vst.idx.msk $0xffff, v18;
	v18 =	vld [tilespmem:s0+$0x90];
	v19 =	vadd.s32 v9, v24  }
0x193: {  	v21 =	vadd.s32 v9, v27;
	v20 =	vld [tilespmem:s0+$0xFFFFFF50];
	[tilespmem:v17+s23+$0x0] =	vst.idx.msk $0xffff, v15  }
0x194: {  	v17 =	vadd.s32 v9, v28;
	v15 =	vld [tilespmem:s0+$0xFFFFFF90];
	[tilespmem:v16+s23+$0x0] =	vst.idx.msk $0xffff, v14  }
0x195: {  	v16 =	vadd.s32 v9, v29;
	v14 =	vld [tilespmem:s0+$0xFFFFFFD0];
	[tilespmem:v26+s23+$0x0] =	vst.idx.msk $0xffff, v25  }
0x196: {  	v26 =	vadd.s32 v9, v13;
	v25 =	vld [tilespmem:s0+$0x10];
	[tilespmem:v23+s23+$0x0] =	vst.idx.msk $0xffff, v22  }
0x197: {  	v23 =	vadd.s32 v9, v12;
	v22 =	vld [tilespmem:s0+$0x50];
	[tilespmem:v19+s23+$0x0] =	vst.idx.msk $0xffff, v18  }
0x198: {  	v19 =	vadd.s32 v10, v24;
	[tilespmem:v21+s23+$0x0] =	vst.idx.msk $0xffff, v20;
	v18 =	vld [tilespmem:s0+$0xA0]  }
0x199: {  	v21 =	vadd.s32 v10, v27;
	v20 =	vld [tilespmem:s0+$0xFFFFFF60];
	[tilespmem:v17+s23+$0x0] =	vst.idx.msk $0xffff, v15  }
0x19a: {  	v17 =	vadd.s32 v10, v28;
	v15 =	vld [tilespmem:s0+$0xFFFFFFA0];
	[tilespmem:v16+s23+$0x0] =	vst.idx.msk $0xffff, v14  }
0x19b: {  	v16 =	vadd.s32 v10, v29;
	v14 =	vld [tilespmem:s0+$0xFFFFFFE0];
	[tilespmem:v26+s23+$0x0] =	vst.idx.msk $0xffff, v25  }
0x19c: {  	v26 =	vadd.s32 v10, v13;
	v25 =	vld [tilespmem:s0+$0x20];
	[tilespmem:v23+s23+$0x0] =	vst.idx.msk $0xffff, v22  }
.Ltmp7:
0x19d: {  	v23 =	vadd.s32 v10, v12;
	v22 =	vld [tilespmem:s0+$0x60];
	[tilespmem:v19+s23+$0x0] =	vst.idx.msk $0xffff, v18;
	(pc) =	sbr.rel @p0 .LBB2_15-.Ltmp7, $4  }
0x19e: {  	[tilespmem:v21+s23+$0x0] =	vst.idx.msk $0xffff, v20;
	v20 =	vld [tilespmem:s0+$0xB0];
	v21 =	vadd.s32 v11, v24  }
0x19f: {  	v19 =	vadd.s32 v11, v27;
	v18 =	vld [tilespmem:s0+$0xFFFFFF70];
	[tilespmem:v17+s23+$0x0] =	vst.idx.msk $0xffff, v15  }
0x1a0: {  	v17 =	vadd.s32 v11, v28;
	v15 =	vld [tilespmem:s0+$0xFFFFFFB0];
	[tilespmem:v16+s23+$0x0] =	vst.idx.msk $0xffff, v14  }
0x1a1: {  	s5 =	sadd.s32 $0x6, s5;
	s7 =	sadd.s32 $0x5, s1;
	v16 =	vadd.s32 v11, v29;
	v14 =	vld [tilespmem:s0+$0xFFFFFFF0];
	[tilespmem:v26+s23+$0x0] =	vst.idx.msk $0xffff, v25  }
0x1a2: {  	_ =	sdelay $0x3  }
0x1a3: {  	v24 =	vmov s7;
	v25 =	vld [tilespmem:s0+$0x30];
	v13 =	vadd.s32 v11, v13;
	[tilespmem:v23+s23+$0x0] =	vst.idx.msk $0xffff, v22  }
0x1a4: {  	v61 =	vmov s1;
	s5 =	sadd.s32 $0x1, s1;
	v12 =	vadd.s32 v11, v12;
	v62 =	vand.u32 $0xFF, v24;
	v63 =	vld [tilespmem:s0+$0x70];
	[tilespmem:v21+s23+$0x0] =	vst.idx.msk $0xffff, v20;
	s0 =	sadd.s32 $0x180, s0  }
0x1a5: {  	s31 =	sadd.s32 $0x2, s1;
	v32 =	vand.u32 $0x7E, v61;
	v33 =	vmov s5;
	v34 =	vld [tilespmem:s0+$0x80];
	v26 =	vadd.s32 v5, v62;
	[tilespmem:v19+s23+$0x0] =	vst.idx.msk $0xffff, v18  }
0x1a6: {  	s7 =	sadd.s32 $0x3, s1;
	v27 =	vmov s31;
	v35 =	vld [tilespmem:s0+$0xFFFFFF40];
	v36 =	vadd.s32 v5, v32;
	v21 =	vand.u32 $0x7F, v33;
	[tilespmem:v17+s23+$0x0] =	vst.idx.msk $0xffff, v15  }
0x1a7: {  	v28 =	vmov s7;
	s31 =	sadd.s32 $0x4, s1;
	v37 =	vld [tilespmem:s0+$0xFFFFFF80];
	v27 =	vand.u32 $0xFE, v27;
	v38 =	vadd.s32 v5, v21;
	[tilespmem:v16+s23+$0x0] =	vst.idx.msk $0xffff, v14  }
0x1a8: {  	v39 =	vld [tilespmem:s0+$0xFFFFFFC0];
	v28 =	vand.u32 $0xFF, v28;
	v29 =	vmov s31;
	v40 =	vadd.s32 v5, v27;
	[tilespmem:v13+s23+$0x0] =	vst.idx.msk $0xffff, v25  }
0x1a9: {  	v41 =	vld [tilespmem:s0+$0x0];
	v42 =	vadd.s32 v5, v28;
	v29 =	vand.u32 $0xFE, v29;
	[tilespmem:v12+s23+$0x0] =	vst.idx.msk $0xffff, v63  }
0x1aa: {  	v43 =	vld [tilespmem:s0+$0x40];
	v44 =	vadd.s32 v5, v29;
	[tilespmem:v26+s23+$0x0] =	vst.idx.msk $0xffff, v34  }
0x1ab: {  	v46 =	vadd.s32 v9, v62;
	[tilespmem:v36+s23+$0x0] =	vst.idx.msk $0xffff, v35;
	v45 =	vld [tilespmem:s0+$0x90]  }
0x1ac: {  	v48 =	vadd.s32 v9, v32;
	v47 =	vld [tilespmem:s0+$0xFFFFFF50];
	[tilespmem:v38+s23+$0x0] =	vst.idx.msk $0xffff, v37  }
0x1ad: {  	v49 =	vadd.s32 v9, v21;
	[tilespmem:v40+s23+$0x0] =	vst.idx.msk $0xffff, v39;
	v15 =	vld [tilespmem:s0+$0xFFFFFF90]  }
0x1ae: {  	v50 =	vadd.s32 v9, v27;
	[tilespmem:v42+s23+$0x0] =	vst.idx.msk $0xffff, v41;
	v14 =	vld [tilespmem:s0+$0xFFFFFFD0]  }
0x1af: {  	v51 =	vadd.s32 v9, v28;
	v13 =	vld [tilespmem:s0+$0x10];
	[tilespmem:v44+s23+$0x0] =	vst.idx.msk $0xffff, v43  }
0x1b0: {  	v52 =	vadd.s32 v9, v29;
	v12 =	vld [tilespmem:s0+$0x50];
	[tilespmem:v46+s23+$0x0] =	vst.idx.msk $0xffff, v45  }
0x1b1: {  	v53 =	vadd.s32 v10, v62;
	[tilespmem:v48+s23+$0x0] =	vst.idx.msk $0xffff, v47;
	v18 =	vld [tilespmem:s0+$0xA0]  }
0x1b2: {  	v54 =	vadd.s32 v10, v32;
	v22 =	vld [tilespmem:s0+$0xFFFFFF60];
	[tilespmem:v49+s23+$0x0] =	vst.idx.msk $0xffff, v15  }
0x1b3: {  	v55 =	vadd.s32 v10, v21;
	[tilespmem:v50+s23+$0x0] =	vst.idx.msk $0xffff, v14;
	v15 =	vld [tilespmem:s0+$0xFFFFFFA0]  }
0x1b4: {  	v56 =	vadd.s32 v10, v27;
	[tilespmem:v51+s23+$0x0] =	vst.idx.msk $0xffff, v13;
	v14 =	vld [tilespmem:s0+$0xFFFFFFE0]  }
0x1b5: {  	v57 =	vadd.s32 v10, v28;
	v13 =	vld [tilespmem:s0+$0x20];
	[tilespmem:v52+s23+$0x0] =	vst.idx.msk $0xffff, v12  }
0x1b6: {  	v58 =	vadd.s32 v10, v29;
	v12 =	vld [tilespmem:s0+$0x60];
	[tilespmem:v53+s23+$0x0] =	vst.idx.msk $0xffff, v18  }
0x1b7: {  	v59 =	vadd.s32 v11, v62;
	[tilespmem:v54+s23+$0x0] =	vst.idx.msk $0xffff, v22;
	v18 =	vld [tilespmem:s0+$0xB0]  }
0x1b8: {  	v20 =	vadd.s32 v11, v32;
	v22 =	vld [tilespmem:s0+$0xFFFFFF70];
	[tilespmem:v55+s23+$0x0] =	vst.idx.msk $0xffff, v15  }
0x1b9: {  	v60 =	vadd.s32 v11, v21;
	[tilespmem:v56+s23+$0x0] =	vst.idx.msk $0xffff, v14;
	v15 =	vld [tilespmem:s0+$0xFFFFFFB0]  }
0x1ba: {  	v61 =	vadd.s32 v11, v27;
	[tilespmem:v57+s23+$0x0] =	vst.idx.msk $0xffff, v13;
	v14 =	vld [tilespmem:s0+$0xFFFFFFF0]  }
0x1bb: {  	v62 =	vadd.s32 v11, v28;
	v13 =	vld [tilespmem:s0+$0x30];
	[tilespmem:v58+s23+$0x0] =	vst.idx.msk $0xffff, v12  }
0x1bc: {  	v63 =	vadd.s32 v11, v29;
	v12 =	vld [tilespmem:s0+$0x70];
	[tilespmem:v59+s23+$0x0] =	vst.idx.msk $0xffff, v18  }
0x1bd: {  	[tilespmem:v20+s23+$0x0] =	vst.idx.msk $0xffff, v22  }
0x1be: {  	[tilespmem:v60+s23+$0x0] =	vst.idx.msk $0xffff, v15  }
0x1bf: {  	[tilespmem:v61+s23+$0x0] =	vst.idx.msk $0xffff, v14  }
0x1c0: {  	[tilespmem:v62+s23+$0x0] =	vst.idx.msk $0xffff, v13  }
0x1c1: {  	s0 =	simm.s32 $0x7E;
	[tilespmem:v63+s23+$0x0] =	vst.idx.msk $0xffff, v12  }
.LBB2_17:
0x1c2: {  	v12 =	vmov s0  }
0x1c3: {  	v12 =	vand.u32 $0x7F, v12  }
0x1c4: {  	v13 =	vld [tilespmem:s30+$0xFFFFFFD0];
	v14 =	vadd.s32 v5, v12;
	_ =	sdelay $0x4  }
0x1c5: {  	[tilespmem:v14+s23+$0x0] =	vst.idx.msk $0xffff, v13  }
0x1c6: {  	v62 =	vadd.s32 v9, v12;
	v13 =	vld [tilespmem:s30+$0xFFFFFFE0];
	_ =	sdelay $0x4  }
0x1c7: {  	[tilespmem:v62+s23+$0x0] =	vst.idx.msk $0xffff, v13  }
0x1c8: {  	v63 =	vadd.s32 v10, v12;
	v13 =	vld [tilespmem:s30+$0xFFFFFFF0];
	_ =	sdelay $0x4  }
0x1c9: {  	[tilespmem:v63+s23+$0x0] =	vst.idx.msk $0xffff, v13  }
0x1ca: {  	p0 =	sne.s32 s0, $0x7F;
	v12 =	vadd.s32 v11, v12;
	v13 =	vld [tilespmem:s30+$0x0]  }
.Ltmp8:
0x1cb: {  	_ = 	snop;
	(pc) =	sbr.rel @p0 .LBB2_17-.Ltmp8, $2  }
0x1cc: {  	_ =	sdelay $0x2  }
0x1cd: {  	s0 =	sadd.s32 $0x1, s0;
	s30 =	sadd.s32 $0x40, s30;
	[tilespmem:v12+s23+$0x0] =	vst.idx.msk $0xffff, v13  }
0x1ce: {  	s0 =	sshll.u32 s29, $0x14  }
0x1cf: {  	s0 =	sor.u32 s6, s0  }
0x1d0: {  	s0 =	sshrl.u32 s0, $0x3  }
0x1d1: {  	s5 =	simm.s32 $0x9700;
	s1 =	sadd.s32 s2, s0  }
0x1d2: {  	[hbm4b:s1+s3] =	stream.linear.scatter [tilespmem:s5], [sflag:$0x4], $0x80, $0x38;
	[tilespmem:$0xB900] =	vst v63  }
0x1d3: {  	s7 =	simm.s32 $0x9788;
	s5 =	sadd.s32 $0x10, s1  }
0x1d4: {  	[hbm4b:s5+s3] =	stream.linear.scatter [tilespmem:s7], [sflag:$0x4], $0x80, $0x38;
	[tilespmem:$0xB900] =	vst v63  }
0x1d5: {  	s30 =	simm.s32 $0x9810;
	s0 =	simm.s32 $0x440;
	s31 =	sadd.s32 $0x20, s1  }
0x1d6: {  	[hbm4b:s31+s3] =	stream.linear.scatter [tilespmem:s30], [sflag:$0x4], $0x80, $0x38;
	[tilespmem:$0xB900] =	vst v63  }
0x1d7: {  	s29 =	sadd.s32 $0x70, s1;
	s5 =	simm.s32 $0x9898;
	s7 =	sadd.s32 $0x30, s1  }
0x1d8: {  	[hbm4b:s7+s3] =	stream.linear.scatter [tilespmem:s5], [sflag:$0x4], $0x80, $0x38;
	[tilespmem:$0xB900] =	vst v63  }
0x1d9: {  	s30 =	simm.s32 $0x9920;
	s31 =	sadd.s32 $0x40, s1;
	s5 =	simm.s32 $0x99A8  }
0x1da: {  	[hbm4b:s31+s3] =	stream.linear.scatter [tilespmem:s30], [sflag:$0x4], $0x80, $0x38;
	[tilespmem:$0xB900] =	vst v63  }
0x1db: {  	s7 =	sadd.s32 $0x50, s1;
	s30 =	simm.s32 $0x9A30;
	s31 =	sadd.s32 $0x60, s1  }
0x1dc: {  	[hbm4b:s7+s3] =	stream.linear.scatter [tilespmem:s5], [sflag:$0x4], $0x80, $0x38;
	[tilespmem:$0xB900] =	vst v63  }
0x1dd: {  	s1 =	sadd.s32 $0x4000, s1;
	s5 =	simm.s32 $0x2200;
	s7 =	simm.s32 $0x9AB8  }
0x1de: {  	[hbm4b:s31+s3] =	stream.linear.scatter [tilespmem:s30], [sflag:$0x4], $0x80, $0x38;
	[tilespmem:$0xB900] =	vst v63  }
.LBB2_19:
0x1df: {  	[hbm4b:s29+s3] =	stream.linear.scatter [tilespmem:s7], [sflag:$0x4], $0x80, $0x38;
	[tilespmem:$0xB900] =	vst v63  }
0x1e0: {  	s7 =	smov.u32 s0;
	s0 =	smov.u32 s5  }
0x1e1: {  	s30 =	sadd.s32 $0x1100, s5;
	s0 =	sshra.s32 s0, $0x2;
	s29 =	sadd.s32 $0x9700, s7  }
0x1e2: {  	[hbm4b:s1+s3] =	stream.linear.scatter [tilespmem:s29], [sflag:$0x4], $0x80, $0x38;
	[tilespmem:$0xB900] =	vst v63  }
0x1e3: {  	p0 =	sne.s32 s5, $0x7700;
	s5 =	sadd.s32 $0x9788, s7;
	s29 =	sadd.s32 $0x10, s1  }
0x1e4: {  	[hbm4b:s29+s3] =	stream.linear.scatter [tilespmem:s5], [sflag:$0x4], $0x80, $0x38;
	[tilespmem:$0xB900] =	vst v63  }
0x1e5: {  	s5 =	sadd.s32 $0x9810, s7;
	s29 =	sadd.s32 $0x20, s1  }
0x1e6: {  	[hbm4b:s29+s3] =	stream.linear.scatter [tilespmem:s5], [sflag:$0x4], $0x80, $0x38;
	[tilespmem:$0xB900] =	vst v63  }
0x1e7: {  	s5 =	sadd.s32 $0x9898, s7;
	s29 =	sadd.s32 $0x30, s1  }
0x1e8: {  	[hbm4b:s29+s3] =	stream.linear.scatter [tilespmem:s5], [sflag:$0x4], $0x80, $0x38;
	[tilespmem:$0xB900] =	vst v63  }
0x1e9: {  	s5 =	sadd.s32 $0x9920, s7;
	s29 =	sadd.s32 $0x40, s1  }
0x1ea: {  	[hbm4b:s29+s3] =	stream.linear.scatter [tilespmem:s5], [sflag:$0x4], $0x80, $0x38;
	[tilespmem:$0xB900] =	vst v63  }
.Ltmp9:
0x1eb: {  	s5 =	sadd.s32 $0x99A8, s7;
	s29 =	sadd.s32 $0x50, s1;
	(pc) =	sbr.rel @p0 .LBB2_19-.Ltmp9, $4  }
0x1ec: {  	[hbm4b:s29+s3] =	stream.linear.scatter [tilespmem:s5], [sflag:$0x4], $0x80, $0x38;
	[tilespmem:$0xB900] =	vst v63  }
0x1ed: {  	s5 =	sadd.s32 $0x9A30, s7;
	s29 =	sadd.s32 $0x60, s1;
	s7 =	sadd.s32 $0x9AB8, s7  }
0x1ee: {  	[hbm4b:s29+s3] =	stream.linear.scatter [tilespmem:s5], [sflag:$0x4], $0x80, $0x38;
	[tilespmem:$0xB900] =	vst v63  }
0x1ef: {  	s29 =	sadd.s32 $0x70, s1;
	s1 =	sadd.s32 $0x4000, s1;
	s5 =	smov.u32 s30  }
0x1f0: {  	[hbm4b:s29+s3] =	stream.linear.scatter [tilespmem:s7], [sflag:$0x4], $0x80, $0x38;
	[tilespmem:$0xB900] =	vst v63  }
0x1f1: {  	s5 =	sadd.s32 $0x9700, s0  }
0x1f2: {  	[hbm4b:s1+s3] =	stream.linear.scatter [tilespmem:s5], [sflag:$0x4], $0x80, $0x38;
	[tilespmem:$0xB900] =	vst v63  }
0x1f3: {  	s30 =	sadd.s32 $0x9788, s0;
	s31 =	sadd.s32 $0x10, s1  }
0x1f4: {  	[hbm4b:s31+s3] =	stream.linear.scatter [tilespmem:s30], [sflag:$0x4], $0x80, $0x38;
	[tilespmem:$0xB900] =	vst v63  }
0x1f5: {  	s7 =	sadd.s32 $0x9810, s0;
	s29 =	sadd.s32 $0x20, s1  }
0x1f6: {  	[hbm4b:s29+s3] =	stream.linear.scatter [tilespmem:s7], [sflag:$0x4], $0x80, $0x38;
	[tilespmem:$0xB900] =	vst v63  }
0x1f7: {  	s30 =	sadd.s32 $0x9898, s0;
	s31 =	sadd.s32 $0x30, s1  }
0x1f8: {  	[hbm4b:s31+s3] =	stream.linear.scatter [tilespmem:s30], [sflag:$0x4], $0x80, $0x38;
	[tilespmem:$0xB900] =	vst v63  }
0x1f9: {  	s28 =	sadd.s32 $0x1, s28;
	s7 =	sadd.s32 $0x9920, s0;
	s29 =	sadd.s32 $0x40, s1  }
0x1fa: {  	[hbm4b:s29+s3] =	stream.linear.scatter [tilespmem:s7], [sflag:$0x4], $0x80, $0x38;
	[tilespmem:$0xB900] =	vst v63  }
0x1fb: {  	p0 =	sne.s32 s28, $0x19;
	s30 =	sadd.s32 $0x99A8, s0;
	s31 =	sadd.s32 $0x50, s1  }
0x1fc: {  	[hbm4b:s31+s3] =	stream.linear.scatter [tilespmem:s30], [sflag:$0x4], $0x80, $0x38;
	[tilespmem:$0xB900] =	vst v63  }
.Ltmp10:
0x1fd: {  	_ = 	snop;
	(pc) =	sbr.rel @p0 .LBB2_4-.Ltmp10, $4  }
0x1fe: {  	s7 =	sadd.s32 $0x9A30, s0;
	s29 =	sadd.s32 $0x60, s1  }
0x1ff: {  	[hbm4b:s29+s3] =	stream.linear.scatter [tilespmem:s7], [sflag:$0x4], $0x80, $0x38;
	[tilespmem:$0xB900] =	vst v63  }
0x200: {  	s30 =	sadd.s32 $0x9AB8, s0;
	s31 =	sadd.s32 $0x70, s1  }
0x201: {  	[hbm4b:s31+s3] =	stream.linear.scatter [tilespmem:s30], [sflag:$0x4], $0x80, $0x38;
	[tilespmem:$0xB900] =	vst v63  }
0x202: {  	s0 =	simm.s32 $0x4  }
0x203: {  	s1 =	simm.s32 $0x1;
	v12 =	vmov s0  }
0x204: {  	s7 =	simm.s32 $0x2;
	v13 =	vmov s1;
	v16 =	vand.u32 $0x7F, v12  }
0x205: {  	s26 =	simm.s32 $0x0;
	s30 =	simm.s32 $0x3;
	s5 =	rddreg [dreg:$0x4];
	v20 =	vand.u32 $0x7F, v13;
	v12 =	vmov s7;
	v13 =	vadd.s32 v0, v16  }
0x206: {  	[tilespmem:s26], [sflag:$0x5] =	stream.linear.gather [hbm4b:s5+s26], $0x1C00, $0x38;
	v14 =	vadd.s32 v0, v20;
	v21 =	vand.u32 $0x7F, v12;
	v12 =	vmov s30;
	[tilespmem:$0xB900] =	vst v63  }
0x207: {  	v15 =	vmov s26;
	_ =	swait.ge [sflag:s14], $0x1C00;
	v17 =	vadd.s32 v0, v21;
	v19 =	vand.u32 $0x7F, v12  }
0x208: {  	v18 =	vand.u32 $0x3F, v15;
	[sflag:s14] =	ssyncset.done $0x0;
	v12 =	vadd.s32 v0, v19  }
0x209: {  	v15 =	vadd.s32 v0, v18;
	[sflag:s14] =	ssyncadd.s32 $0xFFFFE400  }
0x20a: {  	v13 =	vld.idx.msk [tilespmem:v13+s3+$0x0], $0xffff  }
0x20b: {  	v22 =	vadd.s32 v1, v16;
	v14 =	vld.idx.msk [tilespmem:v14+s3+$0x0], $0xffff  }
0x20c: {  	v23 =	vadd.s32 v1, v20;
	v17 =	vld.idx.msk [tilespmem:v17+s3+$0x0], $0xffff  }
0x20d: {  	v24 =	vadd.s32 v1, v21;
	v12 =	vld.idx.msk [tilespmem:v12+s3+$0x0], $0xffff  }
0x20e: {  	s28 =	simm.s32 $0x1D40;
	v25 =	vadd.s32 v1, v19;
	v15 =	vld.idx.msk [tilespmem:v15+s3+$0x0], $0xffff  }
0x20f: {  	[tilespmem:s28+$0xC0] =	vst v13;
	v13 =	vadd.s32 v1, v18  }
0x210: {  	[tilespmem:s28+$0xFFFFFF40] =	vst v14;
	v14 =	vld.idx.msk [tilespmem:v22+s3+$0x0], $0xffff  }
0x211: {  	v22 =	vld.idx.msk [tilespmem:v23+s3+$0x0], $0xffff;
	[tilespmem:s28+$0xFFFFFFC0] =	vst v17;
	v17 =	vadd.s32 v2, v16  }
0x212: {  	v23 =	vadd.s32 v2, v20;
	v24 =	vld.idx.msk [tilespmem:v24+s3+$0x0], $0xffff;
	[tilespmem:s28+$0x40] =	vst v12  }
0x213: {  	[tilespmem:s28+$0xFFFFFEC0] =	vst v15;
	v15 =	vadd.s32 v2, v21;
	v12 =	vld.idx.msk [tilespmem:v25+s3+$0x0], $0xffff  }
0x214: {  	v25 =	vadd.s32 v2, v19;
	v13 =	vld.idx.msk [tilespmem:v13+s3+$0x0], $0xffff  }
0x215: {  	[tilespmem:s28+$0xD0] =	vst v14;
	v14 =	vadd.s32 v2, v18  }
0x216: {  	[tilespmem:s28+$0xFFFFFF50] =	vst v22;
	v17 =	vld.idx.msk [tilespmem:v17+s3+$0x0], $0xffff  }
0x217: {  	v22 =	vld.idx.msk [tilespmem:v23+s3+$0x0], $0xffff;
	[tilespmem:s28+$0xFFFFFFD0] =	vst v24;
	v23 =	vadd.s32 v3, v16  }
0x218: {  	v24 =	vadd.s32 v3, v20;
	v15 =	vld.idx.msk [tilespmem:v15+s3+$0x0], $0xffff;
	[tilespmem:s28+$0x50] =	vst v12  }
0x219: {  	s31 =	simm.s32 $0x5;
	[tilespmem:s28+$0xFFFFFED0] =	vst v13;
	v13 =	vld.idx.msk [tilespmem:v25+s3+$0x0], $0xffff;
	v25 =	vadd.s32 v3, v21  }
0x21a: {  	v26 =	vadd.s32 v3, v19;
	v12 =	vmov s31;
	v14 =	vld.idx.msk [tilespmem:v14+s3+$0x0], $0xffff  }
0x21b: {  	v12 =	vand.u32 $0x3F, v12;
	[tilespmem:s28+$0xE0] =	vst v17;
	v17 =	vadd.s32 v3, v18  }
0x21c: {  	v27 =	vadd.s32 v0, v12;
	[tilespmem:s28+$0xFFFFFF60] =	vst v22;
	v22 =	vld.idx.msk [tilespmem:v23+s3+$0x0], $0xffff  }
0x21d: {  	v23 =	vld.idx.msk [tilespmem:v24+s3+$0x0], $0xffff;
	[tilespmem:s28+$0xFFFFFFE0] =	vst v15;
	v24 =	vadd.s32 v4, v16  }
0x21e: {  	v28 =	vadd.s32 v4, v20;
	v25 =	vld.idx.msk [tilespmem:v25+s3+$0x0], $0xffff;
	[tilespmem:s28+$0x60] =	vst v13  }
0x21f: {  	s1 =	simm.s32 $0x6;
	[tilespmem:s28+$0xFFFFFEE0] =	vst v14;
	v14 =	vld.idx.msk [tilespmem:v26+s3+$0x0], $0xffff;
	v26 =	vadd.s32 v4, v21  }
0x220: {  	v29 =	vadd.s32 v4, v19;
	v13 =	vmov s1;
	v17 =	vld.idx.msk [tilespmem:v17+s3+$0x0], $0xffff  }
0x221: {  	v27 =	vld.idx.msk [tilespmem:v27+s3+$0x0], $0xffff;
	v15 =	vand.u32 $0x7F, v13;
	[tilespmem:s28+$0xF0] =	vst v22;
	v22 =	vadd.s32 v4, v18  }
0x222: {  	s5 =	simm.s32 $0x7;
	[tilespmem:s28+$0xFFFFFF70] =	vst v23;
	v23 =	vld.idx.msk [tilespmem:v24+s3+$0x0], $0xffff;
	v24 =	vadd.s32 v0, v15  }
0x223: {  	v13 =	vmov s5;
	v28 =	vld.idx.msk [tilespmem:v28+s3+$0x0], $0xffff;
	[tilespmem:s28+$0xFFFFFFF0] =	vst v25;
	v25 =	vadd.s32 v6, v16  }
0x224: {  	v30 =	vadd.s32 v6, v20;
	v13 =	vand.u32 $0x7F, v13;
	v26 =	vld.idx.msk [tilespmem:v26+s3+$0x0], $0xffff;
	[tilespmem:s28+$0x70] =	vst v14  }
0x225: {  	s7 =	simm.s32 $0x9;
	v14 =	vadd.s32 v0, v13;
	[tilespmem:s28+$0xFFFFFEF0] =	vst v17;
	v29 =	vld.idx.msk [tilespmem:v29+s3+$0x0], $0xffff  }
0x226: {  	v31 =	vadd.s32 v6, v21;
	v17 =	vmov s7;
	v22 =	vld.idx.msk [tilespmem:v22+s3+$0x0], $0xffff  }
0x227: {  	v32 =	vadd.s32 v6, v19;
	v17 =	vand.u32 $0x7F, v17;
	v24 =	vld.idx.msk [tilespmem:v24+s3+$0x0], $0xffff;
	[tilespmem:s28+$0x100] =	vst v23  }
0x228: {  	v23 =	vadd.s32 v0, v17;
	[tilespmem:s28+$0xFFFFFF80] =	vst v28;
	v25 =	vld.idx.msk [tilespmem:v25+s3+$0x0], $0xffff  }
0x229: {  	s26 =	simm.s32 $0x8;
	v28 =	vadd.s32 v6, v18;
	v30 =	vld.idx.msk [tilespmem:v30+s3+$0x0], $0xffff  }
0x22a: {  	v33 =	vld.idx.msk [tilespmem:v14+s3+$0x0], $0xffff;
	v14 =	vmov s26;
	[tilespmem:s28+$0x0] =	vst v26;
	v26 =	vadd.s32 v7, v16  }
0x22b: {  	v34 =	vadd.s32 v7, v20;
	v14 =	vand.u32 $0x7F, v14;
	v31 =	vld.idx.msk [tilespmem:v31+s3+$0x0], $0xffff;
	[tilespmem:s28+$0x80] =	vst v29  }
0x22c: {  	v29 =	vadd.s32 v0, v14;
	v32 =	vld.idx.msk [tilespmem:v32+s3+$0x0], $0xffff  }
0x22d: {  	[tilespmem:s28+$0xFFFFFF00] =	vst v22;
	v22 =	vld.idx.msk [tilespmem:v23+s3+$0x0], $0xffff;
	v23 =	vadd.s32 v7, v21  }
0x22e: {  	v35 =	vadd.s32 v7, v19;
	v28 =	vld.idx.msk [tilespmem:v28+s3+$0x0], $0xffff;
	[tilespmem:s28+$0x110] =	vst v25  }
0x22f: {  	s26 =	simm.s32 $0x1FC0;
	v25 =	vadd.s32 v1, v17;
	[tilespmem:s28+$0xFFFFFF90] =	vst v30;
	v26 =	vld.idx.msk [tilespmem:v26+s3+$0x0], $0xffff  }
0x230: {  	[tilespmem:s26+$0xFFFFFEC0] =	vst v27;
	v30 =	vadd.s32 v1, v15;
	v34 =	vld.idx.msk [tilespmem:v34+s3+$0x0], $0xffff  }
0x231: {  	v16 =	vadd.s32 v8, v16;
	[tilespmem:s28+$0x10] =	vst v31;
	v29 =	vld.idx.msk [tilespmem:v29+s3+$0x0], $0xffff  }
0x232: {  	v31 =	vadd.s32 v1, v13;
	[tilespmem:s28+$0x90] =	vst v32;
	v23 =	vld.idx.msk [tilespmem:v23+s3+$0x0], $0xffff  }
0x233: {  	v56 =	vadd.s32 v1, v14;
	[tilespmem:s26+$0xC0] =	vst v22;
	v35 =	vld.idx.msk [tilespmem:v35+s3+$0x0], $0xffff  }
0x234: {  	[tilespmem:s26+$0xFFFFFF40] =	vst v24;
	v22 =	vadd.s32 v1, v12;
	v24 =	vld.idx.msk [tilespmem:v25+s3+$0x0], $0xffff  }
0x235: {  	v25 =	vld.idx.msk [tilespmem:v30+s3+$0x0], $0xffff;
	v30 =	vadd.s32 v7, v18;
	[tilespmem:s28+$0x120] =	vst v26  }
0x236: {  	s29 =	simm.s32 $0xA;
	v19 =	vadd.s32 v8, v19;
	[tilespmem:s26+$0xFFFFFFC0] =	vst v33;
	v36 =	vld.idx.msk [tilespmem:v16+s3+$0x0], $0xffff  }
0x237: {  	v57 =	vadd.s32 v2, v17;
	v26 =	vmov s29;
	v31 =	vld.idx.msk [tilespmem:v31+s3+$0x0], $0xffff;
	[tilespmem:s26+$0x40] =	vst v29  }
0x238: {  	[tilespmem:s28+$0xFFFFFF10] =	vst v28;
	v16 =	vand.u32 $0x3F, v26;
	v26 =	vadd.s32 v2, v15;
	v27 =	vld.idx.msk [tilespmem:v56+s3+$0x0], $0xffff  }
0x239: {  	v29 =	vadd.s32 v0, v16;
	v22 =	vld.idx.msk [tilespmem:v22+s3+$0x0], $0xffff;
	[tilespmem:s28+$0xA0] =	vst v35  }
0x23a: {  	v58 =	vadd.s32 v2, v13;
	[tilespmem:s26+$0xD0] =	vst v24;
	v24 =	vld.idx.msk [tilespmem:v30+s3+$0x0], $0xffff  }
0x23b: {  	v28 =	vadd.s32 v2, v14;
	[tilespmem:s28+$0x20] =	vst v23;
	v23 =	vld.idx.msk [tilespmem:v19+s3+$0x0], $0xffff  }
0x23c: {  	v30 =	vadd.s32 v2, v12;
	[tilespmem:s26+$0xFFFFFF50] =	vst v25;
	v25 =	vld.idx.msk [tilespmem:v57+s3+$0x0], $0xffff  }
0x23d: {  	v59 =	vadd.s32 v8, v20;
	v26 =	vld.idx.msk [tilespmem:v26+s3+$0x0], $0xffff  }
0x23e: {  	v62 =	vadd.s32 v8, v18;
	[tilespmem:s26+$0xFFFFFFD0] =	vst v31;
	v20 =	vld.idx.msk [tilespmem:v29+s3+$0x0], $0xffff  }
0x23f: {  	v29 =	vadd.s32 v3, v17;
	v32 =	vld.idx.msk [tilespmem:v58+s3+$0x0], $0xffff;
	[tilespmem:s26+$0x50] =	vst v27  }
0x240: {  	v31 =	vadd.s32 v3, v15;
	[tilespmem:s26+$0xFFFFFED0] =	vst v22;
	v27 =	vld.idx.msk [tilespmem:v28+s3+$0x0], $0xffff  }
0x241: {  	[tilespmem:s28+$0xFFFFFFA0] =	vst v34;
	v28 =	vld.idx.msk [tilespmem:v30+s3+$0x0], $0xffff;
	v30 =	vadd.s32 v3, v13  }
0x242: {  	v60 =	vadd.s32 v3, v14;
	v22 =	vadd.s32 v8, v21;
	v21 =	vld.idx.msk [tilespmem:v59+s3+$0x0], $0xffff;
	[tilespmem:s28+$0xFFFFFF20] =	vst v24  }
0x243: {  	[tilespmem:s26+$0xE0] =	vst v25;
	v25 =	vadd.s32 v3, v12;
	v24 =	vld.idx.msk [tilespmem:v62+s3+$0x0], $0xffff  }
0x244: {  	[tilespmem:s26+$0xFFFFFF60] =	vst v26;
	v26 =	vld.idx.msk [tilespmem:v29+s3+$0x0], $0xffff  }
0x245: {  	v29 =	vld.idx.msk [tilespmem:v31+s3+$0x0], $0xffff;
	[tilespmem:s26+$0xFFFFFFE0] =	vst v32;
	v31 =	vadd.s32 v4, v17  }
0x246: {  	v61 =	vadd.s32 v4, v15;
	v30 =	vld.idx.msk [tilespmem:v30+s3+$0x0], $0xffff;
	[tilespmem:s26+$0x60] =	vst v27  }
0x247: {  	s30 =	simm.s32 $0xB;
	v38 =	vadd.s32 v4, v13;
	[tilespmem:s26+$0xFFFFFEE0] =	vst v28;
	v34 =	vld.idx.msk [tilespmem:v60+s3+$0x0], $0xffff  }
0x248: {  	v63 =	vadd.s32 v4, v14;
	v18 =	vmov s30;
	[tilespmem:s28+$0x130] =	vst v36;
	v37 =	vld.idx.msk [tilespmem:v25+s3+$0x0], $0xffff  }
0x249: {  	v33 =	vadd.s32 v4, v12;
	v18 =	vand.u32 $0x7F, v18;
	v22 =	vld.idx.msk [tilespmem:v22+s3+$0x0], $0xffff;
	[tilespmem:s26+$0xF0] =	vst v26  }
0x24a: {  	s31 =	simm.s32 $0xC;
	v25 =	vadd.s32 v0, v18;
	[tilespmem:s26+$0xFFFFFF70] =	vst v29;
	v27 =	vld.idx.msk [tilespmem:v31+s3+$0x0], $0xffff  }
0x24b: {  	v19 =	vmov s31;
	v28 =	vld.idx.msk [tilespmem:v61+s3+$0x0], $0xffff;
	v31 =	vadd.s32 v6, v17;
	[tilespmem:s26+$0xFFFFFFF0] =	vst v30  }
0x24c: {  	v19 =	vand.u32 $0x7F, v19;
	v32 =	vadd.s32 v6, v15;
	v29 =	vld.idx.msk [tilespmem:v38+s3+$0x0], $0xffff;
	[tilespmem:s26+$0x70] =	vst v34  }
0x24d: {  	s0 =	simm.s32 $0xF;
	s1 =	simm.s32 $0xE;
	v26 =	vadd.s32 v0, v19;
	[tilespmem:s26+$0xFFFFFEF0] =	vst v37;
	v30 =	vld.idx.msk [tilespmem:v63+s3+$0x0], $0xffff  }
.LBB2_22:
0x24e: {  	p0 =	slt.u32 s0, $0x2D;
	v34 =	vmov s1;
	v33 =	vld.idx.msk [tilespmem:v33+s3+$0x0], $0xffff;
	v35 =	vadd.s32 v6, v13;
	[tilespmem:s28+$0xFFFFFFB0] =	vst v21  }
0x24f: {  	v21 =	vld.idx.msk [tilespmem:v25+s3+$0x0], $0xffff;
	v25 =	vand.u32 $0x7F, v34;
	v34 =	vadd.s32 v6, v14;
	[tilespmem:s26+$0x100] =	vst v27  }
0x250: {  	v27 =	vadd.s32 v0, v25;
	[tilespmem:s26+$0xFFFFFF80] =	vst v28;
	v28 =	vld.idx.msk [tilespmem:v31+s3+$0x0], $0xffff  }
0x251: {  	s1 =	sadd.s32 $0x3, s29;
	s29 =	smov.u32 s0;
	v31 =	vadd.s32 v6, v12;
	v32 =	vld.idx.msk [tilespmem:v32+s3+$0x0], $0xffff;
	[tilespmem:s28+$0x30] =	vst v22  }
0x252: {  	v22 =	vld.idx.msk [tilespmem:v26+s3+$0x0], $0xffff;
	v26 =	vmov s1;
	[tilespmem:s26+$0x0] =	vst v29;
	v29 =	vadd.s32 v7, v17  }
0x253: {  	v36 =	vadd.s32 v7, v15;
	v26 =	vand.u32 $0x7F, v26;
	v35 =	vld.idx.msk [tilespmem:v35+s3+$0x0], $0xffff;
	[tilespmem:s26+$0x80] =	vst v30  }
0x254: {  	v30 =	vadd.s32 v0, v26;
	[tilespmem:s26+$0xFFFFFF00] =	vst v33;
	v33 =	vld.idx.msk [tilespmem:v34+s3+$0x0], $0xffff  }
0x255: {  	v34 =	vadd.s32 v7, v13;
	v27 =	vld.idx.msk [tilespmem:v27+s3+$0x0], $0xffff;
	[tilespmem:s28+$0xB0] =	vst v23  }
0x256: {  	v23 =	vld.idx.msk [tilespmem:v31+s3+$0x0], $0xffff;
	v31 =	vadd.s32 v7, v14;
	[tilespmem:s26+$0x110] =	vst v28  }
0x257: {  	v28 =	vadd.s32 v1, v25;
	[tilespmem:s26+$0xFFFFFF90] =	vst v32;
	v29 =	vld.idx.msk [tilespmem:v29+s3+$0x0], $0xffff  }
0x258: {  	v32 =	vadd.s32 v1, v18;
	v36 =	vld.idx.msk [tilespmem:v36+s3+$0x0], $0xffff;
	[tilespmem:s28+$0xFFFFFF30] =	vst v24;
	s28 =	smov.u32 s26  }
0x259: {  	v24 =	vld.idx.msk [tilespmem:v30+s3+$0x0], $0xffff;
	[tilespmem:s26+$0x10] =	vst v35;
	v30 =	vadd.s32 v8, v17;
	v17 =	vmov v25  }
0x25a: {  	v25 =	vadd.s32 v1, v19;
	s26 =	sadd.s32 $0x280, s26;
	v34 =	vld.idx.msk [tilespmem:v34+s3+$0x0], $0xffff;
	[tilespmem:s28+$0x90] =	vst v33  }
0x25b: {  	v33 =	vadd.s32 v1, v26;
	[tilespmem:s26+$0xC0] =	vst v27;
	v27 =	vld.idx.msk [tilespmem:v31+s3+$0x0], $0xffff  }
0x25c: {  	v31 =	vadd.s32 v1, v16;
	[tilespmem:s26+$0xFFFFFF40] =	vst v21;
	v21 =	vld.idx.msk [tilespmem:v28+s3+$0x0], $0xffff  }
0x25d: {  	v28 =	vld.idx.msk [tilespmem:v32+s3+$0x0], $0xffff;
	v32 =	vadd.s32 v7, v12;
	[tilespmem:s28+$0x120] =	vst v29  }
0x25e: {  	v29 =	vmov s0;
	[tilespmem:s26+$0xFFFFFFC0] =	vst v22;
	v22 =	vadd.s32 v2, v17;
	v30 =	vld.idx.msk [tilespmem:v30+s3+$0x0], $0xffff  }
0x25f: {  	v35 =	vadd.s32 v2, v18;
	v29 =	vand.u32 $0x3F, v29;
	v25 =	vld.idx.msk [tilespmem:v25+s3+$0x0], $0xffff;
	[tilespmem:s26+$0x40] =	vst v24  }
0x260: {  	v24 =	vadd.s32 v0, v29;
	[tilespmem:s26+$0xFFFFFEC0] =	vst v20;
	v33 =	vld.idx.msk [tilespmem:v33+s3+$0x0], $0xffff  }
0x261: {  	v37 =	vadd.s32 v2, v19;
	v31 =	vld.idx.msk [tilespmem:v31+s3+$0x0], $0xffff;
	[tilespmem:s28+$0xFFFFFF10] =	vst v23  }
0x262: {  	v23 =	vadd.s32 v2, v26;
	[tilespmem:s26+$0xD0] =	vst v21;
	v32 =	vld.idx.msk [tilespmem:v32+s3+$0x0], $0xffff  }
0x263: {  	v21 =	vadd.s32 v2, v16;
	[tilespmem:s26+$0xFFFFFF50] =	vst v28;
	v22 =	vld.idx.msk [tilespmem:v22+s3+$0x0], $0xffff  }
0x264: {  	v28 =	vld.idx.msk [tilespmem:v35+s3+$0x0], $0xffff;
	v35 =	vadd.s32 v8, v15;
	[tilespmem:s28+$0x130] =	vst v30;
	v15 =	vmov v18  }
0x265: {  	v18 =	vadd.s32 v3, v17;
	v20 =	vld.idx.msk [tilespmem:v24+s3+$0x0], $0xffff;
	[tilespmem:s26+$0xFFFFFFD0] =	vst v25  }
0x266: {  	v24 =	vadd.s32 v3, v15;
	v25 =	vld.idx.msk [tilespmem:v37+s3+$0x0], $0xffff;
	[tilespmem:s26+$0x50] =	vst v33  }
0x267: {  	v30 =	vadd.s32 v8, v13;
	v13 =	vmov v19;
	[tilespmem:s26+$0xFFFFFED0] =	vst v31;
	v23 =	vld.idx.msk [tilespmem:v23+s3+$0x0], $0xffff  }
0x268: {  	v31 =	vadd.s32 v3, v13;
	v19 =	vld.idx.msk [tilespmem:v21+s3+$0x0], $0xffff;
	[tilespmem:s28+$0xFFFFFFA0] =	vst v36  }
0x269: {  	v33 =	vadd.s32 v3, v26;
	[tilespmem:s26+$0xE0] =	vst v22;
	v21 =	vld.idx.msk [tilespmem:v35+s3+$0x0], $0xffff  }
0x26a: {  	v35 =	vadd.s32 v3, v16;
	[tilespmem:s26+$0xFFFFFF60] =	vst v28;
	v18 =	vld.idx.msk [tilespmem:v18+s3+$0x0], $0xffff  }
0x26b: {  	v28 =	vadd.s32 v8, v14;
	v14 =	vmov v26;
	v24 =	vld.idx.msk [tilespmem:v24+s3+$0x0], $0xffff;
	[tilespmem:s28+$0x20] =	vst v34  }
0x26c: {  	[tilespmem:s26+$0xFFFFFFE0] =	vst v25;
	v25 =	vadd.s32 v4, v17;
	v22 =	vld.idx.msk [tilespmem:v30+s3+$0x0], $0xffff  }
0x26d: {  	v26 =	vadd.s32 v4, v15;
	v30 =	vld.idx.msk [tilespmem:v31+s3+$0x0], $0xffff;
	[tilespmem:s26+$0x60] =	vst v23  }
0x26e: {  	[tilespmem:s26+$0xFFFFFEE0] =	vst v19;
	v34 =	vld.idx.msk [tilespmem:v33+s3+$0x0], $0xffff;
	v19 =	vadd.s32 v8, v12;
	v12 =	vmov v16;
	v16 =	vmov v29  }
0x26f: {  	s1 =	sadd.s32 $0x1, s0;
	v29 =	vadd.s32 v4, v13;
	v35 =	vld.idx.msk [tilespmem:v35+s3+$0x0], $0xffff;
	[tilespmem:s28+$0xA0] =	vst v27  }
0x270: {  	v36 =	vadd.s32 v4, v14;
	v27 =	vmov s1;
	[tilespmem:s26+$0xF0] =	vst v18;
	v23 =	vld.idx.msk [tilespmem:v28+s3+$0x0], $0xffff  }
.Ltmp11:
0x271: {  	v33 =	vadd.s32 v4, v12;
	v18 =	vand.u32 $0x7F, v27;
	[tilespmem:s26+$0xFFFFFF70] =	vst v24;
	v27 =	vld.idx.msk [tilespmem:v25+s3+$0x0], $0xffff;
	(pc) =	sbr.rel @p0 .LBB2_22-.Ltmp11, $4  }
0x272: {  	s1 =	sadd.s32 $0x2, s0;
	v25 =	vadd.s32 v0, v18;
	v28 =	vld.idx.msk [tilespmem:v26+s3+$0x0], $0xffff;
	[tilespmem:s28+$0xFFFFFF20] =	vst v32  }
0x273: {  	v31 =	vadd.s32 v6, v17;
	v26 =	vmov s1;
	[tilespmem:s26+$0xFFFFFFF0] =	vst v30;
	v24 =	vld.idx.msk [tilespmem:v19+s3+$0x0], $0xffff  }
0x274: {  	v32 =	vadd.s32 v6, v15;
	v19 =	vand.u32 $0x7F, v26;
	v29 =	vld.idx.msk [tilespmem:v29+s3+$0x0], $0xffff;
	[tilespmem:s26+$0x70] =	vst v34  }
0x275: {  	s0 =	sadd.s32 $0x5, s0;
	s1 =	sadd.s32 $0x4, s29;
	v26 =	vadd.s32 v0, v19;
	[tilespmem:s26+$0xFFFFFEF0] =	vst v35;
	v30 =	vld.idx.msk [tilespmem:v36+s3+$0x0], $0xffff  }
0x276: {  	[tilespmem:s28+$0xFFFFFFB0] =	vst v21  }
0x277: {  	[tilespmem:s26+$0x100] =	vst v27  }
0x278: {  	[tilespmem:s28+$0x30] =	vst v22  }
0x279: {  	v34 =	vadd.s32 v6, v13;
	[tilespmem:s28+$0xB0] =	vst v23  }
0x27a: {  	v33 =	vld.idx.msk [tilespmem:v33+s3+$0x0], $0xffff;
	v55 =	vadd.s32 v6, v14;
	s31 =	sadd.s32 $0x280, s26;
	[tilespmem:s26+$0xFFFFFF80] =	vst v28  }
0x27b: {  	v25 =	vld.idx.msk [tilespmem:v25+s3+$0x0], $0xffff;
	[tilespmem:s31+$0xFFFFFEC0] =	vst v20  }
0x27c: {  	v41 =	vadd.s32 v1, v16;
	v31 =	vld.idx.msk [tilespmem:v31+s3+$0x0], $0xffff;
	[tilespmem:s28+$0xFFFFFF30] =	vst v24  }
0x27d: {  	v54 =	vmov s1;
	v62 =	vadd.s32 v6, v12;
	v32 =	vld.idx.msk [tilespmem:v32+s3+$0x0], $0xffff;
	[tilespmem:s26+$0x0] =	vst v29  }
0x27e: {  	s0 =	sadd.s32 $0x3, s29;
	v35 =	vadd.s32 v1, v18;
	v21 =	vand.u32 $0x7F, v54;
	[tilespmem:s26+$0x80] =	vst v30;
	v59 =	vld.idx.msk [tilespmem:v34+s3+$0x0], $0xffff  }
0x27f: {  	v57 =	vmov s0;
	v56 =	vadd.s32 v0, v21;
	[tilespmem:s26+$0xFFFFFF00] =	vst v33;
	v27 =	vld.idx.msk [tilespmem:v55+s3+$0x0], $0xffff  }
0x280: {  	v58 =	vadd.s32 v7, v17;
	v22 =	vand.u32 $0x7F, v57;
	v34 =	vld.idx.msk [tilespmem:v26+s3+$0x0], $0xffff;
	[tilespmem:s31+$0xFFFFFF40] =	vst v25  }
0x281: {  	v60 =	vadd.s32 v0, v22;
	v46 =	vld.idx.msk [tilespmem:v41+s3+$0x0], $0xffff;
	[tilespmem:s26+$0x110] =	vst v31  }
0x282: {  	v38 =	vadd.s32 v1, v19;
	v39 =	vld.idx.msk [tilespmem:v62+s3+$0x0], $0xffff;
	[tilespmem:s26+$0xFFFFFF90] =	vst v32  }
0x283: {  	v45 =	vadd.s32 v7, v13;
	v26 =	vld.idx.msk [tilespmem:v35+s3+$0x0], $0xffff;
	[tilespmem:s26+$0x10] =	vst v59  }
0x284: {  	v49 =	vadd.s32 v2, v16;
	v61 =	vld.idx.msk [tilespmem:v56+s3+$0x0], $0xffff;
	[tilespmem:s26+$0x90] =	vst v27  }
0x285: {  	v42 =	vadd.s32 v7, v15;
	v29 =	vld.idx.msk [tilespmem:v58+s3+$0x0], $0xffff;
	[tilespmem:s31+$0xFFFFFFC0] =	vst v34  }
0x286: {  	v63 =	vadd.s32 v1, v21;
	v36 =	vld.idx.msk [tilespmem:v60+s3+$0x0], $0xffff;
	[tilespmem:s31+$0xFFFFFED0] =	vst v46  }
0x287: {  	v40 =	vadd.s32 v1, v22;
	v27 =	vld.idx.msk [tilespmem:v38+s3+$0x0], $0xffff;
	[tilespmem:s26+$0xFFFFFF10] =	vst v39  }
0x288: {  	v44 =	vadd.s32 v2, v18;
	[tilespmem:s31+$0xFFFFFF50] =	vst v26;
	v20 =	vld.idx.msk [tilespmem:v45+s3+$0x0], $0xffff  }
0x289: {  	v53 =	vadd.s32 v7, v12;
	v26 =	vld.idx.msk [tilespmem:v49+s3+$0x0], $0xffff;
	[tilespmem:s31+$0xC0] =	vst v61  }
0x28a: {  	v47 =	vadd.s32 v2, v19;
	[tilespmem:s26+$0x120] =	vst v29;
	v29 =	vld.idx.msk [tilespmem:v42+s3+$0x0], $0xffff  }
0x28b: {  	v37 =	vadd.s32 v8, v17;
	v31 =	vld.idx.msk [tilespmem:v63+s3+$0x0], $0xffff;
	[tilespmem:s31+$0x40] =	vst v36  }
0x28c: {  	v43 =	vadd.s32 v2, v21;
	v28 =	vld.idx.msk [tilespmem:v40+s3+$0x0], $0xffff;
	[tilespmem:s31+$0xFFFFFFD0] =	vst v27  }
0x28d: {  	v48 =	vadd.s32 v2, v22;
	v30 =	vld.idx.msk [tilespmem:v44+s3+$0x0], $0xffff;
	[tilespmem:s26+$0x20] =	vst v20  }
0x28e: {  	v56 =	vadd.s32 v3, v16;
	v23 =	vld.idx.msk [tilespmem:v53+s3+$0x0], $0xffff;
	[tilespmem:s31+$0xFFFFFEE0] =	vst v26  }
0x28f: {  	v52 =	vadd.s32 v3, v18;
	v25 =	vld.idx.msk [tilespmem:v47+s3+$0x0], $0xffff;
	[tilespmem:s26+$0xFFFFFFA0] =	vst v29  }
0x290: {  	v54 =	vadd.s32 v3, v19;
	v17 =	vld.idx.msk [tilespmem:v37+s3+$0x0], $0xffff;
	[tilespmem:s31+$0xD0] =	vst v31  }
0x291: {  	v34 =	vadd.s32 v8, v13;
	v24 =	vld.idx.msk [tilespmem:v43+s3+$0x0], $0xffff;
	[tilespmem:s31+$0x50] =	vst v28  }
0x292: {  	v51 =	vadd.s32 v3, v21;
	[tilespmem:s31+$0xFFFFFF60] =	vst v30;
	v31 =	vld.idx.msk [tilespmem:v48+s3+$0x0], $0xffff  }
0x293: {  	v55 =	vadd.s32 v3, v22;
	v62 =	vld.idx.msk [tilespmem:v56+s3+$0x0], $0xffff;
	[tilespmem:s26+$0xFFFFFF20] =	vst v23  }
0x294: {  	v50 =	vadd.s32 v7, v14;
	v58 =	vld.idx.msk [tilespmem:v52+s3+$0x0], $0xffff;
	[tilespmem:s31+$0xFFFFFFE0] =	vst v25  }
0x295: {  	v60 =	vadd.s32 v4, v18;
	[tilespmem:s26+$0x130] =	vst v17;
	v29 =	vld.idx.msk [tilespmem:v54+s3+$0x0], $0xffff  }
0x296: {  	v61 =	vadd.s32 v4, v19;
	v13 =	vld.idx.msk [tilespmem:v34+s3+$0x0], $0xffff;
	[tilespmem:s31+$0xE0] =	vst v24  }
0x297: {  	v33 =	vadd.s32 v4, v16;
	v27 =	vld.idx.msk [tilespmem:v51+s3+$0x0], $0xffff;
	[tilespmem:s31+$0x60] =	vst v31  }
0x298: {  	v59 =	vadd.s32 v4, v21;
	[tilespmem:s31+$0xFFFFFEF0] =	vst v62;
	v24 =	vld.idx.msk [tilespmem:v55+s3+$0x0], $0xffff  }
0x299: {  	v63 =	vadd.s32 v4, v22;
	v17 =	vld.idx.msk [tilespmem:v50+s3+$0x0], $0xffff;
	[tilespmem:s31+$0xFFFFFF70] =	vst v58  }
0x29a: {  	v57 =	vadd.s32 v8, v15;
	v36 =	vld.idx.msk [tilespmem:v60+s3+$0x0], $0xffff;
	[tilespmem:s31+$0xFFFFFFF0] =	vst v29  }
0x29b: {  	v38 =	vadd.s32 v6, v18;
	[tilespmem:s26+$0x30] =	vst v13;
	v26 =	vld.idx.msk [tilespmem:v61+s3+$0x0], $0xffff  }
0x29c: {  	v40 =	vadd.s32 v6, v19;
	[tilespmem:s31+$0xF0] =	vst v27;
	v27 =	vld.idx.msk [tilespmem:v33+s3+$0x0], $0xffff  }
0x29d: {  	v42 =	vadd.s32 v6, v16;
	v35 =	vld.idx.msk [tilespmem:v59+s3+$0x0], $0xffff;
	[tilespmem:s31+$0x70] =	vst v24  }
0x29e: {  	v37 =	vadd.s32 v6, v21;
	[tilespmem:s26+$0xA0] =	vst v17;
	v39 =	vld.idx.msk [tilespmem:v63+s3+$0x0], $0xffff  }
0x29f: {  	v41 =	vadd.s32 v6, v22;
	v15 =	vld.idx.msk [tilespmem:v57+s3+$0x0], $0xffff;
	[tilespmem:s31+$0xFFFFFF80] =	vst v36  }
0x2a0: {  	v52 =	vadd.s32 v8, v12;
	v45 =	vld.idx.msk [tilespmem:v38+s3+$0x0], $0xffff;
	[tilespmem:s31+$0x0] =	vst v26  }
0x2a1: {  	v47 =	vadd.s32 v7, v18;
	v24 =	vld.idx.msk [tilespmem:v40+s3+$0x0], $0xffff;
	[tilespmem:s31+$0xFFFFFF00] =	vst v27  }
0x2a2: {  	v48 =	vadd.s32 v7, v19;
	[tilespmem:s31+$0x100] =	vst v35;
	v49 =	vld.idx.msk [tilespmem:v42+s3+$0x0], $0xffff  }
0x2a3: {  	v51 =	vadd.s32 v7, v16;
	v44 =	vld.idx.msk [tilespmem:v37+s3+$0x0], $0xffff;
	[tilespmem:s31+$0x80] =	vst v39  }
0x2a4: {  	v46 =	vadd.s32 v7, v21;
	[tilespmem:s26+$0xFFFFFFB0] =	vst v15;
	v15 =	vld.idx.msk [tilespmem:v41+s3+$0x0], $0xffff  }
0x2a5: {  	v50 =	vadd.s32 v7, v22;
	v12 =	vld.idx.msk [tilespmem:v52+s3+$0x0], $0xffff;
	[tilespmem:s31+$0xFFFFFF90] =	vst v45  }
0x2a6: {  	v43 =	vadd.s32 v8, v14;
	v54 =	vld.idx.msk [tilespmem:v47+s3+$0x0], $0xffff;
	[tilespmem:s31+$0x10] =	vst v24  }
0x2a7: {  	v55 =	vadd.s32 v8, v18;
	v17 =	vld.idx.msk [tilespmem:v48+s3+$0x0], $0xffff;
	[tilespmem:s31+$0xFFFFFF10] =	vst v49  }
0x2a8: {  	v57 =	vadd.s32 v8, v19;
	[tilespmem:s31+$0x110] =	vst v44;
	v58 =	vld.idx.msk [tilespmem:v51+s3+$0x0], $0xffff  }
0x2a9: {  	v60 =	vadd.s32 v8, v16;
	v53 =	vld.idx.msk [tilespmem:v46+s3+$0x0], $0xffff;
	[tilespmem:s31+$0x90] =	vst v15  }
0x2aa: {  	v21 =	vadd.s32 v8, v21;
	[tilespmem:s26+$0xFFFFFF30] =	vst v12;
	v56 =	vld.idx.msk [tilespmem:v50+s3+$0x0], $0xffff  }
0x2ab: {  	v14 =	vld.idx.msk [tilespmem:v43+s3+$0x0], $0xffff;
	v59 =	vadd.s32 v8, v22;
	[tilespmem:s31+$0xFFFFFFA0] =	vst v54  }
0x2ac: {  	v15 =	vld.idx.msk [tilespmem:v55+s3+$0x0], $0xffff;
	[tilespmem:s31+$0x20] =	vst v17  }
0x2ad: {  	v13 =	vld.idx.msk [tilespmem:v57+s3+$0x0], $0xffff;
	[tilespmem:s31+$0xFFFFFF20] =	vst v58  }
0x2ae: {  	[tilespmem:s31+$0x120] =	vst v53;
	v63 =	vld.idx.msk [tilespmem:v60+s3+$0x0], $0xffff  }
0x2af: {  	v61 =	vld.idx.msk [tilespmem:v21+s3+$0x0], $0xffff;
	[tilespmem:s31+$0xA0] =	vst v56  }
0x2b0: {  	[tilespmem:s26+$0xB0] =	vst v14;
	v62 =	vld.idx.msk [tilespmem:v59+s3+$0x0], $0xffff  }
0x2b1: {  	[tilespmem:s31+$0xFFFFFFB0] =	vst v15  }
0x2b2: {  	[tilespmem:s31+$0x30] =	vst v13  }
0x2b3: {  	[tilespmem:s31+$0xFFFFFF30] =	vst v63  }
0x2b4: {  	[tilespmem:s31+$0x130] =	vst v61  }
0x2b5: {  	s28 =	simm.s32 $0x0;
	s26 =	simm.s32 $0x0;
	[tilespmem:s31+$0xB0] =	vst v62  }
0x2b6: {  	[tilespmem:s17], [sflag:$0x1] =	stream.indirect.gather [hbm4b:s4+s15], $0x40, s16, s15, $0xb8;
	[tilespmem:$0xB900] =	vst v63  }
.LBB2_24:
0x2b7: {  	s29 =	sshllo.u32 s28, $0x1  }
0x2b8: {  	s0 =	sshll.u32 s29, $0x7  }
0x2b9: {  	s0 =	sand.u32 $0x3FFFFF80, s0  }
0x2ba: {  	s0 =	sadd.s32 $0x1C00, s0  }
0x2bb: {  	[tilespmem:s18], [sflag:$0x2] =	stream.indirect.gather [hbm4b:s4+s15], $0x40, s0, s15, $0xb8;
	[tilespmem:$0xB900] =	vst v63  }
0x2bc: {  	_ =	swait.ge [sflag:s19], $0x2000  }
0x2bd: {  	[sflag:s19] =	ssyncset.done $0x0  }
0x2be: {  	[sflag:s19] =	ssyncadd.s32 $0xFFFFE000  }
0x2bf: {  	s1 =	simm.s32 $0x5;
	_ =	swait.ge [sflag:s24], $0x2000  }
0x2c0: {  	v12 =	vmov s1;
	[sflag:s24] =	ssyncset.done $0x0  }
0x2c1: {  	s31 =	simm.s32 $0x35C0;
	v13 =	vmov s26;
	s5 =	simm.s32 $0x1;
	v14 =	vand.u32 $0xFF, v12;
	[sflag:s24] =	ssyncadd.s32 $0xFFFFE000  }
0x2c2: {  	s7 =	simm.s32 $0x2;
	v15 =	vand.u32 $0x7E, v13;
	v12 =	vmov s5;
	v17 =	vadd.s32 v5, v14;
	v16 =	vld [tilespmem:s31+$0x80]  }
0x2c3: {  	s1 =	simm.s32 $0x3;
	v19 =	vadd.s32 v5, v15;
	v24 =	vand.u32 $0x7F, v12;
	v12 =	vmov s7;
	v18 =	vld [tilespmem:s31+$0xFFFFFF40]  }
0x2c4: {  	s5 =	simm.s32 $0x4;
	v21 =	vadd.s32 v5, v24;
	v25 =	vand.u32 $0xFE, v12;
	v12 =	vmov s1;
	v20 =	vld [tilespmem:s31+$0xFFFFFF80]  }
0x2c5: {  	v23 =	vadd.s32 v5, v25;
	v13 =	vand.u32 $0xFF, v12;
	v12 =	vmov s5;
	v22 =	vld [tilespmem:s31+$0xFFFFFFC0]  }
0x2c6: {  	v27 =	vadd.s32 v5, v13;
	v12 =	vand.u32 $0xFE, v12;
	v26 =	vld [tilespmem:s31+$0x0]  }
0x2c7: {  	v29 =	vadd.s32 v5, v12;
	v28 =	vld [tilespmem:s31+$0x40];
	[tilespmem:v17+s20+$0x0] =	vst.idx.msk $0xffff, v16  }
0x2c8: {  	[tilespmem:v19+s20+$0x0] =	vst.idx.msk $0xffff, v18;
	v17 =	vadd.s32 v9, v14;
	v16 =	vld [tilespmem:s31+$0x90]  }
0x2c9: {  	v19 =	vadd.s32 v9, v15;
	[tilespmem:v21+s20+$0x0] =	vst.idx.msk $0xffff, v20;
	v18 =	vld [tilespmem:s31+$0xFFFFFF50]  }
0x2ca: {  	v21 =	vadd.s32 v9, v24;
	[tilespmem:v23+s20+$0x0] =	vst.idx.msk $0xffff, v22;
	v20 =	vld [tilespmem:s31+$0xFFFFFF90]  }
0x2cb: {  	v23 =	vadd.s32 v9, v25;
	[tilespmem:v27+s20+$0x0] =	vst.idx.msk $0xffff, v26;
	v22 =	vld [tilespmem:s31+$0xFFFFFFD0]  }
0x2cc: {  	v61 =	vadd.s32 v9, v13;
	[tilespmem:v29+s20+$0x0] =	vst.idx.msk $0xffff, v28;
	v26 =	vld [tilespmem:s31+$0x10]  }
0x2cd: {  	v62 =	vadd.s32 v9, v12;
	v28 =	vld [tilespmem:s31+$0x50];
	[tilespmem:v17+s20+$0x0] =	vst.idx.msk $0xffff, v16  }
0x2ce: {  	[tilespmem:v19+s20+$0x0] =	vst.idx.msk $0xffff, v18;
	v17 =	vadd.s32 v10, v14;
	v16 =	vld [tilespmem:s31+$0xA0]  }
0x2cf: {  	v19 =	vadd.s32 v10, v15;
	[tilespmem:v21+s20+$0x0] =	vst.idx.msk $0xffff, v20;
	v18 =	vld [tilespmem:s31+$0xFFFFFF60]  }
0x2d0: {  	v31 =	vadd.s32 v10, v24;
	[tilespmem:v23+s20+$0x0] =	vst.idx.msk $0xffff, v22;
	v30 =	vld [tilespmem:s31+$0xFFFFFFA0]  }
0x2d1: {  	v33 =	vadd.s32 v10, v25;
	[tilespmem:v61+s20+$0x0] =	vst.idx.msk $0xffff, v26;
	v32 =	vld [tilespmem:s31+$0xFFFFFFE0]  }
0x2d2: {  	v63 =	vadd.s32 v10, v13;
	[tilespmem:v62+s20+$0x0] =	vst.idx.msk $0xffff, v28;
	v26 =	vld [tilespmem:s31+$0x20]  }
0x2d3: {  	v23 =	vadd.s32 v10, v12;
	v21 =	vld [tilespmem:s31+$0x60];
	[tilespmem:v17+s20+$0x0] =	vst.idx.msk $0xffff, v16  }
0x2d4: {  	s7 =	sshll.u32 s28, $0x15;
	v22 =	vadd.s32 v11, v14;
	[tilespmem:v19+s20+$0x0] =	vst.idx.msk $0xffff, v18;
	v20 =	vld [tilespmem:s31+$0xB0]  }
0x2d5: {  	s0 =	sor.u32 s8, s7;
	[tilespmem:v31+s20+$0x0] =	vst.idx.msk $0xffff, v30;
	v19 =	vadd.s32 v11, v15;
	v17 =	vld [tilespmem:s31+$0xFFFFFF70]  }
0x2d6: {  	s1 =	simm.s32 $0xC;
	s0 =	sshrl.u32 s0, $0x3;
	[tilespmem:v33+s20+$0x0] =	vst.idx.msk $0xffff, v32;
	v18 =	vadd.s32 v11, v24;
	v15 =	vld [tilespmem:s31+$0xFFFFFFB0]  }
0x2d7: {  	s5 =	simm.s32 $0xB;
	s30 =	sadd.s32 s2, s0;
	s0 =	simm.s32 $0x6;
	v16 =	vadd.s32 v11, v25;
	[tilespmem:v63+s20+$0x0] =	vst.idx.msk $0xffff, v26;
	v14 =	vld [tilespmem:s31+$0xFFFFFFF0]  }
.LBB2_25:
0x2d8: {  	p0 =	slt.u32 s1, $0x78;
	v24 =	vmov s5;
	v25 =	vld [tilespmem:s31+$0x30];
	v26 =	vadd.s32 v11, v13;
	[tilespmem:v23+s20+$0x0] =	vst.idx.msk $0xffff, v21  }
0x2d9: {  	v13 =	vmov s0;
	s5 =	sadd.s32 $0x1, s0;
	v23 =	vadd.s32 v11, v12;
	v24 =	vand.u32 $0xFF, v24;
	v21 =	vld [tilespmem:s31+$0x70];
	[tilespmem:v22+s20+$0x0] =	vst.idx.msk $0xffff, v20;
	s31 =	sadd.s32 $0x180, s31  }
0x2da: {  	v27 =	vand.u32 $0x7E, v13;
	v12 =	vmov s5;
	s5 =	sadd.s32 $0x2, s0;
	v20 =	vld [tilespmem:s31+$0x80];
	v22 =	vadd.s32 v5, v24;
	[tilespmem:v19+s20+$0x0] =	vst.idx.msk $0xffff, v17  }
0x2db: {  	v19 =	vadd.s32 v5, v27;
	v28 =	vand.u32 $0x7F, v12;
	v12 =	vmov s5;
	s5 =	sadd.s32 $0x3, s0;
	v17 =	vld [tilespmem:s31+$0xFFFFFF40];
	[tilespmem:v18+s20+$0x0] =	vst.idx.msk $0xffff, v15  }
0x2dc: {  	v18 =	vadd.s32 v5, v28;
	v29 =	vand.u32 $0xFE, v12;
	v12 =	vmov s5;
	s5 =	sadd.s32 $0x4, s0;
	s0 =	smov.u32 s1;
	v15 =	vld [tilespmem:s31+$0xFFFFFF80];
	[tilespmem:v16+s20+$0x0] =	vst.idx.msk $0xffff, v14  }
0x2dd: {  	v16 =	vadd.s32 v5, v29;
	v13 =	vand.u32 $0xFF, v12;
	v12 =	vmov s5;
	v14 =	vld [tilespmem:s31+$0xFFFFFFC0];
	[tilespmem:v26+s20+$0x0] =	vst.idx.msk $0xffff, v25  }
0x2de: {  	v26 =	vadd.s32 v5, v13;
	v12 =	vand.u32 $0xFE, v12;
	v25 =	vld [tilespmem:s31+$0x0];
	[tilespmem:v23+s20+$0x0] =	vst.idx.msk $0xffff, v21  }
0x2df: {  	v23 =	vadd.s32 v5, v12;
	v21 =	vld [tilespmem:s31+$0x40];
	[tilespmem:v22+s20+$0x0] =	vst.idx.msk $0xffff, v20  }
0x2e0: {  	[tilespmem:v19+s20+$0x0] =	vst.idx.msk $0xffff, v17;
	v17 =	vld [tilespmem:s31+$0x90];
	v19 =	vadd.s32 v9, v24  }
0x2e1: {  	v22 =	vadd.s32 v9, v27;
	v20 =	vld [tilespmem:s31+$0xFFFFFF50];
	[tilespmem:v18+s20+$0x0] =	vst.idx.msk $0xffff, v15  }
0x2e2: {  	v18 =	vadd.s32 v9, v28;
	v15 =	vld [tilespmem:s31+$0xFFFFFF90];
	[tilespmem:v16+s20+$0x0] =	vst.idx.msk $0xffff, v14  }
0x2e3: {  	v16 =	vadd.s32 v9, v29;
	v14 =	vld [tilespmem:s31+$0xFFFFFFD0];
	[tilespmem:v26+s20+$0x0] =	vst.idx.msk $0xffff, v25  }
0x2e4: {  	v26 =	vadd.s32 v9, v13;
	v25 =	vld [tilespmem:s31+$0x10];
	[tilespmem:v23+s20+$0x0] =	vst.idx.msk $0xffff, v21  }
0x2e5: {  	v23 =	vadd.s32 v9, v12;
	v21 =	vld [tilespmem:s31+$0x50];
	[tilespmem:v19+s20+$0x0] =	vst.idx.msk $0xffff, v17  }
0x2e6: {  	v19 =	vadd.s32 v10, v24;
	[tilespmem:v22+s20+$0x0] =	vst.idx.msk $0xffff, v20;
	v17 =	vld [tilespmem:s31+$0xA0]  }
0x2e7: {  	v22 =	vadd.s32 v10, v27;
	v20 =	vld [tilespmem:s31+$0xFFFFFF60];
	[tilespmem:v18+s20+$0x0] =	vst.idx.msk $0xffff, v15  }
0x2e8: {  	v18 =	vadd.s32 v10, v28;
	v15 =	vld [tilespmem:s31+$0xFFFFFFA0];
	[tilespmem:v16+s20+$0x0] =	vst.idx.msk $0xffff, v14  }
0x2e9: {  	v16 =	vadd.s32 v10, v29;
	v14 =	vld [tilespmem:s31+$0xFFFFFFE0];
	[tilespmem:v26+s20+$0x0] =	vst.idx.msk $0xffff, v25  }
0x2ea: {  	v26 =	vadd.s32 v10, v13;
	v25 =	vld [tilespmem:s31+$0x20];
	[tilespmem:v23+s20+$0x0] =	vst.idx.msk $0xffff, v21  }
.Ltmp12:
0x2eb: {  	v23 =	vadd.s32 v10, v12;
	v21 =	vld [tilespmem:s31+$0x60];
	[tilespmem:v19+s20+$0x0] =	vst.idx.msk $0xffff, v17;
	(pc) =	sbr.rel @p0 .LBB2_25-.Ltmp12, $4  }
0x2ec: {  	[tilespmem:v22+s20+$0x0] =	vst.idx.msk $0xffff, v20;
	v20 =	vld [tilespmem:s31+$0xB0];
	v22 =	vadd.s32 v11, v24  }
0x2ed: {  	v19 =	vadd.s32 v11, v27;
	v17 =	vld [tilespmem:s31+$0xFFFFFF70];
	[tilespmem:v18+s20+$0x0] =	vst.idx.msk $0xffff, v15  }
0x2ee: {  	v18 =	vadd.s32 v11, v28;
	v15 =	vld [tilespmem:s31+$0xFFFFFFB0];
	[tilespmem:v16+s20+$0x0] =	vst.idx.msk $0xffff, v14  }
0x2ef: {  	s1 =	sadd.s32 $0x6, s1;
	s5 =	sadd.s32 $0x5, s0;
	v16 =	vadd.s32 v11, v29;
	v14 =	vld [tilespmem:s31+$0xFFFFFFF0];
	[tilespmem:v26+s20+$0x0] =	vst.idx.msk $0xffff, v25  }
0x2f0: {  	_ =	sdelay $0x3  }
0x2f1: {  	v24 =	vmov s5;
	v25 =	vld [tilespmem:s31+$0x30];
	v13 =	vadd.s32 v11, v13;
	[tilespmem:v23+s20+$0x0] =	vst.idx.msk $0xffff, v21  }
0x2f2: {  	v61 =	vmov s0;
	s7 =	sadd.s32 $0x1, s0;
	v12 =	vadd.s32 v11, v12;
	s1 =	sadd.s32 $0x180, s31;
	v62 =	vand.u32 $0xFF, v24;
	v63 =	vld [tilespmem:s31+$0x70];
	[tilespmem:v22+s20+$0x0] =	vst.idx.msk $0xffff, v20  }
0x2f3: {  	v32 =	vand.u32 $0x7E, v61;
	v33 =	vmov s7;
	s31 =	sadd.s32 $0x2, s0;
	v34 =	vld [tilespmem:s1+$0x80];
	v26 =	vadd.s32 v5, v62;
	[tilespmem:v19+s20+$0x0] =	vst.idx.msk $0xffff, v17  }
0x2f4: {  	v35 =	vld [tilespmem:s1+$0xFFFFFF40];
	s7 =	sadd.s32 $0x3, s0;
	v36 =	vadd.s32 v5, v32;
	v21 =	vand.u32 $0x7F, v33;
	v27 =	vmov s31;
	[tilespmem:v18+s20+$0x0] =	vst.idx.msk $0xffff, v15  }
0x2f5: {  	v37 =	vld [tilespmem:s1+$0xFFFFFF80];
	v28 =	vmov s7;
	s31 =	sadd.s32 $0x4, s0;
	v38 =	vadd.s32 v5, v21;
	v27 =	vand.u32 $0xFE, v27;
	[tilespmem:v16+s20+$0x0] =	vst.idx.msk $0xffff, v14  }
0x2f6: {  	v39 =	vld [tilespmem:s1+$0xFFFFFFC0];
	v28 =	vand.u32 $0xFF, v28;
	v29 =	vmov s31;
	v40 =	vadd.s32 v5, v27;
	[tilespmem:v13+s20+$0x0] =	vst.idx.msk $0xffff, v25  }
0x2f7: {  	v41 =	vld [tilespmem:s1+$0x0];
	v42 =	vadd.s32 v5, v28;
	v29 =	vand.u32 $0xFE, v29;
	[tilespmem:v12+s20+$0x0] =	vst.idx.msk $0xffff, v63  }
0x2f8: {  	v43 =	vld [tilespmem:s1+$0x40];
	v44 =	vadd.s32 v5, v29;
	[tilespmem:v26+s20+$0x0] =	vst.idx.msk $0xffff, v34  }
0x2f9: {  	v46 =	vadd.s32 v9, v62;
	[tilespmem:v36+s20+$0x0] =	vst.idx.msk $0xffff, v35;
	v45 =	vld [tilespmem:s1+$0x90]  }
0x2fa: {  	v48 =	vadd.s32 v9, v32;
	v47 =	vld [tilespmem:s1+$0xFFFFFF50];
	[tilespmem:v38+s20+$0x0] =	vst.idx.msk $0xffff, v37  }
0x2fb: {  	v49 =	vadd.s32 v9, v21;
	v15 =	vld [tilespmem:s1+$0xFFFFFF90];
	[tilespmem:v40+s20+$0x0] =	vst.idx.msk $0xffff, v39  }
0x2fc: {  	v50 =	vadd.s32 v9, v27;
	[tilespmem:v42+s20+$0x0] =	vst.idx.msk $0xffff, v41;
	v14 =	vld [tilespmem:s1+$0xFFFFFFD0]  }
0x2fd: {  	v51 =	vadd.s32 v9, v28;
	v13 =	vld [tilespmem:s1+$0x10];
	[tilespmem:v44+s20+$0x0] =	vst.idx.msk $0xffff, v43  }
0x2fe: {  	v52 =	vadd.s32 v9, v29;
	v12 =	vld [tilespmem:s1+$0x50];
	[tilespmem:v46+s20+$0x0] =	vst.idx.msk $0xffff, v45  }
0x2ff: {  	v53 =	vadd.s32 v10, v62;
	[tilespmem:v48+s20+$0x0] =	vst.idx.msk $0xffff, v47;
	v17 =	vld [tilespmem:s1+$0xA0]  }
0x300: {  	v54 =	vadd.s32 v10, v32;
	v22 =	vld [tilespmem:s1+$0xFFFFFF60];
	[tilespmem:v49+s20+$0x0] =	vst.idx.msk $0xffff, v15  }
0x301: {  	v55 =	vadd.s32 v10, v21;
	v15 =	vld [tilespmem:s1+$0xFFFFFFA0];
	[tilespmem:v50+s20+$0x0] =	vst.idx.msk $0xffff, v14  }
0x302: {  	v56 =	vadd.s32 v10, v27;
	[tilespmem:v51+s20+$0x0] =	vst.idx.msk $0xffff, v13;
	v14 =	vld [tilespmem:s1+$0xFFFFFFE0]  }
0x303: {  	v57 =	vadd.s32 v10, v28;
	v13 =	vld [tilespmem:s1+$0x20];
	[tilespmem:v52+s20+$0x0] =	vst.idx.msk $0xffff, v12  }
0x304: {  	v58 =	vadd.s32 v10, v29;
	v12 =	vld [tilespmem:s1+$0x60];
	[tilespmem:v53+s20+$0x0] =	vst.idx.msk $0xffff, v17  }
0x305: {  	v59 =	vadd.s32 v11, v62;
	[tilespmem:v54+s20+$0x0] =	vst.idx.msk $0xffff, v22;
	v17 =	vld [tilespmem:s1+$0xB0]  }
0x306: {  	v20 =	vadd.s32 v11, v32;
	v22 =	vld [tilespmem:s1+$0xFFFFFF70];
	[tilespmem:v55+s20+$0x0] =	vst.idx.msk $0xffff, v15  }
0x307: {  	v60 =	vadd.s32 v11, v21;
	v15 =	vld [tilespmem:s1+$0xFFFFFFB0];
	[tilespmem:v56+s20+$0x0] =	vst.idx.msk $0xffff, v14  }
0x308: {  	v61 =	vadd.s32 v11, v27;
	[tilespmem:v57+s20+$0x0] =	vst.idx.msk $0xffff, v13;
	v14 =	vld [tilespmem:s1+$0xFFFFFFF0]  }
0x309: {  	v62 =	vadd.s32 v11, v28;
	v13 =	vld [tilespmem:s1+$0x30];
	[tilespmem:v58+s20+$0x0] =	vst.idx.msk $0xffff, v12  }
0x30a: {  	v63 =	vadd.s32 v11, v29;
	v12 =	vld [tilespmem:s1+$0x70];
	[tilespmem:v59+s20+$0x0] =	vst.idx.msk $0xffff, v17  }
0x30b: {  	[tilespmem:v20+s20+$0x0] =	vst.idx.msk $0xffff, v22  }
0x30c: {  	[tilespmem:v60+s20+$0x0] =	vst.idx.msk $0xffff, v15  }
0x30d: {  	[tilespmem:v61+s20+$0x0] =	vst.idx.msk $0xffff, v14  }
0x30e: {  	[tilespmem:v62+s20+$0x0] =	vst.idx.msk $0xffff, v13  }
0x30f: {  	s0 =	simm.s32 $0x54B0;
	s1 =	simm.s32 $0x7E;
	[tilespmem:v63+s20+$0x0] =	vst.idx.msk $0xffff, v12  }
.LBB2_27:
0x310: {  	v12 =	vmov s1  }
0x311: {  	v12 =	vand.u32 $0x7F, v12  }
0x312: {  	v13 =	vld [tilespmem:s0+$0xFFFFFFD0];
	v14 =	vadd.s32 v5, v12;
	_ =	sdelay $0x4  }
0x313: {  	[tilespmem:v14+s20+$0x0] =	vst.idx.msk $0xffff, v13  }
0x314: {  	v62 =	vadd.s32 v9, v12;
	v13 =	vld [tilespmem:s0+$0xFFFFFFE0];
	_ =	sdelay $0x4  }
0x315: {  	[tilespmem:v62+s20+$0x0] =	vst.idx.msk $0xffff, v13  }
0x316: {  	v63 =	vadd.s32 v10, v12;
	v13 =	vld [tilespmem:s0+$0xFFFFFFF0];
	_ =	sdelay $0x4  }
0x317: {  	[tilespmem:v63+s20+$0x0] =	vst.idx.msk $0xffff, v13  }
0x318: {  	p0 =	seq.s32 s1, $0x7F;
	v12 =	vadd.s32 v11, v12;
	v13 =	vld [tilespmem:s0+$0x0]  }
.Ltmp13:
0x319: {  	_ = 	snop;
	(pc) =	sbr.rel @!p0 .LBB2_27-.Ltmp13, $2  }
0x31a: {  	_ =	sdelay $0x2  }
0x31b: {  	s1 =	sadd.s32 $0x1, s1;
	s0 =	sadd.s32 $0x40, s0;
	[tilespmem:v12+s20+$0x0] =	vst.idx.msk $0xffff, v13  }
0x31c: {  	s0 =	simm.s32 $0x7500  }
0x31d: {  	[hbm4b:s30+s3] =	stream.linear.scatter [tilespmem:s0], [sflag:$0x3], $0x80, $0x38;
	[tilespmem:$0xB900] =	vst v63  }
0x31e: {  	s7 =	simm.s32 $0x7588;
	s1 =	sadd.s32 $0x10, s30  }
0x31f: {  	[hbm4b:s1+s3] =	stream.linear.scatter [tilespmem:s7], [sflag:$0x3], $0x80, $0x38;
	[tilespmem:$0xB900] =	vst v63  }
0x320: {  	s5 =	simm.s32 $0x7610;
	s7 =	sadd.s32 $0x20, s30  }
0x321: {  	[hbm4b:s7+s3] =	stream.linear.scatter [tilespmem:s5], [sflag:$0x3], $0x80, $0x38;
	[tilespmem:$0xB900] =	vst v63  }
0x322: {  	s5 =	simm.s32 $0x7698;
	s7 =	sadd.s32 $0x30, s30  }
0x323: {  	[hbm4b:s7+s3] =	stream.linear.scatter [tilespmem:s5], [sflag:$0x3], $0x80, $0x38;
	[tilespmem:$0xB900] =	vst v63  }
0x324: {  	s5 =	simm.s32 $0x7720;
	s7 =	sadd.s32 $0x40, s30  }
0x325: {  	[hbm4b:s7+s3] =	stream.linear.scatter [tilespmem:s5], [sflag:$0x3], $0x80, $0x38;
	[tilespmem:$0xB900] =	vst v63  }
0x326: {  	s31 =	sadd.s32 $0x70, s30;
	s5 =	simm.s32 $0x77A8;
	s7 =	sadd.s32 $0x50, s30  }
0x327: {  	[hbm4b:s7+s3] =	stream.linear.scatter [tilespmem:s5], [sflag:$0x3], $0x80, $0x38;
	[tilespmem:$0xB900] =	vst v63  }
0x328: {  	s0 =	simm.s32 $0x440;
	s5 =	simm.s32 $0x7830;
	s7 =	sadd.s32 $0x60, s30  }
0x329: {  	[hbm4b:s7+s3] =	stream.linear.scatter [tilespmem:s5], [sflag:$0x3], $0x80, $0x38;
	[tilespmem:$0xB900] =	vst v63  }
0x32a: {  	s1 =	sadd.s32 $0x4000, s30;
	s5 =	simm.s32 $0x2200;
	s7 =	simm.s32 $0x78B8  }
.LBB2_29:
0x32b: {  	[hbm4b:s31+s3] =	stream.linear.scatter [tilespmem:s7], [sflag:$0x3], $0x80, $0x38;
	[tilespmem:$0xB900] =	vst v63  }
0x32c: {  	s7 =	smov.u32 s0;
	s0 =	smov.u32 s5  }
0x32d: {  	s30 =	sadd.s32 $0x1100, s5;
	s0 =	sshra.s32 s0, $0x2;
	s31 =	sadd.s32 $0x7500, s7  }
0x32e: {  	[hbm4b:s1+s3] =	stream.linear.scatter [tilespmem:s31], [sflag:$0x3], $0x80, $0x38;
	[tilespmem:$0xB900] =	vst v63  }
0x32f: {  	p0 =	sne.s32 s5, $0x7700;
	s5 =	sadd.s32 $0x7588, s7;
	s31 =	sadd.s32 $0x10, s1  }
0x330: {  	[hbm4b:s31+s3] =	stream.linear.scatter [tilespmem:s5], [sflag:$0x3], $0x80, $0x38;
	[tilespmem:$0xB900] =	vst v63  }
0x331: {  	s5 =	sadd.s32 $0x7610, s7;
	s31 =	sadd.s32 $0x20, s1  }
0x332: {  	[hbm4b:s31+s3] =	stream.linear.scatter [tilespmem:s5], [sflag:$0x3], $0x80, $0x38;
	[tilespmem:$0xB900] =	vst v63  }
0x333: {  	s5 =	sadd.s32 $0x7698, s7;
	s31 =	sadd.s32 $0x30, s1  }
0x334: {  	[hbm4b:s31+s3] =	stream.linear.scatter [tilespmem:s5], [sflag:$0x3], $0x80, $0x38;
	[tilespmem:$0xB900] =	vst v63  }
0x335: {  	s5 =	sadd.s32 $0x7720, s7;
	s31 =	sadd.s32 $0x40, s1  }
0x336: {  	[hbm4b:s31+s3] =	stream.linear.scatter [tilespmem:s5], [sflag:$0x3], $0x80, $0x38;
	[tilespmem:$0xB900] =	vst v63  }
.Ltmp14:
0x337: {  	s5 =	sadd.s32 $0x77A8, s7;
	s31 =	sadd.s32 $0x50, s1;
	(pc) =	sbr.rel @p0 .LBB2_29-.Ltmp14, $4  }
0x338: {  	[hbm4b:s31+s3] =	stream.linear.scatter [tilespmem:s5], [sflag:$0x3], $0x80, $0x38;
	[tilespmem:$0xB900] =	vst v63  }
0x339: {  	s5 =	sadd.s32 $0x7830, s7;
	s31 =	sadd.s32 $0x60, s1;
	s7 =	sadd.s32 $0x78B8, s7  }
0x33a: {  	[hbm4b:s31+s3] =	stream.linear.scatter [tilespmem:s5], [sflag:$0x3], $0x80, $0x38;
	[tilespmem:$0xB900] =	vst v63  }
0x33b: {  	s31 =	sadd.s32 $0x70, s1;
	s1 =	sadd.s32 $0x4000, s1;
	s5 =	smov.u32 s30  }
0x33c: {  	[hbm4b:s31+s3] =	stream.linear.scatter [tilespmem:s7], [sflag:$0x3], $0x80, $0x38;
	[tilespmem:$0xB900] =	vst v63  }
0x33d: {  	s5 =	sadd.s32 $0x7500, s0  }
0x33e: {  	[hbm4b:s1+s3] =	stream.linear.scatter [tilespmem:s5], [sflag:$0x3], $0x80, $0x38;
	[tilespmem:$0xB900] =	vst v63  }
0x33f: {  	s7 =	sadd.s32 $0x7588, s0;
	s31 =	sadd.s32 $0x10, s1  }
0x340: {  	[hbm4b:s31+s3] =	stream.linear.scatter [tilespmem:s7], [sflag:$0x3], $0x80, $0x38;
	[tilespmem:$0xB900] =	vst v63  }
0x341: {  	s7 =	sadd.s32 $0x7610, s0;
	s31 =	sadd.s32 $0x20, s1  }
0x342: {  	[hbm4b:s31+s3] =	stream.linear.scatter [tilespmem:s7], [sflag:$0x3], $0x80, $0x38;
	[tilespmem:$0xB900] =	vst v63  }
0x343: {  	s7 =	sadd.s32 $0x7698, s0;
	s31 =	sadd.s32 $0x30, s1  }
0x344: {  	[hbm4b:s31+s3] =	stream.linear.scatter [tilespmem:s7], [sflag:$0x3], $0x80, $0x38;
	[tilespmem:$0xB900] =	vst v63  }
0x345: {  	s7 =	sadd.s32 $0x7720, s0;
	s31 =	sadd.s32 $0x40, s1  }
0x346: {  	[hbm4b:s31+s3] =	stream.linear.scatter [tilespmem:s7], [sflag:$0x3], $0x80, $0x38;
	[tilespmem:$0xB900] =	vst v63  }
0x347: {  	s7 =	sadd.s32 $0x77A8, s0;
	s31 =	sadd.s32 $0x50, s1  }
0x348: {  	[hbm4b:s31+s3] =	stream.linear.scatter [tilespmem:s7], [sflag:$0x3], $0x80, $0x38;
	[tilespmem:$0xB900] =	vst v63  }
0x349: {  	p0 =	seq.s32 s28, $0x18;
	s7 =	sadd.s32 $0x7830, s0;
	s31 =	sadd.s32 $0x60, s1  }
0x34a: {  	[hbm4b:s31+s3] =	stream.linear.scatter [tilespmem:s7], [sflag:$0x3], $0x80, $0x38;
	[tilespmem:$0xB900] =	vst v63  }
0x34b: {  	s7 =	sadd.s32 $0x78B8, s0;
	s0 =	sshll.u32 @!p0 s28, $0x8  }
0x34c: {  	s31 =	sadd.s32 $0x70, s1;
	s0 =	sand.u32 @!p0 $0x3FFFFF00, s0  }
0x34d: {  	[hbm4b:s31+s3] =	stream.linear.scatter [tilespmem:s7], [sflag:$0x3], $0x80, $0x38;
	[tilespmem:$0xB900] =	vst v63  }
0x34e: {  	s5 =	simm.s32 @!p0 $0x3500;
	s1 =	simm.s32 @!p0 $0x80;
	s0 =	sadd.s32 @!p0 $0x1D00, s0  }
0x34f: {  	[tilespmem:s5], [sflag:$0x1] =	stream.indirect.gather @!p0 [hbm4b:s4+s1], $0x40, s0, s1, $0xb8;
	[tilespmem:$0xB900] =	vst v63  }
0x350: {  	_ =	swait.ge [sflag:s21], $0x2000  }
0x351: {  	[sflag:s21] =	ssyncset.done $0x0  }
0x352: {  	[sflag:s21] =	ssyncadd.s32 $0xFFFFE000  }
0x353: {  	s5 =	simm.s32 $0x5;
	_ =	swait.ge [sflag:s22], $0x2000  }
0x354: {  	s7 =	simm.s32 $0x0;
	v12 =	vmov s5;
	[sflag:s22] =	ssyncset.done $0x0  }
0x355: {  	s30 =	simm.s32 $0x55C0;
	s31 =	simm.s32 $0x1;
	v13 =	vmov s7;
	v14 =	vand.u32 $0xFF, v12;
	[sflag:s22] =	ssyncadd.s32 $0xFFFFE000  }
0x356: {  	v15 =	vand.u32 $0x7E, v13;
	s1 =	simm.s32 $0x2;
	v12 =	vmov s31;
	v17 =	vadd.s32 v5, v14;
	v16 =	vld [tilespmem:s30+$0x80]  }
0x357: {  	v19 =	vadd.s32 v5, v15;
	s5 =	simm.s32 $0x3;
	v24 =	vand.u32 $0x7F, v12;
	v12 =	vmov s1;
	v18 =	vld [tilespmem:s30+$0xFFFFFF40]  }
0x358: {  	s7 =	simm.s32 $0x4;
	v21 =	vadd.s32 v5, v24;
	v25 =	vand.u32 $0xFE, v12;
	v12 =	vmov s5;
	v20 =	vld [tilespmem:s30+$0xFFFFFF80]  }
0x359: {  	v23 =	vadd.s32 v5, v25;
	v13 =	vand.u32 $0xFF, v12;
	v12 =	vmov s7;
	v22 =	vld [tilespmem:s30+$0xFFFFFFC0]  }
0x35a: {  	v27 =	vadd.s32 v5, v13;
	v12 =	vand.u32 $0xFE, v12;
	v26 =	vld [tilespmem:s30+$0x0]  }
0x35b: {  	v28 =	vld [tilespmem:s30+$0x40];
	v29 =	vadd.s32 v5, v12;
	[tilespmem:v17+s23+$0x0] =	vst.idx.msk $0xffff, v16  }
0x35c: {  	[tilespmem:v19+s23+$0x0] =	vst.idx.msk $0xffff, v18;
	v17 =	vadd.s32 v9, v14;
	v16 =	vld [tilespmem:s30+$0x90]  }
0x35d: {  	v19 =	vadd.s32 v9, v15;
	[tilespmem:v21+s23+$0x0] =	vst.idx.msk $0xffff, v20;
	v18 =	vld [tilespmem:s30+$0xFFFFFF50]  }
0x35e: {  	v21 =	vadd.s32 v9, v24;
	[tilespmem:v23+s23+$0x0] =	vst.idx.msk $0xffff, v22;
	v20 =	vld [tilespmem:s30+$0xFFFFFF90]  }
0x35f: {  	v23 =	vadd.s32 v9, v25;
	[tilespmem:v27+s23+$0x0] =	vst.idx.msk $0xffff, v26;
	v22 =	vld [tilespmem:s30+$0xFFFFFFD0]  }
0x360: {  	v61 =	vadd.s32 v9, v13;
	[tilespmem:v29+s23+$0x0] =	vst.idx.msk $0xffff, v28;
	v26 =	vld [tilespmem:s30+$0x10]  }
0x361: {  	v62 =	vadd.s32 v9, v12;
	v28 =	vld [tilespmem:s30+$0x50];
	[tilespmem:v17+s23+$0x0] =	vst.idx.msk $0xffff, v16  }
0x362: {  	[tilespmem:v19+s23+$0x0] =	vst.idx.msk $0xffff, v18;
	v17 =	vadd.s32 v10, v14;
	v16 =	vld [tilespmem:s30+$0xA0]  }
0x363: {  	v19 =	vadd.s32 v10, v15;
	[tilespmem:v21+s23+$0x0] =	vst.idx.msk $0xffff, v20;
	v18 =	vld [tilespmem:s30+$0xFFFFFF60]  }
0x364: {  	v31 =	vadd.s32 v10, v24;
	[tilespmem:v23+s23+$0x0] =	vst.idx.msk $0xffff, v22;
	v30 =	vld [tilespmem:s30+$0xFFFFFFA0]  }
0x365: {  	v33 =	vadd.s32 v10, v25;
	[tilespmem:v61+s23+$0x0] =	vst.idx.msk $0xffff, v26;
	v32 =	vld [tilespmem:s30+$0xFFFFFFE0]  }
0x366: {  	v63 =	vadd.s32 v10, v13;
	[tilespmem:v62+s23+$0x0] =	vst.idx.msk $0xffff, v28;
	v26 =	vld [tilespmem:s30+$0x20]  }
0x367: {  	v23 =	vadd.s32 v10, v12;
	v21 =	vld [tilespmem:s30+$0x60];
	[tilespmem:v17+s23+$0x0] =	vst.idx.msk $0xffff, v16  }
0x368: {  	s31 =	sshll.u32 s29, $0x14;
	v22 =	vadd.s32 v11, v14;
	[tilespmem:v19+s23+$0x0] =	vst.idx.msk $0xffff, v18;
	v20 =	vld [tilespmem:s30+$0xB0]  }
0x369: {  	s0 =	sor.u32 s8, s31;
	[tilespmem:v31+s23+$0x0] =	vst.idx.msk $0xffff, v30;
	v19 =	vadd.s32 v11, v15;
	v17 =	vld [tilespmem:s30+$0xFFFFFF70]  }
0x36a: {  	s1 =	simm.s32 $0xC;
	s0 =	sshrl.u32 s0, $0x3;
	[tilespmem:v33+s23+$0x0] =	vst.idx.msk $0xffff, v32;
	v18 =	vadd.s32 v11, v24;
	v15 =	vld [tilespmem:s30+$0xFFFFFFB0]  }
0x36b: {  	s5 =	simm.s32 $0xB;
	s29 =	sadd.s32 s2, s0;
	s0 =	simm.s32 $0x6;
	v16 =	vadd.s32 v11, v25;
	[tilespmem:v63+s23+$0x0] =	vst.idx.msk $0xffff, v26;
	v14 =	vld [tilespmem:s30+$0xFFFFFFF0]  }
.LBB2_31:
0x36c: {  	p0 =	slt.u32 s1, $0x78;
	v24 =	vmov s5;
	v25 =	vld [tilespmem:s30+$0x30];
	v26 =	vadd.s32 v11, v13;
	[tilespmem:v23+s23+$0x0] =	vst.idx.msk $0xffff, v21  }
0x36d: {  	v13 =	vmov s0;
	s5 =	sadd.s32 $0x1, s0;
	v23 =	vadd.s32 v11, v12;
	v24 =	vand.u32 $0xFF, v24;
	v21 =	vld [tilespmem:s30+$0x70];
	[tilespmem:v22+s23+$0x0] =	vst.idx.msk $0xffff, v20;
	s30 =	sadd.s32 $0x180, s30  }
0x36e: {  	v27 =	vand.u32 $0x7E, v13;
	v12 =	vmov s5;
	s5 =	sadd.s32 $0x2, s0;
	v20 =	vld [tilespmem:s30+$0x80];
	v22 =	vadd.s32 v5, v24;
	[tilespmem:v19+s23+$0x0] =	vst.idx.msk $0xffff, v17  }
0x36f: {  	v19 =	vadd.s32 v5, v27;
	v28 =	vand.u32 $0x7F, v12;
	v12 =	vmov s5;
	s5 =	sadd.s32 $0x3, s0;
	v17 =	vld [tilespmem:s30+$0xFFFFFF40];
	[tilespmem:v18+s23+$0x0] =	vst.idx.msk $0xffff, v15  }
0x370: {  	v18 =	vadd.s32 v5, v28;
	v29 =	vand.u32 $0xFE, v12;
	v12 =	vmov s5;
	s5 =	sadd.s32 $0x4, s0;
	s0 =	smov.u32 s1;
	v15 =	vld [tilespmem:s30+$0xFFFFFF80];
	[tilespmem:v16+s23+$0x0] =	vst.idx.msk $0xffff, v14  }
0x371: {  	v16 =	vadd.s32 v5, v29;
	v13 =	vand.u32 $0xFF, v12;
	v12 =	vmov s5;
	v14 =	vld [tilespmem:s30+$0xFFFFFFC0];
	[tilespmem:v26+s23+$0x0] =	vst.idx.msk $0xffff, v25  }
0x372: {  	v26 =	vadd.s32 v5, v13;
	v12 =	vand.u32 $0xFE, v12;
	v25 =	vld [tilespmem:s30+$0x0];
	[tilespmem:v23+s23+$0x0] =	vst.idx.msk $0xffff, v21  }
0x373: {  	v23 =	vadd.s32 v5, v12;
	v21 =	vld [tilespmem:s30+$0x40];
	[tilespmem:v22+s23+$0x0] =	vst.idx.msk $0xffff, v20  }
0x374: {  	[tilespmem:v19+s23+$0x0] =	vst.idx.msk $0xffff, v17;
	v17 =	vld [tilespmem:s30+$0x90];
	v19 =	vadd.s32 v9, v24  }
0x375: {  	v22 =	vadd.s32 v9, v27;
	v20 =	vld [tilespmem:s30+$0xFFFFFF50];
	[tilespmem:v18+s23+$0x0] =	vst.idx.msk $0xffff, v15  }
0x376: {  	v18 =	vadd.s32 v9, v28;
	v15 =	vld [tilespmem:s30+$0xFFFFFF90];
	[tilespmem:v16+s23+$0x0] =	vst.idx.msk $0xffff, v14  }
0x377: {  	v16 =	vadd.s32 v9, v29;
	v14 =	vld [tilespmem:s30+$0xFFFFFFD0];
	[tilespmem:v26+s23+$0x0] =	vst.idx.msk $0xffff, v25  }
0x378: {  	v26 =	vadd.s32 v9, v13;
	v25 =	vld [tilespmem:s30+$0x10];
	[tilespmem:v23+s23+$0x0] =	vst.idx.msk $0xffff, v21  }
0x379: {  	v23 =	vadd.s32 v9, v12;
	v21 =	vld [tilespmem:s30+$0x50];
	[tilespmem:v19+s23+$0x0] =	vst.idx.msk $0xffff, v17  }
0x37a: {  	v19 =	vadd.s32 v10, v24;
	[tilespmem:v22+s23+$0x0] =	vst.idx.msk $0xffff, v20;
	v17 =	vld [tilespmem:s30+$0xA0]  }
0x37b: {  	v22 =	vadd.s32 v10, v27;
	v20 =	vld [tilespmem:s30+$0xFFFFFF60];
	[tilespmem:v18+s23+$0x0] =	vst.idx.msk $0xffff, v15  }
0x37c: {  	v18 =	vadd.s32 v10, v28;
	v15 =	vld [tilespmem:s30+$0xFFFFFFA0];
	[tilespmem:v16+s23+$0x0] =	vst.idx.msk $0xffff, v14  }
0x37d: {  	v16 =	vadd.s32 v10, v29;
	v14 =	vld [tilespmem:s30+$0xFFFFFFE0];
	[tilespmem:v26+s23+$0x0] =	vst.idx.msk $0xffff, v25  }
0x37e: {  	v26 =	vadd.s32 v10, v13;
	v25 =	vld [tilespmem:s30+$0x20];
	[tilespmem:v23+s23+$0x0] =	vst.idx.msk $0xffff, v21  }
.Ltmp15:
0x37f: {  	v23 =	vadd.s32 v10, v12;
	v21 =	vld [tilespmem:s30+$0x60];
	[tilespmem:v19+s23+$0x0] =	vst.idx.msk $0xffff, v17;
	(pc) =	sbr.rel @p0 .LBB2_31-.Ltmp15, $4  }
0x380: {  	[tilespmem:v22+s23+$0x0] =	vst.idx.msk $0xffff, v20;
	v20 =	vld [tilespmem:s30+$0xB0];
	v22 =	vadd.s32 v11, v24  }
0x381: {  	v19 =	vadd.s32 v11, v27;
	v17 =	vld [tilespmem:s30+$0xFFFFFF70];
	[tilespmem:v18+s23+$0x0] =	vst.idx.msk $0xffff, v15  }
0x382: {  	v18 =	vadd.s32 v11, v28;
	v15 =	vld [tilespmem:s30+$0xFFFFFFB0];
	[tilespmem:v16+s23+$0x0] =	vst.idx.msk $0xffff, v14  }
0x383: {  	s1 =	sadd.s32 $0x6, s1;
	s5 =	sadd.s32 $0x5, s0;
	v16 =	vadd.s32 v11, v29;
	v14 =	vld [tilespmem:s30+$0xFFFFFFF0];
	[tilespmem:v26+s23+$0x0] =	vst.idx.msk $0xffff, v25  }
0x384: {  	_ =	sdelay $0x3  }
0x385: {  	v24 =	vmov s5;
	v25 =	vld [tilespmem:s30+$0x30];
	v13 =	vadd.s32 v11, v13;
	[tilespmem:v23+s23+$0x0] =	vst.idx.msk $0xffff, v21  }
0x386: {  	v61 =	vmov s0;
	s31 =	sadd.s32 $0x1, s0;
	v12 =	vadd.s32 v11, v12;
	s1 =	sadd.s32 $0x180, s30;
	v62 =	vand.u32 $0xFF, v24;
	v63 =	vld [tilespmem:s30+$0x70];
	[tilespmem:v22+s23+$0x0] =	vst.idx.msk $0xffff, v20  }
0x387: {  	s7 =	sadd.s32 $0x2, s0;
	v32 =	vand.u32 $0x7E, v61;
	v33 =	vmov s31;
	v34 =	vld [tilespmem:s1+$0x80];
	v26 =	vadd.s32 v5, v62;
	[tilespmem:v19+s23+$0x0] =	vst.idx.msk $0xffff, v17  }
0x388: {  	v35 =	vld [tilespmem:s1+$0xFFFFFF40];
	v27 =	vmov s7;
	s30 =	sadd.s32 $0x3, s0;
	v36 =	vadd.s32 v5, v32;
	v21 =	vand.u32 $0x7F, v33;
	[tilespmem:v18+s23+$0x0] =	vst.idx.msk $0xffff, v15  }
0x389: {  	v37 =	vld [tilespmem:s1+$0xFFFFFF80];
	s31 =	sadd.s32 $0x4, s0;
	v27 =	vand.u32 $0xFE, v27;
	v28 =	vmov s30;
	v38 =	vadd.s32 v5, v21;
	[tilespmem:v16+s23+$0x0] =	vst.idx.msk $0xffff, v14  }
0x38a: {  	v39 =	vld [tilespmem:s1+$0xFFFFFFC0];
	v29 =	vmov s31;
	v40 =	vadd.s32 v5, v27;
	v28 =	vand.u32 $0xFF, v28;
	[tilespmem:v13+s23+$0x0] =	vst.idx.msk $0xffff, v25  }
0x38b: {  	v41 =	vld [tilespmem:s1+$0x0];
	v29 =	vand.u32 $0xFE, v29;
	v42 =	vadd.s32 v5, v28;
	[tilespmem:v12+s23+$0x0] =	vst.idx.msk $0xffff, v63  }
0x38c: {  	v43 =	vld [tilespmem:s1+$0x40];
	v44 =	vadd.s32 v5, v29;
	[tilespmem:v26+s23+$0x0] =	vst.idx.msk $0xffff, v34  }
0x38d: {  	v46 =	vadd.s32 v9, v62;
	[tilespmem:v36+s23+$0x0] =	vst.idx.msk $0xffff, v35;
	v45 =	vld [tilespmem:s1+$0x90]  }
0x38e: {  	v48 =	vadd.s32 v9, v32;
	v47 =	vld [tilespmem:s1+$0xFFFFFF50];
	[tilespmem:v38+s23+$0x0] =	vst.idx.msk $0xffff, v37  }
0x38f: {  	v49 =	vadd.s32 v9, v21;
	[tilespmem:v40+s23+$0x0] =	vst.idx.msk $0xffff, v39;
	v15 =	vld [tilespmem:s1+$0xFFFFFF90]  }
0x390: {  	v50 =	vadd.s32 v9, v27;
	v14 =	vld [tilespmem:s1+$0xFFFFFFD0];
	[tilespmem:v42+s23+$0x0] =	vst.idx.msk $0xffff, v41  }
0x391: {  	v51 =	vadd.s32 v9, v28;
	[tilespmem:v44+s23+$0x0] =	vst.idx.msk $0xffff, v43;
	v13 =	vld [tilespmem:s1+$0x10]  }
0x392: {  	v52 =	vadd.s32 v9, v29;
	v12 =	vld [tilespmem:s1+$0x50];
	[tilespmem:v46+s23+$0x0] =	vst.idx.msk $0xffff, v45  }
0x393: {  	v53 =	vadd.s32 v10, v62;
	[tilespmem:v48+s23+$0x0] =	vst.idx.msk $0xffff, v47;
	v17 =	vld [tilespmem:s1+$0xA0]  }
0x394: {  	v54 =	vadd.s32 v10, v32;
	v22 =	vld [tilespmem:s1+$0xFFFFFF60];
	[tilespmem:v49+s23+$0x0] =	vst.idx.msk $0xffff, v15  }
0x395: {  	v55 =	vadd.s32 v10, v21;
	[tilespmem:v50+s23+$0x0] =	vst.idx.msk $0xffff, v14;
	v15 =	vld [tilespmem:s1+$0xFFFFFFA0]  }
0x396: {  	v56 =	vadd.s32 v10, v27;
	v14 =	vld [tilespmem:s1+$0xFFFFFFE0];
	[tilespmem:v51+s23+$0x0] =	vst.idx.msk $0xffff, v13  }
0x397: {  	v57 =	vadd.s32 v10, v28;
	[tilespmem:v52+s23+$0x0] =	vst.idx.msk $0xffff, v12;
	v13 =	vld [tilespmem:s1+$0x20]  }
0x398: {  	v58 =	vadd.s32 v10, v29;
	v12 =	vld [tilespmem:s1+$0x60];
	[tilespmem:v53+s23+$0x0] =	vst.idx.msk $0xffff, v17  }
0x399: {  	v59 =	vadd.s32 v11, v62;
	[tilespmem:v54+s23+$0x0] =	vst.idx.msk $0xffff, v22;
	v17 =	vld [tilespmem:s1+$0xB0]  }
0x39a: {  	v20 =	vadd.s32 v11, v32;
	v22 =	vld [tilespmem:s1+$0xFFFFFF70];
	[tilespmem:v55+s23+$0x0] =	vst.idx.msk $0xffff, v15  }
0x39b: {  	v60 =	vadd.s32 v11, v21;
	[tilespmem:v56+s23+$0x0] =	vst.idx.msk $0xffff, v14;
	v15 =	vld [tilespmem:s1+$0xFFFFFFB0]  }
0x39c: {  	v61 =	vadd.s32 v11, v27;
	v14 =	vld [tilespmem:s1+$0xFFFFFFF0];
	[tilespmem:v57+s23+$0x0] =	vst.idx.msk $0xffff, v13  }
0x39d: {  	v62 =	vadd.s32 v11, v28;
	[tilespmem:v58+s23+$0x0] =	vst.idx.msk $0xffff, v12;
	v13 =	vld [tilespmem:s1+$0x30]  }
0x39e: {  	v63 =	vadd.s32 v11, v29;
	v12 =	vld [tilespmem:s1+$0x70];
	[tilespmem:v59+s23+$0x0] =	vst.idx.msk $0xffff, v17  }
0x39f: {  	[tilespmem:v20+s23+$0x0] =	vst.idx.msk $0xffff, v22  }
0x3a0: {  	[tilespmem:v60+s23+$0x0] =	vst.idx.msk $0xffff, v15  }
0x3a1: {  	[tilespmem:v61+s23+$0x0] =	vst.idx.msk $0xffff, v14  }
0x3a2: {  	[tilespmem:v62+s23+$0x0] =	vst.idx.msk $0xffff, v13  }
0x3a3: {  	s0 =	simm.s32 $0x74B0;
	s1 =	simm.s32 $0x7E;
	[tilespmem:v63+s23+$0x0] =	vst.idx.msk $0xffff, v12  }
.LBB2_33:
0x3a4: {  	v12 =	vmov s1  }
0x3a5: {  	v12 =	vand.u32 $0x7F, v12  }
0x3a6: {  	v13 =	vld [tilespmem:s0+$0xFFFFFFD0];
	v14 =	vadd.s32 v5, v12;
	_ =	sdelay $0x4  }
0x3a7: {  	[tilespmem:v14+s23+$0x0] =	vst.idx.msk $0xffff, v13  }
0x3a8: {  	v62 =	vadd.s32 v9, v12;
	v13 =	vld [tilespmem:s0+$0xFFFFFFE0];
	_ =	sdelay $0x4  }
0x3a9: {  	[tilespmem:v62+s23+$0x0] =	vst.idx.msk $0xffff, v13  }
0x3aa: {  	v63 =	vadd.s32 v10, v12;
	v13 =	vld [tilespmem:s0+$0xFFFFFFF0];
	_ =	sdelay $0x4  }
0x3ab: {  	[tilespmem:v63+s23+$0x0] =	vst.idx.msk $0xffff, v13  }
0x3ac: {  	p0 =	seq.s32 s1, $0x7F;
	v12 =	vadd.s32 v11, v12;
	v13 =	vld [tilespmem:s0+$0x0]  }
.Ltmp16:
0x3ad: {  	_ = 	snop;
	(pc) =	sbr.rel @!p0 .LBB2_33-.Ltmp16, $2  }
0x3ae: {  	_ =	sdelay $0x2  }
0x3af: {  	s1 =	sadd.s32 $0x1, s1;
	s0 =	sadd.s32 $0x40, s0;
	[tilespmem:v12+s23+$0x0] =	vst.idx.msk $0xffff, v13  }
0x3b0: {  	s0 =	simm.s32 $0x9700  }
0x3b1: {  	[hbm4b:s29+s3] =	stream.linear.scatter [tilespmem:s0], [sflag:$0x4], $0x80, $0x38;
	[tilespmem:$0xB900] =	vst v63  }
0x3b2: {  	s5 =	simm.s32 $0x9788;
	s1 =	sadd.s32 $0x10, s29  }
0x3b3: {  	[hbm4b:s1+s3] =	stream.linear.scatter [tilespmem:s5], [sflag:$0x4], $0x80, $0x38;
	[tilespmem:$0xB900] =	vst v63  }
0x3b4: {  	s7 =	simm.s32 $0x9810;
	s31 =	sadd.s32 $0x20, s29  }
0x3b5: {  	[hbm4b:s31+s3] =	stream.linear.scatter [tilespmem:s7], [sflag:$0x4], $0x80, $0x38;
	[tilespmem:$0xB900] =	vst v63  }
0x3b6: {  	s1 =	simm.s32 $0x9898;
	s5 =	sadd.s32 $0x30, s29  }
0x3b7: {  	[hbm4b:s5+s3] =	stream.linear.scatter [tilespmem:s1], [sflag:$0x4], $0x80, $0x38;
	[tilespmem:$0xB900] =	vst v63  }
0x3b8: {  	s7 =	simm.s32 $0x9920;
	s31 =	sadd.s32 $0x40, s29  }
0x3b9: {  	[hbm4b:s31+s3] =	stream.linear.scatter [tilespmem:s7], [sflag:$0x4], $0x80, $0x38;
	[tilespmem:$0xB900] =	vst v63  }
0x3ba: {  	s30 =	sadd.s32 $0x70, s29;
	s1 =	simm.s32 $0x99A8;
	s5 =	sadd.s32 $0x50, s29  }
0x3bb: {  	[hbm4b:s5+s3] =	stream.linear.scatter [tilespmem:s1], [sflag:$0x4], $0x80, $0x38;
	[tilespmem:$0xB900] =	vst v63  }
0x3bc: {  	s0 =	simm.s32 $0x440;
	s7 =	simm.s32 $0x9A30;
	s31 =	sadd.s32 $0x60, s29  }
0x3bd: {  	[hbm4b:s31+s3] =	stream.linear.scatter [tilespmem:s7], [sflag:$0x4], $0x80, $0x38;
	[tilespmem:$0xB900] =	vst v63  }
0x3be: {  	s5 =	simm.s32 $0x2200;
	s1 =	sadd.s32 $0x4000, s29;
	s7 =	simm.s32 $0x9AB8  }
.LBB2_35:
0x3bf: {  	[hbm4b:s30+s3] =	stream.linear.scatter [tilespmem:s7], [sflag:$0x4], $0x80, $0x38;
	[tilespmem:$0xB900] =	vst v63  }
0x3c0: {  	s7 =	smov.u32 s0;
	s0 =	smov.u32 s5  }
0x3c1: {  	s29 =	sadd.s32 $0x1100, s5;
	s0 =	sshra.s32 s0, $0x2;
	s30 =	sadd.s32 $0x9700, s7  }
0x3c2: {  	[hbm4b:s1+s3] =	stream.linear.scatter [tilespmem:s30], [sflag:$0x4], $0x80, $0x38;
	[tilespmem:$0xB900] =	vst v63  }
0x3c3: {  	p0 =	sne.s32 s5, $0x7700;
	s5 =	sadd.s32 $0x9788, s7;
	s30 =	sadd.s32 $0x10, s1  }
0x3c4: {  	[hbm4b:s30+s3] =	stream.linear.scatter [tilespmem:s5], [sflag:$0x4], $0x80, $0x38;
	[tilespmem:$0xB900] =	vst v63  }
0x3c5: {  	s5 =	sadd.s32 $0x9810, s7;
	s30 =	sadd.s32 $0x20, s1  }
0x3c6: {  	[hbm4b:s30+s3] =	stream.linear.scatter [tilespmem:s5], [sflag:$0x4], $0x80, $0x38;
	[tilespmem:$0xB900] =	vst v63  }
0x3c7: {  	s5 =	sadd.s32 $0x9898, s7;
	s30 =	sadd.s32 $0x30, s1  }
0x3c8: {  	[hbm4b:s30+s3] =	stream.linear.scatter [tilespmem:s5], [sflag:$0x4], $0x80, $0x38;
	[tilespmem:$0xB900] =	vst v63  }
0x3c9: {  	s5 =	sadd.s32 $0x9920, s7;
	s30 =	sadd.s32 $0x40, s1  }
0x3ca: {  	[hbm4b:s30+s3] =	stream.linear.scatter [tilespmem:s5], [sflag:$0x4], $0x80, $0x38;
	[tilespmem:$0xB900] =	vst v63  }
.Ltmp17:
0x3cb: {  	s5 =	sadd.s32 $0x99A8, s7;
	s30 =	sadd.s32 $0x50, s1;
	(pc) =	sbr.rel @p0 .LBB2_35-.Ltmp17, $4  }
0x3cc: {  	[hbm4b:s30+s3] =	stream.linear.scatter [tilespmem:s5], [sflag:$0x4], $0x80, $0x38;
	[tilespmem:$0xB900] =	vst v63  }
0x3cd: {  	s5 =	sadd.s32 $0x9A30, s7;
	s30 =	sadd.s32 $0x60, s1;
	s7 =	sadd.s32 $0x9AB8, s7  }
0x3ce: {  	[hbm4b:s30+s3] =	stream.linear.scatter [tilespmem:s5], [sflag:$0x4], $0x80, $0x38;
	[tilespmem:$0xB900] =	vst v63  }
0x3cf: {  	s30 =	sadd.s32 $0x70, s1;
	s1 =	sadd.s32 $0x4000, s1;
	s5 =	smov.u32 s29  }
0x3d0: {  	[hbm4b:s30+s3] =	stream.linear.scatter [tilespmem:s7], [sflag:$0x4], $0x80, $0x38;
	[tilespmem:$0xB900] =	vst v63  }
0x3d1: {  	s5 =	sadd.s32 $0x9700, s0  }
0x3d2: {  	[hbm4b:s1+s3] =	stream.linear.scatter [tilespmem:s5], [sflag:$0x4], $0x80, $0x38;
	[tilespmem:$0xB900] =	vst v63  }
0x3d3: {  	s30 =	sadd.s32 $0x9788, s0;
	s31 =	sadd.s32 $0x10, s1  }
0x3d4: {  	[hbm4b:s31+s3] =	stream.linear.scatter [tilespmem:s30], [sflag:$0x4], $0x80, $0x38;
	[tilespmem:$0xB900] =	vst v63  }
0x3d5: {  	s7 =	sadd.s32 $0x9810, s0;
	s29 =	sadd.s32 $0x20, s1  }
0x3d6: {  	[hbm4b:s29+s3] =	stream.linear.scatter [tilespmem:s7], [sflag:$0x4], $0x80, $0x38;
	[tilespmem:$0xB900] =	vst v63  }
0x3d7: {  	s30 =	sadd.s32 $0x9898, s0;
	s31 =	sadd.s32 $0x30, s1  }
0x3d8: {  	[hbm4b:s31+s3] =	stream.linear.scatter [tilespmem:s30], [sflag:$0x4], $0x80, $0x38;
	[tilespmem:$0xB900] =	vst v63  }
0x3d9: {  	s28 =	sadd.s32 $0x1, s28;
	s7 =	sadd.s32 $0x9920, s0;
	s29 =	sadd.s32 $0x40, s1  }
0x3da: {  	[hbm4b:s29+s3] =	stream.linear.scatter [tilespmem:s7], [sflag:$0x4], $0x80, $0x38;
	[tilespmem:$0xB900] =	vst v63  }
0x3db: {  	p0 =	sne.s32 s28, $0x19;
	s30 =	sadd.s32 $0x99A8, s0;
	s31 =	sadd.s32 $0x50, s1  }
0x3dc: {  	[hbm4b:s31+s3] =	stream.linear.scatter [tilespmem:s30], [sflag:$0x4], $0x80, $0x38;
	[tilespmem:$0xB900] =	vst v63  }
.Ltmp18:
0x3dd: {  	_ = 	snop;
	(pc) =	sbr.rel @p0 .LBB2_24-.Ltmp18, $4  }
0x3de: {  	s7 =	sadd.s32 $0x9A30, s0;
	s29 =	sadd.s32 $0x60, s1  }
0x3df: {  	[hbm4b:s29+s3] =	stream.linear.scatter [tilespmem:s7], [sflag:$0x4], $0x80, $0x38;
	[tilespmem:$0xB900] =	vst v63  }
0x3e0: {  	s30 =	sadd.s32 $0x9AB8, s0;
	s31 =	sadd.s32 $0x70, s1  }
0x3e1: {  	[hbm4b:s31+s3] =	stream.linear.scatter [tilespmem:s30], [sflag:$0x4], $0x80, $0x38;
	[tilespmem:$0xB900] =	vst v63  }
0x3e2: {  	s0 =	simm.s32 $0x4  }
0x3e3: {  	s1 =	simm.s32 $0x1;
	v12 =	vmov s0  }
0x3e4: {  	s7 =	simm.s32 $0x2;
	v13 =	vmov s1;
	v16 =	vand.u32 $0x7F, v12  }
0x3e5: {  	s26 =	simm.s32 $0x0;
	s30 =	simm.s32 $0x3;
	v20 =	vand.u32 $0x7F, v13;
	v12 =	vmov s7;
	v13 =	vadd.s32 v0, v16  }
0x3e6: {  	[tilespmem:s26], [sflag:$0x5] =	stream.linear.gather [hbm4b:s9+s26], $0x1C00, $0x38;
	v14 =	vadd.s32 v0, v20;
	v21 =	vand.u32 $0x7F, v12;
	v12 =	vmov s30;
	[tilespmem:$0xB900] =	vst v63  }
0x3e7: {  	v15 =	vmov s26;
	_ =	swait.ge [sflag:s14], $0x1C00;
	v17 =	vadd.s32 v0, v21;
	v19 =	vand.u32 $0x7F, v12  }
0x3e8: {  	v18 =	vand.u32 $0x3F, v15;
	[sflag:s14] =	ssyncset.done $0x0;
	v12 =	vadd.s32 v0, v19  }
0x3e9: {  	v15 =	vadd.s32 v0, v18;
	[sflag:s14] =	ssyncadd.s32 $0xFFFFE400  }
0x3ea: {  	v13 =	vld.idx.msk [tilespmem:v13+s3+$0x0], $0xffff  }
0x3eb: {  	v22 =	vadd.s32 v1, v16;
	v14 =	vld.idx.msk [tilespmem:v14+s3+$0x0], $0xffff  }
0x3ec: {  	v23 =	vadd.s32 v1, v20;
	v17 =	vld.idx.msk [tilespmem:v17+s3+$0x0], $0xffff  }
0x3ed: {  	v24 =	vadd.s32 v1, v21;
	v12 =	vld.idx.msk [tilespmem:v12+s3+$0x0], $0xffff  }
0x3ee: {  	s28 =	simm.s32 $0x1D40;
	v25 =	vadd.s32 v1, v19;
	v15 =	vld.idx.msk [tilespmem:v15+s3+$0x0], $0xffff  }
0x3ef: {  	[tilespmem:s28+$0xC0] =	vst v13;
	v13 =	vadd.s32 v1, v18  }
0x3f0: {  	[tilespmem:s28+$0xFFFFFF40] =	vst v14;
	v14 =	vld.idx.msk [tilespmem:v22+s3+$0x0], $0xffff  }
0x3f1: {  	v22 =	vld.idx.msk [tilespmem:v23+s3+$0x0], $0xffff;
	[tilespmem:s28+$0xFFFFFFC0] =	vst v17;
	v17 =	vadd.s32 v2, v16  }
0x3f2: {  	v23 =	vadd.s32 v2, v20;
	v24 =	vld.idx.msk [tilespmem:v24+s3+$0x0], $0xffff;
	[tilespmem:s28+$0x40] =	vst v12  }
0x3f3: {  	[tilespmem:s28+$0xFFFFFEC0] =	vst v15;
	v15 =	vadd.s32 v2, v21;
	v12 =	vld.idx.msk [tilespmem:v25+s3+$0x0], $0xffff  }
0x3f4: {  	v25 =	vadd.s32 v2, v19;
	v13 =	vld.idx.msk [tilespmem:v13+s3+$0x0], $0xffff  }
0x3f5: {  	[tilespmem:s28+$0xD0] =	vst v14;
	v14 =	vadd.s32 v2, v18  }
0x3f6: {  	[tilespmem:s28+$0xFFFFFF50] =	vst v22;
	v17 =	vld.idx.msk [tilespmem:v17+s3+$0x0], $0xffff  }
0x3f7: {  	v22 =	vld.idx.msk [tilespmem:v23+s3+$0x0], $0xffff;
	[tilespmem:s28+$0xFFFFFFD0] =	vst v24;
	v23 =	vadd.s32 v3, v16  }
0x3f8: {  	v24 =	vadd.s32 v3, v20;
	v15 =	vld.idx.msk [tilespmem:v15+s3+$0x0], $0xffff;
	[tilespmem:s28+$0x50] =	vst v12  }
0x3f9: {  	s31 =	simm.s32 $0x5;
	[tilespmem:s28+$0xFFFFFED0] =	vst v13;
	v13 =	vld.idx.msk [tilespmem:v25+s3+$0x0], $0xffff;
	v25 =	vadd.s32 v3, v21  }
0x3fa: {  	v26 =	vadd.s32 v3, v19;
	v12 =	vmov s31;
	v14 =	vld.idx.msk [tilespmem:v14+s3+$0x0], $0xffff  }
0x3fb: {  	v12 =	vand.u32 $0x3F, v12;
	[tilespmem:s28+$0xE0] =	vst v17;
	v17 =	vadd.s32 v3, v18  }
0x3fc: {  	v27 =	vadd.s32 v0, v12;
	[tilespmem:s28+$0xFFFFFF60] =	vst v22;
	v22 =	vld.idx.msk [tilespmem:v23+s3+$0x0], $0xffff  }
0x3fd: {  	v23 =	vld.idx.msk [tilespmem:v24+s3+$0x0], $0xffff;
	[tilespmem:s28+$0xFFFFFFE0] =	vst v15;
	v24 =	vadd.s32 v4, v16  }
0x3fe: {  	v28 =	vadd.s32 v4, v20;
	v25 =	vld.idx.msk [tilespmem:v25+s3+$0x0], $0xffff;
	[tilespmem:s28+$0x60] =	vst v13  }
0x3ff: {  	s1 =	simm.s32 $0x6;
	[tilespmem:s28+$0xFFFFFEE0] =	vst v14;
	v14 =	vld.idx.msk [tilespmem:v26+s3+$0x0], $0xffff;
	v26 =	vadd.s32 v4, v21  }
0x400: {  	v29 =	vadd.s32 v4, v19;
	v13 =	vmov s1;
	v17 =	vld.idx.msk [tilespmem:v17+s3+$0x0], $0xffff  }
0x401: {  	v27 =	vld.idx.msk [tilespmem:v27+s3+$0x0], $0xffff;
	v15 =	vand.u32 $0x7F, v13;
	[tilespmem:s28+$0xF0] =	vst v22;
	v22 =	vadd.s32 v4, v18  }
0x402: {  	s5 =	simm.s32 $0x7;
	[tilespmem:s28+$0xFFFFFF70] =	vst v23;
	v23 =	vld.idx.msk [tilespmem:v24+s3+$0x0], $0xffff;
	v24 =	vadd.s32 v0, v15  }
0x403: {  	v13 =	vmov s5;
	v28 =	vld.idx.msk [tilespmem:v28+s3+$0x0], $0xffff;
	[tilespmem:s28+$0xFFFFFFF0] =	vst v25;
	v25 =	vadd.s32 v6, v16  }
0x404: {  	v30 =	vadd.s32 v6, v20;
	v13 =	vand.u32 $0x7F, v13;
	v26 =	vld.idx.msk [tilespmem:v26+s3+$0x0], $0xffff;
	[tilespmem:s28+$0x70] =	vst v14  }
0x405: {  	s7 =	simm.s32 $0x9;
	v14 =	vadd.s32 v0, v13;
	[tilespmem:s28+$0xFFFFFEF0] =	vst v17;
	v29 =	vld.idx.msk [tilespmem:v29+s3+$0x0], $0xffff  }
0x406: {  	v31 =	vadd.s32 v6, v21;
	v17 =	vmov s7;
	v22 =	vld.idx.msk [tilespmem:v22+s3+$0x0], $0xffff  }
0x407: {  	v32 =	vadd.s32 v6, v19;
	v17 =	vand.u32 $0x7F, v17;
	v24 =	vld.idx.msk [tilespmem:v24+s3+$0x0], $0xffff;
	[tilespmem:s28+$0x100] =	vst v23  }
0x408: {  	v23 =	vadd.s32 v0, v17;
	[tilespmem:s28+$0xFFFFFF80] =	vst v28;
	v25 =	vld.idx.msk [tilespmem:v25+s3+$0x0], $0xffff  }
0x409: {  	s26 =	simm.s32 $0x8;
	v28 =	vadd.s32 v6, v18;
	v30 =	vld.idx.msk [tilespmem:v30+s3+$0x0], $0xffff  }
0x40a: {  	v33 =	vld.idx.msk [tilespmem:v14+s3+$0x0], $0xffff;
	v14 =	vmov s26;
	[tilespmem:s28+$0x0] =	vst v26;
	v26 =	vadd.s32 v7, v16  }
0x40b: {  	v34 =	vadd.s32 v7, v20;
	v14 =	vand.u32 $0x7F, v14;
	v31 =	vld.idx.msk [tilespmem:v31+s3+$0x0], $0xffff;
	[tilespmem:s28+$0x80] =	vst v29  }
0x40c: {  	v29 =	vadd.s32 v0, v14;
	v32 =	vld.idx.msk [tilespmem:v32+s3+$0x0], $0xffff  }
0x40d: {  	[tilespmem:s28+$0xFFFFFF00] =	vst v22;
	v22 =	vld.idx.msk [tilespmem:v23+s3+$0x0], $0xffff;
	v23 =	vadd.s32 v7, v21  }
0x40e: {  	v35 =	vadd.s32 v7, v19;
	v28 =	vld.idx.msk [tilespmem:v28+s3+$0x0], $0xffff;
	[tilespmem:s28+$0x110] =	vst v25  }
0x40f: {  	s26 =	simm.s32 $0x1FC0;
	v25 =	vadd.s32 v1, v17;
	[tilespmem:s28+$0xFFFFFF90] =	vst v30;
	v26 =	vld.idx.msk [tilespmem:v26+s3+$0x0], $0xffff  }
0x410: {  	[tilespmem:s26+$0xFFFFFEC0] =	vst v27;
	v30 =	vadd.s32 v1, v15;
	v34 =	vld.idx.msk [tilespmem:v34+s3+$0x0], $0xffff  }
0x411: {  	v16 =	vadd.s32 v8, v16;
	[tilespmem:s28+$0x10] =	vst v31;
	v29 =	vld.idx.msk [tilespmem:v29+s3+$0x0], $0xffff  }
0x412: {  	v31 =	vadd.s32 v1, v13;
	[tilespmem:s28+$0x90] =	vst v32;
	v23 =	vld.idx.msk [tilespmem:v23+s3+$0x0], $0xffff  }
0x413: {  	v56 =	vadd.s32 v1, v14;
	[tilespmem:s26+$0xC0] =	vst v22;
	v35 =	vld.idx.msk [tilespmem:v35+s3+$0x0], $0xffff  }
0x414: {  	[tilespmem:s26+$0xFFFFFF40] =	vst v24;
	v22 =	vadd.s32 v1, v12;
	v24 =	vld.idx.msk [tilespmem:v25+s3+$0x0], $0xffff  }
0x415: {  	v25 =	vld.idx.msk [tilespmem:v30+s3+$0x0], $0xffff;
	v30 =	vadd.s32 v7, v18;
	[tilespmem:s28+$0x120] =	vst v26  }
0x416: {  	s29 =	simm.s32 $0xA;
	v19 =	vadd.s32 v8, v19;
	[tilespmem:s26+$0xFFFFFFC0] =	vst v33;
	v36 =	vld.idx.msk [tilespmem:v16+s3+$0x0], $0xffff  }
0x417: {  	v57 =	vadd.s32 v2, v17;
	v26 =	vmov s29;
	v31 =	vld.idx.msk [tilespmem:v31+s3+$0x0], $0xffff;
	[tilespmem:s26+$0x40] =	vst v29  }
0x418: {  	[tilespmem:s28+$0xFFFFFF10] =	vst v28;
	v16 =	vand.u32 $0x3F, v26;
	v26 =	vadd.s32 v2, v15;
	v27 =	vld.idx.msk [tilespmem:v56+s3+$0x0], $0xffff  }
0x419: {  	v29 =	vadd.s32 v0, v16;
	v22 =	vld.idx.msk [tilespmem:v22+s3+$0x0], $0xffff;
	[tilespmem:s28+$0xA0] =	vst v35  }
0x41a: {  	v58 =	vadd.s32 v2, v13;
	[tilespmem:s26+$0xD0] =	vst v24;
	v24 =	vld.idx.msk [tilespmem:v30+s3+$0x0], $0xffff  }
0x41b: {  	v28 =	vadd.s32 v2, v14;
	[tilespmem:s28+$0x20] =	vst v23;
	v23 =	vld.idx.msk [tilespmem:v19+s3+$0x0], $0xffff  }
0x41c: {  	v30 =	vadd.s32 v2, v12;
	[tilespmem:s26+$0xFFFFFF50] =	vst v25;
	v25 =	vld.idx.msk [tilespmem:v57+s3+$0x0], $0xffff  }
0x41d: {  	v59 =	vadd.s32 v8, v20;
	v26 =	vld.idx.msk [tilespmem:v26+s3+$0x0], $0xffff  }
0x41e: {  	v62 =	vadd.s32 v8, v18;
	[tilespmem:s26+$0xFFFFFFD0] =	vst v31;
	v20 =	vld.idx.msk [tilespmem:v29+s3+$0x0], $0xffff  }
0x41f: {  	v29 =	vadd.s32 v3, v17;
	v32 =	vld.idx.msk [tilespmem:v58+s3+$0x0], $0xffff;
	[tilespmem:s26+$0x50] =	vst v27  }
0x420: {  	v31 =	vadd.s32 v3, v15;
	[tilespmem:s26+$0xFFFFFED0] =	vst v22;
	v27 =	vld.idx.msk [tilespmem:v28+s3+$0x0], $0xffff  }
0x421: {  	[tilespmem:s28+$0xFFFFFFA0] =	vst v34;
	v28 =	vld.idx.msk [tilespmem:v30+s3+$0x0], $0xffff;
	v30 =	vadd.s32 v3, v13  }
0x422: {  	v60 =	vadd.s32 v3, v14;
	v22 =	vadd.s32 v8, v21;
	v21 =	vld.idx.msk [tilespmem:v59+s3+$0x0], $0xffff;
	[tilespmem:s28+$0xFFFFFF20] =	vst v24  }
0x423: {  	[tilespmem:s26+$0xE0] =	vst v25;
	v25 =	vadd.s32 v3, v12;
	v24 =	vld.idx.msk [tilespmem:v62+s3+$0x0], $0xffff  }
0x424: {  	[tilespmem:s26+$0xFFFFFF60] =	vst v26;
	v26 =	vld.idx.msk [tilespmem:v29+s3+$0x0], $0xffff  }
0x425: {  	v29 =	vld.idx.msk [tilespmem:v31+s3+$0x0], $0xffff;
	[tilespmem:s26+$0xFFFFFFE0] =	vst v32;
	v31 =	vadd.s32 v4, v17  }
0x426: {  	v61 =	vadd.s32 v4, v15;
	v30 =	vld.idx.msk [tilespmem:v30+s3+$0x0], $0xffff;
	[tilespmem:s26+$0x60] =	vst v27  }
0x427: {  	s30 =	simm.s32 $0xB;
	v38 =	vadd.s32 v4, v13;
	[tilespmem:s26+$0xFFFFFEE0] =	vst v28;
	v34 =	vld.idx.msk [tilespmem:v60+s3+$0x0], $0xffff  }
0x428: {  	v63 =	vadd.s32 v4, v14;
	v18 =	vmov s30;
	[tilespmem:s28+$0x130] =	vst v36;
	v37 =	vld.idx.msk [tilespmem:v25+s3+$0x0], $0xffff  }
0x429: {  	v33 =	vadd.s32 v4, v12;
	v18 =	vand.u32 $0x7F, v18;
	v22 =	vld.idx.msk [tilespmem:v22+s3+$0x0], $0xffff;
	[tilespmem:s26+$0xF0] =	vst v26  }
0x42a: {  	s31 =	simm.s32 $0xC;
	v25 =	vadd.s32 v0, v18;
	[tilespmem:s26+$0xFFFFFF70] =	vst v29;
	v27 =	vld.idx.msk [tilespmem:v31+s3+$0x0], $0xffff  }
0x42b: {  	v19 =	vmov s31;
	v28 =	vld.idx.msk [tilespmem:v61+s3+$0x0], $0xffff;
	v31 =	vadd.s32 v6, v17;
	[tilespmem:s26+$0xFFFFFFF0] =	vst v30  }
0x42c: {  	v19 =	vand.u32 $0x7F, v19;
	v32 =	vadd.s32 v6, v15;
	v29 =	vld.idx.msk [tilespmem:v38+s3+$0x0], $0xffff;
	[tilespmem:s26+$0x70] =	vst v34  }
0x42d: {  	s0 =	simm.s32 $0xF;
	s1 =	simm.s32 $0xE;
	v26 =	vadd.s32 v0, v19;
	[tilespmem:s26+$0xFFFFFEF0] =	vst v37;
	v30 =	vld.idx.msk [tilespmem:v63+s3+$0x0], $0xffff  }
.LBB2_38:
0x42e: {  	p0 =	slt.u32 s0, $0x2D;
	v34 =	vmov s1;
	v33 =	vld.idx.msk [tilespmem:v33+s3+$0x0], $0xffff;
	v35 =	vadd.s32 v6, v13;
	[tilespmem:s28+$0xFFFFFFB0] =	vst v21  }
0x42f: {  	v21 =	vld.idx.msk [tilespmem:v25+s3+$0x0], $0xffff;
	v25 =	vand.u32 $0x7F, v34;
	v34 =	vadd.s32 v6, v14;
	[tilespmem:s26+$0x100] =	vst v27  }
0x430: {  	v27 =	vadd.s32 v0, v25;
	[tilespmem:s26+$0xFFFFFF80] =	vst v28;
	v28 =	vld.idx.msk [tilespmem:v31+s3+$0x0], $0xffff  }
0x431: {  	s1 =	sadd.s32 $0x3, s29;
	s29 =	smov.u32 s0;
	v31 =	vadd.s32 v6, v12;
	v32 =	vld.idx.msk [tilespmem:v32+s3+$0x0], $0xffff;
	[tilespmem:s28+$0x30] =	vst v22  }
0x432: {  	v22 =	vld.idx.msk [tilespmem:v26+s3+$0x0], $0xffff;
	v26 =	vmov s1;
	[tilespmem:s26+$0x0] =	vst v29;
	v29 =	vadd.s32 v7, v17  }
0x433: {  	v36 =	vadd.s32 v7, v15;
	v26 =	vand.u32 $0x7F, v26;
	v35 =	vld.idx.msk [tilespmem:v35+s3+$0x0], $0xffff;
	[tilespmem:s26+$0x80] =	vst v30  }
0x434: {  	v30 =	vadd.s32 v0, v26;
	[tilespmem:s26+$0xFFFFFF00] =	vst v33;
	v33 =	vld.idx.msk [tilespmem:v34+s3+$0x0], $0xffff  }
0x435: {  	v34 =	vadd.s32 v7, v13;
	v27 =	vld.idx.msk [tilespmem:v27+s3+$0x0], $0xffff;
	[tilespmem:s28+$0xB0] =	vst v23  }
0x436: {  	v23 =	vld.idx.msk [tilespmem:v31+s3+$0x0], $0xffff;
	v31 =	vadd.s32 v7, v14;
	[tilespmem:s26+$0x110] =	vst v28  }
0x437: {  	v28 =	vadd.s32 v1, v25;
	[tilespmem:s26+$0xFFFFFF90] =	vst v32;
	v29 =	vld.idx.msk [tilespmem:v29+s3+$0x0], $0xffff  }
0x438: {  	v32 =	vadd.s32 v1, v18;
	v36 =	vld.idx.msk [tilespmem:v36+s3+$0x0], $0xffff;
	[tilespmem:s28+$0xFFFFFF30] =	vst v24;
	s28 =	smov.u32 s26  }
0x439: {  	v24 =	vld.idx.msk [tilespmem:v30+s3+$0x0], $0xffff;
	[tilespmem:s26+$0x10] =	vst v35;
	v30 =	vadd.s32 v8, v17;
	v17 =	vmov v25  }
0x43a: {  	v25 =	vadd.s32 v1, v19;
	s26 =	sadd.s32 $0x280, s26;
	v34 =	vld.idx.msk [tilespmem:v34+s3+$0x0], $0xffff;
	[tilespmem:s28+$0x90] =	vst v33  }
0x43b: {  	v33 =	vadd.s32 v1, v26;
	[tilespmem:s26+$0xC0] =	vst v27;
	v27 =	vld.idx.msk [tilespmem:v31+s3+$0x0], $0xffff  }
0x43c: {  	v31 =	vadd.s32 v1, v16;
	[tilespmem:s26+$0xFFFFFF40] =	vst v21;
	v21 =	vld.idx.msk [tilespmem:v28+s3+$0x0], $0xffff  }
0x43d: {  	v28 =	vld.idx.msk [tilespmem:v32+s3+$0x0], $0xffff;
	v32 =	vadd.s32 v7, v12;
	[tilespmem:s28+$0x120] =	vst v29  }
0x43e: {  	v29 =	vmov s0;
	[tilespmem:s26+$0xFFFFFFC0] =	vst v22;
	v22 =	vadd.s32 v2, v17;
	v30 =	vld.idx.msk [tilespmem:v30+s3+$0x0], $0xffff  }
0x43f: {  	v35 =	vadd.s32 v2, v18;
	v29 =	vand.u32 $0x3F, v29;
	v25 =	vld.idx.msk [tilespmem:v25+s3+$0x0], $0xffff;
	[tilespmem:s26+$0x40] =	vst v24  }
0x440: {  	v24 =	vadd.s32 v0, v29;
	[tilespmem:s26+$0xFFFFFEC0] =	vst v20;
	v33 =	vld.idx.msk [tilespmem:v33+s3+$0x0], $0xffff  }
0x441: {  	v37 =	vadd.s32 v2, v19;
	v31 =	vld.idx.msk [tilespmem:v31+s3+$0x0], $0xffff;
	[tilespmem:s28+$0xFFFFFF10] =	vst v23  }
0x442: {  	v23 =	vadd.s32 v2, v26;
	[tilespmem:s26+$0xD0] =	vst v21;
	v32 =	vld.idx.msk [tilespmem:v32+s3+$0x0], $0xffff  }
0x443: {  	v21 =	vadd.s32 v2, v16;
	[tilespmem:s26+$0xFFFFFF50] =	vst v28;
	v22 =	vld.idx.msk [tilespmem:v22+s3+$0x0], $0xffff  }
0x444: {  	v28 =	vld.idx.msk [tilespmem:v35+s3+$0x0], $0xffff;
	v35 =	vadd.s32 v8, v15;
	[tilespmem:s28+$0x130] =	vst v30;
	v15 =	vmov v18  }
0x445: {  	v18 =	vadd.s32 v3, v17;
	v20 =	vld.idx.msk [tilespmem:v24+s3+$0x0], $0xffff;
	[tilespmem:s26+$0xFFFFFFD0] =	vst v25  }
0x446: {  	v24 =	vadd.s32 v3, v15;
	v25 =	vld.idx.msk [tilespmem:v37+s3+$0x0], $0xffff;
	[tilespmem:s26+$0x50] =	vst v33  }
0x447: {  	v30 =	vadd.s32 v8, v13;
	v13 =	vmov v19;
	[tilespmem:s26+$0xFFFFFED0] =	vst v31;
	v23 =	vld.idx.msk [tilespmem:v23+s3+$0x0], $0xffff  }
0x448: {  	v31 =	vadd.s32 v3, v13;
	v19 =	vld.idx.msk [tilespmem:v21+s3+$0x0], $0xffff;
	[tilespmem:s28+$0xFFFFFFA0] =	vst v36  }
0x449: {  	v33 =	vadd.s32 v3, v26;
	[tilespmem:s26+$0xE0] =	vst v22;
	v21 =	vld.idx.msk [tilespmem:v35+s3+$0x0], $0xffff  }
0x44a: {  	v35 =	vadd.s32 v3, v16;
	[tilespmem:s26+$0xFFFFFF60] =	vst v28;
	v18 =	vld.idx.msk [tilespmem:v18+s3+$0x0], $0xffff  }
0x44b: {  	v28 =	vadd.s32 v8, v14;
	v14 =	vmov v26;
	v24 =	vld.idx.msk [tilespmem:v24+s3+$0x0], $0xffff;
	[tilespmem:s28+$0x20] =	vst v34  }
0x44c: {  	[tilespmem:s26+$0xFFFFFFE0] =	vst v25;
	v25 =	vadd.s32 v4, v17;
	v22 =	vld.idx.msk [tilespmem:v30+s3+$0x0], $0xffff  }
0x44d: {  	v26 =	vadd.s32 v4, v15;
	v30 =	vld.idx.msk [tilespmem:v31+s3+$0x0], $0xffff;
	[tilespmem:s26+$0x60] =	vst v23  }
0x44e: {  	[tilespmem:s26+$0xFFFFFEE0] =	vst v19;
	v34 =	vld.idx.msk [tilespmem:v33+s3+$0x0], $0xffff;
	v19 =	vadd.s32 v8, v12;
	v12 =	vmov v16;
	v16 =	vmov v29  }
0x44f: {  	s1 =	sadd.s32 $0x1, s0;
	v29 =	vadd.s32 v4, v13;
	v35 =	vld.idx.msk [tilespmem:v35+s3+$0x0], $0xffff;
	[tilespmem:s28+$0xA0] =	vst v27  }
0x450: {  	v36 =	vadd.s32 v4, v14;
	v27 =	vmov s1;
	[tilespmem:s26+$0xF0] =	vst v18;
	v23 =	vld.idx.msk [tilespmem:v28+s3+$0x0], $0xffff  }
.Ltmp19:
0x451: {  	v33 =	vadd.s32 v4, v12;
	v18 =	vand.u32 $0x7F, v27;
	[tilespmem:s26+$0xFFFFFF70] =	vst v24;
	v27 =	vld.idx.msk [tilespmem:v25+s3+$0x0], $0xffff;
	(pc) =	sbr.rel @p0 .LBB2_38-.Ltmp19, $4  }
0x452: {  	s1 =	sadd.s32 $0x2, s0;
	v25 =	vadd.s32 v0, v18;
	v28 =	vld.idx.msk [tilespmem:v26+s3+$0x0], $0xffff;
	[tilespmem:s28+$0xFFFFFF20] =	vst v32  }
0x453: {  	v31 =	vadd.s32 v6, v17;
	v26 =	vmov s1;
	[tilespmem:s26+$0xFFFFFFF0] =	vst v30;
	v24 =	vld.idx.msk [tilespmem:v19+s3+$0x0], $0xffff  }
0x454: {  	v32 =	vadd.s32 v6, v15;
	v19 =	vand.u32 $0x7F, v26;
	v29 =	vld.idx.msk [tilespmem:v29+s3+$0x0], $0xffff;
	[tilespmem:s26+$0x70] =	vst v34  }
0x455: {  	s0 =	sadd.s32 $0x5, s0;
	s1 =	sadd.s32 $0x4, s29;
	v26 =	vadd.s32 v0, v19;
	[tilespmem:s26+$0xFFFFFEF0] =	vst v35;
	v30 =	vld.idx.msk [tilespmem:v36+s3+$0x0], $0xffff  }
0x456: {  	[tilespmem:s28+$0xFFFFFFB0] =	vst v21  }
0x457: {  	[tilespmem:s26+$0x100] =	vst v27  }
0x458: {  	[tilespmem:s28+$0x30] =	vst v22  }
0x459: {  	v34 =	vadd.s32 v6, v13;
	[tilespmem:s28+$0xB0] =	vst v23  }
0x45a: {  	v33 =	vld.idx.msk [tilespmem:v33+s3+$0x0], $0xffff;
	v55 =	vadd.s32 v6, v14;
	s31 =	sadd.s32 $0x280, s26;
	[tilespmem:s26+$0xFFFFFF80] =	vst v28  }
0x45b: {  	v25 =	vld.idx.msk [tilespmem:v25+s3+$0x0], $0xffff;
	[tilespmem:s31+$0xFFFFFEC0] =	vst v20  }
0x45c: {  	v41 =	vadd.s32 v1, v16;
	v31 =	vld.idx.msk [tilespmem:v31+s3+$0x0], $0xffff;
	[tilespmem:s28+$0xFFFFFF30] =	vst v24  }
0x45d: {  	v54 =	vmov s1;
	v62 =	vadd.s32 v6, v12;
	v32 =	vld.idx.msk [tilespmem:v32+s3+$0x0], $0xffff;
	[tilespmem:s26+$0x0] =	vst v29  }
0x45e: {  	s0 =	sadd.s32 $0x3, s29;
	v35 =	vadd.s32 v1, v18;
	v21 =	vand.u32 $0x7F, v54;
	[tilespmem:s26+$0x80] =	vst v30;
	v59 =	vld.idx.msk [tilespmem:v34+s3+$0x0], $0xffff  }
0x45f: {  	v57 =	vmov s0;
	v56 =	vadd.s32 v0, v21;
	[tilespmem:s26+$0xFFFFFF00] =	vst v33;
	v27 =	vld.idx.msk [tilespmem:v55+s3+$0x0], $0xffff  }
0x460: {  	v58 =	vadd.s32 v7, v17;
	v22 =	vand.u32 $0x7F, v57;
	v34 =	vld.idx.msk [tilespmem:v26+s3+$0x0], $0xffff;
	[tilespmem:s31+$0xFFFFFF40] =	vst v25  }
0x461: {  	v60 =	vadd.s32 v0, v22;
	v46 =	vld.idx.msk [tilespmem:v41+s3+$0x0], $0xffff;
	[tilespmem:s26+$0x110] =	vst v31  }
0x462: {  	v38 =	vadd.s32 v1, v19;
	v39 =	vld.idx.msk [tilespmem:v62+s3+$0x0], $0xffff;
	[tilespmem:s26+$0xFFFFFF90] =	vst v32  }
0x463: {  	v45 =	vadd.s32 v7, v13;
	v26 =	vld.idx.msk [tilespmem:v35+s3+$0x0], $0xffff;
	[tilespmem:s26+$0x10] =	vst v59  }
0x464: {  	v49 =	vadd.s32 v2, v16;
	v61 =	vld.idx.msk [tilespmem:v56+s3+$0x0], $0xffff;
	[tilespmem:s26+$0x90] =	vst v27  }
0x465: {  	v42 =	vadd.s32 v7, v15;
	v29 =	vld.idx.msk [tilespmem:v58+s3+$0x0], $0xffff;
	[tilespmem:s31+$0xFFFFFFC0] =	vst v34  }
0x466: {  	v63 =	vadd.s32 v1, v21;
	v36 =	vld.idx.msk [tilespmem:v60+s3+$0x0], $0xffff;
	[tilespmem:s31+$0xFFFFFED0] =	vst v46  }
0x467: {  	v40 =	vadd.s32 v1, v22;
	v27 =	vld.idx.msk [tilespmem:v38+s3+$0x0], $0xffff;
	[tilespmem:s26+$0xFFFFFF10] =	vst v39  }
0x468: {  	v44 =	vadd.s32 v2, v18;
	[tilespmem:s31+$0xFFFFFF50] =	vst v26;
	v20 =	vld.idx.msk [tilespmem:v45+s3+$0x0], $0xffff  }
0x469: {  	v53 =	vadd.s32 v7, v12;
	v26 =	vld.idx.msk [tilespmem:v49+s3+$0x0], $0xffff;
	[tilespmem:s31+$0xC0] =	vst v61  }
0x46a: {  	v47 =	vadd.s32 v2, v19;
	[tilespmem:s26+$0x120] =	vst v29;
	v29 =	vld.idx.msk [tilespmem:v42+s3+$0x0], $0xffff  }
0x46b: {  	v37 =	vadd.s32 v8, v17;
	v31 =	vld.idx.msk [tilespmem:v63+s3+$0x0], $0xffff;
	[tilespmem:s31+$0x40] =	vst v36  }
0x46c: {  	v43 =	vadd.s32 v2, v21;
	v28 =	vld.idx.msk [tilespmem:v40+s3+$0x0], $0xffff;
	[tilespmem:s31+$0xFFFFFFD0] =	vst v27  }
0x46d: {  	v48 =	vadd.s32 v2, v22;
	v30 =	vld.idx.msk [tilespmem:v44+s3+$0x0], $0xffff;
	[tilespmem:s26+$0x20] =	vst v20  }
0x46e: {  	v56 =	vadd.s32 v3, v16;
	v23 =	vld.idx.msk [tilespmem:v53+s3+$0x0], $0xffff;
	[tilespmem:s31+$0xFFFFFEE0] =	vst v26  }
0x46f: {  	v52 =	vadd.s32 v3, v18;
	v25 =	vld.idx.msk [tilespmem:v47+s3+$0x0], $0xffff;
	[tilespmem:s26+$0xFFFFFFA0] =	vst v29  }
0x470: {  	v54 =	vadd.s32 v3, v19;
	v17 =	vld.idx.msk [tilespmem:v37+s3+$0x0], $0xffff;
	[tilespmem:s31+$0xD0] =	vst v31  }
0x471: {  	v34 =	vadd.s32 v8, v13;
	v24 =	vld.idx.msk [tilespmem:v43+s3+$0x0], $0xffff;
	[tilespmem:s31+$0x50] =	vst v28  }
0x472: {  	v51 =	vadd.s32 v3, v21;
	[tilespmem:s31+$0xFFFFFF60] =	vst v30;
	v31 =	vld.idx.msk [tilespmem:v48+s3+$0x0], $0xffff  }
0x473: {  	v55 =	vadd.s32 v3, v22;
	v62 =	vld.idx.msk [tilespmem:v56+s3+$0x0], $0xffff;
	[tilespmem:s26+$0xFFFFFF20] =	vst v23  }
0x474: {  	v50 =	vadd.s32 v7, v14;
	v58 =	vld.idx.msk [tilespmem:v52+s3+$0x0], $0xffff;
	[tilespmem:s31+$0xFFFFFFE0] =	vst v25  }
0x475: {  	v60 =	vadd.s32 v4, v18;
	[tilespmem:s26+$0x130] =	vst v17;
	v29 =	vld.idx.msk [tilespmem:v54+s3+$0x0], $0xffff  }
0x476: {  	v61 =	vadd.s32 v4, v19;
	v13 =	vld.idx.msk [tilespmem:v34+s3+$0x0], $0xffff;
	[tilespmem:s31+$0xE0] =	vst v24  }
0x477: {  	v33 =	vadd.s32 v4, v16;
	v27 =	vld.idx.msk [tilespmem:v51+s3+$0x0], $0xffff;
	[tilespmem:s31+$0x60] =	vst v31  }
0x478: {  	v59 =	vadd.s32 v4, v21;
	[tilespmem:s31+$0xFFFFFEF0] =	vst v62;
	v24 =	vld.idx.msk [tilespmem:v55+s3+$0x0], $0xffff  }
0x479: {  	v63 =	vadd.s32 v4, v22;
	v17 =	vld.idx.msk [tilespmem:v50+s3+$0x0], $0xffff;
	[tilespmem:s31+$0xFFFFFF70] =	vst v58  }
0x47a: {  	v57 =	vadd.s32 v8, v15;
	v36 =	vld.idx.msk [tilespmem:v60+s3+$0x0], $0xffff;
	[tilespmem:s31+$0xFFFFFFF0] =	vst v29  }
0x47b: {  	v38 =	vadd.s32 v6, v18;
	[tilespmem:s26+$0x30] =	vst v13;
	v26 =	vld.idx.msk [tilespmem:v61+s3+$0x0], $0xffff  }
0x47c: {  	v40 =	vadd.s32 v6, v19;
	[tilespmem:s31+$0xF0] =	vst v27;
	v27 =	vld.idx.msk [tilespmem:v33+s3+$0x0], $0xffff  }
0x47d: {  	v42 =	vadd.s32 v6, v16;
	v35 =	vld.idx.msk [tilespmem:v59+s3+$0x0], $0xffff;
	[tilespmem:s31+$0x70] =	vst v24  }
0x47e: {  	v37 =	vadd.s32 v6, v21;
	[tilespmem:s26+$0xA0] =	vst v17;
	v39 =	vld.idx.msk [tilespmem:v63+s3+$0x0], $0xffff  }
0x47f: {  	v41 =	vadd.s32 v6, v22;
	v15 =	vld.idx.msk [tilespmem:v57+s3+$0x0], $0xffff;
	[tilespmem:s31+$0xFFFFFF80] =	vst v36  }
0x480: {  	v52 =	vadd.s32 v8, v12;
	v45 =	vld.idx.msk [tilespmem:v38+s3+$0x0], $0xffff;
	[tilespmem:s31+$0x0] =	vst v26  }
0x481: {  	v47 =	vadd.s32 v7, v18;
	v24 =	vld.idx.msk [tilespmem:v40+s3+$0x0], $0xffff;
	[tilespmem:s31+$0xFFFFFF00] =	vst v27  }
0x482: {  	v48 =	vadd.s32 v7, v19;
	[tilespmem:s31+$0x100] =	vst v35;
	v49 =	vld.idx.msk [tilespmem:v42+s3+$0x0], $0xffff  }
0x483: {  	v51 =	vadd.s32 v7, v16;
	v44 =	vld.idx.msk [tilespmem:v37+s3+$0x0], $0xffff;
	[tilespmem:s31+$0x80] =	vst v39  }
0x484: {  	v46 =	vadd.s32 v7, v21;
	[tilespmem:s26+$0xFFFFFFB0] =	vst v15;
	v15 =	vld.idx.msk [tilespmem:v41+s3+$0x0], $0xffff  }
0x485: {  	v50 =	vadd.s32 v7, v22;
	v12 =	vld.idx.msk [tilespmem:v52+s3+$0x0], $0xffff;
	[tilespmem:s31+$0xFFFFFF90] =	vst v45  }
0x486: {  	v43 =	vadd.s32 v8, v14;
	v54 =	vld.idx.msk [tilespmem:v47+s3+$0x0], $0xffff;
	[tilespmem:s31+$0x10] =	vst v24  }
0x487: {  	v55 =	vadd.s32 v8, v18;
	v17 =	vld.idx.msk [tilespmem:v48+s3+$0x0], $0xffff;
	[tilespmem:s31+$0xFFFFFF10] =	vst v49  }
0x488: {  	v57 =	vadd.s32 v8, v19;
	[tilespmem:s31+$0x110] =	vst v44;
	v58 =	vld.idx.msk [tilespmem:v51+s3+$0x0], $0xffff  }
0x489: {  	v60 =	vadd.s32 v8, v16;
	v53 =	vld.idx.msk [tilespmem:v46+s3+$0x0], $0xffff;
	[tilespmem:s31+$0x90] =	vst v15  }
0x48a: {  	v21 =	vadd.s32 v8, v21;
	[tilespmem:s26+$0xFFFFFF30] =	vst v12;
	v56 =	vld.idx.msk [tilespmem:v50+s3+$0x0], $0xffff  }
0x48b: {  	v14 =	vld.idx.msk [tilespmem:v43+s3+$0x0], $0xffff;
	v59 =	vadd.s32 v8, v22;
	[tilespmem:s31+$0xFFFFFFA0] =	vst v54  }
0x48c: {  	v15 =	vld.idx.msk [tilespmem:v55+s3+$0x0], $0xffff;
	[tilespmem:s31+$0x20] =	vst v17  }
0x48d: {  	v13 =	vld.idx.msk [tilespmem:v57+s3+$0x0], $0xffff;
	[tilespmem:s31+$0xFFFFFF20] =	vst v58  }
0x48e: {  	[tilespmem:s31+$0x120] =	vst v53;
	v63 =	vld.idx.msk [tilespmem:v60+s3+$0x0], $0xffff  }
0x48f: {  	v61 =	vld.idx.msk [tilespmem:v21+s3+$0x0], $0xffff;
	[tilespmem:s31+$0xA0] =	vst v56  }
0x490: {  	[tilespmem:s26+$0xB0] =	vst v14;
	v62 =	vld.idx.msk [tilespmem:v59+s3+$0x0], $0xffff  }
0x491: {  	[tilespmem:s31+$0xFFFFFFB0] =	vst v15  }
0x492: {  	[tilespmem:s31+$0x30] =	vst v13  }
0x493: {  	[tilespmem:s31+$0xFFFFFF30] =	vst v63  }
0x494: {  	[tilespmem:s31+$0x130] =	vst v61  }
0x495: {  	s28 =	simm.s32 $0x0;
	s26 =	simm.s32 $0x0;
	[tilespmem:s31+$0xB0] =	vst v62  }
0x496: {  	[tilespmem:s17], [sflag:$0x1] =	stream.indirect.gather [hbm4b:s4+s15], $0x40, s16, s15, $0xb8;
	[tilespmem:$0xB900] =	vst v63  }
.LBB2_40:
0x497: {  	s29 =	sshllo.u32 s28, $0x1  }
0x498: {  	s0 =	sshll.u32 s29, $0x7  }
0x499: {  	s0 =	sand.u32 $0x3FFFFF80, s0  }
0x49a: {  	s0 =	sadd.s32 $0x1C00, s0  }
0x49b: {  	[tilespmem:s18], [sflag:$0x2] =	stream.indirect.gather [hbm4b:s4+s15], $0x40, s0, s15, $0xb8;
	[tilespmem:$0xB900] =	vst v63  }
0x49c: {  	_ =	swait.ge [sflag:s19], $0x2000  }
0x49d: {  	[sflag:s19] =	ssyncset.done $0x0  }
0x49e: {  	[sflag:s19] =	ssyncadd.s32 $0xFFFFE000  }
0x49f: {  	s1 =	simm.s32 $0x5;
	_ =	swait.ge [sflag:s24], $0x2000  }
0x4a0: {  	v12 =	vmov s1;
	[sflag:s24] =	ssyncset.done $0x0  }
0x4a1: {  	s31 =	simm.s32 $0x35C0;
	v13 =	vmov s26;
	s5 =	simm.s32 $0x1;
	v14 =	vand.u32 $0xFF, v12;
	[sflag:s24] =	ssyncadd.s32 $0xFFFFE000  }
0x4a2: {  	s7 =	simm.s32 $0x2;
	v15 =	vand.u32 $0x7E, v13;
	v12 =	vmov s5;
	v17 =	vadd.s32 v5, v14;
	v16 =	vld [tilespmem:s31+$0x80]  }
0x4a3: {  	s1 =	simm.s32 $0x3;
	v19 =	vadd.s32 v5, v15;
	v24 =	vand.u32 $0x7F, v12;
	v12 =	vmov s7;
	v18 =	vld [tilespmem:s31+$0xFFFFFF40]  }
0x4a4: {  	s5 =	simm.s32 $0x4;
	v21 =	vadd.s32 v5, v24;
	v25 =	vand.u32 $0xFE, v12;
	v12 =	vmov s1;
	v20 =	vld [tilespmem:s31+$0xFFFFFF80]  }
0x4a5: {  	v23 =	vadd.s32 v5, v25;
	v13 =	vand.u32 $0xFF, v12;
	v12 =	vmov s5;
	v22 =	vld [tilespmem:s31+$0xFFFFFFC0]  }
0x4a6: {  	v27 =	vadd.s32 v5, v13;
	v12 =	vand.u32 $0xFE, v12;
	v26 =	vld [tilespmem:s31+$0x0]  }
0x4a7: {  	v29 =	vadd.s32 v5, v12;
	v28 =	vld [tilespmem:s31+$0x40];
	[tilespmem:v17+s20+$0x0] =	vst.idx.msk $0xffff, v16  }
0x4a8: {  	[tilespmem:v19+s20+$0x0] =	vst.idx.msk $0xffff, v18;
	v17 =	vadd.s32 v9, v14;
	v16 =	vld [tilespmem:s31+$0x90]  }
0x4a9: {  	v19 =	vadd.s32 v9, v15;
	[tilespmem:v21+s20+$0x0] =	vst.idx.msk $0xffff, v20;
	v18 =	vld [tilespmem:s31+$0xFFFFFF50]  }
0x4aa: {  	v21 =	vadd.s32 v9, v24;
	[tilespmem:v23+s20+$0x0] =	vst.idx.msk $0xffff, v22;
	v20 =	vld [tilespmem:s31+$0xFFFFFF90]  }
0x4ab: {  	v23 =	vadd.s32 v9, v25;
	[tilespmem:v27+s20+$0x0] =	vst.idx.msk $0xffff, v26;
	v22 =	vld [tilespmem:s31+$0xFFFFFFD0]  }
0x4ac: {  	v61 =	vadd.s32 v9, v13;
	[tilespmem:v29+s20+$0x0] =	vst.idx.msk $0xffff, v28;
	v26 =	vld [tilespmem:s31+$0x10]  }
0x4ad: {  	v62 =	vadd.s32 v9, v12;
	v28 =	vld [tilespmem:s31+$0x50];
	[tilespmem:v17+s20+$0x0] =	vst.idx.msk $0xffff, v16  }
0x4ae: {  	[tilespmem:v19+s20+$0x0] =	vst.idx.msk $0xffff, v18;
	v17 =	vadd.s32 v10, v14;
	v16 =	vld [tilespmem:s31+$0xA0]  }
0x4af: {  	v19 =	vadd.s32 v10, v15;
	[tilespmem:v21+s20+$0x0] =	vst.idx.msk $0xffff, v20;
	v18 =	vld [tilespmem:s31+$0xFFFFFF60]  }
0x4b0: {  	v31 =	vadd.s32 v10, v24;
	[tilespmem:v23+s20+$0x0] =	vst.idx.msk $0xffff, v22;
	v30 =	vld [tilespmem:s31+$0xFFFFFFA0]  }
0x4b1: {  	v33 =	vadd.s32 v10, v25;
	[tilespmem:v61+s20+$0x0] =	vst.idx.msk $0xffff, v26;
	v32 =	vld [tilespmem:s31+$0xFFFFFFE0]  }
0x4b2: {  	v63 =	vadd.s32 v10, v13;
	[tilespmem:v62+s20+$0x0] =	vst.idx.msk $0xffff, v28;
	v26 =	vld [tilespmem:s31+$0x20]  }
0x4b3: {  	v23 =	vadd.s32 v10, v12;
	v21 =	vld [tilespmem:s31+$0x60];
	[tilespmem:v17+s20+$0x0] =	vst.idx.msk $0xffff, v16  }
0x4b4: {  	s7 =	sshll.u32 s28, $0x15;
	v22 =	vadd.s32 v11, v14;
	[tilespmem:v19+s20+$0x0] =	vst.idx.msk $0xffff, v18;
	v20 =	vld [tilespmem:s31+$0xB0]  }
0x4b5: {  	s0 =	sor.u32 s10, s7;
	[tilespmem:v31+s20+$0x0] =	vst.idx.msk $0xffff, v30;
	v19 =	vadd.s32 v11, v15;
	v17 =	vld [tilespmem:s31+$0xFFFFFF70]  }
0x4b6: {  	s1 =	simm.s32 $0xC;
	s0 =	sshrl.u32 s0, $0x3;
	[tilespmem:v33+s20+$0x0] =	vst.idx.msk $0xffff, v32;
	v18 =	vadd.s32 v11, v24;
	v15 =	vld [tilespmem:s31+$0xFFFFFFB0]  }
0x4b7: {  	s5 =	simm.s32 $0xB;
	s30 =	sadd.s32 s2, s0;
	s0 =	simm.s32 $0x6;
	v16 =	vadd.s32 v11, v25;
	[tilespmem:v63+s20+$0x0] =	vst.idx.msk $0xffff, v26;
	v14 =	vld [tilespmem:s31+$0xFFFFFFF0]  }
.LBB2_41:
0x4b8: {  	p0 =	slt.u32 s1, $0x78;
	v24 =	vmov s5;
	v25 =	vld [tilespmem:s31+$0x30];
	v26 =	vadd.s32 v11, v13;
	[tilespmem:v23+s20+$0x0] =	vst.idx.msk $0xffff, v21  }
0x4b9: {  	v13 =	vmov s0;
	s5 =	sadd.s32 $0x1, s0;
	v23 =	vadd.s32 v11, v12;
	v24 =	vand.u32 $0xFF, v24;
	v21 =	vld [tilespmem:s31+$0x70];
	[tilespmem:v22+s20+$0x0] =	vst.idx.msk $0xffff, v20;
	s31 =	sadd.s32 $0x180, s31  }
0x4ba: {  	v27 =	vand.u32 $0x7E, v13;
	v12 =	vmov s5;
	s5 =	sadd.s32 $0x2, s0;
	v20 =	vld [tilespmem:s31+$0x80];
	v22 =	vadd.s32 v5, v24;
	[tilespmem:v19+s20+$0x0] =	vst.idx.msk $0xffff, v17  }
0x4bb: {  	v19 =	vadd.s32 v5, v27;
	v28 =	vand.u32 $0x7F, v12;
	v12 =	vmov s5;
	s5 =	sadd.s32 $0x3, s0;
	v17 =	vld [tilespmem:s31+$0xFFFFFF40];
	[tilespmem:v18+s20+$0x0] =	vst.idx.msk $0xffff, v15  }
0x4bc: {  	v18 =	vadd.s32 v5, v28;
	v29 =	vand.u32 $0xFE, v12;
	v12 =	vmov s5;
	s5 =	sadd.s32 $0x4, s0;
	s0 =	smov.u32 s1;
	v15 =	vld [tilespmem:s31+$0xFFFFFF80];
	[tilespmem:v16+s20+$0x0] =	vst.idx.msk $0xffff, v14  }
0x4bd: {  	v16 =	vadd.s32 v5, v29;
	v13 =	vand.u32 $0xFF, v12;
	v12 =	vmov s5;
	v14 =	vld [tilespmem:s31+$0xFFFFFFC0];
	[tilespmem:v26+s20+$0x0] =	vst.idx.msk $0xffff, v25  }
0x4be: {  	v26 =	vadd.s32 v5, v13;
	v12 =	vand.u32 $0xFE, v12;
	v25 =	vld [tilespmem:s31+$0x0];
	[tilespmem:v23+s20+$0x0] =	vst.idx.msk $0xffff, v21  }
0x4bf: {  	v23 =	vadd.s32 v5, v12;
	v21 =	vld [tilespmem:s31+$0x40];
	[tilespmem:v22+s20+$0x0] =	vst.idx.msk $0xffff, v20  }
0x4c0: {  	[tilespmem:v19+s20+$0x0] =	vst.idx.msk $0xffff, v17;
	v17 =	vld [tilespmem:s31+$0x90];
	v19 =	vadd.s32 v9, v24  }
0x4c1: {  	v22 =	vadd.s32 v9, v27;
	v20 =	vld [tilespmem:s31+$0xFFFFFF50];
	[tilespmem:v18+s20+$0x0] =	vst.idx.msk $0xffff, v15  }
0x4c2: {  	v18 =	vadd.s32 v9, v28;
	v15 =	vld [tilespmem:s31+$0xFFFFFF90];
	[tilespmem:v16+s20+$0x0] =	vst.idx.msk $0xffff, v14  }
0x4c3: {  	v16 =	vadd.s32 v9, v29;
	v14 =	vld [tilespmem:s31+$0xFFFFFFD0];
	[tilespmem:v26+s20+$0x0] =	vst.idx.msk $0xffff, v25  }
0x4c4: {  	v26 =	vadd.s32 v9, v13;
	v25 =	vld [tilespmem:s31+$0x10];
	[tilespmem:v23+s20+$0x0] =	vst.idx.msk $0xffff, v21  }
0x4c5: {  	v23 =	vadd.s32 v9, v12;
	v21 =	vld [tilespmem:s31+$0x50];
	[tilespmem:v19+s20+$0x0] =	vst.idx.msk $0xffff, v17  }
0x4c6: {  	v19 =	vadd.s32 v10, v24;
	[tilespmem:v22+s20+$0x0] =	vst.idx.msk $0xffff, v20;
	v17 =	vld [tilespmem:s31+$0xA0]  }
0x4c7: {  	v22 =	vadd.s32 v10, v27;
	v20 =	vld [tilespmem:s31+$0xFFFFFF60];
	[tilespmem:v18+s20+$0x0] =	vst.idx.msk $0xffff, v15  }
0x4c8: {  	v18 =	vadd.s32 v10, v28;
	v15 =	vld [tilespmem:s31+$0xFFFFFFA0];
	[tilespmem:v16+s20+$0x0] =	vst.idx.msk $0xffff, v14  }
0x4c9: {  	v16 =	vadd.s32 v10, v29;
	v14 =	vld [tilespmem:s31+$0xFFFFFFE0];
	[tilespmem:v26+s20+$0x0] =	vst.idx.msk $0xffff, v25  }
0x4ca: {  	v26 =	vadd.s32 v10, v13;
	v25 =	vld [tilespmem:s31+$0x20];
	[tilespmem:v23+s20+$0x0] =	vst.idx.msk $0xffff, v21  }
.Ltmp20:
0x4cb: {  	v23 =	vadd.s32 v10, v12;
	v21 =	vld [tilespmem:s31+$0x60];
	[tilespmem:v19+s20+$0x0] =	vst.idx.msk $0xffff, v17;
	(pc) =	sbr.rel @p0 .LBB2_41-.Ltmp20, $4  }
0x4cc: {  	[tilespmem:v22+s20+$0x0] =	vst.idx.msk $0xffff, v20;
	v20 =	vld [tilespmem:s31+$0xB0];
	v22 =	vadd.s32 v11, v24  }
0x4cd: {  	v19 =	vadd.s32 v11, v27;
	v17 =	vld [tilespmem:s31+$0xFFFFFF70];
	[tilespmem:v18+s20+$0x0] =	vst.idx.msk $0xffff, v15  }
0x4ce: {  	v18 =	vadd.s32 v11, v28;
	v15 =	vld [tilespmem:s31+$0xFFFFFFB0];
	[tilespmem:v16+s20+$0x0] =	vst.idx.msk $0xffff, v14  }
0x4cf: {  	s1 =	sadd.s32 $0x6, s1;
	s5 =	sadd.s32 $0x5, s0;
	v16 =	vadd.s32 v11, v29;
	v14 =	vld [tilespmem:s31+$0xFFFFFFF0];
	[tilespmem:v26+s20+$0x0] =	vst.idx.msk $0xffff, v25  }
0x4d0: {  	_ =	sdelay $0x3  }
0x4d1: {  	v24 =	vmov s5;
	v25 =	vld [tilespmem:s31+$0x30];
	v13 =	vadd.s32 v11, v13;
	[tilespmem:v23+s20+$0x0] =	vst.idx.msk $0xffff, v21  }
0x4d2: {  	v61 =	vmov s0;
	s7 =	sadd.s32 $0x1, s0;
	v12 =	vadd.s32 v11, v12;
	s1 =	sadd.s32 $0x180, s31;
	v62 =	vand.u32 $0xFF, v24;
	v63 =	vld [tilespmem:s31+$0x70];
	[tilespmem:v22+s20+$0x0] =	vst.idx.msk $0xffff, v20  }
0x4d3: {  	v32 =	vand.u32 $0x7E, v61;
	v33 =	vmov s7;
	s31 =	sadd.s32 $0x2, s0;
	v34 =	vld [tilespmem:s1+$0x80];
	v26 =	vadd.s32 v5, v62;
	[tilespmem:v19+s20+$0x0] =	vst.idx.msk $0xffff, v17  }
0x4d4: {  	v35 =	vld [tilespmem:s1+$0xFFFFFF40];
	s7 =	sadd.s32 $0x3, s0;
	v36 =	vadd.s32 v5, v32;
	v21 =	vand.u32 $0x7F, v33;
	v27 =	vmov s31;
	[tilespmem:v18+s20+$0x0] =	vst.idx.msk $0xffff, v15  }
0x4d5: {  	v37 =	vld [tilespmem:s1+$0xFFFFFF80];
	v28 =	vmov s7;
	s31 =	sadd.s32 $0x4, s0;
	v38 =	vadd.s32 v5, v21;
	v27 =	vand.u32 $0xFE, v27;
	[tilespmem:v16+s20+$0x0] =	vst.idx.msk $0xffff, v14  }
0x4d6: {  	v39 =	vld [tilespmem:s1+$0xFFFFFFC0];
	v28 =	vand.u32 $0xFF, v28;
	v29 =	vmov s31;
	v40 =	vadd.s32 v5, v27;
	[tilespmem:v13+s20+$0x0] =	vst.idx.msk $0xffff, v25  }
0x4d7: {  	v41 =	vld [tilespmem:s1+$0x0];
	v42 =	vadd.s32 v5, v28;
	v29 =	vand.u32 $0xFE, v29;
	[tilespmem:v12+s20+$0x0] =	vst.idx.msk $0xffff, v63  }
0x4d8: {  	v43 =	vld [tilespmem:s1+$0x40];
	v44 =	vadd.s32 v5, v29;
	[tilespmem:v26+s20+$0x0] =	vst.idx.msk $0xffff, v34  }
0x4d9: {  	v46 =	vadd.s32 v9, v62;
	[tilespmem:v36+s20+$0x0] =	vst.idx.msk $0xffff, v35;
	v45 =	vld [tilespmem:s1+$0x90]  }
0x4da: {  	v48 =	vadd.s32 v9, v32;
	v47 =	vld [tilespmem:s1+$0xFFFFFF50];
	[tilespmem:v38+s20+$0x0] =	vst.idx.msk $0xffff, v37  }
0x4db: {  	v49 =	vadd.s32 v9, v21;
	v15 =	vld [tilespmem:s1+$0xFFFFFF90];
	[tilespmem:v40+s20+$0x0] =	vst.idx.msk $0xffff, v39  }
0x4dc: {  	v50 =	vadd.s32 v9, v27;
	[tilespmem:v42+s20+$0x0] =	vst.idx.msk $0xffff, v41;
	v14 =	vld [tilespmem:s1+$0xFFFFFFD0]  }
0x4dd: {  	v51 =	vadd.s32 v9, v28;
	v13 =	vld [tilespmem:s1+$0x10];
	[tilespmem:v44+s20+$0x0] =	vst.idx.msk $0xffff, v43  }
0x4de: {  	v52 =	vadd.s32 v9, v29;
	v12 =	vld [tilespmem:s1+$0x50];
	[tilespmem:v46+s20+$0x0] =	vst.idx.msk $0xffff, v45  }
0x4df: {  	v53 =	vadd.s32 v10, v62;
	[tilespmem:v48+s20+$0x0] =	vst.idx.msk $0xffff, v47;
	v17 =	vld [tilespmem:s1+$0xA0]  }
0x4e0: {  	v54 =	vadd.s32 v10, v32;
	v22 =	vld [tilespmem:s1+$0xFFFFFF60];
	[tilespmem:v49+s20+$0x0] =	vst.idx.msk $0xffff, v15  }
0x4e1: {  	v55 =	vadd.s32 v10, v21;
	v15 =	vld [tilespmem:s1+$0xFFFFFFA0];
	[tilespmem:v50+s20+$0x0] =	vst.idx.msk $0xffff, v14  }
0x4e2: {  	v56 =	vadd.s32 v10, v27;
	[tilespmem:v51+s20+$0x0] =	vst.idx.msk $0xffff, v13;
	v14 =	vld [tilespmem:s1+$0xFFFFFFE0]  }
0x4e3: {  	v57 =	vadd.s32 v10, v28;
	v13 =	vld [tilespmem:s1+$0x20];
	[tilespmem:v52+s20+$0x0] =	vst.idx.msk $0xffff, v12  }
0x4e4: {  	v58 =	vadd.s32 v10, v29;
	v12 =	vld [tilespmem:s1+$0x60];
	[tilespmem:v53+s20+$0x0] =	vst.idx.msk $0xffff, v17  }
0x4e5: {  	v59 =	vadd.s32 v11, v62;
	[tilespmem:v54+s20+$0x0] =	vst.idx.msk $0xffff, v22;
	v17 =	vld [tilespmem:s1+$0xB0]  }
0x4e6: {  	v20 =	vadd.s32 v11, v32;
	v22 =	vld [tilespmem:s1+$0xFFFFFF70];
	[tilespmem:v55+s20+$0x0] =	vst.idx.msk $0xffff, v15  }
0x4e7: {  	v60 =	vadd.s32 v11, v21;
	v15 =	vld [tilespmem:s1+$0xFFFFFFB0];
	[tilespmem:v56+s20+$0x0] =	vst.idx.msk $0xffff, v14  }
0x4e8: {  	v61 =	vadd.s32 v11, v27;
	[tilespmem:v57+s20+$0x0] =	vst.idx.msk $0xffff, v13;
	v14 =	vld [tilespmem:s1+$0xFFFFFFF0]  }
0x4e9: {  	v62 =	vadd.s32 v11, v28;
	v13 =	vld [tilespmem:s1+$0x30];
	[tilespmem:v58+s20+$0x0] =	vst.idx.msk $0xffff, v12  }
0x4ea: {  	v63 =	vadd.s32 v11, v29;
	v12 =	vld [tilespmem:s1+$0x70];
	[tilespmem:v59+s20+$0x0] =	vst.idx.msk $0xffff, v17  }
0x4eb: {  	[tilespmem:v20+s20+$0x0] =	vst.idx.msk $0xffff, v22  }
0x4ec: {  	[tilespmem:v60+s20+$0x0] =	vst.idx.msk $0xffff, v15  }
0x4ed: {  	[tilespmem:v61+s20+$0x0] =	vst.idx.msk $0xffff, v14  }
0x4ee: {  	[tilespmem:v62+s20+$0x0] =	vst.idx.msk $0xffff, v13  }
0x4ef: {  	s0 =	simm.s32 $0x54B0;
	s1 =	simm.s32 $0x7E;
	[tilespmem:v63+s20+$0x0] =	vst.idx.msk $0xffff, v12  }
.LBB2_43:
0x4f0: {  	v12 =	vmov s1  }
0x4f1: {  	v12 =	vand.u32 $0x7F, v12  }
0x4f2: {  	v13 =	vld [tilespmem:s0+$0xFFFFFFD0];
	v14 =	vadd.s32 v5, v12;
	_ =	sdelay $0x4  }
0x4f3: {  	[tilespmem:v14+s20+$0x0] =	vst.idx.msk $0xffff, v13  }
0x4f4: {  	v62 =	vadd.s32 v9, v12;
	v13 =	vld [tilespmem:s0+$0xFFFFFFE0];
	_ =	sdelay $0x4  }
0x4f5: {  	[tilespmem:v62+s20+$0x0] =	vst.idx.msk $0xffff, v13  }
0x4f6: {  	v63 =	vadd.s32 v10, v12;
	v13 =	vld [tilespmem:s0+$0xFFFFFFF0];
	_ =	sdelay $0x4  }
0x4f7: {  	[tilespmem:v63+s20+$0x0] =	vst.idx.msk $0xffff, v13  }
0x4f8: {  	p0 =	seq.s32 s1, $0x7F;
	v12 =	vadd.s32 v11, v12;
	v13 =	vld [tilespmem:s0+$0x0]  }
.Ltmp21:
0x4f9: {  	_ = 	snop;
	(pc) =	sbr.rel @!p0 .LBB2_43-.Ltmp21, $2  }
0x4fa: {  	_ =	sdelay $0x2  }
0x4fb: {  	s1 =	sadd.s32 $0x1, s1;
	s0 =	sadd.s32 $0x40, s0;
	[tilespmem:v12+s20+$0x0] =	vst.idx.msk $0xffff, v13  }
0x4fc: {  	s0 =	simm.s32 $0x7500  }
0x4fd: {  	[hbm4b:s30+s3] =	stream.linear.scatter [tilespmem:s0], [sflag:$0x3], $0x80, $0x38;
	[tilespmem:$0xB900] =	vst v63  }
0x4fe: {  	s7 =	simm.s32 $0x7588;
	s1 =	sadd.s32 $0x10, s30  }
0x4ff: {  	[hbm4b:s1+s3] =	stream.linear.scatter [tilespmem:s7], [sflag:$0x3], $0x80, $0x38;
	[tilespmem:$0xB900] =	vst v63  }
0x500: {  	s5 =	simm.s32 $0x7610;
	s7 =	sadd.s32 $0x20, s30  }
0x501: {  	[hbm4b:s7+s3] =	stream.linear.scatter [tilespmem:s5], [sflag:$0x3], $0x80, $0x38;
	[tilespmem:$0xB900] =	vst v63  }
0x502: {  	s5 =	simm.s32 $0x7698;
	s7 =	sadd.s32 $0x30, s30  }
0x503: {  	[hbm4b:s7+s3] =	stream.linear.scatter [tilespmem:s5], [sflag:$0x3], $0x80, $0x38;
	[tilespmem:$0xB900] =	vst v63  }
0x504: {  	s5 =	simm.s32 $0x7720;
	s7 =	sadd.s32 $0x40, s30  }
0x505: {  	[hbm4b:s7+s3] =	stream.linear.scatter [tilespmem:s5], [sflag:$0x3], $0x80, $0x38;
	[tilespmem:$0xB900] =	vst v63  }
0x506: {  	s31 =	sadd.s32 $0x70, s30;
	s5 =	simm.s32 $0x77A8;
	s7 =	sadd.s32 $0x50, s30  }
0x507: {  	[hbm4b:s7+s3] =	stream.linear.scatter [tilespmem:s5], [sflag:$0x3], $0x80, $0x38;
	[tilespmem:$0xB900] =	vst v63  }
0x508: {  	s0 =	simm.s32 $0x440;
	s5 =	simm.s32 $0x7830;
	s7 =	sadd.s32 $0x60, s30  }
0x509: {  	[hbm4b:s7+s3] =	stream.linear.scatter [tilespmem:s5], [sflag:$0x3], $0x80, $0x38;
	[tilespmem:$0xB900] =	vst v63  }
0x50a: {  	s1 =	sadd.s32 $0x4000, s30;
	s5 =	simm.s32 $0x2200;
	s7 =	simm.s32 $0x78B8  }
.LBB2_45:
0x50b: {  	[hbm4b:s31+s3] =	stream.linear.scatter [tilespmem:s7], [sflag:$0x3], $0x80, $0x38;
	[tilespmem:$0xB900] =	vst v63  }
0x50c: {  	s7 =	smov.u32 s0;
	s0 =	smov.u32 s5  }
0x50d: {  	s30 =	sadd.s32 $0x1100, s5;
	s0 =	sshra.s32 s0, $0x2;
	s31 =	sadd.s32 $0x7500, s7  }
0x50e: {  	[hbm4b:s1+s3] =	stream.linear.scatter [tilespmem:s31], [sflag:$0x3], $0x80, $0x38;
	[tilespmem:$0xB900] =	vst v63  }
0x50f: {  	p0 =	sne.s32 s5, $0x7700;
	s5 =	sadd.s32 $0x7588, s7;
	s31 =	sadd.s32 $0x10, s1  }
0x510: {  	[hbm4b:s31+s3] =	stream.linear.scatter [tilespmem:s5], [sflag:$0x3], $0x80, $0x38;
	[tilespmem:$0xB900] =	vst v63  }
0x511: {  	s5 =	sadd.s32 $0x7610, s7;
	s31 =	sadd.s32 $0x20, s1  }
0x512: {  	[hbm4b:s31+s3] =	stream.linear.scatter [tilespmem:s5], [sflag:$0x3], $0x80, $0x38;
	[tilespmem:$0xB900] =	vst v63  }
0x513: {  	s5 =	sadd.s32 $0x7698, s7;
	s31 =	sadd.s32 $0x30, s1  }
0x514: {  	[hbm4b:s31+s3] =	stream.linear.scatter [tilespmem:s5], [sflag:$0x3], $0x80, $0x38;
	[tilespmem:$0xB900] =	vst v63  }
0x515: {  	s5 =	sadd.s32 $0x7720, s7;
	s31 =	sadd.s32 $0x40, s1  }
0x516: {  	[hbm4b:s31+s3] =	stream.linear.scatter [tilespmem:s5], [sflag:$0x3], $0x80, $0x38;
	[tilespmem:$0xB900] =	vst v63  }
.Ltmp22:
0x517: {  	s5 =	sadd.s32 $0x77A8, s7;
	s31 =	sadd.s32 $0x50, s1;
	(pc) =	sbr.rel @p0 .LBB2_45-.Ltmp22, $4  }
0x518: {  	[hbm4b:s31+s3] =	stream.linear.scatter [tilespmem:s5], [sflag:$0x3], $0x80, $0x38;
	[tilespmem:$0xB900] =	vst v63  }
0x519: {  	s5 =	sadd.s32 $0x7830, s7;
	s31 =	sadd.s32 $0x60, s1;
	s7 =	sadd.s32 $0x78B8, s7  }
0x51a: {  	[hbm4b:s31+s3] =	stream.linear.scatter [tilespmem:s5], [sflag:$0x3], $0x80, $0x38;
	[tilespmem:$0xB900] =	vst v63  }
0x51b: {  	s31 =	sadd.s32 $0x70, s1;
	s1 =	sadd.s32 $0x4000, s1;
	s5 =	smov.u32 s30  }
0x51c: {  	[hbm4b:s31+s3] =	stream.linear.scatter [tilespmem:s7], [sflag:$0x3], $0x80, $0x38;
	[tilespmem:$0xB900] =	vst v63  }
0x51d: {  	s5 =	sadd.s32 $0x7500, s0  }
0x51e: {  	[hbm4b:s1+s3] =	stream.linear.scatter [tilespmem:s5], [sflag:$0x3], $0x80, $0x38;
	[tilespmem:$0xB900] =	vst v63  }
0x51f: {  	s7 =	sadd.s32 $0x7588, s0;
	s31 =	sadd.s32 $0x10, s1  }
0x520: {  	[hbm4b:s31+s3] =	stream.linear.scatter [tilespmem:s7], [sflag:$0x3], $0x80, $0x38;
	[tilespmem:$0xB900] =	vst v63  }
0x521: {  	s7 =	sadd.s32 $0x7610, s0;
	s31 =	sadd.s32 $0x20, s1  }
0x522: {  	[hbm4b:s31+s3] =	stream.linear.scatter [tilespmem:s7], [sflag:$0x3], $0x80, $0x38;
	[tilespmem:$0xB900] =	vst v63  }
0x523: {  	s7 =	sadd.s32 $0x7698, s0;
	s31 =	sadd.s32 $0x30, s1  }
0x524: {  	[hbm4b:s31+s3] =	stream.linear.scatter [tilespmem:s7], [sflag:$0x3], $0x80, $0x38;
	[tilespmem:$0xB900] =	vst v63  }
0x525: {  	s7 =	sadd.s32 $0x7720, s0;
	s31 =	sadd.s32 $0x40, s1  }
0x526: {  	[hbm4b:s31+s3] =	stream.linear.scatter [tilespmem:s7], [sflag:$0x3], $0x80, $0x38;
	[tilespmem:$0xB900] =	vst v63  }
0x527: {  	s7 =	sadd.s32 $0x77A8, s0;
	s31 =	sadd.s32 $0x50, s1  }
0x528: {  	[hbm4b:s31+s3] =	stream.linear.scatter [tilespmem:s7], [sflag:$0x3], $0x80, $0x38;
	[tilespmem:$0xB900] =	vst v63  }
0x529: {  	p0 =	seq.s32 s28, $0x18;
	s7 =	sadd.s32 $0x7830, s0;
	s31 =	sadd.s32 $0x60, s1  }
0x52a: {  	[hbm4b:s31+s3] =	stream.linear.scatter [tilespmem:s7], [sflag:$0x3], $0x80, $0x38;
	[tilespmem:$0xB900] =	vst v63  }
0x52b: {  	s7 =	sadd.s32 $0x78B8, s0;
	s0 =	sshll.u32 @!p0 s28, $0x8  }
0x52c: {  	s31 =	sadd.s32 $0x70, s1;
	s0 =	sand.u32 @!p0 $0x3FFFFF00, s0  }
0x52d: {  	[hbm4b:s31+s3] =	stream.linear.scatter [tilespmem:s7], [sflag:$0x3], $0x80, $0x38;
	[tilespmem:$0xB900] =	vst v63  }
0x52e: {  	s5 =	simm.s32 @!p0 $0x3500;
	s1 =	simm.s32 @!p0 $0x80;
	s0 =	sadd.s32 @!p0 $0x1D00, s0  }
0x52f: {  	[tilespmem:s5], [sflag:$0x1] =	stream.indirect.gather @!p0 [hbm4b:s4+s1], $0x40, s0, s1, $0xb8;
	[tilespmem:$0xB900] =	vst v63  }
0x530: {  	_ =	swait.ge [sflag:s21], $0x2000  }
0x531: {  	[sflag:s21] =	ssyncset.done $0x0  }
0x532: {  	[sflag:s21] =	ssyncadd.s32 $0xFFFFE000  }
0x533: {  	s5 =	simm.s32 $0x5;
	_ =	swait.ge [sflag:s22], $0x2000  }
0x534: {  	s7 =	simm.s32 $0x0;
	v12 =	vmov s5;
	[sflag:s22] =	ssyncset.done $0x0  }
0x535: {  	s30 =	simm.s32 $0x55C0;
	s31 =	simm.s32 $0x1;
	v13 =	vmov s7;
	v14 =	vand.u32 $0xFF, v12;
	[sflag:s22] =	ssyncadd.s32 $0xFFFFE000  }
0x536: {  	v15 =	vand.u32 $0x7E, v13;
	s1 =	simm.s32 $0x2;
	v12 =	vmov s31;
	v17 =	vadd.s32 v5, v14;
	v16 =	vld [tilespmem:s30+$0x80]  }
0x537: {  	v19 =	vadd.s32 v5, v15;
	s5 =	simm.s32 $0x3;
	v24 =	vand.u32 $0x7F, v12;
	v12 =	vmov s1;
	v18 =	vld [tilespmem:s30+$0xFFFFFF40]  }
0x538: {  	s7 =	simm.s32 $0x4;
	v21 =	vadd.s32 v5, v24;
	v25 =	vand.u32 $0xFE, v12;
	v12 =	vmov s5;
	v20 =	vld [tilespmem:s30+$0xFFFFFF80]  }
0x539: {  	v23 =	vadd.s32 v5, v25;
	v13 =	vand.u32 $0xFF, v12;
	v12 =	vmov s7;
	v22 =	vld [tilespmem:s30+$0xFFFFFFC0]  }
0x53a: {  	v27 =	vadd.s32 v5, v13;
	v12 =	vand.u32 $0xFE, v12;
	v26 =	vld [tilespmem:s30+$0x0]  }
0x53b: {  	v28 =	vld [tilespmem:s30+$0x40];
	v29 =	vadd.s32 v5, v12;
	[tilespmem:v17+s23+$0x0] =	vst.idx.msk $0xffff, v16  }
0x53c: {  	[tilespmem:v19+s23+$0x0] =	vst.idx.msk $0xffff, v18;
	v17 =	vadd.s32 v9, v14;
	v16 =	vld [tilespmem:s30+$0x90]  }
0x53d: {  	v19 =	vadd.s32 v9, v15;
	[tilespmem:v21+s23+$0x0] =	vst.idx.msk $0xffff, v20;
	v18 =	vld [tilespmem:s30+$0xFFFFFF50]  }
0x53e: {  	v21 =	vadd.s32 v9, v24;
	[tilespmem:v23+s23+$0x0] =	vst.idx.msk $0xffff, v22;
	v20 =	vld [tilespmem:s30+$0xFFFFFF90]  }
0x53f: {  	v23 =	vadd.s32 v9, v25;
	[tilespmem:v27+s23+$0x0] =	vst.idx.msk $0xffff, v26;
	v22 =	vld [tilespmem:s30+$0xFFFFFFD0]  }
0x540: {  	v61 =	vadd.s32 v9, v13;
	[tilespmem:v29+s23+$0x0] =	vst.idx.msk $0xffff, v28;
	v26 =	vld [tilespmem:s30+$0x10]  }
0x541: {  	v62 =	vadd.s32 v9, v12;
	v28 =	vld [tilespmem:s30+$0x50];
	[tilespmem:v17+s23+$0x0] =	vst.idx.msk $0xffff, v16  }
0x542: {  	[tilespmem:v19+s23+$0x0] =	vst.idx.msk $0xffff, v18;
	v17 =	vadd.s32 v10, v14;
	v16 =	vld [tilespmem:s30+$0xA0]  }
0x543: {  	v19 =	vadd.s32 v10, v15;
	[tilespmem:v21+s23+$0x0] =	vst.idx.msk $0xffff, v20;
	v18 =	vld [tilespmem:s30+$0xFFFFFF60]  }
0x544: {  	v31 =	vadd.s32 v10, v24;
	[tilespmem:v23+s23+$0x0] =	vst.idx.msk $0xffff, v22;
	v30 =	vld [tilespmem:s30+$0xFFFFFFA0]  }
0x545: {  	v33 =	vadd.s32 v10, v25;
	[tilespmem:v61+s23+$0x0] =	vst.idx.msk $0xffff, v26;
	v32 =	vld [tilespmem:s30+$0xFFFFFFE0]  }
0x546: {  	v63 =	vadd.s32 v10, v13;
	[tilespmem:v62+s23+$0x0] =	vst.idx.msk $0xffff, v28;
	v26 =	vld [tilespmem:s30+$0x20]  }
0x547: {  	v23 =	vadd.s32 v10, v12;
	v21 =	vld [tilespmem:s30+$0x60];
	[tilespmem:v17+s23+$0x0] =	vst.idx.msk $0xffff, v16  }
0x548: {  	s31 =	sshll.u32 s29, $0x14;
	v22 =	vadd.s32 v11, v14;
	[tilespmem:v19+s23+$0x0] =	vst.idx.msk $0xffff, v18;
	v20 =	vld [tilespmem:s30+$0xB0]  }
0x549: {  	s0 =	sor.u32 s10, s31;
	[tilespmem:v31+s23+$0x0] =	vst.idx.msk $0xffff, v30;
	v19 =	vadd.s32 v11, v15;
	v17 =	vld [tilespmem:s30+$0xFFFFFF70]  }
0x54a: {  	s1 =	simm.s32 $0xC;
	s0 =	sshrl.u32 s0, $0x3;
	[tilespmem:v33+s23+$0x0] =	vst.idx.msk $0xffff, v32;
	v18 =	vadd.s32 v11, v24;
	v15 =	vld [tilespmem:s30+$0xFFFFFFB0]  }
0x54b: {  	s5 =	simm.s32 $0xB;
	s29 =	sadd.s32 s2, s0;
	s0 =	simm.s32 $0x6;
	v16 =	vadd.s32 v11, v25;
	[tilespmem:v63+s23+$0x0] =	vst.idx.msk $0xffff, v26;
	v14 =	vld [tilespmem:s30+$0xFFFFFFF0]  }
.LBB2_47:
0x54c: {  	p0 =	slt.u32 s1, $0x78;
	v24 =	vmov s5;
	v25 =	vld [tilespmem:s30+$0x30];
	v26 =	vadd.s32 v11, v13;
	[tilespmem:v23+s23+$0x0] =	vst.idx.msk $0xffff, v21  }
0x54d: {  	v13 =	vmov s0;
	s5 =	sadd.s32 $0x1, s0;
	v23 =	vadd.s32 v11, v12;
	v24 =	vand.u32 $0xFF, v24;
	v21 =	vld [tilespmem:s30+$0x70];
	[tilespmem:v22+s23+$0x0] =	vst.idx.msk $0xffff, v20;
	s30 =	sadd.s32 $0x180, s30  }
0x54e: {  	v27 =	vand.u32 $0x7E, v13;
	v12 =	vmov s5;
	s5 =	sadd.s32 $0x2, s0;
	v20 =	vld [tilespmem:s30+$0x80];
	v22 =	vadd.s32 v5, v24;
	[tilespmem:v19+s23+$0x0] =	vst.idx.msk $0xffff, v17  }
0x54f: {  	v19 =	vadd.s32 v5, v27;
	v28 =	vand.u32 $0x7F, v12;
	v12 =	vmov s5;
	s5 =	sadd.s32 $0x3, s0;
	v17 =	vld [tilespmem:s30+$0xFFFFFF40];
	[tilespmem:v18+s23+$0x0] =	vst.idx.msk $0xffff, v15  }
0x550: {  	v18 =	vadd.s32 v5, v28;
	v29 =	vand.u32 $0xFE, v12;
	v12 =	vmov s5;
	s5 =	sadd.s32 $0x4, s0;
	s0 =	smov.u32 s1;
	v15 =	vld [tilespmem:s30+$0xFFFFFF80];
	[tilespmem:v16+s23+$0x0] =	vst.idx.msk $0xffff, v14  }
0x551: {  	v16 =	vadd.s32 v5, v29;
	v13 =	vand.u32 $0xFF, v12;
	v12 =	vmov s5;
	v14 =	vld [tilespmem:s30+$0xFFFFFFC0];
	[tilespmem:v26+s23+$0x0] =	vst.idx.msk $0xffff, v25  }
0x552: {  	v26 =	vadd.s32 v5, v13;
	v12 =	vand.u32 $0xFE, v12;
	v25 =	vld [tilespmem:s30+$0x0];
	[tilespmem:v23+s23+$0x0] =	vst.idx.msk $0xffff, v21  }
0x553: {  	v23 =	vadd.s32 v5, v12;
	v21 =	vld [tilespmem:s30+$0x40];
	[tilespmem:v22+s23+$0x0] =	vst.idx.msk $0xffff, v20  }
0x554: {  	[tilespmem:v19+s23+$0x0] =	vst.idx.msk $0xffff, v17;
	v17 =	vld [tilespmem:s30+$0x90];
	v19 =	vadd.s32 v9, v24  }
0x555: {  	v22 =	vadd.s32 v9, v27;
	v20 =	vld [tilespmem:s30+$0xFFFFFF50];
	[tilespmem:v18+s23+$0x0] =	vst.idx.msk $0xffff, v15  }
0x556: {  	v18 =	vadd.s32 v9, v28;
	v15 =	vld [tilespmem:s30+$0xFFFFFF90];
	[tilespmem:v16+s23+$0x0] =	vst.idx.msk $0xffff, v14  }
0x557: {  	v16 =	vadd.s32 v9, v29;
	v14 =	vld [tilespmem:s30+$0xFFFFFFD0];
	[tilespmem:v26+s23+$0x0] =	vst.idx.msk $0xffff, v25  }
0x558: {  	v26 =	vadd.s32 v9, v13;
	v25 =	vld [tilespmem:s30+$0x10];
	[tilespmem:v23+s23+$0x0] =	vst.idx.msk $0xffff, v21  }
0x559: {  	v23 =	vadd.s32 v9, v12;
	v21 =	vld [tilespmem:s30+$0x50];
	[tilespmem:v19+s23+$0x0] =	vst.idx.msk $0xffff, v17  }
0x55a: {  	v19 =	vadd.s32 v10, v24;
	[tilespmem:v22+s23+$0x0] =	vst.idx.msk $0xffff, v20;
	v17 =	vld [tilespmem:s30+$0xA0]  }
0x55b: {  	v22 =	vadd.s32 v10, v27;
	v20 =	vld [tilespmem:s30+$0xFFFFFF60];
	[tilespmem:v18+s23+$0x0] =	vst.idx.msk $0xffff, v15  }
0x55c: {  	v18 =	vadd.s32 v10, v28;
	v15 =	vld [tilespmem:s30+$0xFFFFFFA0];
	[tilespmem:v16+s23+$0x0] =	vst.idx.msk $0xffff, v14  }
0x55d: {  	v16 =	vadd.s32 v10, v29;
	v14 =	vld [tilespmem:s30+$0xFFFFFFE0];
	[tilespmem:v26+s23+$0x0] =	vst.idx.msk $0xffff, v25  }
0x55e: {  	v26 =	vadd.s32 v10, v13;
	v25 =	vld [tilespmem:s30+$0x20];
	[tilespmem:v23+s23+$0x0] =	vst.idx.msk $0xffff, v21  }
.Ltmp23:
0x55f: {  	v23 =	vadd.s32 v10, v12;
	v21 =	vld [tilespmem:s30+$0x60];
	[tilespmem:v19+s23+$0x0] =	vst.idx.msk $0xffff, v17;
	(pc) =	sbr.rel @p0 .LBB2_47-.Ltmp23, $4  }
0x560: {  	[tilespmem:v22+s23+$0x0] =	vst.idx.msk $0xffff, v20;
	v20 =	vld [tilespmem:s30+$0xB0];
	v22 =	vadd.s32 v11, v24  }
0x561: {  	v19 =	vadd.s32 v11, v27;
	v17 =	vld [tilespmem:s30+$0xFFFFFF70];
	[tilespmem:v18+s23+$0x0] =	vst.idx.msk $0xffff, v15  }
0x562: {  	v18 =	vadd.s32 v11, v28;
	v15 =	vld [tilespmem:s30+$0xFFFFFFB0];
	[tilespmem:v16+s23+$0x0] =	vst.idx.msk $0xffff, v14  }
0x563: {  	s1 =	sadd.s32 $0x6, s1;
	s5 =	sadd.s32 $0x5, s0;
	v16 =	vadd.s32 v11, v29;
	v14 =	vld [tilespmem:s30+$0xFFFFFFF0];
	[tilespmem:v26+s23+$0x0] =	vst.idx.msk $0xffff, v25  }
0x564: {  	_ =	sdelay $0x3  }
0x565: {  	v24 =	vmov s5;
	v25 =	vld [tilespmem:s30+$0x30];
	v13 =	vadd.s32 v11, v13;
	[tilespmem:v23+s23+$0x0] =	vst.idx.msk $0xffff, v21  }
0x566: {  	v61 =	vmov s0;
	s31 =	sadd.s32 $0x1, s0;
	v12 =	vadd.s32 v11, v12;
	s1 =	sadd.s32 $0x180, s30;
	v62 =	vand.u32 $0xFF, v24;
	v63 =	vld [tilespmem:s30+$0x70];
	[tilespmem:v22+s23+$0x0] =	vst.idx.msk $0xffff, v20  }
0x567: {  	s7 =	sadd.s32 $0x2, s0;
	v32 =	vand.u32 $0x7E, v61;
	v33 =	vmov s31;
	v34 =	vld [tilespmem:s1+$0x80];
	v26 =	vadd.s32 v5, v62;
	[tilespmem:v19+s23+$0x0] =	vst.idx.msk $0xffff, v17  }
0x568: {  	v35 =	vld [tilespmem:s1+$0xFFFFFF40];
	v27 =	vmov s7;
	s30 =	sadd.s32 $0x3, s0;
	v36 =	vadd.s32 v5, v32;
	v21 =	vand.u32 $0x7F, v33;
	[tilespmem:v18+s23+$0x0] =	vst.idx.msk $0xffff, v15  }
0x569: {  	v37 =	vld [tilespmem:s1+$0xFFFFFF80];
	s31 =	sadd.s32 $0x4, s0;
	v27 =	vand.u32 $0xFE, v27;
	v28 =	vmov s30;
	v38 =	vadd.s32 v5, v21;
	[tilespmem:v16+s23+$0x0] =	vst.idx.msk $0xffff, v14  }
0x56a: {  	v39 =	vld [tilespmem:s1+$0xFFFFFFC0];
	v29 =	vmov s31;
	v40 =	vadd.s32 v5, v27;
	v28 =	vand.u32 $0xFF, v28;
	[tilespmem:v13+s23+$0x0] =	vst.idx.msk $0xffff, v25  }
0x56b: {  	v41 =	vld [tilespmem:s1+$0x0];
	v29 =	vand.u32 $0xFE, v29;
	v42 =	vadd.s32 v5, v28;
	[tilespmem:v12+s23+$0x0] =	vst.idx.msk $0xffff, v63  }
0x56c: {  	v43 =	vld [tilespmem:s1+$0x40];
	v44 =	vadd.s32 v5, v29;
	[tilespmem:v26+s23+$0x0] =	vst.idx.msk $0xffff, v34  }
0x56d: {  	v46 =	vadd.s32 v9, v62;
	[tilespmem:v36+s23+$0x0] =	vst.idx.msk $0xffff, v35;
	v45 =	vld [tilespmem:s1+$0x90]  }
0x56e: {  	v48 =	vadd.s32 v9, v32;
	v47 =	vld [tilespmem:s1+$0xFFFFFF50];
	[tilespmem:v38+s23+$0x0] =	vst.idx.msk $0xffff, v37  }
0x56f: {  	v49 =	vadd.s32 v9, v21;
	[tilespmem:v40+s23+$0x0] =	vst.idx.msk $0xffff, v39;
	v15 =	vld [tilespmem:s1+$0xFFFFFF90]  }
0x570: {  	v50 =	vadd.s32 v9, v27;
	v14 =	vld [tilespmem:s1+$0xFFFFFFD0];
	[tilespmem:v42+s23+$0x0] =	vst.idx.msk $0xffff, v41  }
0x571: {  	v51 =	vadd.s32 v9, v28;
	[tilespmem:v44+s23+$0x0] =	vst.idx.msk $0xffff, v43;
	v13 =	vld [tilespmem:s1+$0x10]  }
0x572: {  	v52 =	vadd.s32 v9, v29;
	v12 =	vld [tilespmem:s1+$0x50];
	[tilespmem:v46+s23+$0x0] =	vst.idx.msk $0xffff, v45  }
0x573: {  	v53 =	vadd.s32 v10, v62;
	[tilespmem:v48+s23+$0x0] =	vst.idx.msk $0xffff, v47;
	v17 =	vld [tilespmem:s1+$0xA0]  }
0x574: {  	v54 =	vadd.s32 v10, v32;
	v22 =	vld [tilespmem:s1+$0xFFFFFF60];
	[tilespmem:v49+s23+$0x0] =	vst.idx.msk $0xffff, v15  }
0x575: {  	v55 =	vadd.s32 v10, v21;
	[tilespmem:v50+s23+$0x0] =	vst.idx.msk $0xffff, v14;
	v15 =	vld [tilespmem:s1+$0xFFFFFFA0]  }
0x576: {  	v56 =	vadd.s32 v10, v27;
	v14 =	vld [tilespmem:s1+$0xFFFFFFE0];
	[tilespmem:v51+s23+$0x0] =	vst.idx.msk $0xffff, v13  }
0x577: {  	v57 =	vadd.s32 v10, v28;
	[tilespmem:v52+s23+$0x0] =	vst.idx.msk $0xffff, v12;
	v13 =	vld [tilespmem:s1+$0x20]  }
0x578: {  	v58 =	vadd.s32 v10, v29;
	v12 =	vld [tilespmem:s1+$0x60];
	[tilespmem:v53+s23+$0x0] =	vst.idx.msk $0xffff, v17  }
0x579: {  	v59 =	vadd.s32 v11, v62;
	[tilespmem:v54+s23+$0x0] =	vst.idx.msk $0xffff, v22;
	v17 =	vld [tilespmem:s1+$0xB0]  }
0x57a: {  	v20 =	vadd.s32 v11, v32;
	v22 =	vld [tilespmem:s1+$0xFFFFFF70];
	[tilespmem:v55+s23+$0x0] =	vst.idx.msk $0xffff, v15  }
0x57b: {  	v60 =	vadd.s32 v11, v21;
	[tilespmem:v56+s23+$0x0] =	vst.idx.msk $0xffff, v14;
	v15 =	vld [tilespmem:s1+$0xFFFFFFB0]  }
0x57c: {  	v61 =	vadd.s32 v11, v27;
	v14 =	vld [tilespmem:s1+$0xFFFFFFF0];
	[tilespmem:v57+s23+$0x0] =	vst.idx.msk $0xffff, v13  }
0x57d: {  	v62 =	vadd.s32 v11, v28;
	[tilespmem:v58+s23+$0x0] =	vst.idx.msk $0xffff, v12;
	v13 =	vld [tilespmem:s1+$0x30]  }
0x57e: {  	v63 =	vadd.s32 v11, v29;
	v12 =	vld [tilespmem:s1+$0x70];
	[tilespmem:v59+s23+$0x0] =	vst.idx.msk $0xffff, v17  }
0x57f: {  	[tilespmem:v20+s23+$0x0] =	vst.idx.msk $0xffff, v22  }
0x580: {  	[tilespmem:v60+s23+$0x0] =	vst.idx.msk $0xffff, v15  }
0x581: {  	[tilespmem:v61+s23+$0x0] =	vst.idx.msk $0xffff, v14  }
0x582: {  	[tilespmem:v62+s23+$0x0] =	vst.idx.msk $0xffff, v13  }
0x583: {  	s0 =	simm.s32 $0x74B0;
	s1 =	simm.s32 $0x7E;
	[tilespmem:v63+s23+$0x0] =	vst.idx.msk $0xffff, v12  }
.LBB2_49:
0x584: {  	v12 =	vmov s1  }
0x585: {  	v12 =	vand.u32 $0x7F, v12  }
0x586: {  	v13 =	vld [tilespmem:s0+$0xFFFFFFD0];
	v14 =	vadd.s32 v5, v12;
	_ =	sdelay $0x4  }
0x587: {  	[tilespmem:v14+s23+$0x0] =	vst.idx.msk $0xffff, v13  }
0x588: {  	v62 =	vadd.s32 v9, v12;
	v13 =	vld [tilespmem:s0+$0xFFFFFFE0];
	_ =	sdelay $0x4  }
0x589: {  	[tilespmem:v62+s23+$0x0] =	vst.idx.msk $0xffff, v13  }
0x58a: {  	v63 =	vadd.s32 v10, v12;
	v13 =	vld [tilespmem:s0+$0xFFFFFFF0];
	_ =	sdelay $0x4  }
0x58b: {  	[tilespmem:v63+s23+$0x0] =	vst.idx.msk $0xffff, v13  }
0x58c: {  	p0 =	seq.s32 s1, $0x7F;
	v12 =	vadd.s32 v11, v12;
	v13 =	vld [tilespmem:s0+$0x0]  }
.Ltmp24:
0x58d: {  	_ = 	snop;
	(pc) =	sbr.rel @!p0 .LBB2_49-.Ltmp24, $2  }
0x58e: {  	_ =	sdelay $0x2  }
0x58f: {  	s1 =	sadd.s32 $0x1, s1;
	s0 =	sadd.s32 $0x40, s0;
	[tilespmem:v12+s23+$0x0] =	vst.idx.msk $0xffff, v13  }
0x590: {  	s0 =	simm.s32 $0x9700  }
0x591: {  	[hbm4b:s29+s3] =	stream.linear.scatter [tilespmem:s0], [sflag:$0x4], $0x80, $0x38;
	[tilespmem:$0xB900] =	vst v63  }
0x592: {  	s5 =	simm.s32 $0x9788;
	s1 =	sadd.s32 $0x10, s29  }
0x593: {  	[hbm4b:s1+s3] =	stream.linear.scatter [tilespmem:s5], [sflag:$0x4], $0x80, $0x38;
	[tilespmem:$0xB900] =	vst v63  }
0x594: {  	s7 =	simm.s32 $0x9810;
	s31 =	sadd.s32 $0x20, s29  }
0x595: {  	[hbm4b:s31+s3] =	stream.linear.scatter [tilespmem:s7], [sflag:$0x4], $0x80, $0x38;
	[tilespmem:$0xB900] =	vst v63  }
0x596: {  	s1 =	simm.s32 $0x9898;
	s5 =	sadd.s32 $0x30, s29  }
0x597: {  	[hbm4b:s5+s3] =	stream.linear.scatter [tilespmem:s1], [sflag:$0x4], $0x80, $0x38;
	[tilespmem:$0xB900] =	vst v63  }
0x598: {  	s7 =	simm.s32 $0x9920;
	s31 =	sadd.s32 $0x40, s29  }
0x599: {  	[hbm4b:s31+s3] =	stream.linear.scatter [tilespmem:s7], [sflag:$0x4], $0x80, $0x38;
	[tilespmem:$0xB900] =	vst v63  }
0x59a: {  	s30 =	sadd.s32 $0x70, s29;
	s1 =	simm.s32 $0x99A8;
	s5 =	sadd.s32 $0x50, s29  }
0x59b: {  	[hbm4b:s5+s3] =	stream.linear.scatter [tilespmem:s1], [sflag:$0x4], $0x80, $0x38;
	[tilespmem:$0xB900] =	vst v63  }
0x59c: {  	s0 =	simm.s32 $0x440;
	s7 =	simm.s32 $0x9A30;
	s31 =	sadd.s32 $0x60, s29  }
0x59d: {  	[hbm4b:s31+s3] =	stream.linear.scatter [tilespmem:s7], [sflag:$0x4], $0x80, $0x38;
	[tilespmem:$0xB900] =	vst v63  }
0x59e: {  	s5 =	simm.s32 $0x2200;
	s1 =	sadd.s32 $0x4000, s29;
	s7 =	simm.s32 $0x9AB8  }
.LBB2_51:
0x59f: {  	[hbm4b:s30+s3] =	stream.linear.scatter [tilespmem:s7], [sflag:$0x4], $0x80, $0x38;
	[tilespmem:$0xB900] =	vst v63  }
0x5a0: {  	s7 =	smov.u32 s0;
	s0 =	smov.u32 s5  }
0x5a1: {  	s29 =	sadd.s32 $0x1100, s5;
	s0 =	sshra.s32 s0, $0x2;
	s30 =	sadd.s32 $0x9700, s7  }
0x5a2: {  	[hbm4b:s1+s3] =	stream.linear.scatter [tilespmem:s30], [sflag:$0x4], $0x80, $0x38;
	[tilespmem:$0xB900] =	vst v63  }
0x5a3: {  	p0 =	sne.s32 s5, $0x7700;
	s5 =	sadd.s32 $0x9788, s7;
	s30 =	sadd.s32 $0x10, s1  }
0x5a4: {  	[hbm4b:s30+s3] =	stream.linear.scatter [tilespmem:s5], [sflag:$0x4], $0x80, $0x38;
	[tilespmem:$0xB900] =	vst v63  }
0x5a5: {  	s5 =	sadd.s32 $0x9810, s7;
	s30 =	sadd.s32 $0x20, s1  }
0x5a6: {  	[hbm4b:s30+s3] =	stream.linear.scatter [tilespmem:s5], [sflag:$0x4], $0x80, $0x38;
	[tilespmem:$0xB900] =	vst v63  }
0x5a7: {  	s5 =	sadd.s32 $0x9898, s7;
	s30 =	sadd.s32 $0x30, s1  }
0x5a8: {  	[hbm4b:s30+s3] =	stream.linear.scatter [tilespmem:s5], [sflag:$0x4], $0x80, $0x38;
	[tilespmem:$0xB900] =	vst v63  }
0x5a9: {  	s5 =	sadd.s32 $0x9920, s7;
	s30 =	sadd.s32 $0x40, s1  }
0x5aa: {  	[hbm4b:s30+s3] =	stream.linear.scatter [tilespmem:s5], [sflag:$0x4], $0x80, $0x38;
	[tilespmem:$0xB900] =	vst v63  }
.Ltmp25:
0x5ab: {  	s5 =	sadd.s32 $0x99A8, s7;
	s30 =	sadd.s32 $0x50, s1;
	(pc) =	sbr.rel @p0 .LBB2_51-.Ltmp25, $4  }
0x5ac: {  	[hbm4b:s30+s3] =	stream.linear.scatter [tilespmem:s5], [sflag:$0x4], $0x80, $0x38;
	[tilespmem:$0xB900] =	vst v63  }
0x5ad: {  	s5 =	sadd.s32 $0x9A30, s7;
	s30 =	sadd.s32 $0x60, s1;
	s7 =	sadd.s32 $0x9AB8, s7  }
0x5ae: {  	[hbm4b:s30+s3] =	stream.linear.scatter [tilespmem:s5], [sflag:$0x4], $0x80, $0x38;
	[tilespmem:$0xB900] =	vst v63  }
0x5af: {  	s30 =	sadd.s32 $0x70, s1;
	s1 =	sadd.s32 $0x4000, s1;
	s5 =	smov.u32 s29  }
0x5b0: {  	[hbm4b:s30+s3] =	stream.linear.scatter [tilespmem:s7], [sflag:$0x4], $0x80, $0x38;
	[tilespmem:$0xB900] =	vst v63  }
0x5b1: {  	s5 =	sadd.s32 $0x9700, s0  }
0x5b2: {  	[hbm4b:s1+s3] =	stream.linear.scatter [tilespmem:s5], [sflag:$0x4], $0x80, $0x38;
	[tilespmem:$0xB900] =	vst v63  }
0x5b3: {  	s30 =	sadd.s32 $0x9788, s0;
	s31 =	sadd.s32 $0x10, s1  }
0x5b4: {  	[hbm4b:s31+s3] =	stream.linear.scatter [tilespmem:s30], [sflag:$0x4], $0x80, $0x38;
	[tilespmem:$0xB900] =	vst v63  }
0x5b5: {  	s7 =	sadd.s32 $0x9810, s0;
	s29 =	sadd.s32 $0x20, s1  }
0x5b6: {  	[hbm4b:s29+s3] =	stream.linear.scatter [tilespmem:s7], [sflag:$0x4], $0x80, $0x38;
	[tilespmem:$0xB900] =	vst v63  }
0x5b7: {  	s30 =	sadd.s32 $0x9898, s0;
	s31 =	sadd.s32 $0x30, s1  }
0x5b8: {  	[hbm4b:s31+s3] =	stream.linear.scatter [tilespmem:s30], [sflag:$0x4], $0x80, $0x38;
	[tilespmem:$0xB900] =	vst v63  }
0x5b9: {  	s28 =	sadd.s32 $0x1, s28;
	s7 =	sadd.s32 $0x9920, s0;
	s29 =	sadd.s32 $0x40, s1  }
0x5ba: {  	[hbm4b:s29+s3] =	stream.linear.scatter [tilespmem:s7], [sflag:$0x4], $0x80, $0x38;
	[tilespmem:$0xB900] =	vst v63  }
0x5bb: {  	p0 =	sne.s32 s28, $0x19;
	s30 =	sadd.s32 $0x99A8, s0;
	s31 =	sadd.s32 $0x50, s1  }
0x5bc: {  	[hbm4b:s31+s3] =	stream.linear.scatter [tilespmem:s30], [sflag:$0x4], $0x80, $0x38;
	[tilespmem:$0xB900] =	vst v63  }
.Ltmp26:
0x5bd: {  	_ = 	snop;
	(pc) =	sbr.rel @p0 .LBB2_40-.Ltmp26, $4  }
0x5be: {  	s7 =	sadd.s32 $0x9A30, s0;
	s29 =	sadd.s32 $0x60, s1  }
0x5bf: {  	[hbm4b:s29+s3] =	stream.linear.scatter [tilespmem:s7], [sflag:$0x4], $0x80, $0x38;
	[tilespmem:$0xB900] =	vst v63  }
0x5c0: {  	s30 =	sadd.s32 $0x9AB8, s0;
	s31 =	sadd.s32 $0x70, s1  }
0x5c1: {  	[hbm4b:s31+s3] =	stream.linear.scatter [tilespmem:s30], [sflag:$0x4], $0x80, $0x38;
	[tilespmem:$0xB900] =	vst v63  }
0x5c2: {  	s0 =	simm.s32 $0x4  }
0x5c3: {  	s1 =	simm.s32 $0x1;
	v12 =	vmov s0  }
0x5c4: {  	s7 =	simm.s32 $0x2;
	v13 =	vmov s1;
	v16 =	vand.u32 $0x7F, v12  }
0x5c5: {  	s26 =	simm.s32 $0x0;
	s30 =	simm.s32 $0x3;
	v20 =	vand.u32 $0x7F, v13;
	v12 =	vmov s7;
	v13 =	vadd.s32 v0, v16  }
0x5c6: {  	[tilespmem:s26], [sflag:$0x5] =	stream.linear.gather [hbm4b:s11+s26], $0x1C00, $0x38;
	v14 =	vadd.s32 v0, v20;
	v21 =	vand.u32 $0x7F, v12;
	v12 =	vmov s30;
	[tilespmem:$0xB900] =	vst v63  }
0x5c7: {  	v15 =	vmov s26;
	_ =	swait.ge [sflag:s14], $0x1C00;
	v17 =	vadd.s32 v0, v21;
	v19 =	vand.u32 $0x7F, v12  }
0x5c8: {  	v18 =	vand.u32 $0x3F, v15;
	[sflag:s14] =	ssyncset.done $0x0;
	v12 =	vadd.s32 v0, v19  }
0x5c9: {  	v15 =	vadd.s32 v0, v18;
	[sflag:s14] =	ssyncadd.s32 $0xFFFFE400  }
0x5ca: {  	v13 =	vld.idx.msk [tilespmem:v13+s3+$0x0], $0xffff  }
0x5cb: {  	v22 =	vadd.s32 v1, v16;
	v14 =	vld.idx.msk [tilespmem:v14+s3+$0x0], $0xffff  }
0x5cc: {  	v23 =	vadd.s32 v1, v20;
	v17 =	vld.idx.msk [tilespmem:v17+s3+$0x0], $0xffff  }
0x5cd: {  	v24 =	vadd.s32 v1, v21;
	v12 =	vld.idx.msk [tilespmem:v12+s3+$0x0], $0xffff  }
0x5ce: {  	s28 =	simm.s32 $0x1D40;
	v25 =	vadd.s32 v1, v19;
	v15 =	vld.idx.msk [tilespmem:v15+s3+$0x0], $0xffff  }
0x5cf: {  	[tilespmem:s28+$0xC0] =	vst v13;
	v13 =	vadd.s32 v1, v18  }
0x5d0: {  	[tilespmem:s28+$0xFFFFFF40] =	vst v14;
	v14 =	vld.idx.msk [tilespmem:v22+s3+$0x0], $0xffff  }
0x5d1: {  	v22 =	vld.idx.msk [tilespmem:v23+s3+$0x0], $0xffff;
	[tilespmem:s28+$0xFFFFFFC0] =	vst v17;
	v17 =	vadd.s32 v2, v16  }
0x5d2: {  	v23 =	vadd.s32 v2, v20;
	v24 =	vld.idx.msk [tilespmem:v24+s3+$0x0], $0xffff;
	[tilespmem:s28+$0x40] =	vst v12  }
0x5d3: {  	[tilespmem:s28+$0xFFFFFEC0] =	vst v15;
	v15 =	vadd.s32 v2, v21;
	v12 =	vld.idx.msk [tilespmem:v25+s3+$0x0], $0xffff  }
0x5d4: {  	v25 =	vadd.s32 v2, v19;
	v13 =	vld.idx.msk [tilespmem:v13+s3+$0x0], $0xffff  }
0x5d5: {  	[tilespmem:s28+$0xD0] =	vst v14;
	v14 =	vadd.s32 v2, v18  }
0x5d6: {  	[tilespmem:s28+$0xFFFFFF50] =	vst v22;
	v17 =	vld.idx.msk [tilespmem:v17+s3+$0x0], $0xffff  }
0x5d7: {  	v22 =	vld.idx.msk [tilespmem:v23+s3+$0x0], $0xffff;
	[tilespmem:s28+$0xFFFFFFD0] =	vst v24;
	v23 =	vadd.s32 v3, v16  }
0x5d8: {  	v24 =	vadd.s32 v3, v20;
	v15 =	vld.idx.msk [tilespmem:v15+s3+$0x0], $0xffff;
	[tilespmem:s28+$0x50] =	vst v12  }
0x5d9: {  	s31 =	simm.s32 $0x5;
	[tilespmem:s28+$0xFFFFFED0] =	vst v13;
	v13 =	vld.idx.msk [tilespmem:v25+s3+$0x0], $0xffff;
	v25 =	vadd.s32 v3, v21  }
0x5da: {  	v26 =	vadd.s32 v3, v19;
	v12 =	vmov s31;
	v14 =	vld.idx.msk [tilespmem:v14+s3+$0x0], $0xffff  }
0x5db: {  	v12 =	vand.u32 $0x3F, v12;
	[tilespmem:s28+$0xE0] =	vst v17;
	v17 =	vadd.s32 v3, v18  }
0x5dc: {  	v27 =	vadd.s32 v0, v12;
	[tilespmem:s28+$0xFFFFFF60] =	vst v22;
	v22 =	vld.idx.msk [tilespmem:v23+s3+$0x0], $0xffff  }
0x5dd: {  	v23 =	vld.idx.msk [tilespmem:v24+s3+$0x0], $0xffff;
	[tilespmem:s28+$0xFFFFFFE0] =	vst v15;
	v24 =	vadd.s32 v4, v16  }
0x5de: {  	v28 =	vadd.s32 v4, v20;
	v25 =	vld.idx.msk [tilespmem:v25+s3+$0x0], $0xffff;
	[tilespmem:s28+$0x60] =	vst v13  }
0x5df: {  	s1 =	simm.s32 $0x6;
	[tilespmem:s28+$0xFFFFFEE0] =	vst v14;
	v14 =	vld.idx.msk [tilespmem:v26+s3+$0x0], $0xffff;
	v26 =	vadd.s32 v4, v21  }
0x5e0: {  	v29 =	vadd.s32 v4, v19;
	v13 =	vmov s1;
	v17 =	vld.idx.msk [tilespmem:v17+s3+$0x0], $0xffff  }
0x5e1: {  	v27 =	vld.idx.msk [tilespmem:v27+s3+$0x0], $0xffff;
	v15 =	vand.u32 $0x7F, v13;
	[tilespmem:s28+$0xF0] =	vst v22;
	v22 =	vadd.s32 v4, v18  }
0x5e2: {  	s5 =	simm.s32 $0x7;
	[tilespmem:s28+$0xFFFFFF70] =	vst v23;
	v23 =	vld.idx.msk [tilespmem:v24+s3+$0x0], $0xffff;
	v24 =	vadd.s32 v0, v15  }
0x5e3: {  	v13 =	vmov s5;
	v28 =	vld.idx.msk [tilespmem:v28+s3+$0x0], $0xffff;
	[tilespmem:s28+$0xFFFFFFF0] =	vst v25;
	v25 =	vadd.s32 v6, v16  }
0x5e4: {  	v30 =	vadd.s32 v6, v20;
	v13 =	vand.u32 $0x7F, v13;
	v26 =	vld.idx.msk [tilespmem:v26+s3+$0x0], $0xffff;
	[tilespmem:s28+$0x70] =	vst v14  }
0x5e5: {  	s7 =	simm.s32 $0x9;
	v14 =	vadd.s32 v0, v13;
	[tilespmem:s28+$0xFFFFFEF0] =	vst v17;
	v29 =	vld.idx.msk [tilespmem:v29+s3+$0x0], $0xffff  }
0x5e6: {  	v31 =	vadd.s32 v6, v21;
	v17 =	vmov s7;
	v22 =	vld.idx.msk [tilespmem:v22+s3+$0x0], $0xffff  }
0x5e7: {  	v32 =	vadd.s32 v6, v19;
	v17 =	vand.u32 $0x7F, v17;
	v24 =	vld.idx.msk [tilespmem:v24+s3+$0x0], $0xffff;
	[tilespmem:s28+$0x100] =	vst v23  }
0x5e8: {  	v23 =	vadd.s32 v0, v17;
	[tilespmem:s28+$0xFFFFFF80] =	vst v28;
	v25 =	vld.idx.msk [tilespmem:v25+s3+$0x0], $0xffff  }
0x5e9: {  	s26 =	simm.s32 $0x8;
	v28 =	vadd.s32 v6, v18;
	v30 =	vld.idx.msk [tilespmem:v30+s3+$0x0], $0xffff  }
0x5ea: {  	v33 =	vld.idx.msk [tilespmem:v14+s3+$0x0], $0xffff;
	v14 =	vmov s26;
	[tilespmem:s28+$0x0] =	vst v26;
	v26 =	vadd.s32 v7, v16  }
0x5eb: {  	v34 =	vadd.s32 v7, v20;
	v14 =	vand.u32 $0x7F, v14;
	v31 =	vld.idx.msk [tilespmem:v31+s3+$0x0], $0xffff;
	[tilespmem:s28+$0x80] =	vst v29  }
0x5ec: {  	v29 =	vadd.s32 v0, v14;
	v32 =	vld.idx.msk [tilespmem:v32+s3+$0x0], $0xffff  }
0x5ed: {  	[tilespmem:s28+$0xFFFFFF00] =	vst v22;
	v22 =	vld.idx.msk [tilespmem:v23+s3+$0x0], $0xffff;
	v23 =	vadd.s32 v7, v21  }
0x5ee: {  	v35 =	vadd.s32 v7, v19;
	v28 =	vld.idx.msk [tilespmem:v28+s3+$0x0], $0xffff;
	[tilespmem:s28+$0x110] =	vst v25  }
0x5ef: {  	s26 =	simm.s32 $0x1FC0;
	v25 =	vadd.s32 v1, v17;
	[tilespmem:s28+$0xFFFFFF90] =	vst v30;
	v26 =	vld.idx.msk [tilespmem:v26+s3+$0x0], $0xffff  }
0x5f0: {  	[tilespmem:s26+$0xFFFFFEC0] =	vst v27;
	v30 =	vadd.s32 v1, v15;
	v34 =	vld.idx.msk [tilespmem:v34+s3+$0x0], $0xffff  }
0x5f1: {  	v16 =	vadd.s32 v8, v16;
	[tilespmem:s28+$0x10] =	vst v31;
	v29 =	vld.idx.msk [tilespmem:v29+s3+$0x0], $0xffff  }
0x5f2: {  	v31 =	vadd.s32 v1, v13;
	[tilespmem:s28+$0x90] =	vst v32;
	v23 =	vld.idx.msk [tilespmem:v23+s3+$0x0], $0xffff  }
0x5f3: {  	v56 =	vadd.s32 v1, v14;
	[tilespmem:s26+$0xC0] =	vst v22;
	v35 =	vld.idx.msk [tilespmem:v35+s3+$0x0], $0xffff  }
0x5f4: {  	[tilespmem:s26+$0xFFFFFF40] =	vst v24;
	v22 =	vadd.s32 v1, v12;
	v24 =	vld.idx.msk [tilespmem:v25+s3+$0x0], $0xffff  }
0x5f5: {  	v25 =	vld.idx.msk [tilespmem:v30+s3+$0x0], $0xffff;
	v30 =	vadd.s32 v7, v18;
	[tilespmem:s28+$0x120] =	vst v26  }
0x5f6: {  	s29 =	simm.s32 $0xA;
	v19 =	vadd.s32 v8, v19;
	[tilespmem:s26+$0xFFFFFFC0] =	vst v33;
	v36 =	vld.idx.msk [tilespmem:v16+s3+$0x0], $0xffff  }
0x5f7: {  	v57 =	vadd.s32 v2, v17;
	v26 =	vmov s29;
	v31 =	vld.idx.msk [tilespmem:v31+s3+$0x0], $0xffff;
	[tilespmem:s26+$0x40] =	vst v29  }
0x5f8: {  	[tilespmem:s28+$0xFFFFFF10] =	vst v28;
	v16 =	vand.u32 $0x3F, v26;
	v26 =	vadd.s32 v2, v15;
	v27 =	vld.idx.msk [tilespmem:v56+s3+$0x0], $0xffff  }
0x5f9: {  	v29 =	vadd.s32 v0, v16;
	v22 =	vld.idx.msk [tilespmem:v22+s3+$0x0], $0xffff;
	[tilespmem:s28+$0xA0] =	vst v35  }
0x5fa: {  	v58 =	vadd.s32 v2, v13;
	[tilespmem:s26+$0xD0] =	vst v24;
	v24 =	vld.idx.msk [tilespmem:v30+s3+$0x0], $0xffff  }
0x5fb: {  	v28 =	vadd.s32 v2, v14;
	[tilespmem:s28+$0x20] =	vst v23;
	v23 =	vld.idx.msk [tilespmem:v19+s3+$0x0], $0xffff  }
0x5fc: {  	v30 =	vadd.s32 v2, v12;
	[tilespmem:s26+$0xFFFFFF50] =	vst v25;
	v25 =	vld.idx.msk [tilespmem:v57+s3+$0x0], $0xffff  }
0x5fd: {  	v59 =	vadd.s32 v8, v20;
	v26 =	vld.idx.msk [tilespmem:v26+s3+$0x0], $0xffff  }
0x5fe: {  	v62 =	vadd.s32 v8, v18;
	[tilespmem:s26+$0xFFFFFFD0] =	vst v31;
	v20 =	vld.idx.msk [tilespmem:v29+s3+$0x0], $0xffff  }
0x5ff: {  	v29 =	vadd.s32 v3, v17;
	v32 =	vld.idx.msk [tilespmem:v58+s3+$0x0], $0xffff;
	[tilespmem:s26+$0x50] =	vst v27  }
0x600: {  	v31 =	vadd.s32 v3, v15;
	[tilespmem:s26+$0xFFFFFED0] =	vst v22;
	v27 =	vld.idx.msk [tilespmem:v28+s3+$0x0], $0xffff  }
0x601: {  	[tilespmem:s28+$0xFFFFFFA0] =	vst v34;
	v28 =	vld.idx.msk [tilespmem:v30+s3+$0x0], $0xffff;
	v30 =	vadd.s32 v3, v13  }
0x602: {  	v60 =	vadd.s32 v3, v14;
	v22 =	vadd.s32 v8, v21;
	v21 =	vld.idx.msk [tilespmem:v59+s3+$0x0], $0xffff;
	[tilespmem:s28+$0xFFFFFF20] =	vst v24  }
0x603: {  	[tilespmem:s26+$0xE0] =	vst v25;
	v25 =	vadd.s32 v3, v12;
	v24 =	vld.idx.msk [tilespmem:v62+s3+$0x0], $0xffff  }
0x604: {  	[tilespmem:s26+$0xFFFFFF60] =	vst v26;
	v26 =	vld.idx.msk [tilespmem:v29+s3+$0x0], $0xffff  }
0x605: {  	v29 =	vld.idx.msk [tilespmem:v31+s3+$0x0], $0xffff;
	[tilespmem:s26+$0xFFFFFFE0] =	vst v32;
	v31 =	vadd.s32 v4, v17  }
0x606: {  	v61 =	vadd.s32 v4, v15;
	v30 =	vld.idx.msk [tilespmem:v30+s3+$0x0], $0xffff;
	[tilespmem:s26+$0x60] =	vst v27  }
0x607: {  	s30 =	simm.s32 $0xB;
	v38 =	vadd.s32 v4, v13;
	[tilespmem:s26+$0xFFFFFEE0] =	vst v28;
	v34 =	vld.idx.msk [tilespmem:v60+s3+$0x0], $0xffff  }
0x608: {  	v63 =	vadd.s32 v4, v14;
	v18 =	vmov s30;
	[tilespmem:s28+$0x130] =	vst v36;
	v37 =	vld.idx.msk [tilespmem:v25+s3+$0x0], $0xffff  }
0x609: {  	v33 =	vadd.s32 v4, v12;
	v18 =	vand.u32 $0x7F, v18;
	v22 =	vld.idx.msk [tilespmem:v22+s3+$0x0], $0xffff;
	[tilespmem:s26+$0xF0] =	vst v26  }
0x60a: {  	s31 =	simm.s32 $0xC;
	v25 =	vadd.s32 v0, v18;
	[tilespmem:s26+$0xFFFFFF70] =	vst v29;
	v27 =	vld.idx.msk [tilespmem:v31+s3+$0x0], $0xffff  }
0x60b: {  	v19 =	vmov s31;
	v28 =	vld.idx.msk [tilespmem:v61+s3+$0x0], $0xffff;
	v31 =	vadd.s32 v6, v17;
	[tilespmem:s26+$0xFFFFFFF0] =	vst v30  }
0x60c: {  	v19 =	vand.u32 $0x7F, v19;
	v32 =	vadd.s32 v6, v15;
	v29 =	vld.idx.msk [tilespmem:v38+s3+$0x0], $0xffff;
	[tilespmem:s26+$0x70] =	vst v34  }
0x60d: {  	s0 =	simm.s32 $0xF;
	s1 =	simm.s32 $0xE;
	v26 =	vadd.s32 v0, v19;
	[tilespmem:s26+$0xFFFFFEF0] =	vst v37;
	v30 =	vld.idx.msk [tilespmem:v63+s3+$0x0], $0xffff  }
.LBB2_54:
0x60e: {  	p0 =	slt.u32 s0, $0x2D;
	v34 =	vmov s1;
	v33 =	vld.idx.msk [tilespmem:v33+s3+$0x0], $0xffff;
	v35 =	vadd.s32 v6, v13;
	[tilespmem:s28+$0xFFFFFFB0] =	vst v21  }
0x60f: {  	v21 =	vld.idx.msk [tilespmem:v25+s3+$0x0], $0xffff;
	v25 =	vand.u32 $0x7F, v34;
	v34 =	vadd.s32 v6, v14;
	[tilespmem:s26+$0x100] =	vst v27  }
0x610: {  	v27 =	vadd.s32 v0, v25;
	[tilespmem:s26+$0xFFFFFF80] =	vst v28;
	v28 =	vld.idx.msk [tilespmem:v31+s3+$0x0], $0xffff  }
0x611: {  	s1 =	sadd.s32 $0x3, s29;
	s29 =	smov.u32 s0;
	v31 =	vadd.s32 v6, v12;
	v32 =	vld.idx.msk [tilespmem:v32+s3+$0x0], $0xffff;
	[tilespmem:s28+$0x30] =	vst v22  }
0x612: {  	v22 =	vld.idx.msk [tilespmem:v26+s3+$0x0], $0xffff;
	v26 =	vmov s1;
	[tilespmem:s26+$0x0] =	vst v29;
	v29 =	vadd.s32 v7, v17  }
0x613: {  	v36 =	vadd.s32 v7, v15;
	v26 =	vand.u32 $0x7F, v26;
	v35 =	vld.idx.msk [tilespmem:v35+s3+$0x0], $0xffff;
	[tilespmem:s26+$0x80] =	vst v30  }
0x614: {  	v30 =	vadd.s32 v0, v26;
	[tilespmem:s26+$0xFFFFFF00] =	vst v33;
	v33 =	vld.idx.msk [tilespmem:v34+s3+$0x0], $0xffff  }
0x615: {  	v34 =	vadd.s32 v7, v13;
	v27 =	vld.idx.msk [tilespmem:v27+s3+$0x0], $0xffff;
	[tilespmem:s28+$0xB0] =	vst v23  }
0x616: {  	v23 =	vld.idx.msk [tilespmem:v31+s3+$0x0], $0xffff;
	v31 =	vadd.s32 v7, v14;
	[tilespmem:s26+$0x110] =	vst v28  }
0x617: {  	v28 =	vadd.s32 v1, v25;
	[tilespmem:s26+$0xFFFFFF90] =	vst v32;
	v29 =	vld.idx.msk [tilespmem:v29+s3+$0x0], $0xffff  }
0x618: {  	v32 =	vadd.s32 v1, v18;
	v36 =	vld.idx.msk [tilespmem:v36+s3+$0x0], $0xffff;
	[tilespmem:s28+$0xFFFFFF30] =	vst v24;
	s28 =	smov.u32 s26  }
0x619: {  	v24 =	vld.idx.msk [tilespmem:v30+s3+$0x0], $0xffff;
	[tilespmem:s26+$0x10] =	vst v35;
	v30 =	vadd.s32 v8, v17;
	v17 =	vmov v25  }
0x61a: {  	v25 =	vadd.s32 v1, v19;
	s26 =	sadd.s32 $0x280, s26;
	v34 =	vld.idx.msk [tilespmem:v34+s3+$0x0], $0xffff;
	[tilespmem:s28+$0x90] =	vst v33  }
0x61b: {  	v33 =	vadd.s32 v1, v26;
	[tilespmem:s26+$0xC0] =	vst v27;
	v27 =	vld.idx.msk [tilespmem:v31+s3+$0x0], $0xffff  }
0x61c: {  	v31 =	vadd.s32 v1, v16;
	[tilespmem:s26+$0xFFFFFF40] =	vst v21;
	v21 =	vld.idx.msk [tilespmem:v28+s3+$0x0], $0xffff  }
0x61d: {  	v28 =	vld.idx.msk [tilespmem:v32+s3+$0x0], $0xffff;
	v32 =	vadd.s32 v7, v12;
	[tilespmem:s28+$0x120] =	vst v29  }
0x61e: {  	v29 =	vmov s0;
	[tilespmem:s26+$0xFFFFFFC0] =	vst v22;
	v22 =	vadd.s32 v2, v17;
	v30 =	vld.idx.msk [tilespmem:v30+s3+$0x0], $0xffff  }
0x61f: {  	v35 =	vadd.s32 v2, v18;
	v29 =	vand.u32 $0x3F, v29;
	v25 =	vld.idx.msk [tilespmem:v25+s3+$0x0], $0xffff;
	[tilespmem:s26+$0x40] =	vst v24  }
0x620: {  	v24 =	vadd.s32 v0, v29;
	[tilespmem:s26+$0xFFFFFEC0] =	vst v20;
	v33 =	vld.idx.msk [tilespmem:v33+s3+$0x0], $0xffff  }
0x621: {  	v37 =	vadd.s32 v2, v19;
	v31 =	vld.idx.msk [tilespmem:v31+s3+$0x0], $0xffff;
	[tilespmem:s28+$0xFFFFFF10] =	vst v23  }
0x622: {  	v23 =	vadd.s32 v2, v26;
	[tilespmem:s26+$0xD0] =	vst v21;
	v32 =	vld.idx.msk [tilespmem:v32+s3+$0x0], $0xffff  }
0x623: {  	v21 =	vadd.s32 v2, v16;
	[tilespmem:s26+$0xFFFFFF50] =	vst v28;
	v22 =	vld.idx.msk [tilespmem:v22+s3+$0x0], $0xffff  }
0x624: {  	v28 =	vld.idx.msk [tilespmem:v35+s3+$0x0], $0xffff;
	v35 =	vadd.s32 v8, v15;
	[tilespmem:s28+$0x130] =	vst v30;
	v15 =	vmov v18  }
0x625: {  	v18 =	vadd.s32 v3, v17;
	v20 =	vld.idx.msk [tilespmem:v24+s3+$0x0], $0xffff;
	[tilespmem:s26+$0xFFFFFFD0] =	vst v25  }
0x626: {  	v24 =	vadd.s32 v3, v15;
	v25 =	vld.idx.msk [tilespmem:v37+s3+$0x0], $0xffff;
	[tilespmem:s26+$0x50] =	vst v33  }
0x627: {  	v30 =	vadd.s32 v8, v13;
	v13 =	vmov v19;
	[tilespmem:s26+$0xFFFFFED0] =	vst v31;
	v23 =	vld.idx.msk [tilespmem:v23+s3+$0x0], $0xffff  }
0x628: {  	v31 =	vadd.s32 v3, v13;
	v19 =	vld.idx.msk [tilespmem:v21+s3+$0x0], $0xffff;
	[tilespmem:s28+$0xFFFFFFA0] =	vst v36  }
0x629: {  	v33 =	vadd.s32 v3, v26;
	[tilespmem:s26+$0xE0] =	vst v22;
	v21 =	vld.idx.msk [tilespmem:v35+s3+$0x0], $0xffff  }
0x62a: {  	v35 =	vadd.s32 v3, v16;
	[tilespmem:s26+$0xFFFFFF60] =	vst v28;
	v18 =	vld.idx.msk [tilespmem:v18+s3+$0x0], $0xffff  }
0x62b: {  	v28 =	vadd.s32 v8, v14;
	v14 =	vmov v26;
	v24 =	vld.idx.msk [tilespmem:v24+s3+$0x0], $0xffff;
	[tilespmem:s28+$0x20] =	vst v34  }
0x62c: {  	[tilespmem:s26+$0xFFFFFFE0] =	vst v25;
	v25 =	vadd.s32 v4, v17;
	v22 =	vld.idx.msk [tilespmem:v30+s3+$0x0], $0xffff  }
0x62d: {  	v26 =	vadd.s32 v4, v15;
	v30 =	vld.idx.msk [tilespmem:v31+s3+$0x0], $0xffff;
	[tilespmem:s26+$0x60] =	vst v23  }
0x62e: {  	[tilespmem:s26+$0xFFFFFEE0] =	vst v19;
	v34 =	vld.idx.msk [tilespmem:v33+s3+$0x0], $0xffff;
	v19 =	vadd.s32 v8, v12;
	v12 =	vmov v16;
	v16 =	vmov v29  }
0x62f: {  	s1 =	sadd.s32 $0x1, s0;
	v29 =	vadd.s32 v4, v13;
	v35 =	vld.idx.msk [tilespmem:v35+s3+$0x0], $0xffff;
	[tilespmem:s28+$0xA0] =	vst v27  }
0x630: {  	v36 =	vadd.s32 v4, v14;
	v27 =	vmov s1;
	[tilespmem:s26+$0xF0] =	vst v18;
	v23 =	vld.idx.msk [tilespmem:v28+s3+$0x0], $0xffff  }
.Ltmp27:
0x631: {  	v33 =	vadd.s32 v4, v12;
	v18 =	vand.u32 $0x7F, v27;
	[tilespmem:s26+$0xFFFFFF70] =	vst v24;
	v27 =	vld.idx.msk [tilespmem:v25+s3+$0x0], $0xffff;
	(pc) =	sbr.rel @p0 .LBB2_54-.Ltmp27, $4  }
0x632: {  	s1 =	sadd.s32 $0x2, s0;
	v25 =	vadd.s32 v0, v18;
	v28 =	vld.idx.msk [tilespmem:v26+s3+$0x0], $0xffff;
	[tilespmem:s28+$0xFFFFFF20] =	vst v32  }
0x633: {  	v31 =	vadd.s32 v6, v17;
	v26 =	vmov s1;
	[tilespmem:s26+$0xFFFFFFF0] =	vst v30;
	v24 =	vld.idx.msk [tilespmem:v19+s3+$0x0], $0xffff  }
0x634: {  	v32 =	vadd.s32 v6, v15;
	v19 =	vand.u32 $0x7F, v26;
	v29 =	vld.idx.msk [tilespmem:v29+s3+$0x0], $0xffff;
	[tilespmem:s26+$0x70] =	vst v34  }
0x635: {  	s0 =	sadd.s32 $0x5, s0;
	s1 =	sadd.s32 $0x4, s29;
	v26 =	vadd.s32 v0, v19;
	[tilespmem:s26+$0xFFFFFEF0] =	vst v35;
	v30 =	vld.idx.msk [tilespmem:v36+s3+$0x0], $0xffff  }
0x636: {  	[tilespmem:s28+$0xFFFFFFB0] =	vst v21  }
0x637: {  	[tilespmem:s26+$0x100] =	vst v27  }
0x638: {  	[tilespmem:s28+$0x30] =	vst v22  }
0x639: {  	v34 =	vadd.s32 v6, v13;
	[tilespmem:s28+$0xB0] =	vst v23  }
0x63a: {  	v33 =	vld.idx.msk [tilespmem:v33+s3+$0x0], $0xffff;
	v55 =	vadd.s32 v6, v14;
	s31 =	sadd.s32 $0x280, s26;
	[tilespmem:s26+$0xFFFFFF80] =	vst v28  }
0x63b: {  	v25 =	vld.idx.msk [tilespmem:v25+s3+$0x0], $0xffff;
	[tilespmem:s31+$0xFFFFFEC0] =	vst v20  }
0x63c: {  	v41 =	vadd.s32 v1, v16;
	v31 =	vld.idx.msk [tilespmem:v31+s3+$0x0], $0xffff;
	[tilespmem:s28+$0xFFFFFF30] =	vst v24  }
0x63d: {  	v54 =	vmov s1;
	v62 =	vadd.s32 v6, v12;
	v32 =	vld.idx.msk [tilespmem:v32+s3+$0x0], $0xffff;
	[tilespmem:s26+$0x0] =	vst v29  }
0x63e: {  	s0 =	sadd.s32 $0x3, s29;
	v35 =	vadd.s32 v1, v18;
	v21 =	vand.u32 $0x7F, v54;
	[tilespmem:s26+$0x80] =	vst v30;
	v59 =	vld.idx.msk [tilespmem:v34+s3+$0x0], $0xffff  }
0x63f: {  	v57 =	vmov s0;
	v56 =	vadd.s32 v0, v21;
	[tilespmem:s26+$0xFFFFFF00] =	vst v33;
	v27 =	vld.idx.msk [tilespmem:v55+s3+$0x0], $0xffff  }
0x640: {  	v58 =	vadd.s32 v7, v17;
	v22 =	vand.u32 $0x7F, v57;
	v34 =	vld.idx.msk [tilespmem:v26+s3+$0x0], $0xffff;
	[tilespmem:s31+$0xFFFFFF40] =	vst v25  }
0x641: {  	v60 =	vadd.s32 v0, v22;
	v46 =	vld.idx.msk [tilespmem:v41+s3+$0x0], $0xffff;
	[tilespmem:s26+$0x110] =	vst v31  }
0x642: {  	v38 =	vadd.s32 v1, v19;
	v39 =	vld.idx.msk [tilespmem:v62+s3+$0x0], $0xffff;
	[tilespmem:s26+$0xFFFFFF90] =	vst v32  }
0x643: {  	v45 =	vadd.s32 v7, v13;
	v26 =	vld.idx.msk [tilespmem:v35+s3+$0x0], $0xffff;
	[tilespmem:s26+$0x10] =	vst v59  }
0x644: {  	v49 =	vadd.s32 v2, v16;
	v61 =	vld.idx.msk [tilespmem:v56+s3+$0x0], $0xffff;
	[tilespmem:s26+$0x90] =	vst v27  }
0x645: {  	v42 =	vadd.s32 v7, v15;
	v29 =	vld.idx.msk [tilespmem:v58+s3+$0x0], $0xffff;
	[tilespmem:s31+$0xFFFFFFC0] =	vst v34  }
0x646: {  	v63 =	vadd.s32 v1, v21;
	v36 =	vld.idx.msk [tilespmem:v60+s3+$0x0], $0xffff;
	[tilespmem:s31+$0xFFFFFED0] =	vst v46  }
0x647: {  	v40 =	vadd.s32 v1, v22;
	v27 =	vld.idx.msk [tilespmem:v38+s3+$0x0], $0xffff;
	[tilespmem:s26+$0xFFFFFF10] =	vst v39  }
0x648: {  	v44 =	vadd.s32 v2, v18;
	[tilespmem:s31+$0xFFFFFF50] =	vst v26;
	v20 =	vld.idx.msk [tilespmem:v45+s3+$0x0], $0xffff  }
0x649: {  	v53 =	vadd.s32 v7, v12;
	v26 =	vld.idx.msk [tilespmem:v49+s3+$0x0], $0xffff;
	[tilespmem:s31+$0xC0] =	vst v61  }
0x64a: {  	v47 =	vadd.s32 v2, v19;
	[tilespmem:s26+$0x120] =	vst v29;
	v29 =	vld.idx.msk [tilespmem:v42+s3+$0x0], $0xffff  }
0x64b: {  	v37 =	vadd.s32 v8, v17;
	v31 =	vld.idx.msk [tilespmem:v63+s3+$0x0], $0xffff;
	[tilespmem:s31+$0x40] =	vst v36  }
0x64c: {  	v43 =	vadd.s32 v2, v21;
	v28 =	vld.idx.msk [tilespmem:v40+s3+$0x0], $0xffff;
	[tilespmem:s31+$0xFFFFFFD0] =	vst v27  }
0x64d: {  	v48 =	vadd.s32 v2, v22;
	v30 =	vld.idx.msk [tilespmem:v44+s3+$0x0], $0xffff;
	[tilespmem:s26+$0x20] =	vst v20  }
0x64e: {  	v56 =	vadd.s32 v3, v16;
	v23 =	vld.idx.msk [tilespmem:v53+s3+$0x0], $0xffff;
	[tilespmem:s31+$0xFFFFFEE0] =	vst v26  }
0x64f: {  	v52 =	vadd.s32 v3, v18;
	v25 =	vld.idx.msk [tilespmem:v47+s3+$0x0], $0xffff;
	[tilespmem:s26+$0xFFFFFFA0] =	vst v29  }
0x650: {  	v54 =	vadd.s32 v3, v19;
	v17 =	vld.idx.msk [tilespmem:v37+s3+$0x0], $0xffff;
	[tilespmem:s31+$0xD0] =	vst v31  }
0x651: {  	v34 =	vadd.s32 v8, v13;
	v24 =	vld.idx.msk [tilespmem:v43+s3+$0x0], $0xffff;
	[tilespmem:s31+$0x50] =	vst v28  }
0x652: {  	v51 =	vadd.s32 v3, v21;
	[tilespmem:s31+$0xFFFFFF60] =	vst v30;
	v31 =	vld.idx.msk [tilespmem:v48+s3+$0x0], $0xffff  }
0x653: {  	v55 =	vadd.s32 v3, v22;
	v62 =	vld.idx.msk [tilespmem:v56+s3+$0x0], $0xffff;
	[tilespmem:s26+$0xFFFFFF20] =	vst v23  }
0x654: {  	v50 =	vadd.s32 v7, v14;
	v58 =	vld.idx.msk [tilespmem:v52+s3+$0x0], $0xffff;
	[tilespmem:s31+$0xFFFFFFE0] =	vst v25  }
0x655: {  	v60 =	vadd.s32 v4, v18;
	[tilespmem:s26+$0x130] =	vst v17;
	v29 =	vld.idx.msk [tilespmem:v54+s3+$0x0], $0xffff  }
0x656: {  	v61 =	vadd.s32 v4, v19;
	v13 =	vld.idx.msk [tilespmem:v34+s3+$0x0], $0xffff;
	[tilespmem:s31+$0xE0] =	vst v24  }
0x657: {  	v33 =	vadd.s32 v4, v16;
	v27 =	vld.idx.msk [tilespmem:v51+s3+$0x0], $0xffff;
	[tilespmem:s31+$0x60] =	vst v31  }
0x658: {  	v59 =	vadd.s32 v4, v21;
	[tilespmem:s31+$0xFFFFFEF0] =	vst v62;
	v24 =	vld.idx.msk [tilespmem:v55+s3+$0x0], $0xffff  }
0x659: {  	v63 =	vadd.s32 v4, v22;
	v17 =	vld.idx.msk [tilespmem:v50+s3+$0x0], $0xffff;
	[tilespmem:s31+$0xFFFFFF70] =	vst v58  }
0x65a: {  	v57 =	vadd.s32 v8, v15;
	v36 =	vld.idx.msk [tilespmem:v60+s3+$0x0], $0xffff;
	[tilespmem:s31+$0xFFFFFFF0] =	vst v29  }
0x65b: {  	v38 =	vadd.s32 v6, v18;
	[tilespmem:s26+$0x30] =	vst v13;
	v26 =	vld.idx.msk [tilespmem:v61+s3+$0x0], $0xffff  }
0x65c: {  	v40 =	vadd.s32 v6, v19;
	[tilespmem:s31+$0xF0] =	vst v27;
	v27 =	vld.idx.msk [tilespmem:v33+s3+$0x0], $0xffff  }
0x65d: {  	v42 =	vadd.s32 v6, v16;
	v35 =	vld.idx.msk [tilespmem:v59+s3+$0x0], $0xffff;
	[tilespmem:s31+$0x70] =	vst v24  }
0x65e: {  	v37 =	vadd.s32 v6, v21;
	[tilespmem:s26+$0xA0] =	vst v17;
	v39 =	vld.idx.msk [tilespmem:v63+s3+$0x0], $0xffff  }
0x65f: {  	v41 =	vadd.s32 v6, v22;
	v15 =	vld.idx.msk [tilespmem:v57+s3+$0x0], $0xffff;
	[tilespmem:s31+$0xFFFFFF80] =	vst v36  }
0x660: {  	v52 =	vadd.s32 v8, v12;
	v45 =	vld.idx.msk [tilespmem:v38+s3+$0x0], $0xffff;
	[tilespmem:s31+$0x0] =	vst v26  }
0x661: {  	v47 =	vadd.s32 v7, v18;
	v24 =	vld.idx.msk [tilespmem:v40+s3+$0x0], $0xffff;
	[tilespmem:s31+$0xFFFFFF00] =	vst v27  }
0x662: {  	v48 =	vadd.s32 v7, v19;
	[tilespmem:s31+$0x100] =	vst v35;
	v49 =	vld.idx.msk [tilespmem:v42+s3+$0x0], $0xffff  }
0x663: {  	v51 =	vadd.s32 v7, v16;
	v44 =	vld.idx.msk [tilespmem:v37+s3+$0x0], $0xffff;
	[tilespmem:s31+$0x80] =	vst v39  }
0x664: {  	v46 =	vadd.s32 v7, v21;
	[tilespmem:s26+$0xFFFFFFB0] =	vst v15;
	v15 =	vld.idx.msk [tilespmem:v41+s3+$0x0], $0xffff  }
0x665: {  	v50 =	vadd.s32 v7, v22;
	v12 =	vld.idx.msk [tilespmem:v52+s3+$0x0], $0xffff;
	[tilespmem:s31+$0xFFFFFF90] =	vst v45  }
0x666: {  	v43 =	vadd.s32 v8, v14;
	v54 =	vld.idx.msk [tilespmem:v47+s3+$0x0], $0xffff;
	[tilespmem:s31+$0x10] =	vst v24  }
0x667: {  	v55 =	vadd.s32 v8, v18;
	v17 =	vld.idx.msk [tilespmem:v48+s3+$0x0], $0xffff;
	[tilespmem:s31+$0xFFFFFF10] =	vst v49  }
0x668: {  	v57 =	vadd.s32 v8, v19;
	[tilespmem:s31+$0x110] =	vst v44;
	v58 =	vld.idx.msk [tilespmem:v51+s3+$0x0], $0xffff  }
0x669: {  	v60 =	vadd.s32 v8, v16;
	v53 =	vld.idx.msk [tilespmem:v46+s3+$0x0], $0xffff;
	[tilespmem:s31+$0x90] =	vst v15  }
0x66a: {  	v21 =	vadd.s32 v8, v21;
	[tilespmem:s26+$0xFFFFFF30] =	vst v12;
	v56 =	vld.idx.msk [tilespmem:v50+s3+$0x0], $0xffff  }
0x66b: {  	v14 =	vld.idx.msk [tilespmem:v43+s3+$0x0], $0xffff;
	v59 =	vadd.s32 v8, v22;
	[tilespmem:s31+$0xFFFFFFA0] =	vst v54  }
0x66c: {  	v15 =	vld.idx.msk [tilespmem:v55+s3+$0x0], $0xffff;
	[tilespmem:s31+$0x20] =	vst v17  }
0x66d: {  	v13 =	vld.idx.msk [tilespmem:v57+s3+$0x0], $0xffff;
	[tilespmem:s31+$0xFFFFFF20] =	vst v58  }
0x66e: {  	[tilespmem:s31+$0x120] =	vst v53;
	v63 =	vld.idx.msk [tilespmem:v60+s3+$0x0], $0xffff  }
0x66f: {  	v61 =	vld.idx.msk [tilespmem:v21+s3+$0x0], $0xffff;
	[tilespmem:s31+$0xA0] =	vst v56  }
0x670: {  	[tilespmem:s26+$0xB0] =	vst v14;
	v62 =	vld.idx.msk [tilespmem:v59+s3+$0x0], $0xffff  }
0x671: {  	[tilespmem:s31+$0xFFFFFFB0] =	vst v15  }
0x672: {  	[tilespmem:s31+$0x30] =	vst v13  }
0x673: {  	[tilespmem:s31+$0xFFFFFF30] =	vst v63  }
0x674: {  	[tilespmem:s31+$0x130] =	vst v61  }
0x675: {  	s28 =	simm.s32 $0x0;
	s26 =	simm.s32 $0x0;
	[tilespmem:s31+$0xB0] =	vst v62  }
0x676: {  	[tilespmem:s17], [sflag:$0x1] =	stream.indirect.gather [hbm4b:s4+s15], $0x40, s16, s15, $0xb8;
	[tilespmem:$0xB900] =	vst v63  }
.LBB2_56:
0x677: {  	s29 =	sshllo.u32 s28, $0x1  }
0x678: {  	s0 =	sshll.u32 s29, $0x7  }
0x679: {  	s0 =	sand.u32 $0x3FFFFF80, s0  }
0x67a: {  	s0 =	sadd.s32 $0x1C00, s0  }
0x67b: {  	[tilespmem:s18], [sflag:$0x2] =	stream.indirect.gather [hbm4b:s4+s15], $0x40, s0, s15, $0xb8;
	[tilespmem:$0xB900] =	vst v63  }
0x67c: {  	_ =	swait.ge [sflag:s19], $0x2000  }
0x67d: {  	[sflag:s19] =	ssyncset.done $0x0  }
0x67e: {  	[sflag:s19] =	ssyncadd.s32 $0xFFFFE000  }
0x67f: {  	s1 =	simm.s32 $0x5;
	_ =	swait.ge [sflag:s24], $0x2000  }
0x680: {  	v12 =	vmov s1;
	[sflag:s24] =	ssyncset.done $0x0  }
0x681: {  	s31 =	simm.s32 $0x35C0;
	v13 =	vmov s26;
	s5 =	simm.s32 $0x1;
	v14 =	vand.u32 $0xFF, v12;
	[sflag:s24] =	ssyncadd.s32 $0xFFFFE000  }
0x682: {  	s7 =	simm.s32 $0x2;
	v15 =	vand.u32 $0x7E, v13;
	v12 =	vmov s5;
	v17 =	vadd.s32 v5, v14;
	v16 =	vld [tilespmem:s31+$0x80]  }
0x683: {  	s1 =	simm.s32 $0x3;
	v19 =	vadd.s32 v5, v15;
	v24 =	vand.u32 $0x7F, v12;
	v12 =	vmov s7;
	v18 =	vld [tilespmem:s31+$0xFFFFFF40]  }
0x684: {  	s5 =	simm.s32 $0x4;
	v21 =	vadd.s32 v5, v24;
	v25 =	vand.u32 $0xFE, v12;
	v12 =	vmov s1;
	v20 =	vld [tilespmem:s31+$0xFFFFFF80]  }
0x685: {  	v23 =	vadd.s32 v5, v25;
	v13 =	vand.u32 $0xFF, v12;
	v12 =	vmov s5;
	v22 =	vld [tilespmem:s31+$0xFFFFFFC0]  }
0x686: {  	v27 =	vadd.s32 v5, v13;
	v12 =	vand.u32 $0xFE, v12;
	v26 =	vld [tilespmem:s31+$0x0]  }
0x687: {  	v29 =	vadd.s32 v5, v12;
	v28 =	vld [tilespmem:s31+$0x40];
	[tilespmem:v17+s20+$0x0] =	vst.idx.msk $0xffff, v16  }
0x688: {  	[tilespmem:v19+s20+$0x0] =	vst.idx.msk $0xffff, v18;
	v17 =	vadd.s32 v9, v14;
	v16 =	vld [tilespmem:s31+$0x90]  }
0x689: {  	v19 =	vadd.s32 v9, v15;
	[tilespmem:v21+s20+$0x0] =	vst.idx.msk $0xffff, v20;
	v18 =	vld [tilespmem:s31+$0xFFFFFF50]  }
0x68a: {  	v21 =	vadd.s32 v9, v24;
	[tilespmem:v23+s20+$0x0] =	vst.idx.msk $0xffff, v22;
	v20 =	vld [tilespmem:s31+$0xFFFFFF90]  }
0x68b: {  	v23 =	vadd.s32 v9, v25;
	[tilespmem:v27+s20+$0x0] =	vst.idx.msk $0xffff, v26;
	v22 =	vld [tilespmem:s31+$0xFFFFFFD0]  }
0x68c: {  	v61 =	vadd.s32 v9, v13;
	[tilespmem:v29+s20+$0x0] =	vst.idx.msk $0xffff, v28;
	v26 =	vld [tilespmem:s31+$0x10]  }
0x68d: {  	v62 =	vadd.s32 v9, v12;
	v28 =	vld [tilespmem:s31+$0x50];
	[tilespmem:v17+s20+$0x0] =	vst.idx.msk $0xffff, v16  }
0x68e: {  	[tilespmem:v19+s20+$0x0] =	vst.idx.msk $0xffff, v18;
	v17 =	vadd.s32 v10, v14;
	v16 =	vld [tilespmem:s31+$0xA0]  }
0x68f: {  	v19 =	vadd.s32 v10, v15;
	[tilespmem:v21+s20+$0x0] =	vst.idx.msk $0xffff, v20;
	v18 =	vld [tilespmem:s31+$0xFFFFFF60]  }
0x690: {  	v31 =	vadd.s32 v10, v24;
	[tilespmem:v23+s20+$0x0] =	vst.idx.msk $0xffff, v22;
	v30 =	vld [tilespmem:s31+$0xFFFFFFA0]  }
0x691: {  	v33 =	vadd.s32 v10, v25;
	[tilespmem:v61+s20+$0x0] =	vst.idx.msk $0xffff, v26;
	v32 =	vld [tilespmem:s31+$0xFFFFFFE0]  }
0x692: {  	v63 =	vadd.s32 v10, v13;
	[tilespmem:v62+s20+$0x0] =	vst.idx.msk $0xffff, v28;
	v26 =	vld [tilespmem:s31+$0x20]  }
0x693: {  	v23 =	vadd.s32 v10, v12;
	v21 =	vld [tilespmem:s31+$0x60];
	[tilespmem:v17+s20+$0x0] =	vst.idx.msk $0xffff, v16  }
0x694: {  	s7 =	sshll.u32 s28, $0x15;
	v22 =	vadd.s32 v11, v14;
	[tilespmem:v19+s20+$0x0] =	vst.idx.msk $0xffff, v18;
	v20 =	vld [tilespmem:s31+$0xB0]  }
0x695: {  	s0 =	sor.u32 s12, s7;
	[tilespmem:v31+s20+$0x0] =	vst.idx.msk $0xffff, v30;
	v19 =	vadd.s32 v11, v15;
	v17 =	vld [tilespmem:s31+$0xFFFFFF70]  }
0x696: {  	s1 =	simm.s32 $0xC;
	s0 =	sshrl.u32 s0, $0x3;
	[tilespmem:v33+s20+$0x0] =	vst.idx.msk $0xffff, v32;
	v18 =	vadd.s32 v11, v24;
	v15 =	vld [tilespmem:s31+$0xFFFFFFB0]  }
0x697: {  	s5 =	simm.s32 $0xB;
	s30 =	sadd.s32 s2, s0;
	s0 =	simm.s32 $0x6;
	v16 =	vadd.s32 v11, v25;
	[tilespmem:v63+s20+$0x0] =	vst.idx.msk $0xffff, v26;
	v14 =	vld [tilespmem:s31+$0xFFFFFFF0]  }
.LBB2_57:
0x698: {  	p0 =	slt.u32 s1, $0x78;
	v24 =	vmov s5;
	v25 =	vld [tilespmem:s31+$0x30];
	v26 =	vadd.s32 v11, v13;
	[tilespmem:v23+s20+$0x0] =	vst.idx.msk $0xffff, v21  }
0x699: {  	v13 =	vmov s0;
	s5 =	sadd.s32 $0x1, s0;
	v23 =	vadd.s32 v11, v12;
	v24 =	vand.u32 $0xFF, v24;
	v21 =	vld [tilespmem:s31+$0x70];
	[tilespmem:v22+s20+$0x0] =	vst.idx.msk $0xffff, v20;
	s31 =	sadd.s32 $0x180, s31  }
0x69a: {  	v27 =	vand.u32 $0x7E, v13;
	v12 =	vmov s5;
	s5 =	sadd.s32 $0x2, s0;
	v20 =	vld [tilespmem:s31+$0x80];
	v22 =	vadd.s32 v5, v24;
	[tilespmem:v19+s20+$0x0] =	vst.idx.msk $0xffff, v17  }
0x69b: {  	v19 =	vadd.s32 v5, v27;
	v28 =	vand.u32 $0x7F, v12;
	v12 =	vmov s5;
	s5 =	sadd.s32 $0x3, s0;
	v17 =	vld [tilespmem:s31+$0xFFFFFF40];
	[tilespmem:v18+s20+$0x0] =	vst.idx.msk $0xffff, v15  }
0x69c: {  	v18 =	vadd.s32 v5, v28;
	v29 =	vand.u32 $0xFE, v12;
	v12 =	vmov s5;
	s5 =	sadd.s32 $0x4, s0;
	s0 =	smov.u32 s1;
	v15 =	vld [tilespmem:s31+$0xFFFFFF80];
	[tilespmem:v16+s20+$0x0] =	vst.idx.msk $0xffff, v14  }
0x69d: {  	v16 =	vadd.s32 v5, v29;
	v13 =	vand.u32 $0xFF, v12;
	v12 =	vmov s5;
	v14 =	vld [tilespmem:s31+$0xFFFFFFC0];
	[tilespmem:v26+s20+$0x0] =	vst.idx.msk $0xffff, v25  }
0x69e: {  	v26 =	vadd.s32 v5, v13;
	v12 =	vand.u32 $0xFE, v12;
	v25 =	vld [tilespmem:s31+$0x0];
	[tilespmem:v23+s20+$0x0] =	vst.idx.msk $0xffff, v21  }
0x69f: {  	v23 =	vadd.s32 v5, v12;
	v21 =	vld [tilespmem:s31+$0x40];
	[tilespmem:v22+s20+$0x0] =	vst.idx.msk $0xffff, v20  }
0x6a0: {  	[tilespmem:v19+s20+$0x0] =	vst.idx.msk $0xffff, v17;
	v17 =	vld [tilespmem:s31+$0x90];
	v19 =	vadd.s32 v9, v24  }
0x6a1: {  	v22 =	vadd.s32 v9, v27;
	v20 =	vld [tilespmem:s31+$0xFFFFFF50];
	[tilespmem:v18+s20+$0x0] =	vst.idx.msk $0xffff, v15  }
0x6a2: {  	v18 =	vadd.s32 v9, v28;
	v15 =	vld [tilespmem:s31+$0xFFFFFF90];
	[tilespmem:v16+s20+$0x0] =	vst.idx.msk $0xffff, v14  }
0x6a3: {  	v16 =	vadd.s32 v9, v29;
	v14 =	vld [tilespmem:s31+$0xFFFFFFD0];
	[tilespmem:v26+s20+$0x0] =	vst.idx.msk $0xffff, v25  }
0x6a4: {  	v26 =	vadd.s32 v9, v13;
	v25 =	vld [tilespmem:s31+$0x10];
	[tilespmem:v23+s20+$0x0] =	vst.idx.msk $0xffff, v21  }
0x6a5: {  	v23 =	vadd.s32 v9, v12;
	v21 =	vld [tilespmem:s31+$0x50];
	[tilespmem:v19+s20+$0x0] =	vst.idx.msk $0xffff, v17  }
0x6a6: {  	v19 =	vadd.s32 v10, v24;
	[tilespmem:v22+s20+$0x0] =	vst.idx.msk $0xffff, v20;
	v17 =	vld [tilespmem:s31+$0xA0]  }
0x6a7: {  	v22 =	vadd.s32 v10, v27;
	v20 =	vld [tilespmem:s31+$0xFFFFFF60];
	[tilespmem:v18+s20+$0x0] =	vst.idx.msk $0xffff, v15  }
0x6a8: {  	v18 =	vadd.s32 v10, v28;
	v15 =	vld [tilespmem:s31+$0xFFFFFFA0];
	[tilespmem:v16+s20+$0x0] =	vst.idx.msk $0xffff, v14  }
0x6a9: {  	v16 =	vadd.s32 v10, v29;
	v14 =	vld [tilespmem:s31+$0xFFFFFFE0];
	[tilespmem:v26+s20+$0x0] =	vst.idx.msk $0xffff, v25  }
0x6aa: {  	v26 =	vadd.s32 v10, v13;
	v25 =	vld [tilespmem:s31+$0x20];
	[tilespmem:v23+s20+$0x0] =	vst.idx.msk $0xffff, v21  }
.Ltmp28:
0x6ab: {  	v23 =	vadd.s32 v10, v12;
	v21 =	vld [tilespmem:s31+$0x60];
	[tilespmem:v19+s20+$0x0] =	vst.idx.msk $0xffff, v17;
	(pc) =	sbr.rel @p0 .LBB2_57-.Ltmp28, $4  }
0x6ac: {  	[tilespmem:v22+s20+$0x0] =	vst.idx.msk $0xffff, v20;
	v20 =	vld [tilespmem:s31+$0xB0];
	v22 =	vadd.s32 v11, v24  }
0x6ad: {  	v19 =	vadd.s32 v11, v27;
	v17 =	vld [tilespmem:s31+$0xFFFFFF70];
	[tilespmem:v18+s20+$0x0] =	vst.idx.msk $0xffff, v15  }
0x6ae: {  	v18 =	vadd.s32 v11, v28;
	v15 =	vld [tilespmem:s31+$0xFFFFFFB0];
	[tilespmem:v16+s20+$0x0] =	vst.idx.msk $0xffff, v14  }
0x6af: {  	s1 =	sadd.s32 $0x6, s1;
	s5 =	sadd.s32 $0x5, s0;
	v16 =	vadd.s32 v11, v29;
	v14 =	vld [tilespmem:s31+$0xFFFFFFF0];
	[tilespmem:v26+s20+$0x0] =	vst.idx.msk $0xffff, v25  }
0x6b0: {  	_ =	sdelay $0x3  }
0x6b1: {  	v24 =	vmov s5;
	v25 =	vld [tilespmem:s31+$0x30];
	v13 =	vadd.s32 v11, v13;
	[tilespmem:v23+s20+$0x0] =	vst.idx.msk $0xffff, v21  }
0x6b2: {  	v61 =	vmov s0;
	s7 =	sadd.s32 $0x1, s0;
	v12 =	vadd.s32 v11, v12;
	s1 =	sadd.s32 $0x180, s31;
	v62 =	vand.u32 $0xFF, v24;
	v63 =	vld [tilespmem:s31+$0x70];
	[tilespmem:v22+s20+$0x0] =	vst.idx.msk $0xffff, v20  }
0x6b3: {  	v32 =	vand.u32 $0x7E, v61;
	v33 =	vmov s7;
	s31 =	sadd.s32 $0x2, s0;
	v34 =	vld [tilespmem:s1+$0x80];
	v26 =	vadd.s32 v5, v62;
	[tilespmem:v19+s20+$0x0] =	vst.idx.msk $0xffff, v17  }
0x6b4: {  	v35 =	vld [tilespmem:s1+$0xFFFFFF40];
	s7 =	sadd.s32 $0x3, s0;
	v36 =	vadd.s32 v5, v32;
	v21 =	vand.u32 $0x7F, v33;
	v27 =	vmov s31;
	[tilespmem:v18+s20+$0x0] =	vst.idx.msk $0xffff, v15  }
0x6b5: {  	v37 =	vld [tilespmem:s1+$0xFFFFFF80];
	v28 =	vmov s7;
	s31 =	sadd.s32 $0x4, s0;
	v38 =	vadd.s32 v5, v21;
	v27 =	vand.u32 $0xFE, v27;
	[tilespmem:v16+s20+$0x0] =	vst.idx.msk $0xffff, v14  }
0x6b6: {  	v39 =	vld [tilespmem:s1+$0xFFFFFFC0];
	v28 =	vand.u32 $0xFF, v28;
	v29 =	vmov s31;
	v40 =	vadd.s32 v5, v27;
	[tilespmem:v13+s20+$0x0] =	vst.idx.msk $0xffff, v25  }
0x6b7: {  	v41 =	vld [tilespmem:s1+$0x0];
	v42 =	vadd.s32 v5, v28;
	v29 =	vand.u32 $0xFE, v29;
	[tilespmem:v12+s20+$0x0] =	vst.idx.msk $0xffff, v63  }
0x6b8: {  	v43 =	vld [tilespmem:s1+$0x40];
	v44 =	vadd.s32 v5, v29;
	[tilespmem:v26+s20+$0x0] =	vst.idx.msk $0xffff, v34  }
0x6b9: {  	v46 =	vadd.s32 v9, v62;
	[tilespmem:v36+s20+$0x0] =	vst.idx.msk $0xffff, v35;
	v45 =	vld [tilespmem:s1+$0x90]  }
0x6ba: {  	v48 =	vadd.s32 v9, v32;
	v47 =	vld [tilespmem:s1+$0xFFFFFF50];
	[tilespmem:v38+s20+$0x0] =	vst.idx.msk $0xffff, v37  }
0x6bb: {  	v49 =	vadd.s32 v9, v21;
	v15 =	vld [tilespmem:s1+$0xFFFFFF90];
	[tilespmem:v40+s20+$0x0] =	vst.idx.msk $0xffff, v39  }
0x6bc: {  	v50 =	vadd.s32 v9, v27;
	[tilespmem:v42+s20+$0x0] =	vst.idx.msk $0xffff, v41;
	v14 =	vld [tilespmem:s1+$0xFFFFFFD0]  }
0x6bd: {  	v51 =	vadd.s32 v9, v28;
	v13 =	vld [tilespmem:s1+$0x10];
	[tilespmem:v44+s20+$0x0] =	vst.idx.msk $0xffff, v43  }
0x6be: {  	v52 =	vadd.s32 v9, v29;
	v12 =	vld [tilespmem:s1+$0x50];
	[tilespmem:v46+s20+$0x0] =	vst.idx.msk $0xffff, v45  }
0x6bf: {  	v53 =	vadd.s32 v10, v62;
	[tilespmem:v48+s20+$0x0] =	vst.idx.msk $0xffff, v47;
	v17 =	vld [tilespmem:s1+$0xA0]  }
0x6c0: {  	v54 =	vadd.s32 v10, v32;
	v22 =	vld [tilespmem:s1+$0xFFFFFF60];
	[tilespmem:v49+s20+$0x0] =	vst.idx.msk $0xffff, v15  }
0x6c1: {  	v55 =	vadd.s32 v10, v21;
	v15 =	vld [tilespmem:s1+$0xFFFFFFA0];
	[tilespmem:v50+s20+$0x0] =	vst.idx.msk $0xffff, v14  }
0x6c2: {  	v56 =	vadd.s32 v10, v27;
	[tilespmem:v51+s20+$0x0] =	vst.idx.msk $0xffff, v13;
	v14 =	vld [tilespmem:s1+$0xFFFFFFE0]  }
0x6c3: {  	v57 =	vadd.s32 v10, v28;
	v13 =	vld [tilespmem:s1+$0x20];
	[tilespmem:v52+s20+$0x0] =	vst.idx.msk $0xffff, v12  }
0x6c4: {  	v58 =	vadd.s32 v10, v29;
	v12 =	vld [tilespmem:s1+$0x60];
	[tilespmem:v53+s20+$0x0] =	vst.idx.msk $0xffff, v17  }
0x6c5: {  	v59 =	vadd.s32 v11, v62;
	[tilespmem:v54+s20+$0x0] =	vst.idx.msk $0xffff, v22;
	v17 =	vld [tilespmem:s1+$0xB0]  }
0x6c6: {  	v20 =	vadd.s32 v11, v32;
	v22 =	vld [tilespmem:s1+$0xFFFFFF70];
	[tilespmem:v55+s20+$0x0] =	vst.idx.msk $0xffff, v15  }
0x6c7: {  	v60 =	vadd.s32 v11, v21;
	v15 =	vld [tilespmem:s1+$0xFFFFFFB0];
	[tilespmem:v56+s20+$0x0] =	vst.idx.msk $0xffff, v14  }
0x6c8: {  	v61 =	vadd.s32 v11, v27;
	[tilespmem:v57+s20+$0x0] =	vst.idx.msk $0xffff, v13;
	v14 =	vld [tilespmem:s1+$0xFFFFFFF0]  }
0x6c9: {  	v62 =	vadd.s32 v11, v28;
	v13 =	vld [tilespmem:s1+$0x30];
	[tilespmem:v58+s20+$0x0] =	vst.idx.msk $0xffff, v12  }
0x6ca: {  	v63 =	vadd.s32 v11, v29;
	v12 =	vld [tilespmem:s1+$0x70];
	[tilespmem:v59+s20+$0x0] =	vst.idx.msk $0xffff, v17  }
0x6cb: {  	[tilespmem:v20+s20+$0x0] =	vst.idx.msk $0xffff, v22  }
0x6cc: {  	[tilespmem:v60+s20+$0x0] =	vst.idx.msk $0xffff, v15  }
0x6cd: {  	[tilespmem:v61+s20+$0x0] =	vst.idx.msk $0xffff, v14  }
0x6ce: {  	[tilespmem:v62+s20+$0x0] =	vst.idx.msk $0xffff, v13  }
0x6cf: {  	s0 =	simm.s32 $0x54B0;
	s1 =	simm.s32 $0x7E;
	[tilespmem:v63+s20+$0x0] =	vst.idx.msk $0xffff, v12  }
.LBB2_59:
0x6d0: {  	v12 =	vmov s1  }
0x6d1: {  	v12 =	vand.u32 $0x7F, v12  }
0x6d2: {  	v13 =	vld [tilespmem:s0+$0xFFFFFFD0];
	v14 =	vadd.s32 v5, v12;
	_ =	sdelay $0x4  }
0x6d3: {  	[tilespmem:v14+s20+$0x0] =	vst.idx.msk $0xffff, v13  }
0x6d4: {  	v62 =	vadd.s32 v9, v12;
	v13 =	vld [tilespmem:s0+$0xFFFFFFE0];
	_ =	sdelay $0x4  }
0x6d5: {  	[tilespmem:v62+s20+$0x0] =	vst.idx.msk $0xffff, v13  }
0x6d6: {  	v63 =	vadd.s32 v10, v12;
	v13 =	vld [tilespmem:s0+$0xFFFFFFF0];
	_ =	sdelay $0x4  }
0x6d7: {  	[tilespmem:v63+s20+$0x0] =	vst.idx.msk $0xffff, v13  }
0x6d8: {  	p0 =	seq.s32 s1, $0x7F;
	v12 =	vadd.s32 v11, v12;
	v13 =	vld [tilespmem:s0+$0x0]  }
.Ltmp29:
0x6d9: {  	_ = 	snop;
	(pc) =	sbr.rel @!p0 .LBB2_59-.Ltmp29, $2  }
0x6da: {  	_ =	sdelay $0x2  }
0x6db: {  	s1 =	sadd.s32 $0x1, s1;
	s0 =	sadd.s32 $0x40, s0;
	[tilespmem:v12+s20+$0x0] =	vst.idx.msk $0xffff, v13  }
0x6dc: {  	s0 =	simm.s32 $0x7500  }
0x6dd: {  	[hbm4b:s30+s3] =	stream.linear.scatter [tilespmem:s0], [sflag:$0x3], $0x80, $0x38;
	[tilespmem:$0xB900] =	vst v63  }
0x6de: {  	s7 =	simm.s32 $0x7588;
	s1 =	sadd.s32 $0x10, s30  }
0x6df: {  	[hbm4b:s1+s3] =	stream.linear.scatter [tilespmem:s7], [sflag:$0x3], $0x80, $0x38;
	[tilespmem:$0xB900] =	vst v63  }
0x6e0: {  	s5 =	simm.s32 $0x7610;
	s7 =	sadd.s32 $0x20, s30  }
0x6e1: {  	[hbm4b:s7+s3] =	stream.linear.scatter [tilespmem:s5], [sflag:$0x3], $0x80, $0x38;
	[tilespmem:$0xB900] =	vst v63  }
0x6e2: {  	s5 =	simm.s32 $0x7698;
	s7 =	sadd.s32 $0x30, s30  }
0x6e3: {  	[hbm4b:s7+s3] =	stream.linear.scatter [tilespmem:s5], [sflag:$0x3], $0x80, $0x38;
	[tilespmem:$0xB900] =	vst v63  }
0x6e4: {  	s5 =	simm.s32 $0x7720;
	s7 =	sadd.s32 $0x40, s30  }
0x6e5: {  	[hbm4b:s7+s3] =	stream.linear.scatter [tilespmem:s5], [sflag:$0x3], $0x80, $0x38;
	[tilespmem:$0xB900] =	vst v63  }
0x6e6: {  	s31 =	sadd.s32 $0x70, s30;
	s5 =	simm.s32 $0x77A8;
	s7 =	sadd.s32 $0x50, s30  }
0x6e7: {  	[hbm4b:s7+s3] =	stream.linear.scatter [tilespmem:s5], [sflag:$0x3], $0x80, $0x38;
	[tilespmem:$0xB900] =	vst v63  }
0x6e8: {  	s0 =	simm.s32 $0x440;
	s5 =	simm.s32 $0x7830;
	s7 =	sadd.s32 $0x60, s30  }
0x6e9: {  	[hbm4b:s7+s3] =	stream.linear.scatter [tilespmem:s5], [sflag:$0x3], $0x80, $0x38;
	[tilespmem:$0xB900] =	vst v63  }
0x6ea: {  	s1 =	sadd.s32 $0x4000, s30;
	s5 =	simm.s32 $0x2200;
	s7 =	simm.s32 $0x78B8  }
.LBB2_61:
0x6eb: {  	[hbm4b:s31+s3] =	stream.linear.scatter [tilespmem:s7], [sflag:$0x3], $0x80, $0x38;
	[tilespmem:$0xB900] =	vst v63  }
0x6ec: {  	s7 =	smov.u32 s0;
	s0 =	smov.u32 s5  }
0x6ed: {  	s30 =	sadd.s32 $0x1100, s5;
	s0 =	sshra.s32 s0, $0x2;
	s31 =	sadd.s32 $0x7500, s7  }
0x6ee: {  	[hbm4b:s1+s3] =	stream.linear.scatter [tilespmem:s31], [sflag:$0x3], $0x80, $0x38;
	[tilespmem:$0xB900] =	vst v63  }
0x6ef: {  	p0 =	sne.s32 s5, $0x7700;
	s5 =	sadd.s32 $0x7588, s7;
	s31 =	sadd.s32 $0x10, s1  }
0x6f0: {  	[hbm4b:s31+s3] =	stream.linear.scatter [tilespmem:s5], [sflag:$0x3], $0x80, $0x38;
	[tilespmem:$0xB900] =	vst v63  }
0x6f1: {  	s5 =	sadd.s32 $0x7610, s7;
	s31 =	sadd.s32 $0x20, s1  }
0x6f2: {  	[hbm4b:s31+s3] =	stream.linear.scatter [tilespmem:s5], [sflag:$0x3], $0x80, $0x38;
	[tilespmem:$0xB900] =	vst v63  }
0x6f3: {  	s5 =	sadd.s32 $0x7698, s7;
	s31 =	sadd.s32 $0x30, s1  }
0x6f4: {  	[hbm4b:s31+s3] =	stream.linear.scatter [tilespmem:s5], [sflag:$0x3], $0x80, $0x38;
	[tilespmem:$0xB900] =	vst v63  }
0x6f5: {  	s5 =	sadd.s32 $0x7720, s7;
	s31 =	sadd.s32 $0x40, s1  }
0x6f6: {  	[hbm4b:s31+s3] =	stream.linear.scatter [tilespmem:s5], [sflag:$0x3], $0x80, $0x38;
	[tilespmem:$0xB900] =	vst v63  }
.Ltmp30:
0x6f7: {  	s5 =	sadd.s32 $0x77A8, s7;
	s31 =	sadd.s32 $0x50, s1;
	(pc) =	sbr.rel @p0 .LBB2_61-.Ltmp30, $4  }
0x6f8: {  	[hbm4b:s31+s3] =	stream.linear.scatter [tilespmem:s5], [sflag:$0x3], $0x80, $0x38;
	[tilespmem:$0xB900] =	vst v63  }
0x6f9: {  	s5 =	sadd.s32 $0x7830, s7;
	s31 =	sadd.s32 $0x60, s1;
	s7 =	sadd.s32 $0x78B8, s7  }
0x6fa: {  	[hbm4b:s31+s3] =	stream.linear.scatter [tilespmem:s5], [sflag:$0x3], $0x80, $0x38;
	[tilespmem:$0xB900] =	vst v63  }
0x6fb: {  	s31 =	sadd.s32 $0x70, s1;
	s1 =	sadd.s32 $0x4000, s1;
	s5 =	smov.u32 s30  }
0x6fc: {  	[hbm4b:s31+s3] =	stream.linear.scatter [tilespmem:s7], [sflag:$0x3], $0x80, $0x38;
	[tilespmem:$0xB900] =	vst v63  }
0x6fd: {  	s5 =	sadd.s32 $0x7500, s0  }
0x6fe: {  	[hbm4b:s1+s3] =	stream.linear.scatter [tilespmem:s5], [sflag:$0x3], $0x80, $0x38;
	[tilespmem:$0xB900] =	vst v63  }
0x6ff: {  	s7 =	sadd.s32 $0x7588, s0;
	s31 =	sadd.s32 $0x10, s1  }
0x700: {  	[hbm4b:s31+s3] =	stream.linear.scatter [tilespmem:s7], [sflag:$0x3], $0x80, $0x38;
	[tilespmem:$0xB900] =	vst v63  }
0x701: {  	s7 =	sadd.s32 $0x7610, s0;
	s31 =	sadd.s32 $0x20, s1  }
0x702: {  	[hbm4b:s31+s3] =	stream.linear.scatter [tilespmem:s7], [sflag:$0x3], $0x80, $0x38;
	[tilespmem:$0xB900] =	vst v63  }
0x703: {  	s7 =	sadd.s32 $0x7698, s0;
	s31 =	sadd.s32 $0x30, s1  }
0x704: {  	[hbm4b:s31+s3] =	stream.linear.scatter [tilespmem:s7], [sflag:$0x3], $0x80, $0x38;
	[tilespmem:$0xB900] =	vst v63  }
0x705: {  	s7 =	sadd.s32 $0x7720, s0;
	s31 =	sadd.s32 $0x40, s1  }
0x706: {  	[hbm4b:s31+s3] =	stream.linear.scatter [tilespmem:s7], [sflag:$0x3], $0x80, $0x38;
	[tilespmem:$0xB900] =	vst v63  }
0x707: {  	s7 =	sadd.s32 $0x77A8, s0;
	s31 =	sadd.s32 $0x50, s1  }
0x708: {  	[hbm4b:s31+s3] =	stream.linear.scatter [tilespmem:s7], [sflag:$0x3], $0x80, $0x38;
	[tilespmem:$0xB900] =	vst v63  }
0x709: {  	p0 =	seq.s32 s28, $0x18;
	s7 =	sadd.s32 $0x7830, s0;
	s31 =	sadd.s32 $0x60, s1  }
0x70a: {  	[hbm4b:s31+s3] =	stream.linear.scatter [tilespmem:s7], [sflag:$0x3], $0x80, $0x38;
	[tilespmem:$0xB900] =	vst v63  }
0x70b: {  	s7 =	sadd.s32 $0x78B8, s0;
	s0 =	sshll.u32 @!p0 s28, $0x8  }
0x70c: {  	s31 =	sadd.s32 $0x70, s1;
	s0 =	sand.u32 @!p0 $0x3FFFFF00, s0  }
0x70d: {  	[hbm4b:s31+s3] =	stream.linear.scatter [tilespmem:s7], [sflag:$0x3], $0x80, $0x38;
	[tilespmem:$0xB900] =	vst v63  }
0x70e: {  	s5 =	simm.s32 @!p0 $0x3500;
	s1 =	simm.s32 @!p0 $0x80;
	s0 =	sadd.s32 @!p0 $0x1D00, s0  }
0x70f: {  	[tilespmem:s5], [sflag:$0x1] =	stream.indirect.gather @!p0 [hbm4b:s4+s1], $0x40, s0, s1, $0xb8;
	[tilespmem:$0xB900] =	vst v63  }
0x710: {  	_ =	swait.ge [sflag:s21], $0x2000  }
0x711: {  	[sflag:s21] =	ssyncset.done $0x0  }
0x712: {  	[sflag:s21] =	ssyncadd.s32 $0xFFFFE000  }
0x713: {  	s5 =	simm.s32 $0x5;
	_ =	swait.ge [sflag:s22], $0x2000  }
0x714: {  	s7 =	simm.s32 $0x0;
	v12 =	vmov s5;
	[sflag:s22] =	ssyncset.done $0x0  }
0x715: {  	s30 =	simm.s32 $0x55C0;
	s31 =	simm.s32 $0x1;
	v13 =	vmov s7;
	v14 =	vand.u32 $0xFF, v12;
	[sflag:s22] =	ssyncadd.s32 $0xFFFFE000  }
0x716: {  	v15 =	vand.u32 $0x7E, v13;
	s1 =	simm.s32 $0x2;
	v12 =	vmov s31;
	v17 =	vadd.s32 v5, v14;
	v16 =	vld [tilespmem:s30+$0x80]  }
0x717: {  	v19 =	vadd.s32 v5, v15;
	s5 =	simm.s32 $0x3;
	v24 =	vand.u32 $0x7F, v12;
	v12 =	vmov s1;
	v18 =	vld [tilespmem:s30+$0xFFFFFF40]  }
0x718: {  	s7 =	simm.s32 $0x4;
	v21 =	vadd.s32 v5, v24;
	v25 =	vand.u32 $0xFE, v12;
	v12 =	vmov s5;
	v20 =	vld [tilespmem:s30+$0xFFFFFF80]  }
0x719: {  	v23 =	vadd.s32 v5, v25;
	v13 =	vand.u32 $0xFF, v12;
	v12 =	vmov s7;
	v22 =	vld [tilespmem:s30+$0xFFFFFFC0]  }
0x71a: {  	v27 =	vadd.s32 v5, v13;
	v12 =	vand.u32 $0xFE, v12;
	v26 =	vld [tilespmem:s30+$0x0]  }
0x71b: {  	v28 =	vld [tilespmem:s30+$0x40];
	v29 =	vadd.s32 v5, v12;
	[tilespmem:v17+s23+$0x0] =	vst.idx.msk $0xffff, v16  }
0x71c: {  	[tilespmem:v19+s23+$0x0] =	vst.idx.msk $0xffff, v18;
	v17 =	vadd.s32 v9, v14;
	v16 =	vld [tilespmem:s30+$0x90]  }
0x71d: {  	v19 =	vadd.s32 v9, v15;
	[tilespmem:v21+s23+$0x0] =	vst.idx.msk $0xffff, v20;
	v18 =	vld [tilespmem:s30+$0xFFFFFF50]  }
0x71e: {  	v21 =	vadd.s32 v9, v24;
	[tilespmem:v23+s23+$0x0] =	vst.idx.msk $0xffff, v22;
	v20 =	vld [tilespmem:s30+$0xFFFFFF90]  }
0x71f: {  	v23 =	vadd.s32 v9, v25;
	[tilespmem:v27+s23+$0x0] =	vst.idx.msk $0xffff, v26;
	v22 =	vld [tilespmem:s30+$0xFFFFFFD0]  }
0x720: {  	v61 =	vadd.s32 v9, v13;
	[tilespmem:v29+s23+$0x0] =	vst.idx.msk $0xffff, v28;
	v26 =	vld [tilespmem:s30+$0x10]  }
0x721: {  	v62 =	vadd.s32 v9, v12;
	v28 =	vld [tilespmem:s30+$0x50];
	[tilespmem:v17+s23+$0x0] =	vst.idx.msk $0xffff, v16  }
0x722: {  	[tilespmem:v19+s23+$0x0] =	vst.idx.msk $0xffff, v18;
	v17 =	vadd.s32 v10, v14;
	v16 =	vld [tilespmem:s30+$0xA0]  }
0x723: {  	v19 =	vadd.s32 v10, v15;
	[tilespmem:v21+s23+$0x0] =	vst.idx.msk $0xffff, v20;
	v18 =	vld [tilespmem:s30+$0xFFFFFF60]  }
0x724: {  	v31 =	vadd.s32 v10, v24;
	[tilespmem:v23+s23+$0x0] =	vst.idx.msk $0xffff, v22;
	v30 =	vld [tilespmem:s30+$0xFFFFFFA0]  }
0x725: {  	v33 =	vadd.s32 v10, v25;
	[tilespmem:v61+s23+$0x0] =	vst.idx.msk $0xffff, v26;
	v32 =	vld [tilespmem:s30+$0xFFFFFFE0]  }
0x726: {  	v63 =	vadd.s32 v10, v13;
	[tilespmem:v62+s23+$0x0] =	vst.idx.msk $0xffff, v28;
	v26 =	vld [tilespmem:s30+$0x20]  }
0x727: {  	v23 =	vadd.s32 v10, v12;
	v21 =	vld [tilespmem:s30+$0x60];
	[tilespmem:v17+s23+$0x0] =	vst.idx.msk $0xffff, v16  }
0x728: {  	s31 =	sshll.u32 s29, $0x14;
	v22 =	vadd.s32 v11, v14;
	[tilespmem:v19+s23+$0x0] =	vst.idx.msk $0xffff, v18;
	v20 =	vld [tilespmem:s30+$0xB0]  }
0x729: {  	s0 =	sor.u32 s12, s31;
	[tilespmem:v31+s23+$0x0] =	vst.idx.msk $0xffff, v30;
	v19 =	vadd.s32 v11, v15;
	v17 =	vld [tilespmem:s30+$0xFFFFFF70]  }
0x72a: {  	s1 =	simm.s32 $0xC;
	s0 =	sshrl.u32 s0, $0x3;
	[tilespmem:v33+s23+$0x0] =	vst.idx.msk $0xffff, v32;
	v18 =	vadd.s32 v11, v24;
	v15 =	vld [tilespmem:s30+$0xFFFFFFB0]  }
0x72b: {  	s5 =	simm.s32 $0xB;
	s29 =	sadd.s32 s2, s0;
	s0 =	simm.s32 $0x6;
	v16 =	vadd.s32 v11, v25;
	[tilespmem:v63+s23+$0x0] =	vst.idx.msk $0xffff, v26;
	v14 =	vld [tilespmem:s30+$0xFFFFFFF0]  }
.LBB2_63:
0x72c: {  	p0 =	slt.u32 s1, $0x78;
	v24 =	vmov s5;
	v25 =	vld [tilespmem:s30+$0x30];
	v26 =	vadd.s32 v11, v13;
	[tilespmem:v23+s23+$0x0] =	vst.idx.msk $0xffff, v21  }
0x72d: {  	v13 =	vmov s0;
	s5 =	sadd.s32 $0x1, s0;
	v23 =	vadd.s32 v11, v12;
	v24 =	vand.u32 $0xFF, v24;
	v21 =	vld [tilespmem:s30+$0x70];
	[tilespmem:v22+s23+$0x0] =	vst.idx.msk $0xffff, v20;
	s30 =	sadd.s32 $0x180, s30  }
0x72e: {  	v27 =	vand.u32 $0x7E, v13;
	v12 =	vmov s5;
	s5 =	sadd.s32 $0x2, s0;
	v20 =	vld [tilespmem:s30+$0x80];
	v22 =	vadd.s32 v5, v24;
	[tilespmem:v19+s23+$0x0] =	vst.idx.msk $0xffff, v17  }
0x72f: {  	v19 =	vadd.s32 v5, v27;
	v28 =	vand.u32 $0x7F, v12;
	v12 =	vmov s5;
	s5 =	sadd.s32 $0x3, s0;
	v17 =	vld [tilespmem:s30+$0xFFFFFF40];
	[tilespmem:v18+s23+$0x0] =	vst.idx.msk $0xffff, v15  }
0x730: {  	v18 =	vadd.s32 v5, v28;
	v29 =	vand.u32 $0xFE, v12;
	v12 =	vmov s5;
	s5 =	sadd.s32 $0x4, s0;
	s0 =	smov.u32 s1;
	v15 =	vld [tilespmem:s30+$0xFFFFFF80];
	[tilespmem:v16+s23+$0x0] =	vst.idx.msk $0xffff, v14  }
0x731: {  	v16 =	vadd.s32 v5, v29;
	v13 =	vand.u32 $0xFF, v12;
	v12 =	vmov s5;
	v14 =	vld [tilespmem:s30+$0xFFFFFFC0];
	[tilespmem:v26+s23+$0x0] =	vst.idx.msk $0xffff, v25  }
0x732: {  	v26 =	vadd.s32 v5, v13;
	v12 =	vand.u32 $0xFE, v12;
	v25 =	vld [tilespmem:s30+$0x0];
	[tilespmem:v23+s23+$0x0] =	vst.idx.msk $0xffff, v21  }
0x733: {  	v23 =	vadd.s32 v5, v12;
	v21 =	vld [tilespmem:s30+$0x40];
	[tilespmem:v22+s23+$0x0] =	vst.idx.msk $0xffff, v20  }
0x734: {  	[tilespmem:v19+s23+$0x0] =	vst.idx.msk $0xffff, v17;
	v17 =	vld [tilespmem:s30+$0x90];
	v19 =	vadd.s32 v9, v24  }
0x735: {  	v22 =	vadd.s32 v9, v27;
	v20 =	vld [tilespmem:s30+$0xFFFFFF50];
	[tilespmem:v18+s23+$0x0] =	vst.idx.msk $0xffff, v15  }
0x736: {  	v18 =	vadd.s32 v9, v28;
	v15 =	vld [tilespmem:s30+$0xFFFFFF90];
	[tilespmem:v16+s23+$0x0] =	vst.idx.msk $0xffff, v14  }
0x737: {  	v16 =	vadd.s32 v9, v29;
	v14 =	vld [tilespmem:s30+$0xFFFFFFD0];
	[tilespmem:v26+s23+$0x0] =	vst.idx.msk $0xffff, v25  }
0x738: {  	v26 =	vadd.s32 v9, v13;
	v25 =	vld [tilespmem:s30+$0x10];
	[tilespmem:v23+s23+$0x0] =	vst.idx.msk $0xffff, v21  }
0x739: {  	v23 =	vadd.s32 v9, v12;
	v21 =	vld [tilespmem:s30+$0x50];
	[tilespmem:v19+s23+$0x0] =	vst.idx.msk $0xffff, v17  }
0x73a: {  	v19 =	vadd.s32 v10, v24;
	[tilespmem:v22+s23+$0x0] =	vst.idx.msk $0xffff, v20;
	v17 =	vld [tilespmem:s30+$0xA0]  }
0x73b: {  	v22 =	vadd.s32 v10, v27;
	v20 =	vld [tilespmem:s30+$0xFFFFFF60];
	[tilespmem:v18+s23+$0x0] =	vst.idx.msk $0xffff, v15  }
0x73c: {  	v18 =	vadd.s32 v10, v28;
	v15 =	vld [tilespmem:s30+$0xFFFFFFA0];
	[tilespmem:v16+s23+$0x0] =	vst.idx.msk $0xffff, v14  }
0x73d: {  	v16 =	vadd.s32 v10, v29;
	v14 =	vld [tilespmem:s30+$0xFFFFFFE0];
	[tilespmem:v26+s23+$0x0] =	vst.idx.msk $0xffff, v25  }
0x73e: {  	v26 =	vadd.s32 v10, v13;
	v25 =	vld [tilespmem:s30+$0x20];
	[tilespmem:v23+s23+$0x0] =	vst.idx.msk $0xffff, v21  }
.Ltmp31:
0x73f: {  	v23 =	vadd.s32 v10, v12;
	v21 =	vld [tilespmem:s30+$0x60];
	[tilespmem:v19+s23+$0x0] =	vst.idx.msk $0xffff, v17;
	(pc) =	sbr.rel @p0 .LBB2_63-.Ltmp31, $4  }
0x740: {  	[tilespmem:v22+s23+$0x0] =	vst.idx.msk $0xffff, v20;
	v20 =	vld [tilespmem:s30+$0xB0];
	v22 =	vadd.s32 v11, v24  }
0x741: {  	v19 =	vadd.s32 v11, v27;
	v17 =	vld [tilespmem:s30+$0xFFFFFF70];
	[tilespmem:v18+s23+$0x0] =	vst.idx.msk $0xffff, v15  }
0x742: {  	v18 =	vadd.s32 v11, v28;
	v15 =	vld [tilespmem:s30+$0xFFFFFFB0];
	[tilespmem:v16+s23+$0x0] =	vst.idx.msk $0xffff, v14  }
0x743: {  	s1 =	sadd.s32 $0x6, s1;
	s5 =	sadd.s32 $0x5, s0;
	v16 =	vadd.s32 v11, v29;
	v14 =	vld [tilespmem:s30+$0xFFFFFFF0];
	[tilespmem:v26+s23+$0x0] =	vst.idx.msk $0xffff, v25  }
0x744: {  	_ =	sdelay $0x3  }
0x745: {  	v24 =	vmov s5;
	v25 =	vld [tilespmem:s30+$0x30];
	v13 =	vadd.s32 v11, v13;
	[tilespmem:v23+s23+$0x0] =	vst.idx.msk $0xffff, v21  }
0x746: {  	v61 =	vmov s0;
	s31 =	sadd.s32 $0x1, s0;
	v12 =	vadd.s32 v11, v12;
	s1 =	sadd.s32 $0x180, s30;
	v62 =	vand.u32 $0xFF, v24;
	v63 =	vld [tilespmem:s30+$0x70];
	[tilespmem:v22+s23+$0x0] =	vst.idx.msk $0xffff, v20  }
0x747: {  	s7 =	sadd.s32 $0x2, s0;
	v32 =	vand.u32 $0x7E, v61;
	v33 =	vmov s31;
	v34 =	vld [tilespmem:s1+$0x80];
	v26 =	vadd.s32 v5, v62;
	[tilespmem:v19+s23+$0x0] =	vst.idx.msk $0xffff, v17  }
0x748: {  	v35 =	vld [tilespmem:s1+$0xFFFFFF40];
	v27 =	vmov s7;
	s30 =	sadd.s32 $0x3, s0;
	v36 =	vadd.s32 v5, v32;
	v21 =	vand.u32 $0x7F, v33;
	[tilespmem:v18+s23+$0x0] =	vst.idx.msk $0xffff, v15  }
0x749: {  	v37 =	vld [tilespmem:s1+$0xFFFFFF80];
	s31 =	sadd.s32 $0x4, s0;
	v27 =	vand.u32 $0xFE, v27;
	v28 =	vmov s30;
	v38 =	vadd.s32 v5, v21;
	[tilespmem:v16+s23+$0x0] =	vst.idx.msk $0xffff, v14  }
0x74a: {  	v39 =	vld [tilespmem:s1+$0xFFFFFFC0];
	v29 =	vmov s31;
	v40 =	vadd.s32 v5, v27;
	v28 =	vand.u32 $0xFF, v28;
	[tilespmem:v13+s23+$0x0] =	vst.idx.msk $0xffff, v25  }
0x74b: {  	v41 =	vld [tilespmem:s1+$0x0];
	v29 =	vand.u32 $0xFE, v29;
	v42 =	vadd.s32 v5, v28;
	[tilespmem:v12+s23+$0x0] =	vst.idx.msk $0xffff, v63  }
0x74c: {  	v43 =	vld [tilespmem:s1+$0x40];
	v44 =	vadd.s32 v5, v29;
	[tilespmem:v26+s23+$0x0] =	vst.idx.msk $0xffff, v34  }
0x74d: {  	v46 =	vadd.s32 v9, v62;
	[tilespmem:v36+s23+$0x0] =	vst.idx.msk $0xffff, v35;
	v45 =	vld [tilespmem:s1+$0x90]  }
0x74e: {  	v48 =	vadd.s32 v9, v32;
	v47 =	vld [tilespmem:s1+$0xFFFFFF50];
	[tilespmem:v38+s23+$0x0] =	vst.idx.msk $0xffff, v37  }
0x74f: {  	v49 =	vadd.s32 v9, v21;
	[tilespmem:v40+s23+$0x0] =	vst.idx.msk $0xffff, v39;
	v15 =	vld [tilespmem:s1+$0xFFFFFF90]  }
0x750: {  	v50 =	vadd.s32 v9, v27;
	v14 =	vld [tilespmem:s1+$0xFFFFFFD0];
	[tilespmem:v42+s23+$0x0] =	vst.idx.msk $0xffff, v41  }
0x751: {  	v51 =	vadd.s32 v9, v28;
	[tilespmem:v44+s23+$0x0] =	vst.idx.msk $0xffff, v43;
	v13 =	vld [tilespmem:s1+$0x10]  }
0x752: {  	v52 =	vadd.s32 v9, v29;
	v12 =	vld [tilespmem:s1+$0x50];
	[tilespmem:v46+s23+$0x0] =	vst.idx.msk $0xffff, v45  }
0x753: {  	v53 =	vadd.s32 v10, v62;
	[tilespmem:v48+s23+$0x0] =	vst.idx.msk $0xffff, v47;
	v17 =	vld [tilespmem:s1+$0xA0]  }
0x754: {  	v54 =	vadd.s32 v10, v32;
	v22 =	vld [tilespmem:s1+$0xFFFFFF60];
	[tilespmem:v49+s23+$0x0] =	vst.idx.msk $0xffff, v15  }
0x755: {  	v55 =	vadd.s32 v10, v21;
	[tilespmem:v50+s23+$0x0] =	vst.idx.msk $0xffff, v14;
	v15 =	vld [tilespmem:s1+$0xFFFFFFA0]  }
0x756: {  	v56 =	vadd.s32 v10, v27;
	v14 =	vld [tilespmem:s1+$0xFFFFFFE0];
	[tilespmem:v51+s23+$0x0] =	vst.idx.msk $0xffff, v13  }
0x757: {  	v57 =	vadd.s32 v10, v28;
	[tilespmem:v52+s23+$0x0] =	vst.idx.msk $0xffff, v12;
	v13 =	vld [tilespmem:s1+$0x20]  }
0x758: {  	v58 =	vadd.s32 v10, v29;
	v12 =	vld [tilespmem:s1+$0x60];
	[tilespmem:v53+s23+$0x0] =	vst.idx.msk $0xffff, v17  }
0x759: {  	v59 =	vadd.s32 v11, v62;
	[tilespmem:v54+s23+$0x0] =	vst.idx.msk $0xffff, v22;
	v17 =	vld [tilespmem:s1+$0xB0]  }
0x75a: {  	v20 =	vadd.s32 v11, v32;
	v22 =	vld [tilespmem:s1+$0xFFFFFF70];
	[tilespmem:v55+s23+$0x0] =	vst.idx.msk $0xffff, v15  }
0x75b: {  	v60 =	vadd.s32 v11, v21;
	[tilespmem:v56+s23+$0x0] =	vst.idx.msk $0xffff, v14;
	v15 =	vld [tilespmem:s1+$0xFFFFFFB0]  }
0x75c: {  	v61 =	vadd.s32 v11, v27;
	v14 =	vld [tilespmem:s1+$0xFFFFFFF0];
	[tilespmem:v57+s23+$0x0] =	vst.idx.msk $0xffff, v13  }
0x75d: {  	v62 =	vadd.s32 v11, v28;
	[tilespmem:v58+s23+$0x0] =	vst.idx.msk $0xffff, v12;
	v13 =	vld [tilespmem:s1+$0x30]  }
0x75e: {  	v63 =	vadd.s32 v11, v29;
	v12 =	vld [tilespmem:s1+$0x70];
	[tilespmem:v59+s23+$0x0] =	vst.idx.msk $0xffff, v17  }
0x75f: {  	[tilespmem:v20+s23+$0x0] =	vst.idx.msk $0xffff, v22  }
0x760: {  	[tilespmem:v60+s23+$0x0] =	vst.idx.msk $0xffff, v15  }
0x761: {  	[tilespmem:v61+s23+$0x0] =	vst.idx.msk $0xffff, v14  }
0x762: {  	[tilespmem:v62+s23+$0x0] =	vst.idx.msk $0xffff, v13  }
0x763: {  	s0 =	simm.s32 $0x74B0;
	s1 =	simm.s32 $0x7E;
	[tilespmem:v63+s23+$0x0] =	vst.idx.msk $0xffff, v12  }
.LBB2_65:
0x764: {  	v12 =	vmov s1  }
0x765: {  	v12 =	vand.u32 $0x7F, v12  }
0x766: {  	v13 =	vld [tilespmem:s0+$0xFFFFFFD0];
	v14 =	vadd.s32 v5, v12;
	_ =	sdelay $0x4  }
0x767: {  	[tilespmem:v14+s23+$0x0] =	vst.idx.msk $0xffff, v13  }
0x768: {  	v62 =	vadd.s32 v9, v12;
	v13 =	vld [tilespmem:s0+$0xFFFFFFE0];
	_ =	sdelay $0x4  }
0x769: {  	[tilespmem:v62+s23+$0x0] =	vst.idx.msk $0xffff, v13  }
0x76a: {  	v63 =	vadd.s32 v10, v12;
	v13 =	vld [tilespmem:s0+$0xFFFFFFF0];
	_ =	sdelay $0x4  }
0x76b: {  	[tilespmem:v63+s23+$0x0] =	vst.idx.msk $0xffff, v13  }
0x76c: {  	p0 =	seq.s32 s1, $0x7F;
	v12 =	vadd.s32 v11, v12;
	v13 =	vld [tilespmem:s0+$0x0]  }
.Ltmp32:
0x76d: {  	_ = 	snop;
	(pc) =	sbr.rel @!p0 .LBB2_65-.Ltmp32, $2  }
0x76e: {  	_ =	sdelay $0x2  }
0x76f: {  	s1 =	sadd.s32 $0x1, s1;
	s0 =	sadd.s32 $0x40, s0;
	[tilespmem:v12+s23+$0x0] =	vst.idx.msk $0xffff, v13  }
0x770: {  	s0 =	simm.s32 $0x9700  }
0x771: {  	[hbm4b:s29+s3] =	stream.linear.scatter [tilespmem:s0], [sflag:$0x4], $0x80, $0x38;
	[tilespmem:$0xB900] =	vst v63  }
0x772: {  	s5 =	simm.s32 $0x9788;
	s1 =	sadd.s32 $0x10, s29  }
0x773: {  	[hbm4b:s1+s3] =	stream.linear.scatter [tilespmem:s5], [sflag:$0x4], $0x80, $0x38;
	[tilespmem:$0xB900] =	vst v63  }
0x774: {  	s7 =	simm.s32 $0x9810;
	s31 =	sadd.s32 $0x20, s29  }
0x775: {  	[hbm4b:s31+s3] =	stream.linear.scatter [tilespmem:s7], [sflag:$0x4], $0x80, $0x38;
	[tilespmem:$0xB900] =	vst v63  }
0x776: {  	s1 =	simm.s32 $0x9898;
	s5 =	sadd.s32 $0x30, s29  }
0x777: {  	[hbm4b:s5+s3] =	stream.linear.scatter [tilespmem:s1], [sflag:$0x4], $0x80, $0x38;
	[tilespmem:$0xB900] =	vst v63  }
0x778: {  	s7 =	simm.s32 $0x9920;
	s31 =	sadd.s32 $0x40, s29  }
0x779: {  	[hbm4b:s31+s3] =	stream.linear.scatter [tilespmem:s7], [sflag:$0x4], $0x80, $0x38;
	[tilespmem:$0xB900] =	vst v63  }
0x77a: {  	s30 =	sadd.s32 $0x70, s29;
	s1 =	simm.s32 $0x99A8;
	s5 =	sadd.s32 $0x50, s29  }
0x77b: {  	[hbm4b:s5+s3] =	stream.linear.scatter [tilespmem:s1], [sflag:$0x4], $0x80, $0x38;
	[tilespmem:$0xB900] =	vst v63  }
0x77c: {  	s0 =	simm.s32 $0x440;
	s7 =	simm.s32 $0x9A30;
	s31 =	sadd.s32 $0x60, s29  }
0x77d: {  	[hbm4b:s31+s3] =	stream.linear.scatter [tilespmem:s7], [sflag:$0x4], $0x80, $0x38;
	[tilespmem:$0xB900] =	vst v63  }
0x77e: {  	s5 =	simm.s32 $0x2200;
	s1 =	sadd.s32 $0x4000, s29;
	s7 =	simm.s32 $0x9AB8  }
.LBB2_67:
0x77f: {  	[hbm4b:s30+s3] =	stream.linear.scatter [tilespmem:s7], [sflag:$0x4], $0x80, $0x38;
	[tilespmem:$0xB900] =	vst v63  }
0x780: {  	s7 =	smov.u32 s0;
	s0 =	smov.u32 s5  }
0x781: {  	s29 =	sadd.s32 $0x1100, s5;
	s0 =	sshra.s32 s0, $0x2;
	s30 =	sadd.s32 $0x9700, s7  }
0x782: {  	[hbm4b:s1+s3] =	stream.linear.scatter [tilespmem:s30], [sflag:$0x4], $0x80, $0x38;
	[tilespmem:$0xB900] =	vst v63  }
0x783: {  	p0 =	sne.s32 s5, $0x7700;
	s5 =	sadd.s32 $0x9788, s7;
	s30 =	sadd.s32 $0x10, s1  }
0x784: {  	[hbm4b:s30+s3] =	stream.linear.scatter [tilespmem:s5], [sflag:$0x4], $0x80, $0x38;
	[tilespmem:$0xB900] =	vst v63  }
0x785: {  	s5 =	sadd.s32 $0x9810, s7;
	s30 =	sadd.s32 $0x20, s1  }
0x786: {  	[hbm4b:s30+s3] =	stream.linear.scatter [tilespmem:s5], [sflag:$0x4], $0x80, $0x38;
	[tilespmem:$0xB900] =	vst v63  }
0x787: {  	s5 =	sadd.s32 $0x9898, s7;
	s30 =	sadd.s32 $0x30, s1  }
0x788: {  	[hbm4b:s30+s3] =	stream.linear.scatter [tilespmem:s5], [sflag:$0x4], $0x80, $0x38;
	[tilespmem:$0xB900] =	vst v63  }
0x789: {  	s5 =	sadd.s32 $0x9920, s7;
	s30 =	sadd.s32 $0x40, s1  }
0x78a: {  	[hbm4b:s30+s3] =	stream.linear.scatter [tilespmem:s5], [sflag:$0x4], $0x80, $0x38;
	[tilespmem:$0xB900] =	vst v63  }
.Ltmp33:
0x78b: {  	s5 =	sadd.s32 $0x99A8, s7;
	s30 =	sadd.s32 $0x50, s1;
	(pc) =	sbr.rel @p0 .LBB2_67-.Ltmp33, $4  }
0x78c: {  	[hbm4b:s30+s3] =	stream.linear.scatter [tilespmem:s5], [sflag:$0x4], $0x80, $0x38;
	[tilespmem:$0xB900] =	vst v63  }
0x78d: {  	s5 =	sadd.s32 $0x9A30, s7;
	s30 =	sadd.s32 $0x60, s1;
	s7 =	sadd.s32 $0x9AB8, s7  }
0x78e: {  	[hbm4b:s30+s3] =	stream.linear.scatter [tilespmem:s5], [sflag:$0x4], $0x80, $0x38;
	[tilespmem:$0xB900] =	vst v63  }
0x78f: {  	s30 =	sadd.s32 $0x70, s1;
	s1 =	sadd.s32 $0x4000, s1;
	s5 =	smov.u32 s29  }
0x790: {  	[hbm4b:s30+s3] =	stream.linear.scatter [tilespmem:s7], [sflag:$0x4], $0x80, $0x38;
	[tilespmem:$0xB900] =	vst v63  }
0x791: {  	s5 =	sadd.s32 $0x9700, s0  }
0x792: {  	[hbm4b:s1+s3] =	stream.linear.scatter [tilespmem:s5], [sflag:$0x4], $0x80, $0x38;
	[tilespmem:$0xB900] =	vst v63  }
0x793: {  	s30 =	sadd.s32 $0x9788, s0;
	s31 =	sadd.s32 $0x10, s1  }
0x794: {  	[hbm4b:s31+s3] =	stream.linear.scatter [tilespmem:s30], [sflag:$0x4], $0x80, $0x38;
	[tilespmem:$0xB900] =	vst v63  }
0x795: {  	s7 =	sadd.s32 $0x9810, s0;
	s29 =	sadd.s32 $0x20, s1  }
0x796: {  	[hbm4b:s29+s3] =	stream.linear.scatter [tilespmem:s7], [sflag:$0x4], $0x80, $0x38;
	[tilespmem:$0xB900] =	vst v63  }
0x797: {  	s30 =	sadd.s32 $0x9898, s0;
	s31 =	sadd.s32 $0x30, s1  }
0x798: {  	[hbm4b:s31+s3] =	stream.linear.scatter [tilespmem:s30], [sflag:$0x4], $0x80, $0x38;
	[tilespmem:$0xB900] =	vst v63  }
0x799: {  	s28 =	sadd.s32 $0x1, s28;
	s7 =	sadd.s32 $0x9920, s0;
	s29 =	sadd.s32 $0x40, s1  }
0x79a: {  	[hbm4b:s29+s3] =	stream.linear.scatter [tilespmem:s7], [sflag:$0x4], $0x80, $0x38;
	[tilespmem:$0xB900] =	vst v63  }
0x79b: {  	p0 =	sne.s32 s28, $0x19;
	s30 =	sadd.s32 $0x99A8, s0;
	s31 =	sadd.s32 $0x50, s1  }
0x79c: {  	[hbm4b:s31+s3] =	stream.linear.scatter [tilespmem:s30], [sflag:$0x4], $0x80, $0x38;
	[tilespmem:$0xB900] =	vst v63  }
.Ltmp34:
0x79d: {  	_ = 	snop;
	(pc) =	sbr.rel @p0 .LBB2_56-.Ltmp34, $4  }
0x79e: {  	s7 =	sadd.s32 $0x9A30, s0;
	s29 =	sadd.s32 $0x60, s1  }
0x79f: {  	[hbm4b:s29+s3] =	stream.linear.scatter [tilespmem:s7], [sflag:$0x4], $0x80, $0x38;
	[tilespmem:$0xB900] =	vst v63  }
0x7a0: {  	s30 =	sadd.s32 $0x9AB8, s0;
	s31 =	sadd.s32 $0x70, s1  }
0x7a1: {  	[hbm4b:s31+s3] =	stream.linear.scatter [tilespmem:s30], [sflag:$0x4], $0x80, $0x38;
	[tilespmem:$0xB900] =	vst v63  }
0x7a2: {  	s25 =	sadd.s32 $0x1, s25  }
0x7a3: {  	_ =	swait.ge [sflag:s24], $0x2000;
	p0 =	sne.s32 s25, s13  }
.Ltmp35:
0x7a4: {  	[sflag:s24] =	ssyncset.done $0x0;
	(pc) =	sbr.rel @p0 .LBB2_1-.Ltmp35, $4  }
0x7a5: {  	[sflag:s24] =	ssyncadd.s32 $0xFFFFE000  }
0x7a6: {  	_ =	swait.ge [sflag:s22], $0x2000  }
0x7a7: {  	[sflag:s22] =	ssyncset.done $0x0  }
0x7a8: {  	[sflag:s22] =	ssyncadd.s32 $0xFFFFE000  }
0x7a9: {  	_ =	sfence.sel $0x180000  }
0x7aa: {  	[bflag:$0x0] =	sbarrier.arrive $0xFFFF  }
0x7ab: {  	_ =	strace $0x90000047  }
0x7ac: {  	s0 =	stileid.u32;
	[bflag:$0x2] =	sbarrier.arrive $0xFFFF  }
0x7ad: {  	p0 =	sne.s32 s0, $0x0;
	s0 =	rddreg [dreg:$0x2]  }
0x7ae: {  	s0 =	sadd.s32 @!p0 $0x100000, s0  }
0x7af: {  	[sflag:s0] =	ssyncadd.tile.s32 @!p0 $0x1;
	_ =	shalt  }
.Lfunc_end2:
_tile_overlayer_lowered:
.L_overlay_start_2:
0x7b0: {  	(tag) =	ssettag $0x2  }
0x7b1: {  	s0 =	rddreg [dreg:$0x0];
	s2 =	stileid.u32  }
0x7b2: {  	s1 =	rddreg [dreg:$0x1];
	p0 =	sne.s32 s2, $0x0  }
0x7b3: {  	s3 =	rddreg [dreg:$0x2];
	[bflag:$0x3] =	sbarrier.arrive $0xFFFF;
	s2 =	simm.s32 @!p0 $0x1C05  }
0x7b4: {  	[timem:s3], [sflag:s2] =	dma.local @!p0 [hbm:s0], s1  }
0x7b5: {  	s0 =	simm.s32 @!p0 $0x5  }
0x7b6: {  	_ =	swait.ge @!p0 [sflag:s0], s1  }
0x7b7: {  	s1 =	ssub.s32 @!p0 $0x0, s1;
	[sflag:s0] =	ssyncset.done @!p0 $0x0  }
0x7b8: {  	[sflag:s0] =	ssyncadd.s32 @!p0 s1  }
0x7b9: {  	[bflag:$0x3] =	sbarrier.arrive $0xFFFF  }
0x7ba: {  	_ =	shalt  }

</sc_bundles>
